<compile_context>
chip_gen: v7x
topology: tpu7x:2x2x1
jax: 0.10.2.dev20260603
libtpu: 0.0.44.dev20260713+nightly
codegen_flags: <defaults>
</compile_context>

<pallas_src>
import functools

import jax
import jax.numpy as jnp
from jax import lax
from jax.experimental import pallas as pl
from jax.experimental.pallas import tpu as pltpu
from jax.experimental.pallas import tpu_sc as plsc

N = 100000
E = 3200000
NC = 2
NS = 16
NW = NC * NS
BATCH = 128
K = 4
GROUP = K * BATCH
U = 2
NGRP = 196
EPW = NGRP * GROUP
EPAD = NW * EPW
NP = 100096
RPT = NP // NS

_mesh = plsc.VectorSubcoreMesh(
    core_axis_name="c", subcore_axis_name="s", num_cores=NC, num_subcores=NS
)
_sc_params = pltpu.CompilerParams(use_tc_tiling_on_sc=False)


def _deg_body(dst3, ones, zeros, out, didx, rows, acc, ssems):
    c = lax.axis_index("c")
    s = lax.axis_index("s")
    w = c * NS + s
    pltpu.sync_copy(zeros.at[pl.ds(s * RPT, RPT)], acc.at[pl.ds(s * RPT, RPT)])
    pltpu.sync_copy(ones, rows)
    plsc.subcore_barrier()

    @pl.loop(0, NGRP // U)
    def _grp(t):
        cps = []
        for u in range(U):
            pltpu.sync_copy(dst3.at[w, pl.ds((t * U + u) * K, K)], didx.at[u])
            for j in range(K):
                cps.append(pltpu.async_copy(
                    rows.at[pl.ds(j * BATCH, BATCH)], acc.at[didx.at[u, j]],
                    ssems[u], add=True,
                ))
        for cp in cps:
            cp.wait()

    plsc.subcore_barrier()
    pltpu.sync_copy(acc.at[pl.ds(s * RPT, RPT)], out.at[c, pl.ds(s * RPT, RPT)])


def _scat_body(width, table, src3, dst3, zeros, out, sidx, didx, rows, acc,
               gsems, ssems):
    c = lax.axis_index("c")
    s = lax.axis_index("s")
    w = c * NS + s
    pltpu.sync_copy(zeros.at[pl.ds(s * RPT, RPT)], acc.at[pl.ds(s * RPT, RPT)])
    plsc.subcore_barrier()

    @pl.loop(0, NGRP // U)
    def _grp(t):
        gcps = []
        for u in range(U):
            g = t * U + u
            pltpu.sync_copy(src3.at[w, pl.ds(g * K, K)], sidx.at[u])
            pltpu.sync_copy(dst3.at[w, pl.ds(g * K, K)], didx.at[u])
            gcps.append([
                pltpu.async_copy(
                    table.at[sidx.at[u, j]],
                    rows.at[u, pl.ds(j * BATCH, BATCH)], gsems[u],
                )
                for j in range(K)
            ])
        scps = []
        for u in range(U):
            for cp in gcps[u]:
                cp.wait()
            for j in range(K):
                scps.append(pltpu.async_copy(
                    rows.at[u, pl.ds(j * BATCH, BATCH)], acc.at[didx.at[u, j]],
                    ssems[u], add=True,
                ))
        for cp in scps:
            cp.wait()

    plsc.subcore_barrier()
    pltpu.sync_copy(acc.at[pl.ds(s * RPT, RPT)], out.at[c, pl.ds(s * RPT, RPT)])


def _deg_pass(dst3, ones, zeros):
    return pl.kernel(
        _deg_body,
        out_type=jax.ShapeDtypeStruct((NC, NP, 1), jnp.float32),
        mesh=_mesh,
        compiler_params=_sc_params,
        scratch_types=[
            pltpu.VMEM((U, K, BATCH), jnp.int32),
            pltpu.VMEM((GROUP, 1), jnp.float32),
            pltpu.VMEM_SHARED((NP, 1), jnp.float32),
            [pltpu.SemaphoreType.DMA] * U,
        ],
    )(dst3, ones, zeros)


def _scatter_pass(width, table, src3, dst3, zeros):
    return pl.kernel(
        functools.partial(_scat_body, width),
        out_type=jax.ShapeDtypeStruct((NC, NP, width), jnp.float32),
        mesh=_mesh,
        compiler_params=_sc_params,
        scratch_types=[
            pltpu.VMEM((U, K, BATCH), jnp.int32),
            pltpu.VMEM((U, K, BATCH), jnp.int32),
            pltpu.VMEM((U, GROUP, width), jnp.float32),
            pltpu.VMEM_SHARED((NP, width), jnp.float32),
            [pltpu.SemaphoreType.DMA] * U,
            [pltpu.SemaphoreType.DMA] * U,
        ],
    )(table, src3, dst3, zeros)



BLK = 2048
GRID = -(-N // BLK)


def _row_spec(width):
    return pl.BlockSpec((BLK, width), lambda i: (i, 0))


def _full_spec(shape):
    return pl.BlockSpec(shape, lambda i: tuple(0 for _ in shape))


def _stage0_body(dpa, dpb, x, dis_o, inv_o, g0_o):
    deg = dpa[...] + dpb[...] + 1.0
    inv = 1.0 / deg
    dis = lax.rsqrt(deg)
    dis_o[...] = dis
    inv_o[...] = inv
    g0_o[...] = x[...] * dis


def _stage0(dpa, dpb, x):
    return pl.pallas_call(
        _stage0_body,
        grid=(GRID,),
        in_specs=[_row_spec(1), _row_spec(1), _row_spec(3)],
        out_specs=[_row_spec(1), _row_spec(1), _row_spec(3)],
        out_shape=[
            jax.ShapeDtypeStruct((N, 1), jnp.float32),
            jax.ShapeDtypeStruct((N, 1), jnp.float32),
            jax.ShapeDtypeStruct((N, 3), jnp.float32),
        ],
    )(dpa, dpb, x)


def _stage1_body(sa, sb, x, dis, inv, w0, b0, h1_o, g1_o):
    s3 = (sa[...] + sb[...])[:, :3]
    pre = dis[...] * s3 + x[...] * inv[...]
    h = jnp.dot(pre, w0[...], preferred_element_type=jnp.float32) + b0[...]
    h = jnp.maximum(h, 0.0)
    h1_o[...] = h
    g1_o[...] = h * dis[...]


def _stage1(sa, sb, x, dis, inv, w0, b0):
    return pl.pallas_call(
        _stage1_body,
        grid=(GRID,),
        in_specs=[
            _row_spec(4), _row_spec(4), _row_spec(3), _row_spec(1),
            _row_spec(1), _full_spec((3, 16)), _full_spec((1, 16)),
        ],
        out_specs=[_row_spec(16), _row_spec(16)],
        out_shape=[
            jax.ShapeDtypeStruct((N, 16), jnp.float32),
            jax.ShapeDtypeStruct((N, 16), jnp.float32),
        ],
    )(sa, sb, x, dis, inv, w0, b0)


def _stage2_body(sa, sb, h1, dis, inv, w1, b1, w2, z2_o, g2_o):
    pre = dis[...] * (sa[...] + sb[...]) + h1[...] * inv[...]
    h2 = jnp.dot(pre, w1[...], preferred_element_type=jnp.float32) + b1[...]
    h2 = jnp.maximum(h2, 0.0)
    z2 = jnp.dot(h2, w2[...], preferred_element_type=jnp.float32)
    z2_o[...] = z2
    g2_o[...] = z2 * dis[...]


def _stage2(sa, sb, h1, dis, inv, w1, b1, w2):
    return pl.pallas_call(
        _stage2_body,
        grid=(GRID,),
        in_specs=[
            _row_spec(16), _row_spec(16), _row_spec(16), _row_spec(1),
            _row_spec(1), _full_spec((16, 16)), _full_spec((1, 16)),
            _full_spec((16, 1)),
        ],
        out_specs=[_row_spec(1), _row_spec(1)],
        out_shape=[
            jax.ShapeDtypeStruct((N, 1), jnp.float32),
            jax.ShapeDtypeStruct((N, 1), jnp.float32),
        ],
    )(sa, sb, h1, dis, inv, w1, b1, w2)


def _stage3_body(sa, sb, z2, dis, inv, b2, y_o):
    pre = dis[...] * (sa[...] + sb[...]) + z2[...] * inv[...] + b2[...]
    y_o[...] = jax.nn.sigmoid(pre)


def _stage3(sa, sb, z2, dis, inv, b2):
    return pl.pallas_call(
        _stage3_body,
        grid=(GRID,),
        in_specs=[
            _row_spec(1), _row_spec(1), _row_spec(1), _row_spec(1),
            _row_spec(1), _full_spec((1, 1)),
        ],
        out_specs=_row_spec(1),
        out_shape=jax.ShapeDtypeStruct((N, 1), jnp.float32),
    )(sa, sb, z2, dis, inv, b2)


def kernel(x, edge_index, W0, b0, W1, b1, W2, b2):
    pad = EPAD - E
    src = jnp.concatenate([edge_index[0], jnp.zeros((pad,), jnp.int32)])
    dst = jnp.concatenate([edge_index[1], jnp.full((pad,), N, jnp.int32)])
    src3 = src.reshape(NW, NGRP * K, BATCH)
    dst3 = dst.reshape(NW, NGRP * K, BATCH)

    ones = jnp.ones((GROUP, 1), jnp.float32)
    z1 = jnp.zeros((NP, 1), jnp.float32)
    z4 = jnp.zeros((NP, 4), jnp.float32)
    z16 = jnp.zeros((NP, 16), jnp.float32)

    degp = _deg_pass(dst3, ones, z1)
    dis, inv, g0 = _stage0(degp[0, :N], degp[1, :N], x)
    g0p = jnp.pad(g0, ((0, 0), (0, 1)))

    s0 = _scatter_pass(4, g0p, src3, dst3, z4)
    h1, g1 = _stage1(
        s0[0, :N], s0[1, :N], x, dis, inv, W0, b0.reshape(1, 16)
    )

    s1 = _scatter_pass(16, g1, src3, dst3, z16)
    z2, g2 = _stage2(
        s1[0, :N], s1[1, :N], h1, dis, inv, W1, b1.reshape(1, 16), W2
    )

    s2 = _scatter_pass(1, g2, src3, dst3, z1)
    return _stage3(s2[0, :N], s2[1, :N], z2, dis, inv, b2.reshape(1, 1))

# --- scband reference (transcript-rebuilt; emitter-appended) ---
"""Pipeline reference for scband-net-32650341384626 (READ-ONLY COPY).

The authoritative reference and input builder live on the scoring server;
editing this copy changes nothing except your own understanding.
"""

import jax, jax.numpy as jnp
import numpy as np

N = 100000
E = 3200000
HID = 16


def gcn_conv(x, edge_index, W, b):
    n = x.shape[0]
    loops = jnp.arange(n, dtype=edge_index.dtype)
    src = jnp.concatenate([edge_index[0], loops])
    dst = jnp.concatenate([edge_index[1], loops])
    deg = jnp.zeros((n,), x.dtype).at[dst].add(1.0)
    dis = jnp.where(deg > 0, jax.lax.rsqrt(jnp.maximum(deg, 1e-12)), 0.0)
    norm = dis[src] * dis[dst]
    h = x @ W
    msg = h[src] * norm[:, None]
    out = jnp.zeros((n, W.shape[1]), x.dtype).at[dst].add(msg)
    return out + b


def setup_inputs(seed: int = 0) -> dict:
    key = jax.random.key(seed)
    ks = jax.random.split(key, 8)
    x = jax.random.normal(ks[0], (N, 3), dtype=jnp.float32)
    edge_index = jax.random.randint(ks[1], (2, E), 0, N, dtype=jnp.int32)
    W0 = jax.random.normal(ks[2], (3, HID), dtype=jnp.float32) * (1.0 / np.sqrt(3))
    b0 = jnp.zeros((HID,), jnp.float32)
    W1 = jax.random.normal(ks[3], (HID, HID), dtype=jnp.float32) * (1.0 / np.sqrt(HID))
    b1 = jnp.zeros((HID,), jnp.float32)
    W2 = jax.random.normal(ks[4], (HID, 1), dtype=jnp.float32) * (1.0 / np.sqrt(HID))
    b2 = jnp.zeros((1,), jnp.float32)
    return {"x": x, "edge_index": edge_index, "W0": W0, "b0": b0, "W1": W1, "b1": b1, "W2": W2, "b2": b2}


def reference(x, edge_index, W0, b0, W1, b1, W2, b2):
    # Net.forward in eval mode (dropout=0): conv_start -> relu -> mid conv -> relu -> conv_end -> sigmoid
    h = jax.nn.relu(gcn_conv(x, edge_index, W0, b0))
    h = jax.nn.relu(gcn_conv(h, edge_index, W1, b1))
    h = gcn_conv(h, edge_index, W2, b2)
    return jax.nn.sigmoid(h)

if __name__ == "__main__":
    import jax
    _d = setup_inputs()
    print(jax.jit(kernel)(*tuple(_d.values())))

</pallas_src>

<mosaic_0001>
#map = affine_map<(d0, d1) -> (0, 0)>
#map1 = affine_map<(d0, d1) -> (0, 0, 0)>
module attributes {stable_mosaic.version = 14 : i64} {
  func.func @_scat_body(%arg0: i32, %arg1: i32, %arg2: memref<100000x4xf32, #tpu.memory_space<hbm>>, %arg3: memref<32x784x128xi32, #tpu.memory_space<hbm>>, %arg4: memref<32x784x128xi32, #tpu.memory_space<hbm>>, %arg5: memref<100096x4xf32, #tpu.memory_space<hbm>>, %arg6: memref<2x100096x4xf32, #tpu.memory_space<hbm>>, %arg7: memref<2x4x128xi32, #tpu.memory_space<vmem>>, %arg8: memref<2x4x128xi32, #tpu.memory_space<vmem>>, %arg9: memref<2x512x4xf32, #tpu.memory_space<vmem>>, %arg10: memref<100096x4xf32, #tpu.memory_space<vmem_shared>>, %arg11: memref<!tpu.dma_semaphore, #tpu.memory_space<semaphore_mem>>, %arg12: memref<!tpu.dma_semaphore, #tpu.memory_space<semaphore_mem>>, %arg13: memref<!tpu.dma_semaphore, #tpu.memory_space<semaphore_mem>>, %arg14: memref<!tpu.dma_semaphore, #tpu.memory_space<semaphore_mem>>) attributes {dimension_semantics = [#tpu.dimension_semantics<core_parallel>, #tpu.dimension_semantics<subcore_parallel>], iteration_bounds = array<i64: 2, 16>, scalar_prefetch = 0 : i64, scratch_operands = 8 : i64, tpu.core_type = #tpu.core_type<sc_vector_subcore>, window_params = [{transform_indices = #map}, {transform_indices = #map1}, {transform_indices = #map1}, {transform_indices = #map}, {transform_indices = #map1}]} {
    %mul3A = arith.constant 16 : i32
    %mul3A_0 = arith.muli %arg0, %mul3A : i32
    %add3A = arith.addi %mul3A_0, %arg1 : i32
    %mul3A_1 = arith.constant 6256 : i32
    %mul3A_2 = arith.muli %arg1, %mul3A_1 : i32
    %mul3A_3 = arith.constant 6256 : i32
    %mul3A_4 = arith.muli %arg1, %mul3A_3 : i32
    "tpu.region"() ({
      %run_scoped3A = tpu.sem_alloc : memref<!tpu.dma_semaphore, #tpu.memory_space<semaphore_mem>>
      %dma_start3A = arith.constant 0 : i32
      %dma_start3A_14 = tpu.memref_slice %arg10[%mul3A_4, %dma_start3A] : memref<100096x4xf32, #tpu.memory_space<vmem_shared>> -> memref<6256x4xf32, #tpu.memory_space<vmem_shared>>
      %dma_start3A_15 = arith.constant 0 : i32
      %dma_start3A_16 = tpu.memref_slice %arg5[%mul3A_2, %dma_start3A_15] : memref<100096x4xf32, #tpu.memory_space<hbm>> -> memref<6256x4xf32, #tpu.memory_space<hbm>>
      tpu.enqueue_dma source(%dma_start3A_16 : memref<6256x4xf32, #tpu.memory_space<hbm>>) target(%dma_start3A_14 : memref<6256x4xf32, #tpu.memory_space<vmem_shared>>) target_semaphore(%run_scoped3A : memref<!tpu.dma_semaphore, #tpu.memory_space<semaphore_mem>>)
      %dma_wait3A = arith.constant 0 : i32
      %dma_wait3A_17 = tpu.memref_slice %arg10[%mul3A_4, %dma_wait3A] : memref<100096x4xf32, #tpu.memory_space<vmem_shared>> -> memref<6256x4xf32, #tpu.memory_space<vmem_shared>>
      %dma_wait3A_18 = arith.constant 0 : i32
      %dma_wait3A_19 = tpu.memref_slice %arg5[%mul3A_2, %dma_wait3A_18] : memref<100096x4xf32, #tpu.memory_space<hbm>> -> memref<6256x4xf32, #tpu.memory_space<hbm>>
      tpu.wait_dma2 semaphore(%run_scoped3A : memref<!tpu.dma_semaphore, #tpu.memory_space<semaphore_mem>>) src(%dma_wait3A_19 : memref<6256x4xf32, #tpu.memory_space<hbm>>) dst(%dma_wait3A_17 : memref<6256x4xf32, #tpu.memory_space<vmem_shared>>)
      tpu.yield
    }) : () -> ()
    %barrier3A = arith.constant 0 : index
    tpu.barrier barrier_id(%barrier3A)
    %scan3A = arith.constant 0 : i32
    %scan3A_5 = arith.constant 98 : i32
    %scan3A_6 = arith.addi %scan3A, %scan3A_5 : i32
    %scan3A_7 = arith.constant 1 : i32
    scf.for %scan3A_14 = %scan3A to %scan3A_6 step %scan3A_7  : i32 {
      %mul3A_15 = arith.constant 1 : i32
      %mul3A_16 = arith.muli %scan3A_14, %mul3A_15 : i32
      %add3A_17 = arith.constant 0 : i32
      %add3A_18 = arith.addi %add3A_17, %mul3A_16 : i32
      %mul3A_19 = arith.constant 2 : i32
      %mul3A_20 = arith.muli %add3A_18, %mul3A_19 : i32
      %add3A_21 = arith.constant 0 : i32
      %add3A_22 = arith.addi %mul3A_20, %add3A_21 : i32
      %mul3A_23 = arith.constant 4 : i32
      %mul3A_24 = arith.muli %add3A_22, %mul3A_23 : i32
      %run_scoped3A = arith.constant 0 : i32
      "tpu.region"() ({
        %run_scoped3A_452 = tpu.sem_alloc : memref<!tpu.dma_semaphore, #tpu.memory_space<semaphore_mem>>
        %dma_start3A_453 = arith.constant 0 : i32
        %dma_start3A_454 = arith.constant 0 : i32
        %dma_start3A_455 = tpu.memref_slice %arg7[%run_scoped3A, %dma_start3A_453, %dma_start3A_454] : memref<2x4x128xi32, #tpu.memory_space<vmem>> -> memref<1x4x128xi32, #tpu.memory_space<vmem>>
        %dma_start3A_456 = tpu.memref_squeeze %dma_start3A_455 : memref<1x4x128xi32, #tpu.memory_space<vmem>> -> memref<4x128xi32, #tpu.memory_space<vmem>>
        %dma_start3A_457 = arith.constant 0 : i32
        %dma_start3A_458 = tpu.memref_slice %arg3[%add3A, %mul3A_24, %dma_start3A_457] : memref<32x784x128xi32, #tpu.memory_space<hbm>> -> memref<1x4x128xi32, #tpu.memory_space<hbm>>
        %dma_start3A_459 = tpu.memref_squeeze %dma_start3A_458 : memref<1x4x128xi32, #tpu.memory_space<hbm>> -> memref<4x128xi32, #tpu.memory_space<hbm>>
        %dma_start3A_460 = arith.constant 0 : i32
        %dma_start3A_461 = arith.constant 0 : i32
        %dma_start3A_462 = tpu.memref_slice %arg7[%run_scoped3A, %dma_start3A_460, %dma_start3A_461] : memref<2x4x128xi32, #tpu.memory_space<vmem>> -> memref<1x4x128xi32, #tpu.memory_space<vmem>>
        %dma_start3A_463 = tpu.memref_squeeze %dma_start3A_462 : memref<1x4x128xi32, #tpu.memory_space<vmem>> -> memref<4x128xi32, #tpu.memory_space<vmem>>
        %dma_start3A_464 = arith.constant 0 : i32
        %dma_start3A_465 = tpu.memref_slice %arg3[%add3A, %mul3A_24, %dma_start3A_464] : memref<32x784x128xi32, #tpu.memory_space<hbm>> -> memref<1x4x128xi32, #tpu.memory_space<hbm>>
        %dma_start3A_466 = tpu.memref_squeeze %dma_start3A_465 : memref<1x4x128xi32, #tpu.memory_space<hbm>> -> memref<4x128xi32, #tpu.memory_space<hbm>>
        tpu.enqueue_dma source(%dma_start3A_466 : memref<4x128xi32, #tpu.memory_space<hbm>>) target(%dma_start3A_463 : memref<4x128xi32, #tpu.memory_space<vmem>>) target_semaphore(%run_scoped3A_452 : memref<!tpu.dma_semaphore, #tpu.memory_space<semaphore_mem>>)
        %dma_wait3A_467 = arith.constant 0 : i32
        %dma_wait3A_468 = arith.constant 0 : i32
        %dma_wait3A_469 = tpu.memref_slice %arg7[%run_scoped3A, %dma_wait3A_467, %dma_wait3A_468] : memref<2x4x128xi32, #tpu.memory_space<vmem>> -> memref<1x4x128xi32, #tpu.memory_space<vmem>>
        %dma_wait3A_470 = tpu.memref_squeeze %dma_wait3A_469 : memref<1x4x128xi32, #tpu.memory_space<vmem>> -> memref<4x128xi32, #tpu.memory_space<vmem>>
        %dma_wait3A_471 = arith.constant 0 : i32
        %dma_wait3A_472 = tpu.memref_slice %arg3[%add3A, %mul3A_24, %dma_wait3A_471] : memref<32x784x128xi32, #tpu.memory_space<hbm>> -> memref<1x4x128xi32, #tpu.memory_space<hbm>>
        %dma_wait3A_473 = tpu.memref_squeeze %dma_wait3A_472 : memref<1x4x128xi32, #tpu.memory_space<hbm>> -> memref<4x128xi32, #tpu.memory_space<hbm>>
        %dma_wait3A_474 = arith.constant 0 : i32
        %dma_wait3A_475 = arith.constant 0 : i32
        %dma_wait3A_476 = tpu.memref_slice %arg7[%run_scoped3A, %dma_wait3A_474, %dma_wait3A_475] : memref<2x4x128xi32, #tpu.memory_space<vmem>> -> memref<1x4x128xi32, #tpu.memory_space<vmem>>
        %dma_wait3A_477 = tpu.memref_squeeze %dma_wait3A_476 : memref<1x4x128xi32, #tpu.memory_space<vmem>> -> memref<4x128xi32, #tpu.memory_space<vmem>>
        %dma_wait3A_478 = arith.constant 0 : i32
        %dma_wait3A_479 = tpu.memref_slice %arg3[%add3A, %mul3A_24, %dma_wait3A_478] : memref<32x784x128xi32, #tpu.memory_space<hbm>> -> memref<1x4x128xi32, #tpu.memory_space<hbm>>
        %dma_wait3A_480 = tpu.memref_squeeze %dma_wait3A_479 : memref<1x4x128xi32, #tpu.memory_space<hbm>> -> memref<4x128xi32, #tpu.memory_space<hbm>>
        tpu.wait_dma2 semaphore(%run_scoped3A_452 : memref<!tpu.dma_semaphore, #tpu.memory_space<semaphore_mem>>) src(%dma_wait3A_480 : memref<4x128xi32, #tpu.memory_space<hbm>>) dst(%dma_wait3A_477 : memref<4x128xi32, #tpu.memory_space<vmem>>)
        tpu.yield
      }) : () -> ()
      %mul3A_25 = arith.constant 4 : i32
      %mul3A_26 = arith.muli %add3A_22, %mul3A_25 : i32
      %run_scoped3A_27 = arith.constant 0 : i32
      "tpu.region"() ({
        %run_scoped3A_452 = tpu.sem_alloc : memref<!tpu.dma_semaphore, #tpu.memory_space<semaphore_mem>>
        %dma_start3A_453 = arith.constant 0 : i32
        %dma_start3A_454 = arith.constant 0 : i32
        %dma_start3A_455 = tpu.memref_slice %arg8[%run_scoped3A_27, %dma_start3A_453, %dma_start3A_454] : memref<2x4x128xi32, #tpu.memory_space<vmem>> -> memref<1x4x128xi32, #tpu.memory_space<vmem>>
        %dma_start3A_456 = tpu.memref_squeeze %dma_start3A_455 : memref<1x4x128xi32, #tpu.memory_space<vmem>> -> memref<4x128xi32, #tpu.memory_space<vmem>>
        %dma_start3A_457 = arith.constant 0 : i32
        %dma_start3A_458 = tpu.memref_slice %arg4[%add3A, %mul3A_26, %dma_start3A_457] : memref<32x784x128xi32, #tpu.memory_space<hbm>> -> memref<1x4x128xi32, #tpu.memory_space<hbm>>
        %dma_start3A_459 = tpu.memref_squeeze %dma_start3A_458 : memref<1x4x128xi32, #tpu.memory_space<hbm>> -> memref<4x128xi32, #tpu.memory_space<hbm>>
        %dma_start3A_460 = arith.constant 0 : i32
        %dma_start3A_461 = arith.constant 0 : i32
        %dma_start3A_462 = tpu.memref_slice %arg8[%run_scoped3A_27, %dma_start3A_460, %dma_start3A_461] : memref<2x4x128xi32, #tpu.memory_space<vmem>> -> memref<1x4x128xi32, #tpu.memory_space<vmem>>
        %dma_start3A_463 = tpu.memref_squeeze %dma_start3A_462 : memref<1x4x128xi32, #tpu.memory_space<vmem>> -> memref<4x128xi32, #tpu.memory_space<vmem>>
        %dma_start3A_464 = arith.constant 0 : i32
        %dma_start3A_465 = tpu.memref_slice %arg4[%add3A, %mul3A_26, %dma_start3A_464] : memref<32x784x128xi32, #tpu.memory_space<hbm>> -> memref<1x4x128xi32, #tpu.memory_space<hbm>>
        %dma_start3A_466 = tpu.memref_squeeze %dma_start3A_465 : memref<1x4x128xi32, #tpu.memory_space<hbm>> -> memref<4x128xi32, #tpu.memory_space<hbm>>
        tpu.enqueue_dma source(%dma_start3A_466 : memref<4x128xi32, #tpu.memory_space<hbm>>) target(%dma_start3A_463 : memref<4x128xi32, #tpu.memory_space<vmem>>) target_semaphore(%run_scoped3A_452 : memref<!tpu.dma_semaphore, #tpu.memory_space<semaphore_mem>>)
        %dma_wait3A_467 = arith.constant 0 : i32
        %dma_wait3A_468 = arith.constant 0 : i32
        %dma_wait3A_469 = tpu.memref_slice %arg8[%run_scoped3A_27, %dma_wait3A_467, %dma_wait3A_468] : memref<2x4x128xi32, #tpu.memory_space<vmem>> -> memref<1x4x128xi32, #tpu.memory_space<vmem>>
        %dma_wait3A_470 = tpu.memref_squeeze %dma_wait3A_469 : memref<1x4x128xi32, #tpu.memory_space<vmem>> -> memref<4x128xi32, #tpu.memory_space<vmem>>
        %dma_wait3A_471 = arith.constant 0 : i32
        %dma_wait3A_472 = tpu.memref_slice %arg4[%add3A, %mul3A_26, %dma_wait3A_471] : memref<32x784x128xi32, #tpu.memory_space<hbm>> -> memref<1x4x128xi32, #tpu.memory_space<hbm>>
        %dma_wait3A_473 = tpu.memref_squeeze %dma_wait3A_472 : memref<1x4x128xi32, #tpu.memory_space<hbm>> -> memref<4x128xi32, #tpu.memory_space<hbm>>
        %dma_wait3A_474 = arith.constant 0 : i32
        %dma_wait3A_475 = arith.constant 0 : i32
        %dma_wait3A_476 = tpu.memref_slice %arg8[%run_scoped3A_27, %dma_wait3A_474, %dma_wait3A_475] : memref<2x4x128xi32, #tpu.memory_space<vmem>> -> memref<1x4x128xi32, #tpu.memory_space<vmem>>
        %dma_wait3A_477 = tpu.memref_squeeze %dma_wait3A_476 : memref<1x4x128xi32, #tpu.memory_space<vmem>> -> memref<4x128xi32, #tpu.memory_space<vmem>>
        %dma_wait3A_478 = arith.constant 0 : i32
        %dma_wait3A_479 = tpu.memref_slice %arg4[%add3A, %mul3A_26, %dma_wait3A_478] : memref<32x784x128xi32, #tpu.memory_space<hbm>> -> memref<1x4x128xi32, #tpu.memory_space<hbm>>
        %dma_wait3A_480 = tpu.memref_squeeze %dma_wait3A_479 : memref<1x4x128xi32, #tpu.memory_space<hbm>> -> memref<4x128xi32, #tpu.memory_space<hbm>>
        tpu.wait_dma2 semaphore(%run_scoped3A_452 : memref<!tpu.dma_semaphore, #tpu.memory_space<semaphore_mem>>) src(%dma_wait3A_480 : memref<4x128xi32, #tpu.memory_space<hbm>>) dst(%dma_wait3A_477 : memref<4x128xi32, #tpu.memory_space<vmem>>)
        tpu.yield
      }) : () -> ()
      %dma_start3A = arith.constant 0 : i32
      %dma_start3A_28 = arith.constant 0 : i32
      %dma_start3A_29 = arith.constant 0 : i32
      %dma_start3A_30 = arith.constant 0 : i32
      %dma_start3A_31 = arith.constant 0 : i32
      %dma_start3A_32 = tpu.memref_slice %arg9[%dma_start3A_29, %dma_start3A_30, %dma_start3A_31] : memref<2x512x4xf32, #tpu.memory_space<vmem>> -> memref<1x128x4xf32, #tpu.memory_space<vmem>>
      %dma_start3A_33 = tpu.memref_squeeze %dma_start3A_32 : memref<1x128x4xf32, #tpu.memory_space<vmem>> -> memref<128x4xf32, #tpu.memory_space<vmem>>
      %dma_start3A_34 = arith.constant 0 : i32
      %dma_start3A_35 = tpu.memref_slice %arg7[%dma_start3A, %dma_start3A_28, %dma_start3A_34] : memref<2x4x128xi32, #tpu.memory_space<vmem>> -> memref<1x1x128xi32, #tpu.memory_space<vmem>>
      %dma_start3A_36 = tpu.memref_squeeze %dma_start3A_35 : memref<1x1x128xi32, #tpu.memory_space<vmem>> -> memref<128xi32, #tpu.memory_space<vmem>>
      %dma_start3A_37 = arith.constant 0 : i32
      %dma_start3A_38 = arith.constant 0 : i32
      %dma_start3A_39 = tpu.memref_slice %arg2[%dma_start3A_37, %dma_start3A_38] : memref<100000x4xf32, #tpu.memory_space<hbm>> -> memref<100000x4xf32, #tpu.memory_space<hbm>>
      tpu.enqueue_indirect_dma source(%dma_start3A_39 : memref<100000x4xf32, #tpu.memory_space<hbm>>) target(%dma_start3A_33 : memref<128x4xf32, #tpu.memory_space<vmem>>) offsets(%dma_start3A_36 : memref<128xi32, #tpu.memory_space<vmem>>) semaphore(%arg11 : memref<!tpu.dma_semaphore, #tpu.memory_space<semaphore_mem>>)
      %dma_start3A_40 = arith.constant 0 : i32
      %dma_start3A_41 = arith.constant 1 : i32
      %dma_start3A_42 = arith.constant 0 : i32
      %dma_start3A_43 = arith.constant 128 : i32
      %dma_start3A_44 = arith.constant 0 : i32
      %dma_start3A_45 = tpu.memref_slice %arg9[%dma_start3A_42, %dma_start3A_43, %dma_start3A_44] : memref<2x512x4xf32, #tpu.memory_space<vmem>> -> memref<1x128x4xf32, #tpu.memory_space<vmem>>
      %dma_start3A_46 = tpu.memref_squeeze %dma_start3A_45 : memref<1x128x4xf32, #tpu.memory_space<vmem>> -> memref<128x4xf32, #tpu.memory_space<vmem>>
      %dma_start3A_47 = arith.constant 0 : i32
      %dma_start3A_48 = tpu.memref_slice %arg7[%dma_start3A_40, %dma_start3A_41, %dma_start3A_47] : memref<2x4x128xi32, #tpu.memory_space<vmem>> -> memref<1x1x128xi32, #tpu.memory_space<vmem>>
      %dma_start3A_49 = tpu.memref_squeeze %dma_start3A_48 : memref<1x1x128xi32, #tpu.memory_space<vmem>> -> memref<128xi32, #tpu.memory_space<vmem>>
      %dma_start3A_50 = arith.constant 0 : i32
      %dma_start3A_51 = arith.constant 0 : i32
      %dma_start3A_52 = tpu.memref_slice %arg2[%dma_start3A_50, %dma_start3A_51] : memref<100000x4xf32, #tpu.memory_space<hbm>> -> memref<100000x4xf32, #tpu.memory_space<hbm>>
      tpu.enqueue_indirect_dma source(%dma_start3A_52 : memref<100000x4xf32, #tpu.memory_space<hbm>>) target(%dma_start3A_46 : memref<128x4xf32, #tpu.memory_space<vmem>>) offsets(%dma_start3A_49 : memref<128xi32, #tpu.memory_space<vmem>>) semaphore(%arg11 : memref<!tpu.dma_semaphore, #tpu.memory_space<semaphore_mem>>)
      %dma_start3A_53 = arith.constant 0 : i32
      %dma_start3A_54 = arith.constant 2 : i32
      %dma_start3A_55 = arith.constant 0 : i32
      %dma_start3A_56 = arith.constant 256 : i32
      %dma_start3A_57 = arith.constant 0 : i32
      %dma_start3A_58 = tpu.memref_slice %arg9[%dma_start3A_55, %dma_start3A_56, %dma_start3A_57] : memref<2x512x4xf32, #tpu.memory_space<vmem>> -> memref<1x128x4xf32, #tpu.memory_space<vmem>>
      %dma_start3A_59 = tpu.memref_squeeze %dma_start3A_58 : memref<1x128x4xf32, #tpu.memory_space<vmem>> -> memref<128x4xf32, #tpu.memory_space<vmem>>
      %dma_start3A_60 = arith.constant 0 : i32
      %dma_start3A_61 = tpu.memref_slice %arg7[%dma_start3A_53, %dma_start3A_54, %dma_start3A_60] : memref<2x4x128xi32, #tpu.memory_space<vmem>> -> memref<1x1x128xi32, #tpu.memory_space<vmem>>
      %dma_start3A_62 = tpu.memref_squeeze %dma_start3A_61 : memref<1x1x128xi32, #tpu.memory_space<vmem>> -> memref<128xi32, #tpu.memory_space<vmem>>
      %dma_start3A_63 = arith.constant 0 : i32
      %dma_start3A_64 = arith.constant 0 : i32
      %dma_start3A_65 = tpu.memref_slice %arg2[%dma_start3A_63, %dma_start3A_64] : memref<100000x4xf32, #tpu.memory_space<hbm>> -> memref<100000x4xf32, #tpu.memory_space<hbm>>
      tpu.enqueue_indirect_dma source(%dma_start3A_65 : memref<100000x4xf32, #tpu.memory_space<hbm>>) target(%dma_start3A_59 : memref<128x4xf32, #tpu.memory_space<vmem>>) offsets(%dma_start3A_62 : memref<128xi32, #tpu.memory_space<vmem>>) semaphore(%arg11 : memref<!tpu.dma_semaphore, #tpu.memory_space<semaphore_mem>>)
      %dma_start3A_66 = arith.constant 0 : i32
      %dma_start3A_67 = arith.constant 3 : i32
      %dma_start3A_68 = arith.constant 0 : i32
      %dma_start3A_69 = arith.constant 384 : i32
      %dma_start3A_70 = arith.constant 0 : i32
      %dma_start3A_71 = tpu.memref_slice %arg9[%dma_start3A_68, %dma_start3A_69, %dma_start3A_70] : memref<2x512x4xf32, #tpu.memory_space<vmem>> -> memref<1x128x4xf32, #tpu.memory_space<vmem>>
      %dma_start3A_72 = tpu.memref_squeeze %dma_start3A_71 : memref<1x128x4xf32, #tpu.memory_space<vmem>> -> memref<128x4xf32, #tpu.memory_space<vmem>>
      %dma_start3A_73 = arith.constant 0 : i32
      %dma_start3A_74 = tpu.memref_slice %arg7[%dma_start3A_66, %dma_start3A_67, %dma_start3A_73] : memref<2x4x128xi32, #tpu.memory_space<vmem>> -> memref<1x1x128xi32, #tpu.memory_space<vmem>>
      %dma_start3A_75 = tpu.memref_squeeze %dma_start3A_74 : memref<1x1x128xi32, #tpu.memory_space<vmem>> -> memref<128xi32, #tpu.memory_space<vmem>>
      %dma_start3A_76 = arith.constant 0 : i32
      %dma_start3A_77 = arith.constant 0 : i32
      %dma_start3A_78 = tpu.memref_slice %arg2[%dma_start3A_76, %dma_start3A_77] : memref<100000x4xf32, #tpu.memory_space<hbm>> -> memref<100000x4xf32, #tpu.memory_space<hbm>>
      tpu.enqueue_indirect_dma source(%dma_start3A_78 : memref<100000x4xf32, #tpu.memory_space<hbm>>) target(%dma_start3A_72 : memref<128x4xf32, #tpu.memory_space<vmem>>) offsets(%dma_start3A_75 : memref<128xi32, #tpu.memory_space<vmem>>) semaphore(%arg11 : memref<!tpu.dma_semaphore, #tpu.memory_space<semaphore_mem>>)
      %mul3A_79 = arith.constant 2 : i32
      %mul3A_80 = arith.muli %add3A_18, %mul3A_79 : i32
      %add3A_81 = arith.constant 1 : i32
      %add3A_82 = arith.addi %mul3A_80, %add3A_81 : i32
      %mul3A_83 = arith.constant 4 : i32
      %mul3A_84 = arith.muli %add3A_82, %mul3A_83 : i32
      %run_scoped3A_85 = arith.constant 1 : i32
      "tpu.region"() ({
        %run_scoped3A_452 = tpu.sem_alloc : memref<!tpu.dma_semaphore, #tpu.memory_space<semaphore_mem>>
        %dma_start3A_453 = arith.constant 0 : i32
        %dma_start3A_454 = arith.constant 0 : i32
        %dma_start3A_455 = tpu.memref_slice %arg7[%run_scoped3A_85, %dma_start3A_453, %dma_start3A_454] : memref<2x4x128xi32, #tpu.memory_space<vmem>> -> memref<1x4x128xi32, #tpu.memory_space<vmem>>
        %dma_start3A_456 = tpu.memref_squeeze %dma_start3A_455 : memref<1x4x128xi32, #tpu.memory_space<vmem>> -> memref<4x128xi32, #tpu.memory_space<vmem>>
        %dma_start3A_457 = arith.constant 0 : i32
        %dma_start3A_458 = tpu.memref_slice %arg3[%add3A, %mul3A_84, %dma_start3A_457] : memref<32x784x128xi32, #tpu.memory_space<hbm>> -> memref<1x4x128xi32, #tpu.memory_space<hbm>>
        %dma_start3A_459 = tpu.memref_squeeze %dma_start3A_458 : memref<1x4x128xi32, #tpu.memory_space<hbm>> -> memref<4x128xi32, #tpu.memory_space<hbm>>
        %dma_start3A_460 = arith.constant 0 : i32
        %dma_start3A_461 = arith.constant 0 : i32
        %dma_start3A_462 = tpu.memref_slice %arg7[%run_scoped3A_85, %dma_start3A_460, %dma_start3A_461] : memref<2x4x128xi32, #tpu.memory_space<vmem>> -> memref<1x4x128xi32, #tpu.memory_space<vmem>>
        %dma_start3A_463 = tpu.memref_squeeze %dma_start3A_462 : memref<1x4x128xi32, #tpu.memory_space<vmem>> -> memref<4x128xi32, #tpu.memory_space<vmem>>
        %dma_start3A_464 = arith.constant 0 : i32
        %dma_start3A_465 = tpu.memref_slice %arg3[%add3A, %mul3A_84, %dma_start3A_464] : memref<32x784x128xi32, #tpu.memory_space<hbm>> -> memref<1x4x128xi32, #tpu.memory_space<hbm>>
        %dma_start3A_466 = tpu.memref_squeeze %dma_start3A_465 : memref<1x4x128xi32, #tpu.memory_space<hbm>> -> memref<4x128xi32, #tpu.memory_space<hbm>>
        tpu.enqueue_dma source(%dma_start3A_466 : memref<4x128xi32, #tpu.memory_space<hbm>>) target(%dma_start3A_463 : memref<4x128xi32, #tpu.memory_space<vmem>>) target_semaphore(%run_scoped3A_452 : memref<!tpu.dma_semaphore, #tpu.memory_space<semaphore_mem>>)
        %dma_wait3A_467 = arith.constant 0 : i32
        %dma_wait3A_468 = arith.constant 0 : i32
        %dma_wait3A_469 = tpu.memref_slice %arg7[%run_scoped3A_85, %dma_wait3A_467, %dma_wait3A_468] : memref<2x4x128xi32, #tpu.memory_space<vmem>> -> memref<1x4x128xi32, #tpu.memory_space<vmem>>
        %dma_wait3A_470 = tpu.memref_squeeze %dma_wait3A_469 : memref<1x4x128xi32, #tpu.memory_space<vmem>> -> memref<4x128xi32, #tpu.memory_space<vmem>>
        %dma_wait3A_471 = arith.constant 0 : i32
        %dma_wait3A_472 = tpu.memref_slice %arg3[%add3A, %mul3A_84, %dma_wait3A_471] : memref<32x784x128xi32, #tpu.memory_space<hbm>> -> memref<1x4x128xi32, #tpu.memory_space<hbm>>
        %dma_wait3A_473 = tpu.memref_squeeze %dma_wait3A_472 : memref<1x4x128xi32, #tpu.memory_space<hbm>> -> memref<4x128xi32, #tpu.memory_space<hbm>>
        %dma_wait3A_474 = arith.constant 0 : i32
        %dma_wait3A_475 = arith.constant 0 : i32
        %dma_wait3A_476 = tpu.memref_slice %arg7[%run_scoped3A_85, %dma_wait3A_474, %dma_wait3A_475] : memref<2x4x128xi32, #tpu.memory_space<vmem>> -> memref<1x4x128xi32, #tpu.memory_space<vmem>>
        %dma_wait3A_477 = tpu.memref_squeeze %dma_wait3A_476 : memref<1x4x128xi32, #tpu.memory_space<vmem>> -> memref<4x128xi32, #tpu.memory_space<vmem>>
        %dma_wait3A_478 = arith.constant 0 : i32
        %dma_wait3A_479 = tpu.memref_slice %arg3[%add3A, %mul3A_84, %dma_wait3A_478] : memref<32x784x128xi32, #tpu.memory_space<hbm>> -> memref<1x4x128xi32, #tpu.memory_space<hbm>>
        %dma_wait3A_480 = tpu.memref_squeeze %dma_wait3A_479 : memref<1x4x128xi32, #tpu.memory_space<hbm>> -> memref<4x128xi32, #tpu.memory_space<hbm>>
        tpu.wait_dma2 semaphore(%run_scoped3A_452 : memref<!tpu.dma_semaphore, #tpu.memory_space<semaphore_mem>>) src(%dma_wait3A_480 : memref<4x128xi32, #tpu.memory_space<hbm>>) dst(%dma_wait3A_477 : memref<4x128xi32, #tpu.memory_space<vmem>>)
        tpu.yield
      }) : () -> ()
      %mul3A_86 = arith.constant 4 : i32
      %mul3A_87 = arith.muli %add3A_82, %mul3A_86 : i32
      %run_scoped3A_88 = arith.constant 1 : i32
      "tpu.region"() ({
        %run_scoped3A_452 = tpu.sem_alloc : memref<!tpu.dma_semaphore, #tpu.memory_space<semaphore_mem>>
        %dma_start3A_453 = arith.constant 0 : i32
        %dma_start3A_454 = arith.constant 0 : i32
        %dma_start3A_455 = tpu.memref_slice %arg8[%run_scoped3A_88, %dma_start3A_453, %dma_start3A_454] : memref<2x4x128xi32, #tpu.memory_space<vmem>> -> memref<1x4x128xi32, #tpu.memory_space<vmem>>
        %dma_start3A_456 = tpu.memref_squeeze %dma_start3A_455 : memref<1x4x128xi32, #tpu.memory_space<vmem>> -> memref<4x128xi32, #tpu.memory_space<vmem>>
        %dma_start3A_457 = arith.constant 0 : i32
        %dma_start3A_458 = tpu.memref_slice %arg4[%add3A, %mul3A_87, %dma_start3A_457] : memref<32x784x128xi32, #tpu.memory_space<hbm>> -> memref<1x4x128xi32, #tpu.memory_space<hbm>>
        %dma_start3A_459 = tpu.memref_squeeze %dma_start3A_458 : memref<1x4x128xi32, #tpu.memory_space<hbm>> -> memref<4x128xi32, #tpu.memory_space<hbm>>
        %dma_start3A_460 = arith.constant 0 : i32
        %dma_start3A_461 = arith.constant 0 : i32
        %dma_start3A_462 = tpu.memref_slice %arg8[%run_scoped3A_88, %dma_start3A_460, %dma_start3A_461] : memref<2x4x128xi32, #tpu.memory_space<vmem>> -> memref<1x4x128xi32, #tpu.memory_space<vmem>>
        %dma_start3A_463 = tpu.memref_squeeze %dma_start3A_462 : memref<1x4x128xi32, #tpu.memory_space<vmem>> -> memref<4x128xi32, #tpu.memory_space<vmem>>
        %dma_start3A_464 = arith.constant 0 : i32
        %dma_start3A_465 = tpu.memref_slice %arg4[%add3A, %mul3A_87, %dma_start3A_464] : memref<32x784x128xi32, #tpu.memory_space<hbm>> -> memref<1x4x128xi32, #tpu.memory_space<hbm>>
        %dma_start3A_466 = tpu.memref_squeeze %dma_start3A_465 : memref<1x4x128xi32, #tpu.memory_space<hbm>> -> memref<4x128xi32, #tpu.memory_space<hbm>>
        tpu.enqueue_dma source(%dma_start3A_466 : memref<4x128xi32, #tpu.memory_space<hbm>>) target(%dma_start3A_463 : memref<4x128xi32, #tpu.memory_space<vmem>>) target_semaphore(%run_scoped3A_452 : memref<!tpu.dma_semaphore, #tpu.memory_space<semaphore_mem>>)
        %dma_wait3A_467 = arith.constant 0 : i32
        %dma_wait3A_468 = arith.constant 0 : i32
        %dma_wait3A_469 = tpu.memref_slice %arg8[%run_scoped3A_88, %dma_wait3A_467, %dma_wait3A_468] : memref<2x4x128xi32, #tpu.memory_space<vmem>> -> memref<1x4x128xi32, #tpu.memory_space<vmem>>
        %dma_wait3A_470 = tpu.memref_squeeze %dma_wait3A_469 : memref<1x4x128xi32, #tpu.memory_space<vmem>> -> memref<4x128xi32, #tpu.memory_space<vmem>>
        %dma_wait3A_471 = arith.constant 0 : i32
        %dma_wait3A_472 = tpu.memref_slice %arg4[%add3A, %mul3A_87, %dma_wait3A_471] : memref<32x784x128xi32, #tpu.memory_space<hbm>> -> memref<1x4x128xi32, #tpu.memory_space<hbm>>
        %dma_wait3A_473 = tpu.memref_squeeze %dma_wait3A_472 : memref<1x4x128xi32, #tpu.memory_space<hbm>> -> memref<4x128xi32, #tpu.memory_space<hbm>>
        %dma_wait3A_474 = arith.constant 0 : i32
        %dma_wait3A_475 = arith.constant 0 : i32
        %dma_wait3A_476 = tpu.memref_slice %arg8[%run_scoped3A_88, %dma_wait3A_474, %dma_wait3A_475] : memref<2x4x128xi32, #tpu.memory_space<vmem>> -> memref<1x4x128xi32, #tpu.memory_space<vmem>>
        %dma_wait3A_477 = tpu.memref_squeeze %dma_wait3A_476 : memref<1x4x128xi32, #tpu.memory_space<vmem>> -> memref<4x128xi32, #tpu.memory_space<vmem>>
        %dma_wait3A_478 = arith.constant 0 : i32
        %dma_wait3A_479 = tpu.memref_slice %arg4[%add3A, %mul3A_87, %dma_wait3A_478] : memref<32x784x128xi32, #tpu.memory_space<hbm>> -> memref<1x4x128xi32, #tpu.memory_space<hbm>>
        %dma_wait3A_480 = tpu.memref_squeeze %dma_wait3A_479 : memref<1x4x128xi32, #tpu.memory_space<hbm>> -> memref<4x128xi32, #tpu.memory_space<hbm>>
        tpu.wait_dma2 semaphore(%run_scoped3A_452 : memref<!tpu.dma_semaphore, #tpu.memory_space<semaphore_mem>>) src(%dma_wait3A_480 : memref<4x128xi32, #tpu.memory_space<hbm>>) dst(%dma_wait3A_477 : memref<4x128xi32, #tpu.memory_space<vmem>>)
        tpu.yield
      }) : () -> ()
      %dma_start3A_89 = arith.constant 1 : i32
      %dma_start3A_90 = arith.constant 0 : i32
      %dma_start3A_91 = arith.constant 1 : i32
      %dma_start3A_92 = arith.constant 0 : i32
      %dma_start3A_93 = arith.constant 0 : i32
      %dma_start3A_94 = tpu.memref_slice %arg9[%dma_start3A_91, %dma_start3A_92, %dma_start3A_93] : memref<2x512x4xf32, #tpu.memory_space<vmem>> -> memref<1x128x4xf32, #tpu.memory_space<vmem>>
      %dma_start3A_95 = tpu.memref_squeeze %dma_start3A_94 : memref<1x128x4xf32, #tpu.memory_space<vmem>> -> memref<128x4xf32, #tpu.memory_space<vmem>>
      %dma_start3A_96 = arith.constant 0 : i32
      %dma_start3A_97 = tpu.memref_slice %arg7[%dma_start3A_89, %dma_start3A_90, %dma_start3A_96] : memref<2x4x128xi32, #tpu.memory_space<vmem>> -> memref<1x1x128xi32, #tpu.memory_space<vmem>>
      %dma_start3A_98 = tpu.memref_squeeze %dma_start3A_97 : memref<1x1x128xi32, #tpu.memory_space<vmem>> -> memref<128xi32, #tpu.memory_space<vmem>>
      %dma_start3A_99 = arith.constant 0 : i32
      %dma_start3A_100 = arith.constant 0 : i32
      %dma_start3A_101 = tpu.memref_slice %arg2[%dma_start3A_99, %dma_start3A_100] : memref<100000x4xf32, #tpu.memory_space<hbm>> -> memref<100000x4xf32, #tpu.memory_space<hbm>>
      tpu.enqueue_indirect_dma source(%dma_start3A_101 : memref<100000x4xf32, #tpu.memory_space<hbm>>) target(%dma_start3A_95 : memref<128x4xf32, #tpu.memory_space<vmem>>) offsets(%dma_start3A_98 : memref<128xi32, #tpu.memory_space<vmem>>) semaphore(%arg12 : memref<!tpu.dma_semaphore, #tpu.memory_space<semaphore_mem>>)
      %dma_start3A_102 = arith.constant 1 : i32
      %dma_start3A_103 = arith.constant 1 : i32
      %dma_start3A_104 = arith.constant 1 : i32
      %dma_start3A_105 = arith.constant 128 : i32
      %dma_start3A_106 = arith.constant 0 : i32
      %dma_start3A_107 = tpu.memref_slice %arg9[%dma_start3A_104, %dma_start3A_105, %dma_start3A_106] : memref<2x512x4xf32, #tpu.memory_space<vmem>> -> memref<1x128x4xf32, #tpu.memory_space<vmem>>
      %dma_start3A_108 = tpu.memref_squeeze %dma_start3A_107 : memref<1x128x4xf32, #tpu.memory_space<vmem>> -> memref<128x4xf32, #tpu.memory_space<vmem>>
      %dma_start3A_109 = arith.constant 0 : i32
      %dma_start3A_110 = tpu.memref_slice %arg7[%dma_start3A_102, %dma_start3A_103, %dma_start3A_109] : memref<2x4x128xi32, #tpu.memory_space<vmem>> -> memref<1x1x128xi32, #tpu.memory_space<vmem>>
      %dma_start3A_111 = tpu.memref_squeeze %dma_start3A_110 : memref<1x1x128xi32, #tpu.memory_space<vmem>> -> memref<128xi32, #tpu.memory_space<vmem>>
      %dma_start3A_112 = arith.constant 0 : i32
      %dma_start3A_113 = arith.constant 0 : i32
      %dma_start3A_114 = tpu.memref_slice %arg2[%dma_start3A_112, %dma_start3A_113] : memref<100000x4xf32, #tpu.memory_space<hbm>> -> memref<100000x4xf32, #tpu.memory_space<hbm>>
      tpu.enqueue_indirect_dma source(%dma_start3A_114 : memref<100000x4xf32, #tpu.memory_space<hbm>>) target(%dma_start3A_108 : memref<128x4xf32, #tpu.memory_space<vmem>>) offsets(%dma_start3A_111 : memref<128xi32, #tpu.memory_space<vmem>>) semaphore(%arg12 : memref<!tpu.dma_semaphore, #tpu.memory_space<semaphore_mem>>)
      %dma_start3A_115 = arith.constant 1 : i32
      %dma_start3A_116 = arith.constant 2 : i32
      %dma_start3A_117 = arith.constant 1 : i32
      %dma_start3A_118 = arith.constant 256 : i32
      %dma_start3A_119 = arith.constant 0 : i32
      %dma_start3A_120 = tpu.memref_slice %arg9[%dma_start3A_117, %dma_start3A_118, %dma_start3A_119] : memref<2x512x4xf32, #tpu.memory_space<vmem>> -> memref<1x128x4xf32, #tpu.memory_space<vmem>>
      %dma_start3A_121 = tpu.memref_squeeze %dma_start3A_120 : memref<1x128x4xf32, #tpu.memory_space<vmem>> -> memref<128x4xf32, #tpu.memory_space<vmem>>
      %dma_start3A_122 = arith.constant 0 : i32
      %dma_start3A_123 = tpu.memref_slice %arg7[%dma_start3A_115, %dma_start3A_116, %dma_start3A_122] : memref<2x4x128xi32, #tpu.memory_space<vmem>> -> memref<1x1x128xi32, #tpu.memory_space<vmem>>
      %dma_start3A_124 = tpu.memref_squeeze %dma_start3A_123 : memref<1x1x128xi32, #tpu.memory_space<vmem>> -> memref<128xi32, #tpu.memory_space<vmem>>
      %dma_start3A_125 = arith.constant 0 : i32
      %dma_start3A_126 = arith.constant 0 : i32
      %dma_start3A_127 = tpu.memref_slice %arg2[%dma_start3A_125, %dma_start3A_126] : memref<100000x4xf32, #tpu.memory_space<hbm>> -> memref<100000x4xf32, #tpu.memory_space<hbm>>
      tpu.enqueue_indirect_dma source(%dma_start3A_127 : memref<100000x4xf32, #tpu.memory_space<hbm>>) target(%dma_start3A_121 : memref<128x4xf32, #tpu.memory_space<vmem>>) offsets(%dma_start3A_124 : memref<128xi32, #tpu.memory_space<vmem>>) semaphore(%arg12 : memref<!tpu.dma_semaphore, #tpu.memory_space<semaphore_mem>>)
      %dma_start3A_128 = arith.constant 1 : i32
      %dma_start3A_129 = arith.constant 3 : i32
      %dma_start3A_130 = arith.constant 1 : i32
      %dma_start3A_131 = arith.constant 384 : i32
      %dma_start3A_132 = arith.constant 0 : i32
      %dma_start3A_133 = tpu.memref_slice %arg9[%dma_start3A_130, %dma_start3A_131, %dma_start3A_132] : memref<2x512x4xf32, #tpu.memory_space<vmem>> -> memref<1x128x4xf32, #tpu.memory_space<vmem>>
      %dma_start3A_134 = tpu.memref_squeeze %dma_start3A_133 : memref<1x128x4xf32, #tpu.memory_space<vmem>> -> memref<128x4xf32, #tpu.memory_space<vmem>>
      %dma_start3A_135 = arith.constant 0 : i32
      %dma_start3A_136 = tpu.memref_slice %arg7[%dma_start3A_128, %dma_start3A_129, %dma_start3A_135] : memref<2x4x128xi32, #tpu.memory_space<vmem>> -> memref<1x1x128xi32, #tpu.memory_space<vmem>>
      %dma_start3A_137 = tpu.memref_squeeze %dma_start3A_136 : memref<1x1x128xi32, #tpu.memory_space<vmem>> -> memref<128xi32, #tpu.memory_space<vmem>>
      %dma_start3A_138 = arith.constant 0 : i32
      %dma_start3A_139 = arith.constant 0 : i32
      %dma_start3A_140 = tpu.memref_slice %arg2[%dma_start3A_138, %dma_start3A_139] : memref<100000x4xf32, #tpu.memory_space<hbm>> -> memref<100000x4xf32, #tpu.memory_space<hbm>>
      tpu.enqueue_indirect_dma source(%dma_start3A_140 : memref<100000x4xf32, #tpu.memory_space<hbm>>) target(%dma_start3A_134 : memref<128x4xf32, #tpu.memory_space<vmem>>) offsets(%dma_start3A_137 : memref<128xi32, #tpu.memory_space<vmem>>) semaphore(%arg12 : memref<!tpu.dma_semaphore, #tpu.memory_space<semaphore_mem>>)
      %dma_wait3A = arith.constant 0 : i32
      %dma_wait3A_141 = arith.constant 0 : i32
      %dma_wait3A_142 = arith.constant 0 : i32
      %dma_wait3A_143 = arith.constant 0 : i32
      %dma_wait3A_144 = arith.constant 0 : i32
      %dma_wait3A_145 = tpu.memref_slice %arg9[%dma_wait3A_142, %dma_wait3A_143, %dma_wait3A_144] : memref<2x512x4xf32, #tpu.memory_space<vmem>> -> memref<1x128x4xf32, #tpu.memory_space<vmem>>
      %dma_wait3A_146 = tpu.memref_squeeze %dma_wait3A_145 : memref<1x128x4xf32, #tpu.memory_space<vmem>> -> memref<128x4xf32, #tpu.memory_space<vmem>>
      %dma_wait3A_147 = arith.constant 0 : i32
      %dma_wait3A_148 = tpu.memref_slice %arg7[%dma_wait3A, %dma_wait3A_141, %dma_wait3A_147] : memref<2x4x128xi32, #tpu.memory_space<vmem>> -> memref<1x1x128xi32, #tpu.memory_space<vmem>>
      %dma_wait3A_149 = tpu.memref_squeeze %dma_wait3A_148 : memref<1x1x128xi32, #tpu.memory_space<vmem>> -> memref<128xi32, #tpu.memory_space<vmem>>
      %dma_wait3A_150 = arith.constant 0 : i32
      %dma_wait3A_151 = arith.constant 0 : i32
      %dma_wait3A_152 = tpu.memref_slice %arg2[%dma_wait3A_150, %dma_wait3A_151] : memref<100000x4xf32, #tpu.memory_space<hbm>> -> memref<100000x4xf32, #tpu.memory_space<hbm>>
      tpu.wait_indirect_dma semaphore(%arg11 : memref<!tpu.dma_semaphore, #tpu.memory_space<semaphore_mem>>) src(%dma_wait3A_152 : memref<100000x4xf32, #tpu.memory_space<hbm>>) dst(%dma_wait3A_146 : memref<128x4xf32, #tpu.memory_space<vmem>>)
      %dma_wait3A_153 = arith.constant 0 : i32
      %dma_wait3A_154 = arith.constant 1 : i32
      %dma_wait3A_155 = arith.constant 0 : i32
      %dma_wait3A_156 = arith.constant 128 : i32
      %dma_wait3A_157 = arith.constant 0 : i32
      %dma_wait3A_158 = tpu.memref_slice %arg9[%dma_wait3A_155, %dma_wait3A_156, %dma_wait3A_157] : memref<2x512x4xf32, #tpu.memory_space<vmem>> -> memref<1x128x4xf32, #tpu.memory_space<vmem>>
      %dma_wait3A_159 = tpu.memref_squeeze %dma_wait3A_158 : memref<1x128x4xf32, #tpu.memory_space<vmem>> -> memref<128x4xf32, #tpu.memory_space<vmem>>
      %dma_wait3A_160 = arith.constant 0 : i32
      %dma_wait3A_161 = tpu.memref_slice %arg7[%dma_wait3A_153, %dma_wait3A_154, %dma_wait3A_160] : memref<2x4x128xi32, #tpu.memory_space<vmem>> -> memref<1x1x128xi32, #tpu.memory_space<vmem>>
      %dma_wait3A_162 = tpu.memref_squeeze %dma_wait3A_161 : memref<1x1x128xi32, #tpu.memory_space<vmem>> -> memref<128xi32, #tpu.memory_space<vmem>>
      %dma_wait3A_163 = arith.constant 0 : i32
      %dma_wait3A_164 = arith.constant 0 : i32
      %dma_wait3A_165 = tpu.memref_slice %arg2[%dma_wait3A_163, %dma_wait3A_164] : memref<100000x4xf32, #tpu.memory_space<hbm>> -> memref<100000x4xf32, #tpu.memory_space<hbm>>
      tpu.wait_indirect_dma semaphore(%arg11 : memref<!tpu.dma_semaphore, #tpu.memory_space<semaphore_mem>>) src(%dma_wait3A_165 : memref<100000x4xf32, #tpu.memory_space<hbm>>) dst(%dma_wait3A_159 : memref<128x4xf32, #tpu.memory_space<vmem>>)
      %dma_wait3A_166 = arith.constant 0 : i32
      %dma_wait3A_167 = arith.constant 2 : i32
      %dma_wait3A_168 = arith.constant 0 : i32
      %dma_wait3A_169 = arith.constant 256 : i32
      %dma_wait3A_170 = arith.constant 0 : i32
      %dma_wait3A_171 = tpu.memref_slice %arg9[%dma_wait3A_168, %dma_wait3A_169, %dma_wait3A_170] : memref<2x512x4xf32, #tpu.memory_space<vmem>> -> memref<1x128x4xf32, #tpu.memory_space<vmem>>
      %dma_wait3A_172 = tpu.memref_squeeze %dma_wait3A_171 : memref<1x128x4xf32, #tpu.memory_space<vmem>> -> memref<128x4xf32, #tpu.memory_space<vmem>>
      %dma_wait3A_173 = arith.constant 0 : i32
      %dma_wait3A_174 = tpu.memref_slice %arg7[%dma_wait3A_166, %dma_wait3A_167, %dma_wait3A_173] : memref<2x4x128xi32, #tpu.memory_space<vmem>> -> memref<1x1x128xi32, #tpu.memory_space<vmem>>
      %dma_wait3A_175 = tpu.memref_squeeze %dma_wait3A_174 : memref<1x1x128xi32, #tpu.memory_space<vmem>> -> memref<128xi32, #tpu.memory_space<vmem>>
      %dma_wait3A_176 = arith.constant 0 : i32
      %dma_wait3A_177 = arith.constant 0 : i32
      %dma_wait3A_178 = tpu.memref_slice %arg2[%dma_wait3A_176, %dma_wait3A_177] : memref<100000x4xf32, #tpu.memory_space<hbm>> -> memref<100000x4xf32, #tpu.memory_space<hbm>>
      tpu.wait_indirect_dma semaphore(%arg11 : memref<!tpu.dma_semaphore, #tpu.memory_space<semaphore_mem>>) src(%dma_wait3A_178 : memref<100000x4xf32, #tpu.memory_space<hbm>>) dst(%dma_wait3A_172 : memref<128x4xf32, #tpu.memory_space<vmem>>)
      %dma_wait3A_179 = arith.constant 0 : i32
      %dma_wait3A_180 = arith.constant 3 : i32
      %dma_wait3A_181 = arith.constant 0 : i32
      %dma_wait3A_182 = arith.constant 384 : i32
      %dma_wait3A_183 = arith.constant 0 : i32
      %dma_wait3A_184 = tpu.memref_slice %arg9[%dma_wait3A_181, %dma_wait3A_182, %dma_wait3A_183] : memref<2x512x4xf32, #tpu.memory_space<vmem>> -> memref<1x128x4xf32, #tpu.memory_space<vmem>>
      %dma_wait3A_185 = tpu.memref_squeeze %dma_wait3A_184 : memref<1x128x4xf32, #tpu.memory_space<vmem>> -> memref<128x4xf32, #tpu.memory_space<vmem>>
      %dma_wait3A_186 = arith.constant 0 : i32
      %dma_wait3A_187 = tpu.memref_slice %arg7[%dma_wait3A_179, %dma_wait3A_180, %dma_wait3A_186] : memref<2x4x128xi32, #tpu.memory_space<vmem>> -> memref<1x1x128xi32, #tpu.memory_space<vmem>>
      %dma_wait3A_188 = tpu.memref_squeeze %dma_wait3A_187 : memref<1x1x128xi32, #tpu.memory_space<vmem>> -> memref<128xi32, #tpu.memory_space<vmem>>
      %dma_wait3A_189 = arith.constant 0 : i32
      %dma_wait3A_190 = arith.constant 0 : i32
      %dma_wait3A_191 = tpu.memref_slice %arg2[%dma_wait3A_189, %dma_wait3A_190] : memref<100000x4xf32, #tpu.memory_space<hbm>> -> memref<100000x4xf32, #tpu.memory_space<hbm>>
      tpu.wait_indirect_dma semaphore(%arg11 : memref<!tpu.dma_semaphore, #tpu.memory_space<semaphore_mem>>) src(%dma_wait3A_191 : memref<100000x4xf32, #tpu.memory_space<hbm>>) dst(%dma_wait3A_185 : memref<128x4xf32, #tpu.memory_space<vmem>>)
      %dma_start3A_192 = arith.constant 0 : i32
      %dma_start3A_193 = arith.constant 0 : i32
      %dma_start3A_194 = arith.constant 0 : i32
      %dma_start3A_195 = arith.constant 0 : i32
      %dma_start3A_196 = arith.constant 0 : i32
      %dma_start3A_197 = tpu.memref_slice %arg9[%dma_start3A_192, %dma_start3A_195, %dma_start3A_196] : memref<2x512x4xf32, #tpu.memory_space<vmem>> -> memref<1x128x4xf32, #tpu.memory_space<vmem>>
      %dma_start3A_198 = tpu.memref_squeeze %dma_start3A_197 : memref<1x128x4xf32, #tpu.memory_space<vmem>> -> memref<128x4xf32, #tpu.memory_space<vmem>>
      %dma_start3A_199 = arith.constant 0 : i32
      %dma_start3A_200 = tpu.memref_slice %arg8[%dma_start3A_193, %dma_start3A_194, %dma_start3A_199] : memref<2x4x128xi32, #tpu.memory_space<vmem>> -> memref<1x1x128xi32, #tpu.memory_space<vmem>>
      %dma_start3A_201 = tpu.memref_squeeze %dma_start3A_200 : memref<1x1x128xi32, #tpu.memory_space<vmem>> -> memref<128xi32, #tpu.memory_space<vmem>>
      %dma_start3A_202 = arith.constant 0 : i32
      %dma_start3A_203 = arith.constant 0 : i32
      %dma_start3A_204 = tpu.memref_slice %arg10[%dma_start3A_202, %dma_start3A_203] : memref<100096x4xf32, #tpu.memory_space<vmem_shared>> -> memref<100096x4xf32, #tpu.memory_space<vmem_shared>>
      tpu.enqueue_indirect_dma source(%dma_start3A_198 : memref<128x4xf32, #tpu.memory_space<vmem>>) target(%dma_start3A_204 : memref<100096x4xf32, #tpu.memory_space<vmem_shared>>) offsets(%dma_start3A_201 : memref<128xi32, #tpu.memory_space<vmem>>) semaphore(%arg13 : memref<!tpu.dma_semaphore, #tpu.memory_space<semaphore_mem>>) {add = true}
      %dma_start3A_205 = arith.constant 0 : i32
      %dma_start3A_206 = arith.constant 0 : i32
      %dma_start3A_207 = arith.constant 1 : i32
      %dma_start3A_208 = arith.constant 128 : i32
      %dma_start3A_209 = arith.constant 0 : i32
      %dma_start3A_210 = tpu.memref_slice %arg9[%dma_start3A_205, %dma_start3A_208, %dma_start3A_209] : memref<2x512x4xf32, #tpu.memory_space<vmem>> -> memref<1x128x4xf32, #tpu.memory_space<vmem>>
      %dma_start3A_211 = tpu.memref_squeeze %dma_start3A_210 : memref<1x128x4xf32, #tpu.memory_space<vmem>> -> memref<128x4xf32, #tpu.memory_space<vmem>>
      %dma_start3A_212 = arith.constant 0 : i32
      %dma_start3A_213 = tpu.memref_slice %arg8[%dma_start3A_206, %dma_start3A_207, %dma_start3A_212] : memref<2x4x128xi32, #tpu.memory_space<vmem>> -> memref<1x1x128xi32, #tpu.memory_space<vmem>>
      %dma_start3A_214 = tpu.memref_squeeze %dma_start3A_213 : memref<1x1x128xi32, #tpu.memory_space<vmem>> -> memref<128xi32, #tpu.memory_space<vmem>>
      %dma_start3A_215 = arith.constant 0 : i32
      %dma_start3A_216 = arith.constant 0 : i32
      %dma_start3A_217 = tpu.memref_slice %arg10[%dma_start3A_215, %dma_start3A_216] : memref<100096x4xf32, #tpu.memory_space<vmem_shared>> -> memref<100096x4xf32, #tpu.memory_space<vmem_shared>>
      tpu.enqueue_indirect_dma source(%dma_start3A_211 : memref<128x4xf32, #tpu.memory_space<vmem>>) target(%dma_start3A_217 : memref<100096x4xf32, #tpu.memory_space<vmem_shared>>) offsets(%dma_start3A_214 : memref<128xi32, #tpu.memory_space<vmem>>) semaphore(%arg13 : memref<!tpu.dma_semaphore, #tpu.memory_space<semaphore_mem>>) {add = true}
      %dma_start3A_218 = arith.constant 0 : i32
      %dma_start3A_219 = arith.constant 0 : i32
      %dma_start3A_220 = arith.constant 2 : i32
      %dma_start3A_221 = arith.constant 256 : i32
      %dma_start3A_222 = arith.constant 0 : i32
      %dma_start3A_223 = tpu.memref_slice %arg9[%dma_start3A_218, %dma_start3A_221, %dma_start3A_222] : memref<2x512x4xf32, #tpu.memory_space<vmem>> -> memref<1x128x4xf32, #tpu.memory_space<vmem>>
      %dma_start3A_224 = tpu.memref_squeeze %dma_start3A_223 : memref<1x128x4xf32, #tpu.memory_space<vmem>> -> memref<128x4xf32, #tpu.memory_space<vmem>>
      %dma_start3A_225 = arith.constant 0 : i32
      %dma_start3A_226 = tpu.memref_slice %arg8[%dma_start3A_219, %dma_start3A_220, %dma_start3A_225] : memref<2x4x128xi32, #tpu.memory_space<vmem>> -> memref<1x1x128xi32, #tpu.memory_space<vmem>>
      %dma_start3A_227 = tpu.memref_squeeze %dma_start3A_226 : memref<1x1x128xi32, #tpu.memory_space<vmem>> -> memref<128xi32, #tpu.memory_space<vmem>>
      %dma_start3A_228 = arith.constant 0 : i32
      %dma_start3A_229 = arith.constant 0 : i32
      %dma_start3A_230 = tpu.memref_slice %arg10[%dma_start3A_228, %dma_start3A_229] : memref<100096x4xf32, #tpu.memory_space<vmem_shared>> -> memref<100096x4xf32, #tpu.memory_space<vmem_shared>>
      tpu.enqueue_indirect_dma source(%dma_start3A_224 : memref<128x4xf32, #tpu.memory_space<vmem>>) target(%dma_start3A_230 : memref<100096x4xf32, #tpu.memory_space<vmem_shared>>) offsets(%dma_start3A_227 : memref<128xi32, #tpu.memory_space<vmem>>) semaphore(%arg13 : memref<!tpu.dma_semaphore, #tpu.memory_space<semaphore_mem>>) {add = true}
      %dma_start3A_231 = arith.constant 0 : i32
      %dma_start3A_232 = arith.constant 0 : i32
      %dma_start3A_233 = arith.constant 3 : i32
      %dma_start3A_234 = arith.constant 384 : i32
      %dma_start3A_235 = arith.constant 0 : i32
      %dma_start3A_236 = tpu.memref_slice %arg9[%dma_start3A_231, %dma_start3A_234, %dma_start3A_235] : memref<2x512x4xf32, #tpu.memory_space<vmem>> -> memref<1x128x4xf32, #tpu.memory_space<vmem>>
      %dma_start3A_237 = tpu.memref_squeeze %dma_start3A_236 : memref<1x128x4xf32, #tpu.memory_space<vmem>> -> memref<128x4xf32, #tpu.memory_space<vmem>>
      %dma_start3A_238 = arith.constant 0 : i32
      %dma_start3A_239 = tpu.memref_slice %arg8[%dma_start3A_232, %dma_start3A_233, %dma_start3A_238] : memref<2x4x128xi32, #tpu.memory_space<vmem>> -> memref<1x1x128xi32, #tpu.memory_space<vmem>>
      %dma_start3A_240 = tpu.memref_squeeze %dma_start3A_239 : memref<1x1x128xi32, #tpu.memory_space<vmem>> -> memref<128xi32, #tpu.memory_space<vmem>>
      %dma_start3A_241 = arith.constant 0 : i32
      %dma_start3A_242 = arith.constant 0 : i32
      %dma_start3A_243 = tpu.memref_slice %arg10[%dma_start3A_241, %dma_start3A_242] : memref<100096x4xf32, #tpu.memory_space<vmem_shared>> -> memref<100096x4xf32, #tpu.memory_space<vmem_shared>>
      tpu.enqueue_indirect_dma source(%dma_start3A_237 : memref<128x4xf32, #tpu.memory_space<vmem>>) target(%dma_start3A_243 : memref<100096x4xf32, #tpu.memory_space<vmem_shared>>) offsets(%dma_start3A_240 : memref<128xi32, #tpu.memory_space<vmem>>) semaphore(%arg13 : memref<!tpu.dma_semaphore, #tpu.memory_space<semaphore_mem>>) {add = true}
      %dma_wait3A_244 = arith.constant 1 : i32
      %dma_wait3A_245 = arith.constant 0 : i32
      %dma_wait3A_246 = arith.constant 1 : i32
      %dma_wait3A_247 = arith.constant 0 : i32
      %dma_wait3A_248 = arith.constant 0 : i32
      %dma_wait3A_249 = tpu.memref_slice %arg9[%dma_wait3A_246, %dma_wait3A_247, %dma_wait3A_248] : memref<2x512x4xf32, #tpu.memory_space<vmem>> -> memref<1x128x4xf32, #tpu.memory_space<vmem>>
      %dma_wait3A_250 = tpu.memref_squeeze %dma_wait3A_249 : memref<1x128x4xf32, #tpu.memory_space<vmem>> -> memref<128x4xf32, #tpu.memory_space<vmem>>
      %dma_wait3A_251 = arith.constant 0 : i32
      %dma_wait3A_252 = tpu.memref_slice %arg7[%dma_wait3A_244, %dma_wait3A_245, %dma_wait3A_251] : memref<2x4x128xi32, #tpu.memory_space<vmem>> -> memref<1x1x128xi32, #tpu.memory_space<vmem>>
      %dma_wait3A_253 = tpu.memref_squeeze %dma_wait3A_252 : memref<1x1x128xi32, #tpu.memory_space<vmem>> -> memref<128xi32, #tpu.memory_space<vmem>>
      %dma_wait3A_254 = arith.constant 0 : i32
      %dma_wait3A_255 = arith.constant 0 : i32
      %dma_wait3A_256 = tpu.memref_slice %arg2[%dma_wait3A_254, %dma_wait3A_255] : memref<100000x4xf32, #tpu.memory_space<hbm>> -> memref<100000x4xf32, #tpu.memory_space<hbm>>
      tpu.wait_indirect_dma semaphore(%arg12 : memref<!tpu.dma_semaphore, #tpu.memory_space<semaphore_mem>>) src(%dma_wait3A_256 : memref<100000x4xf32, #tpu.memory_space<hbm>>) dst(%dma_wait3A_250 : memref<128x4xf32, #tpu.memory_space<vmem>>)
      %dma_wait3A_257 = arith.constant 1 : i32
      %dma_wait3A_258 = arith.constant 1 : i32
      %dma_wait3A_259 = arith.constant 1 : i32
      %dma_wait3A_260 = arith.constant 128 : i32
      %dma_wait3A_261 = arith.constant 0 : i32
      %dma_wait3A_262 = tpu.memref_slice %arg9[%dma_wait3A_259, %dma_wait3A_260, %dma_wait3A_261] : memref<2x512x4xf32, #tpu.memory_space<vmem>> -> memref<1x128x4xf32, #tpu.memory_space<vmem>>
      %dma_wait3A_263 = tpu.memref_squeeze %dma_wait3A_262 : memref<1x128x4xf32, #tpu.memory_space<vmem>> -> memref<128x4xf32, #tpu.memory_space<vmem>>
      %dma_wait3A_264 = arith.constant 0 : i32
      %dma_wait3A_265 = tpu.memref_slice %arg7[%dma_wait3A_257, %dma_wait3A_258, %dma_wait3A_264] : memref<2x4x128xi32, #tpu.memory_space<vmem>> -> memref<1x1x128xi32, #tpu.memory_space<vmem>>
      %dma_wait3A_266 = tpu.memref_squeeze %dma_wait3A_265 : memref<1x1x128xi32, #tpu.memory_space<vmem>> -> memref<128xi32, #tpu.memory_space<vmem>>
      %dma_wait3A_267 = arith.constant 0 : i32
      %dma_wait3A_268 = arith.constant 0 : i32
      %dma_wait3A_269 = tpu.memref_slice %arg2[%dma_wait3A_267, %dma_wait3A_268] : memref<100000x4xf32, #tpu.memory_space<hbm>> -> memref<100000x4xf32, #tpu.memory_space<hbm>>
      tpu.wait_indirect_dma semaphore(%arg12 : memref<!tpu.dma_semaphore, #tpu.memory_space<semaphore_mem>>) src(%dma_wait3A_269 : memref<100000x4xf32, #tpu.memory_space<hbm>>) dst(%dma_wait3A_263 : memref<128x4xf32, #tpu.memory_space<vmem>>)
      %dma_wait3A_270 = arith.constant 1 : i32
      %dma_wait3A_271 = arith.constant 2 : i32
      %dma_wait3A_272 = arith.constant 1 : i32
      %dma_wait3A_273 = arith.constant 256 : i32
      %dma_wait3A_274 = arith.constant 0 : i32
      %dma_wait3A_275 = tpu.memref_slice %arg9[%dma_wait3A_272, %dma_wait3A_273, %dma_wait3A_274] : memref<2x512x4xf32, #tpu.memory_space<vmem>> -> memref<1x128x4xf32, #tpu.memory_space<vmem>>
      %dma_wait3A_276 = tpu.memref_squeeze %dma_wait3A_275 : memref<1x128x4xf32, #tpu.memory_space<vmem>> -> memref<128x4xf32, #tpu.memory_space<vmem>>
      %dma_wait3A_277 = arith.constant 0 : i32
      %dma_wait3A_278 = tpu.memref_slice %arg7[%dma_wait3A_270, %dma_wait3A_271, %dma_wait3A_277] : memref<2x4x128xi32, #tpu.memory_space<vmem>> -> memref<1x1x128xi32, #tpu.memory_space<vmem>>
      %dma_wait3A_279 = tpu.memref_squeeze %dma_wait3A_278 : memref<1x1x128xi32, #tpu.memory_space<vmem>> -> memref<128xi32, #tpu.memory_space<vmem>>
      %dma_wait3A_280 = arith.constant 0 : i32
      %dma_wait3A_281 = arith.constant 0 : i32
      %dma_wait3A_282 = tpu.memref_slice %arg2[%dma_wait3A_280, %dma_wait3A_281] : memref<100000x4xf32, #tpu.memory_space<hbm>> -> memref<100000x4xf32, #tpu.memory_space<hbm>>
      tpu.wait_indirect_dma semaphore(%arg12 : memref<!tpu.dma_semaphore, #tpu.memory_space<semaphore_mem>>) src(%dma_wait3A_282 : memref<100000x4xf32, #tpu.memory_space<hbm>>) dst(%dma_wait3A_276 : memref<128x4xf32, #tpu.memory_space<vmem>>)
      %dma_wait3A_283 = arith.constant 1 : i32
      %dma_wait3A_284 = arith.constant 3 : i32
      %dma_wait3A_285 = arith.constant 1 : i32
      %dma_wait3A_286 = arith.constant 384 : i32
      %dma_wait3A_287 = arith.constant 0 : i32
      %dma_wait3A_288 = tpu.memref_slice %arg9[%dma_wait3A_285, %dma_wait3A_286, %dma_wait3A_287] : memref<2x512x4xf32, #tpu.memory_space<vmem>> -> memref<1x128x4xf32, #tpu.memory_space<vmem>>
      %dma_wait3A_289 = tpu.memref_squeeze %dma_wait3A_288 : memref<1x128x4xf32, #tpu.memory_space<vmem>> -> memref<128x4xf32, #tpu.memory_space<vmem>>
      %dma_wait3A_290 = arith.constant 0 : i32
      %dma_wait3A_291 = tpu.memref_slice %arg7[%dma_wait3A_283, %dma_wait3A_284, %dma_wait3A_290] : memref<2x4x128xi32, #tpu.memory_space<vmem>> -> memref<1x1x128xi32, #tpu.memory_space<vmem>>
      %dma_wait3A_292 = tpu.memref_squeeze %dma_wait3A_291 : memref<1x1x128xi32, #tpu.memory_space<vmem>> -> memref<128xi32, #tpu.memory_space<vmem>>
      %dma_wait3A_293 = arith.constant 0 : i32
      %dma_wait3A_294 = arith.constant 0 : i32
      %dma_wait3A_295 = tpu.memref_slice %arg2[%dma_wait3A_293, %dma_wait3A_294] : memref<100000x4xf32, #tpu.memory_space<hbm>> -> memref<100000x4xf32, #tpu.memory_space<hbm>>
      tpu.wait_indirect_dma semaphore(%arg12 : memref<!tpu.dma_semaphore, #tpu.memory_space<semaphore_mem>>) src(%dma_wait3A_295 : memref<100000x4xf32, #tpu.memory_space<hbm>>) dst(%dma_wait3A_289 : memref<128x4xf32, #tpu.memory_space<vmem>>)
      %dma_start3A_296 = arith.constant 1 : i32
      %dma_start3A_297 = arith.constant 1 : i32
      %dma_start3A_298 = arith.constant 0 : i32
      %dma_start3A_299 = arith.constant 0 : i32
      %dma_start3A_300 = arith.constant 0 : i32
      %dma_start3A_301 = tpu.memref_slice %arg9[%dma_start3A_296, %dma_start3A_299, %dma_start3A_300] : memref<2x512x4xf32, #tpu.memory_space<vmem>> -> memref<1x128x4xf32, #tpu.memory_space<vmem>>
      %dma_start3A_302 = tpu.memref_squeeze %dma_start3A_301 : memref<1x128x4xf32, #tpu.memory_space<vmem>> -> memref<128x4xf32, #tpu.memory_space<vmem>>
      %dma_start3A_303 = arith.constant 0 : i32
      %dma_start3A_304 = tpu.memref_slice %arg8[%dma_start3A_297, %dma_start3A_298, %dma_start3A_303] : memref<2x4x128xi32, #tpu.memory_space<vmem>> -> memref<1x1x128xi32, #tpu.memory_space<vmem>>
      %dma_start3A_305 = tpu.memref_squeeze %dma_start3A_304 : memref<1x1x128xi32, #tpu.memory_space<vmem>> -> memref<128xi32, #tpu.memory_space<vmem>>
      %dma_start3A_306 = arith.constant 0 : i32
      %dma_start3A_307 = arith.constant 0 : i32
      %dma_start3A_308 = tpu.memref_slice %arg10[%dma_start3A_306, %dma_start3A_307] : memref<100096x4xf32, #tpu.memory_space<vmem_shared>> -> memref<100096x4xf32, #tpu.memory_space<vmem_shared>>
      tpu.enqueue_indirect_dma source(%dma_start3A_302 : memref<128x4xf32, #tpu.memory_space<vmem>>) target(%dma_start3A_308 : memref<100096x4xf32, #tpu.memory_space<vmem_shared>>) offsets(%dma_start3A_305 : memref<128xi32, #tpu.memory_space<vmem>>) semaphore(%arg14 : memref<!tpu.dma_semaphore, #tpu.memory_space<semaphore_mem>>) {add = true}
      %dma_start3A_309 = arith.constant 1 : i32
      %dma_start3A_310 = arith.constant 1 : i32
      %dma_start3A_311 = arith.constant 1 : i32
      %dma_start3A_312 = arith.constant 128 : i32
      %dma_start3A_313 = arith.constant 0 : i32
      %dma_start3A_314 = tpu.memref_slice %arg9[%dma_start3A_309, %dma_start3A_312, %dma_start3A_313] : memref<2x512x4xf32, #tpu.memory_space<vmem>> -> memref<1x128x4xf32, #tpu.memory_space<vmem>>
      %dma_start3A_315 = tpu.memref_squeeze %dma_start3A_314 : memref<1x128x4xf32, #tpu.memory_space<vmem>> -> memref<128x4xf32, #tpu.memory_space<vmem>>
      %dma_start3A_316 = arith.constant 0 : i32
      %dma_start3A_317 = tpu.memref_slice %arg8[%dma_start3A_310, %dma_start3A_311, %dma_start3A_316] : memref<2x4x128xi32, #tpu.memory_space<vmem>> -> memref<1x1x128xi32, #tpu.memory_space<vmem>>
      %dma_start3A_318 = tpu.memref_squeeze %dma_start3A_317 : memref<1x1x128xi32, #tpu.memory_space<vmem>> -> memref<128xi32, #tpu.memory_space<vmem>>
      %dma_start3A_319 = arith.constant 0 : i32
      %dma_start3A_320 = arith.constant 0 : i32
      %dma_start3A_321 = tpu.memref_slice %arg10[%dma_start3A_319, %dma_start3A_320] : memref<100096x4xf32, #tpu.memory_space<vmem_shared>> -> memref<100096x4xf32, #tpu.memory_space<vmem_shared>>
      tpu.enqueue_indirect_dma source(%dma_start3A_315 : memref<128x4xf32, #tpu.memory_space<vmem>>) target(%dma_start3A_321 : memref<100096x4xf32, #tpu.memory_space<vmem_shared>>) offsets(%dma_start3A_318 : memref<128xi32, #tpu.memory_space<vmem>>) semaphore(%arg14 : memref<!tpu.dma_semaphore, #tpu.memory_space<semaphore_mem>>) {add = true}
      %dma_start3A_322 = arith.constant 1 : i32
      %dma_start3A_323 = arith.constant 1 : i32
      %dma_start3A_324 = arith.constant 2 : i32
      %dma_start3A_325 = arith.constant 256 : i32
      %dma_start3A_326 = arith.constant 0 : i32
      %dma_start3A_327 = tpu.memref_slice %arg9[%dma_start3A_322, %dma_start3A_325, %dma_start3A_326] : memref<2x512x4xf32, #tpu.memory_space<vmem>> -> memref<1x128x4xf32, #tpu.memory_space<vmem>>
      %dma_start3A_328 = tpu.memref_squeeze %dma_start3A_327 : memref<1x128x4xf32, #tpu.memory_space<vmem>> -> memref<128x4xf32, #tpu.memory_space<vmem>>
      %dma_start3A_329 = arith.constant 0 : i32
      %dma_start3A_330 = tpu.memref_slice %arg8[%dma_start3A_323, %dma_start3A_324, %dma_start3A_329] : memref<2x4x128xi32, #tpu.memory_space<vmem>> -> memref<1x1x128xi32, #tpu.memory_space<vmem>>
      %dma_start3A_331 = tpu.memref_squeeze %dma_start3A_330 : memref<1x1x128xi32, #tpu.memory_space<vmem>> -> memref<128xi32, #tpu.memory_space<vmem>>
      %dma_start3A_332 = arith.constant 0 : i32
      %dma_start3A_333 = arith.constant 0 : i32
      %dma_start3A_334 = tpu.memref_slice %arg10[%dma_start3A_332, %dma_start3A_333] : memref<100096x4xf32, #tpu.memory_space<vmem_shared>> -> memref<100096x4xf32, #tpu.memory_space<vmem_shared>>
      tpu.enqueue_indirect_dma source(%dma_start3A_328 : memref<128x4xf32, #tpu.memory_space<vmem>>) target(%dma_start3A_334 : memref<100096x4xf32, #tpu.memory_space<vmem_shared>>) offsets(%dma_start3A_331 : memref<128xi32, #tpu.memory_space<vmem>>) semaphore(%arg14 : memref<!tpu.dma_semaphore, #tpu.memory_space<semaphore_mem>>) {add = true}
      %dma_start3A_335 = arith.constant 1 : i32
      %dma_start3A_336 = arith.constant 1 : i32
      %dma_start3A_337 = arith.constant 3 : i32
      %dma_start3A_338 = arith.constant 384 : i32
      %dma_start3A_339 = arith.constant 0 : i32
      %dma_start3A_340 = tpu.memref_slice %arg9[%dma_start3A_335, %dma_start3A_338, %dma_start3A_339] : memref<2x512x4xf32, #tpu.memory_space<vmem>> -> memref<1x128x4xf32, #tpu.memory_space<vmem>>
      %dma_start3A_341 = tpu.memref_squeeze %dma_start3A_340 : memref<1x128x4xf32, #tpu.memory_space<vmem>> -> memref<128x4xf32, #tpu.memory_space<vmem>>
      %dma_start3A_342 = arith.constant 0 : i32
      %dma_start3A_343 = tpu.memref_slice %arg8[%dma_start3A_336, %dma_start3A_337, %dma_start3A_342] : memref<2x4x128xi32, #tpu.memory_space<vmem>> -> memref<1x1x128xi32, #tpu.memory_space<vmem>>
      %dma_start3A_344 = tpu.memref_squeeze %dma_start3A_343 : memref<1x1x128xi32, #tpu.memory_space<vmem>> -> memref<128xi32, #tpu.memory_space<vmem>>
      %dma_start3A_345 = arith.constant 0 : i32
      %dma_start3A_346 = arith.constant 0 : i32
      %dma_start3A_347 = tpu.memref_slice %arg10[%dma_start3A_345, %dma_start3A_346] : memref<100096x4xf32, #tpu.memory_space<vmem_shared>> -> memref<100096x4xf32, #tpu.memory_space<vmem_shared>>
      tpu.enqueue_indirect_dma source(%dma_start3A_341 : memref<128x4xf32, #tpu.memory_space<vmem>>) target(%dma_start3A_347 : memref<100096x4xf32, #tpu.memory_space<vmem_shared>>) offsets(%dma_start3A_344 : memref<128xi32, #tpu.memory_space<vmem>>) semaphore(%arg14 : memref<!tpu.dma_semaphore, #tpu.memory_space<semaphore_mem>>) {add = true}
      %dma_wait3A_348 = arith.constant 0 : i32
      %dma_wait3A_349 = arith.constant 0 : i32
      %dma_wait3A_350 = arith.constant 0 : i32
      %dma_wait3A_351 = arith.constant 0 : i32
      %dma_wait3A_352 = arith.constant 0 : i32
      %dma_wait3A_353 = tpu.memref_slice %arg9[%dma_wait3A_348, %dma_wait3A_351, %dma_wait3A_352] : memref<2x512x4xf32, #tpu.memory_space<vmem>> -> memref<1x128x4xf32, #tpu.memory_space<vmem>>
      %dma_wait3A_354 = tpu.memref_squeeze %dma_wait3A_353 : memref<1x128x4xf32, #tpu.memory_space<vmem>> -> memref<128x4xf32, #tpu.memory_space<vmem>>
      %dma_wait3A_355 = arith.constant 0 : i32
      %dma_wait3A_356 = tpu.memref_slice %arg8[%dma_wait3A_349, %dma_wait3A_350, %dma_wait3A_355] : memref<2x4x128xi32, #tpu.memory_space<vmem>> -> memref<1x1x128xi32, #tpu.memory_space<vmem>>
      %dma_wait3A_357 = tpu.memref_squeeze %dma_wait3A_356 : memref<1x1x128xi32, #tpu.memory_space<vmem>> -> memref<128xi32, #tpu.memory_space<vmem>>
      %dma_wait3A_358 = arith.constant 0 : i32
      %dma_wait3A_359 = arith.constant 0 : i32
      %dma_wait3A_360 = tpu.memref_slice %arg10[%dma_wait3A_358, %dma_wait3A_359] : memref<100096x4xf32, #tpu.memory_space<vmem_shared>> -> memref<100096x4xf32, #tpu.memory_space<vmem_shared>>
      tpu.wait_indirect_dma semaphore(%arg13 : memref<!tpu.dma_semaphore, #tpu.memory_space<semaphore_mem>>) src(%dma_wait3A_354 : memref<128x4xf32, #tpu.memory_space<vmem>>) dst(%dma_wait3A_360 : memref<100096x4xf32, #tpu.memory_space<vmem_shared>>)
      %dma_wait3A_361 = arith.constant 0 : i32
      %dma_wait3A_362 = arith.constant 0 : i32
      %dma_wait3A_363 = arith.constant 1 : i32
      %dma_wait3A_364 = arith.constant 128 : i32
      %dma_wait3A_365 = arith.constant 0 : i32
      %dma_wait3A_366 = tpu.memref_slice %arg9[%dma_wait3A_361, %dma_wait3A_364, %dma_wait3A_365] : memref<2x512x4xf32, #tpu.memory_space<vmem>> -> memref<1x128x4xf32, #tpu.memory_space<vmem>>
      %dma_wait3A_367 = tpu.memref_squeeze %dma_wait3A_366 : memref<1x128x4xf32, #tpu.memory_space<vmem>> -> memref<128x4xf32, #tpu.memory_space<vmem>>
      %dma_wait3A_368 = arith.constant 0 : i32
      %dma_wait3A_369 = tpu.memref_slice %arg8[%dma_wait3A_362, %dma_wait3A_363, %dma_wait3A_368] : memref<2x4x128xi32, #tpu.memory_space<vmem>> -> memref<1x1x128xi32, #tpu.memory_space<vmem>>
      %dma_wait3A_370 = tpu.memref_squeeze %dma_wait3A_369 : memref<1x1x128xi32, #tpu.memory_space<vmem>> -> memref<128xi32, #tpu.memory_space<vmem>>
      %dma_wait3A_371 = arith.constant 0 : i32
      %dma_wait3A_372 = arith.constant 0 : i32
      %dma_wait3A_373 = tpu.memref_slice %arg10[%dma_wait3A_371, %dma_wait3A_372] : memref<100096x4xf32, #tpu.memory_space<vmem_shared>> -> memref<100096x4xf32, #tpu.memory_space<vmem_shared>>
      tpu.wait_indirect_dma semaphore(%arg13 : memref<!tpu.dma_semaphore, #tpu.memory_space<semaphore_mem>>) src(%dma_wait3A_367 : memref<128x4xf32, #tpu.memory_space<vmem>>) dst(%dma_wait3A_373 : memref<100096x4xf32, #tpu.memory_space<vmem_shared>>)
      %dma_wait3A_374 = arith.constant 0 : i32
      %dma_wait3A_375 = arith.constant 0 : i32
      %dma_wait3A_376 = arith.constant 2 : i32
      %dma_wait3A_377 = arith.constant 256 : i32
      %dma_wait3A_378 = arith.constant 0 : i32
      %dma_wait3A_379 = tpu.memref_slice %arg9[%dma_wait3A_374, %dma_wait3A_377, %dma_wait3A_378] : memref<2x512x4xf32, #tpu.memory_space<vmem>> -> memref<1x128x4xf32, #tpu.memory_space<vmem>>
      %dma_wait3A_380 = tpu.memref_squeeze %dma_wait3A_379 : memref<1x128x4xf32, #tpu.memory_space<vmem>> -> memref<128x4xf32, #tpu.memory_space<vmem>>
      %dma_wait3A_381 = arith.constant 0 : i32
      %dma_wait3A_382 = tpu.memref_slice %arg8[%dma_wait3A_375, %dma_wait3A_376, %dma_wait3A_381] : memref<2x4x128xi32, #tpu.memory_space<vmem>> -> memref<1x1x128xi32, #tpu.memory_space<vmem>>
      %dma_wait3A_383 = tpu.memref_squeeze %dma_wait3A_382 : memref<1x1x128xi32, #tpu.memory_space<vmem>> -> memref<128xi32, #tpu.memory_space<vmem>>
      %dma_wait3A_384 = arith.constant 0 : i32
      %dma_wait3A_385 = arith.constant 0 : i32
      %dma_wait3A_386 = tpu.memref_slice %arg10[%dma_wait3A_384, %dma_wait3A_385] : memref<100096x4xf32, #tpu.memory_space<vmem_shared>> -> memref<100096x4xf32, #tpu.memory_space<vmem_shared>>
      tpu.wait_indirect_dma semaphore(%arg13 : memref<!tpu.dma_semaphore, #tpu.memory_space<semaphore_mem>>) src(%dma_wait3A_380 : memref<128x4xf32, #tpu.memory_space<vmem>>) dst(%dma_wait3A_386 : memref<100096x4xf32, #tpu.memory_space<vmem_shared>>)
      %dma_wait3A_387 = arith.constant 0 : i32
      %dma_wait3A_388 = arith.constant 0 : i32
      %dma_wait3A_389 = arith.constant 3 : i32
      %dma_wait3A_390 = arith.constant 384 : i32
      %dma_wait3A_391 = arith.constant 0 : i32
      %dma_wait3A_392 = tpu.memref_slice %arg9[%dma_wait3A_387, %dma_wait3A_390, %dma_wait3A_391] : memref<2x512x4xf32, #tpu.memory_space<vmem>> -> memref<1x128x4xf32, #tpu.memory_space<vmem>>
      %dma_wait3A_393 = tpu.memref_squeeze %dma_wait3A_392 : memref<1x128x4xf32, #tpu.memory_space<vmem>> -> memref<128x4xf32, #tpu.memory_space<vmem>>
      %dma_wait3A_394 = arith.constant 0 : i32
      %dma_wait3A_395 = tpu.memref_slice %arg8[%dma_wait3A_388, %dma_wait3A_389, %dma_wait3A_394] : memref<2x4x128xi32, #tpu.memory_space<vmem>> -> memref<1x1x128xi32, #tpu.memory_space<vmem>>
      %dma_wait3A_396 = tpu.memref_squeeze %dma_wait3A_395 : memref<1x1x128xi32, #tpu.memory_space<vmem>> -> memref<128xi32, #tpu.memory_space<vmem>>
      %dma_wait3A_397 = arith.constant 0 : i32
      %dma_wait3A_398 = arith.constant 0 : i32
      %dma_wait3A_399 = tpu.memref_slice %arg10[%dma_wait3A_397, %dma_wait3A_398] : memref<100096x4xf32, #tpu.memory_space<vmem_shared>> -> memref<100096x4xf32, #tpu.memory_space<vmem_shared>>
      tpu.wait_indirect_dma semaphore(%arg13 : memref<!tpu.dma_semaphore, #tpu.memory_space<semaphore_mem>>) src(%dma_wait3A_393 : memref<128x4xf32, #tpu.memory_space<vmem>>) dst(%dma_wait3A_399 : memref<100096x4xf32, #tpu.memory_space<vmem_shared>>)
      %dma_wait3A_400 = arith.constant 1 : i32
      %dma_wait3A_401 = arith.constant 1 : i32
      %dma_wait3A_402 = arith.constant 0 : i32
      %dma_wait3A_403 = arith.constant 0 : i32
      %dma_wait3A_404 = arith.constant 0 : i32
      %dma_wait3A_405 = tpu.memref_slice %arg9[%dma_wait3A_400, %dma_wait3A_403, %dma_wait3A_404] : memref<2x512x4xf32, #tpu.memory_space<vmem>> -> memref<1x128x4xf32, #tpu.memory_space<vmem>>
      %dma_wait3A_406 = tpu.memref_squeeze %dma_wait3A_405 : memref<1x128x4xf32, #tpu.memory_space<vmem>> -> memref<128x4xf32, #tpu.memory_space<vmem>>
      %dma_wait3A_407 = arith.constant 0 : i32
      %dma_wait3A_408 = tpu.memref_slice %arg8[%dma_wait3A_401, %dma_wait3A_402, %dma_wait3A_407] : memref<2x4x128xi32, #tpu.memory_space<vmem>> -> memref<1x1x128xi32, #tpu.memory_space<vmem>>
      %dma_wait3A_409 = tpu.memref_squeeze %dma_wait3A_408 : memref<1x1x128xi32, #tpu.memory_space<vmem>> -> memref<128xi32, #tpu.memory_space<vmem>>
      %dma_wait3A_410 = arith.constant 0 : i32
      %dma_wait3A_411 = arith.constant 0 : i32
      %dma_wait3A_412 = tpu.memref_slice %arg10[%dma_wait3A_410, %dma_wait3A_411] : memref<100096x4xf32, #tpu.memory_space<vmem_shared>> -> memref<100096x4xf32, #tpu.memory_space<vmem_shared>>
      tpu.wait_indirect_dma semaphore(%arg14 : memref<!tpu.dma_semaphore, #tpu.memory_space<semaphore_mem>>) src(%dma_wait3A_406 : memref<128x4xf32, #tpu.memory_space<vmem>>) dst(%dma_wait3A_412 : memref<100096x4xf32, #tpu.memory_space<vmem_shared>>)
      %dma_wait3A_413 = arith.constant 1 : i32
      %dma_wait3A_414 = arith.constant 1 : i32
      %dma_wait3A_415 = arith.constant 1 : i32
      %dma_wait3A_416 = arith.constant 128 : i32
      %dma_wait3A_417 = arith.constant 0 : i32
      %dma_wait3A_418 = tpu.memref_slice %arg9[%dma_wait3A_413, %dma_wait3A_416, %dma_wait3A_417] : memref<2x512x4xf32, #tpu.memory_space<vmem>> -> memref<1x128x4xf32, #tpu.memory_space<vmem>>
      %dma_wait3A_419 = tpu.memref_squeeze %dma_wait3A_418 : memref<1x128x4xf32, #tpu.memory_space<vmem>> -> memref<128x4xf32, #tpu.memory_space<vmem>>
      %dma_wait3A_420 = arith.constant 0 : i32
      %dma_wait3A_421 = tpu.memref_slice %arg8[%dma_wait3A_414, %dma_wait3A_415, %dma_wait3A_420] : memref<2x4x128xi32, #tpu.memory_space<vmem>> -> memref<1x1x128xi32, #tpu.memory_space<vmem>>
      %dma_wait3A_422 = tpu.memref_squeeze %dma_wait3A_421 : memref<1x1x128xi32, #tpu.memory_space<vmem>> -> memref<128xi32, #tpu.memory_space<vmem>>
      %dma_wait3A_423 = arith.constant 0 : i32
      %dma_wait3A_424 = arith.constant 0 : i32
      %dma_wait3A_425 = tpu.memref_slice %arg10[%dma_wait3A_423, %dma_wait3A_424] : memref<100096x4xf32, #tpu.memory_space<vmem_shared>> -> memref<100096x4xf32, #tpu.memory_space<vmem_shared>>
      tpu.wait_indirect_dma semaphore(%arg14 : memref<!tpu.dma_semaphore, #tpu.memory_space<semaphore_mem>>) src(%dma_wait3A_419 : memref<128x4xf32, #tpu.memory_space<vmem>>) dst(%dma_wait3A_425 : memref<100096x4xf32, #tpu.memory_space<vmem_shared>>)
      %dma_wait3A_426 = arith.constant 1 : i32
      %dma_wait3A_427 = arith.constant 1 : i32
      %dma_wait3A_428 = arith.constant 2 : i32
      %dma_wait3A_429 = arith.constant 256 : i32
      %dma_wait3A_430 = arith.constant 0 : i32
      %dma_wait3A_431 = tpu.memref_slice %arg9[%dma_wait3A_426, %dma_wait3A_429, %dma_wait3A_430] : memref<2x512x4xf32, #tpu.memory_space<vmem>> -> memref<1x128x4xf32, #tpu.memory_space<vmem>>
      %dma_wait3A_432 = tpu.memref_squeeze %dma_wait3A_431 : memref<1x128x4xf32, #tpu.memory_space<vmem>> -> memref<128x4xf32, #tpu.memory_space<vmem>>
      %dma_wait3A_433 = arith.constant 0 : i32
      %dma_wait3A_434 = tpu.memref_slice %arg8[%dma_wait3A_427, %dma_wait3A_428, %dma_wait3A_433] : memref<2x4x128xi32, #tpu.memory_space<vmem>> -> memref<1x1x128xi32, #tpu.memory_space<vmem>>
      %dma_wait3A_435 = tpu.memref_squeeze %dma_wait3A_434 : memref<1x1x128xi32, #tpu.memory_space<vmem>> -> memref<128xi32, #tpu.memory_space<vmem>>
      %dma_wait3A_436 = arith.constant 0 : i32
      %dma_wait3A_437 = arith.constant 0 : i32
      %dma_wait3A_438 = tpu.memref_slice %arg10[%dma_wait3A_436, %dma_wait3A_437] : memref<100096x4xf32, #tpu.memory_space<vmem_shared>> -> memref<100096x4xf32, #tpu.memory_space<vmem_shared>>
      tpu.wait_indirect_dma semaphore(%arg14 : memref<!tpu.dma_semaphore, #tpu.memory_space<semaphore_mem>>) src(%dma_wait3A_432 : memref<128x4xf32, #tpu.memory_space<vmem>>) dst(%dma_wait3A_438 : memref<100096x4xf32, #tpu.memory_space<vmem_shared>>)
      %dma_wait3A_439 = arith.constant 1 : i32
      %dma_wait3A_440 = arith.constant 1 : i32
      %dma_wait3A_441 = arith.constant 3 : i32
      %dma_wait3A_442 = arith.constant 384 : i32
      %dma_wait3A_443 = arith.constant 0 : i32
      %dma_wait3A_444 = tpu.memref_slice %arg9[%dma_wait3A_439, %dma_wait3A_442, %dma_wait3A_443] : memref<2x512x4xf32, #tpu.memory_space<vmem>> -> memref<1x128x4xf32, #tpu.memory_space<vmem>>
      %dma_wait3A_445 = tpu.memref_squeeze %dma_wait3A_444 : memref<1x128x4xf32, #tpu.memory_space<vmem>> -> memref<128x4xf32, #tpu.memory_space<vmem>>
      %dma_wait3A_446 = arith.constant 0 : i32
      %dma_wait3A_447 = tpu.memref_slice %arg8[%dma_wait3A_440, %dma_wait3A_441, %dma_wait3A_446] : memref<2x4x128xi32, #tpu.memory_space<vmem>> -> memref<1x1x128xi32, #tpu.memory_space<vmem>>
      %dma_wait3A_448 = tpu.memref_squeeze %dma_wait3A_447 : memref<1x1x128xi32, #tpu.memory_space<vmem>> -> memref<128xi32, #tpu.memory_space<vmem>>
      %dma_wait3A_449 = arith.constant 0 : i32
      %dma_wait3A_450 = arith.constant 0 : i32
      %dma_wait3A_451 = tpu.memref_slice %arg10[%dma_wait3A_449, %dma_wait3A_450] : memref<100096x4xf32, #tpu.memory_space<vmem_shared>> -> memref<100096x4xf32, #tpu.memory_space<vmem_shared>>
      tpu.wait_indirect_dma semaphore(%arg14 : memref<!tpu.dma_semaphore, #tpu.memory_space<semaphore_mem>>) src(%dma_wait3A_445 : memref<128x4xf32, #tpu.memory_space<vmem>>) dst(%dma_wait3A_451 : memref<100096x4xf32, #tpu.memory_space<vmem_shared>>)
    }
    %scan3A_8 = arith.constant 98 : i32
    %barrier3A_9 = arith.constant 0 : index
    tpu.barrier barrier_id(%barrier3A_9)
    %mul3A_10 = arith.constant 6256 : i32
    %mul3A_11 = arith.muli %arg1, %mul3A_10 : i32
    %mul3A_12 = arith.constant 6256 : i32
    %mul3A_13 = arith.muli %arg1, %mul3A_12 : i32
    "tpu.region"() ({
      %run_scoped3A = tpu.sem_alloc : memref<!tpu.dma_semaphore, #tpu.memory_space<semaphore_mem>>
      %dma_start3A = arith.constant 0 : i32
      %dma_start3A_14 = tpu.memref_slice %arg6[%arg0, %mul3A_13, %dma_start3A] : memref<2x100096x4xf32, #tpu.memory_space<hbm>> -> memref<1x6256x4xf32, #tpu.memory_space<hbm>>
      %dma_start3A_15 = tpu.memref_squeeze %dma_start3A_14 : memref<1x6256x4xf32, #tpu.memory_space<hbm>> -> memref<6256x4xf32, #tpu.memory_space<hbm>>
      %dma_start3A_16 = arith.constant 0 : i32
      %dma_start3A_17 = tpu.memref_slice %arg10[%mul3A_11, %dma_start3A_16] : memref<100096x4xf32, #tpu.memory_space<vmem_shared>> -> memref<6256x4xf32, #tpu.memory_space<vmem_shared>>
      tpu.enqueue_dma source(%dma_start3A_17 : memref<6256x4xf32, #tpu.memory_space<vmem_shared>>) target(%dma_start3A_15 : memref<6256x4xf32, #tpu.memory_space<hbm>>) target_semaphore(%run_scoped3A : memref<!tpu.dma_semaphore, #tpu.memory_space<semaphore_mem>>)
      %dma_wait3A = arith.constant 0 : i32
      %dma_wait3A_18 = tpu.memref_slice %arg6[%arg0, %mul3A_13, %dma_wait3A] : memref<2x100096x4xf32, #tpu.memory_space<hbm>> -> memref<1x6256x4xf32, #tpu.memory_space<hbm>>
      %dma_wait3A_19 = tpu.memref_squeeze %dma_wait3A_18 : memref<1x6256x4xf32, #tpu.memory_space<hbm>> -> memref<6256x4xf32, #tpu.memory_space<hbm>>
      %dma_wait3A_20 = arith.constant 0 : i32
      %dma_wait3A_21 = tpu.memref_slice %arg10[%mul3A_11, %dma_wait3A_20] : memref<100096x4xf32, #tpu.memory_space<vmem_shared>> -> memref<6256x4xf32, #tpu.memory_space<vmem_shared>>
      tpu.wait_dma2 semaphore(%run_scoped3A : memref<!tpu.dma_semaphore, #tpu.memory_space<semaphore_mem>>) src(%dma_wait3A_21 : memref<6256x4xf32, #tpu.memory_space<vmem_shared>>) dst(%dma_wait3A_19 : memref<6256x4xf32, #tpu.memory_space<hbm>>)
      tpu.yield
    }) : () -> ()
    return
  }
}

#map = affine_map<(d0, d1) -> (0, 0)>
#map1 = affine_map<(d0, d1) -> (0, 0, 0)>
module attributes {stable_mosaic.version = 14 : i64} {
  func.func @_scat_body(%arg0: i32, %arg1: i32, %arg2: memref<100000x16xf32, #tpu.memory_space<hbm>>, %arg3: memref<32x784x128xi32, #tpu.memory_space<hbm>>, %arg4: memref<32x784x128xi32, #tpu.memory_space<hbm>>, %arg5: memref<100096x16xf32, #tpu.memory_space<hbm>>, %arg6: memref<2x100096x16xf32, #tpu.memory_space<hbm>>, %arg7: memref<2x4x128xi32, #tpu.memory_space<vmem>>, %arg8: memref<2x4x128xi32, #tpu.memory_space<vmem>>, %arg9: memref<2x512x16xf32, #tpu.memory_space<vmem>>, %arg10: memref<100096x16xf32, #tpu.memory_space<vmem_shared>>, %arg11: memref<!tpu.dma_semaphore, #tpu.memory_space<semaphore_mem>>, %arg12: memref<!tpu.dma_semaphore, #tpu.memory_space<semaphore_mem>>, %arg13: memref<!tpu.dma_semaphore, #tpu.memory_space<semaphore_mem>>, %arg14: memref<!tpu.dma_semaphore, #tpu.memory_space<semaphore_mem>>) attributes {dimension_semantics = [#tpu.dimension_semantics<core_parallel>, #tpu.dimension_semantics<subcore_parallel>], iteration_bounds = array<i64: 2, 16>, scalar_prefetch = 0 : i64, scratch_operands = 8 : i64, tpu.core_type = #tpu.core_type<sc_vector_subcore>, window_params = [{transform_indices = #map}, {transform_indices = #map1}, {transform_indices = #map1}, {transform_indices = #map}, {transform_indices = #map1}]} {
    %mul3A = arith.constant 16 : i32
    %mul3A_0 = arith.muli %arg0, %mul3A : i32
    %add3A = arith.addi %mul3A_0, %arg1 : i32
    %mul3A_1 = arith.constant 6256 : i32
    %mul3A_2 = arith.muli %arg1, %mul3A_1 : i32
    %mul3A_3 = arith.constant 6256 : i32
    %mul3A_4 = arith.muli %arg1, %mul3A_3 : i32
    "tpu.region"() ({
      %run_scoped3A = tpu.sem_alloc : memref<!tpu.dma_semaphore, #tpu.memory_space<semaphore_mem>>
      %dma_start3A = arith.constant 0 : i32
      %dma_start3A_14 = tpu.memref_slice %arg10[%mul3A_4, %dma_start3A] : memref<100096x16xf32, #tpu.memory_space<vmem_shared>> -> memref<6256x16xf32, #tpu.memory_space<vmem_shared>>
      %dma_start3A_15 = arith.constant 0 : i32
      %dma_start3A_16 = tpu.memref_slice %arg5[%mul3A_2, %dma_start3A_15] : memref<100096x16xf32, #tpu.memory_space<hbm>> -> memref<6256x16xf32, #tpu.memory_space<hbm>>
      tpu.enqueue_dma source(%dma_start3A_16 : memref<6256x16xf32, #tpu.memory_space<hbm>>) target(%dma_start3A_14 : memref<6256x16xf32, #tpu.memory_space<vmem_shared>>) target_semaphore(%run_scoped3A : memref<!tpu.dma_semaphore, #tpu.memory_space<semaphore_mem>>)
      %dma_wait3A = arith.constant 0 : i32
      %dma_wait3A_17 = tpu.memref_slice %arg10[%mul3A_4, %dma_wait3A] : memref<100096x16xf32, #tpu.memory_space<vmem_shared>> -> memref<6256x16xf32, #tpu.memory_space<vmem_shared>>
      %dma_wait3A_18 = arith.constant 0 : i32
      %dma_wait3A_19 = tpu.memref_slice %arg5[%mul3A_2, %dma_wait3A_18] : memref<100096x16xf32, #tpu.memory_space<hbm>> -> memref<6256x16xf32, #tpu.memory_space<hbm>>
      tpu.wait_dma2 semaphore(%run_scoped3A : memref<!tpu.dma_semaphore, #tpu.memory_space<semaphore_mem>>) src(%dma_wait3A_19 : memref<6256x16xf32, #tpu.memory_space<hbm>>) dst(%dma_wait3A_17 : memref<6256x16xf32, #tpu.memory_space<vmem_shared>>)
      tpu.yield
    }) : () -> ()
    %barrier3A = arith.constant 0 : index
    tpu.barrier barrier_id(%barrier3A)
    %scan3A = arith.constant 0 : i32
    %scan3A_5 = arith.constant 98 : i32
    %scan3A_6 = arith.addi %scan3A, %scan3A_5 : i32
    %scan3A_7 = arith.constant 1 : i32
    scf.for %scan3A_14 = %scan3A to %scan3A_6 step %scan3A_7  : i32 {
      %mul3A_15 = arith.constant 1 : i32
      %mul3A_16 = arith.muli %scan3A_14, %mul3A_15 : i32
      %add3A_17 = arith.constant 0 : i32
      %add3A_18 = arith.addi %add3A_17, %mul3A_16 : i32
      %mul3A_19 = arith.constant 2 : i32
      %mul3A_20 = arith.muli %add3A_18, %mul3A_19 : i32
      %add3A_21 = arith.constant 0 : i32
      %add3A_22 = arith.addi %mul3A_20, %add3A_21 : i32
      %mul3A_23 = arith.constant 4 : i32
      %mul3A_24 = arith.muli %add3A_22, %mul3A_23 : i32
      %run_scoped3A = arith.constant 0 : i32
      "tpu.region"() ({
        %run_scoped3A_452 = tpu.sem_alloc : memref<!tpu.dma_semaphore, #tpu.memory_space<semaphore_mem>>
        %dma_start3A_453 = arith.constant 0 : i32
        %dma_start3A_454 = arith.constant 0 : i32
        %dma_start3A_455 = tpu.memref_slice %arg7[%run_scoped3A, %dma_start3A_453, %dma_start3A_454] : memref<2x4x128xi32, #tpu.memory_space<vmem>> -> memref<1x4x128xi32, #tpu.memory_space<vmem>>
        %dma_start3A_456 = tpu.memref_squeeze %dma_start3A_455 : memref<1x4x128xi32, #tpu.memory_space<vmem>> -> memref<4x128xi32, #tpu.memory_space<vmem>>
        %dma_start3A_457 = arith.constant 0 : i32
        %dma_start3A_458 = tpu.memref_slice %arg3[%add3A, %mul3A_24, %dma_start3A_457] : memref<32x784x128xi32, #tpu.memory_space<hbm>> -> memref<1x4x128xi32, #tpu.memory_space<hbm>>
        %dma_start3A_459 = tpu.memref_squeeze %dma_start3A_458 : memref<1x4x128xi32, #tpu.memory_space<hbm>> -> memref<4x128xi32, #tpu.memory_space<hbm>>
        %dma_start3A_460 = arith.constant 0 : i32
        %dma_start3A_461 = arith.constant 0 : i32
        %dma_start3A_462 = tpu.memref_slice %arg7[%run_scoped3A, %dma_start3A_460, %dma_start3A_461] : memref<2x4x128xi32, #tpu.memory_space<vmem>> -> memref<1x4x128xi32, #tpu.memory_space<vmem>>
        %dma_start3A_463 = tpu.memref_squeeze %dma_start3A_462 : memref<1x4x128xi32, #tpu.memory_space<vmem>> -> memref<4x128xi32, #tpu.memory_space<vmem>>
        %dma_start3A_464 = arith.constant 0 : i32
        %dma_start3A_465 = tpu.memref_slice %arg3[%add3A, %mul3A_24, %dma_start3A_464] : memref<32x784x128xi32, #tpu.memory_space<hbm>> -> memref<1x4x128xi32, #tpu.memory_space<hbm>>
        %dma_start3A_466 = tpu.memref_squeeze %dma_start3A_465 : memref<1x4x128xi32, #tpu.memory_space<hbm>> -> memref<4x128xi32, #tpu.memory_space<hbm>>
        tpu.enqueue_dma source(%dma_start3A_466 : memref<4x128xi32, #tpu.memory_space<hbm>>) target(%dma_start3A_463 : memref<4x128xi32, #tpu.memory_space<vmem>>) target_semaphore(%run_scoped3A_452 : memref<!tpu.dma_semaphore, #tpu.memory_space<semaphore_mem>>)
        %dma_wait3A_467 = arith.constant 0 : i32
        %dma_wait3A_468 = arith.constant 0 : i32
        %dma_wait3A_469 = tpu.memref_slice %arg7[%run_scoped3A, %dma_wait3A_467, %dma_wait3A_468] : memref<2x4x128xi32, #tpu.memory_space<vmem>> -> memref<1x4x128xi32, #tpu.memory_space<vmem>>
        %dma_wait3A_470 = tpu.memref_squeeze %dma_wait3A_469 : memref<1x4x128xi32, #tpu.memory_space<vmem>> -> memref<4x128xi32, #tpu.memory_space<vmem>>
        %dma_wait3A_471 = arith.constant 0 : i32
        %dma_wait3A_472 = tpu.memref_slice %arg3[%add3A, %mul3A_24, %dma_wait3A_471] : memref<32x784x128xi32, #tpu.memory_space<hbm>> -> memref<1x4x128xi32, #tpu.memory_space<hbm>>
        %dma_wait3A_473 = tpu.memref_squeeze %dma_wait3A_472 : memref<1x4x128xi32, #tpu.memory_space<hbm>> -> memref<4x128xi32, #tpu.memory_space<hbm>>
        %dma_wait3A_474 = arith.constant 0 : i32
        %dma_wait3A_475 = arith.constant 0 : i32
        %dma_wait3A_476 = tpu.memref_slice %arg7[%run_scoped3A, %dma_wait3A_474, %dma_wait3A_475] : memref<2x4x128xi32, #tpu.memory_space<vmem>> -> memref<1x4x128xi32, #tpu.memory_space<vmem>>
        %dma_wait3A_477 = tpu.memref_squeeze %dma_wait3A_476 : memref<1x4x128xi32, #tpu.memory_space<vmem>> -> memref<4x128xi32, #tpu.memory_space<vmem>>
        %dma_wait3A_478 = arith.constant 0 : i32
        %dma_wait3A_479 = tpu.memref_slice %arg3[%add3A, %mul3A_24, %dma_wait3A_478] : memref<32x784x128xi32, #tpu.memory_space<hbm>> -> memref<1x4x128xi32, #tpu.memory_space<hbm>>
        %dma_wait3A_480 = tpu.memref_squeeze %dma_wait3A_479 : memref<1x4x128xi32, #tpu.memory_space<hbm>> -> memref<4x128xi32, #tpu.memory_space<hbm>>
        tpu.wait_dma2 semaphore(%run_scoped3A_452 : memref<!tpu.dma_semaphore, #tpu.memory_space<semaphore_mem>>) src(%dma_wait3A_480 : memref<4x128xi32, #tpu.memory_space<hbm>>) dst(%dma_wait3A_477 : memref<4x128xi32, #tpu.memory_space<vmem>>)
        tpu.yield
      }) : () -> ()
      %mul3A_25 = arith.constant 4 : i32
      %mul3A_26 = arith.muli %add3A_22, %mul3A_25 : i32
      %run_scoped3A_27 = arith.constant 0 : i32
      "tpu.region"() ({
        %run_scoped3A_452 = tpu.sem_alloc : memref<!tpu.dma_semaphore, #tpu.memory_space<semaphore_mem>>
        %dma_start3A_453 = arith.constant 0 : i32
        %dma_start3A_454 = arith.constant 0 : i32
        %dma_start3A_455 = tpu.memref_slice %arg8[%run_scoped3A_27, %dma_start3A_453, %dma_start3A_454] : memref<2x4x128xi32, #tpu.memory_space<vmem>> -> memref<1x4x128xi32, #tpu.memory_space<vmem>>
        %dma_start3A_456 = tpu.memref_squeeze %dma_start3A_455 : memref<1x4x128xi32, #tpu.memory_space<vmem>> -> memref<4x128xi32, #tpu.memory_space<vmem>>
        %dma_start3A_457 = arith.constant 0 : i32
        %dma_start3A_458 = tpu.memref_slice %arg4[%add3A, %mul3A_26, %dma_start3A_457] : memref<32x784x128xi32, #tpu.memory_space<hbm>> -> memref<1x4x128xi32, #tpu.memory_space<hbm>>
        %dma_start3A_459 = tpu.memref_squeeze %dma_start3A_458 : memref<1x4x128xi32, #tpu.memory_space<hbm>> -> memref<4x128xi32, #tpu.memory_space<hbm>>
        %dma_start3A_460 = arith.constant 0 : i32
        %dma_start3A_461 = arith.constant 0 : i32
        %dma_start3A_462 = tpu.memref_slice %arg8[%run_scoped3A_27, %dma_start3A_460, %dma_start3A_461] : memref<2x4x128xi32, #tpu.memory_space<vmem>> -> memref<1x4x128xi32, #tpu.memory_space<vmem>>
        %dma_start3A_463 = tpu.memref_squeeze %dma_start3A_462 : memref<1x4x128xi32, #tpu.memory_space<vmem>> -> memref<4x128xi32, #tpu.memory_space<vmem>>
        %dma_start3A_464 = arith.constant 0 : i32
        %dma_start3A_465 = tpu.memref_slice %arg4[%add3A, %mul3A_26, %dma_start3A_464] : memref<32x784x128xi32, #tpu.memory_space<hbm>> -> memref<1x4x128xi32, #tpu.memory_space<hbm>>
        %dma_start3A_466 = tpu.memref_squeeze %dma_start3A_465 : memref<1x4x128xi32, #tpu.memory_space<hbm>> -> memref<4x128xi32, #tpu.memory_space<hbm>>
        tpu.enqueue_dma source(%dma_start3A_466 : memref<4x128xi32, #tpu.memory_space<hbm>>) target(%dma_start3A_463 : memref<4x128xi32, #tpu.memory_space<vmem>>) target_semaphore(%run_scoped3A_452 : memref<!tpu.dma_semaphore, #tpu.memory_space<semaphore_mem>>)
        %dma_wait3A_467 = arith.constant 0 : i32
        %dma_wait3A_468 = arith.constant 0 : i32
        %dma_wait3A_469 = tpu.memref_slice %arg8[%run_scoped3A_27, %dma_wait3A_467, %dma_wait3A_468] : memref<2x4x128xi32, #tpu.memory_space<vmem>> -> memref<1x4x128xi32, #tpu.memory_space<vmem>>
        %dma_wait3A_470 = tpu.memref_squeeze %dma_wait3A_469 : memref<1x4x128xi32, #tpu.memory_space<vmem>> -> memref<4x128xi32, #tpu.memory_space<vmem>>
        %dma_wait3A_471 = arith.constant 0 : i32
        %dma_wait3A_472 = tpu.memref_slice %arg4[%add3A, %mul3A_26, %dma_wait3A_471] : memref<32x784x128xi32, #tpu.memory_space<hbm>> -> memref<1x4x128xi32, #tpu.memory_space<hbm>>
        %dma_wait3A_473 = tpu.memref_squeeze %dma_wait3A_472 : memref<1x4x128xi32, #tpu.memory_space<hbm>> -> memref<4x128xi32, #tpu.memory_space<hbm>>
        %dma_wait3A_474 = arith.constant 0 : i32
        %dma_wait3A_475 = arith.constant 0 : i32
        %dma_wait3A_476 = tpu.memref_slice %arg8[%run_scoped3A_27, %dma_wait3A_474, %dma_wait3A_475] : memref<2x4x128xi32, #tpu.memory_space<vmem>> -> memref<1x4x128xi32, #tpu.memory_space<vmem>>
        %dma_wait3A_477 = tpu.memref_squeeze %dma_wait3A_476 : memref<1x4x128xi32, #tpu.memory_space<vmem>> -> memref<4x128xi32, #tpu.memory_space<vmem>>
        %dma_wait3A_478 = arith.constant 0 : i32
        %dma_wait3A_479 = tpu.memref_slice %arg4[%add3A, %mul3A_26, %dma_wait3A_478] : memref<32x784x128xi32, #tpu.memory_space<hbm>> -> memref<1x4x128xi32, #tpu.memory_space<hbm>>
        %dma_wait3A_480 = tpu.memref_squeeze %dma_wait3A_479 : memref<1x4x128xi32, #tpu.memory_space<hbm>> -> memref<4x128xi32, #tpu.memory_space<hbm>>
        tpu.wait_dma2 semaphore(%run_scoped3A_452 : memref<!tpu.dma_semaphore, #tpu.memory_space<semaphore_mem>>) src(%dma_wait3A_480 : memref<4x128xi32, #tpu.memory_space<hbm>>) dst(%dma_wait3A_477 : memref<4x128xi32, #tpu.memory_space<vmem>>)
        tpu.yield
      }) : () -> ()
      %dma_start3A = arith.constant 0 : i32
      %dma_start3A_28 = arith.constant 0 : i32
      %dma_start3A_29 = arith.constant 0 : i32
      %dma_start3A_30 = arith.constant 0 : i32
      %dma_start3A_31 = arith.constant 0 : i32
      %dma_start3A_32 = tpu.memref_slice %arg9[%dma_start3A_29, %dma_start3A_30, %dma_start3A_31] : memref<2x512x16xf32, #tpu.memory_space<vmem>> -> memref<1x128x16xf32, #tpu.memory_space<vmem>>
      %dma_start3A_33 = tpu.memref_squeeze %dma_start3A_32 : memref<1x128x16xf32, #tpu.memory_space<vmem>> -> memref<128x16xf32, #tpu.memory_space<vmem>>
      %dma_start3A_34 = arith.constant 0 : i32
      %dma_start3A_35 = tpu.memref_slice %arg7[%dma_start3A, %dma_start3A_28, %dma_start3A_34] : memref<2x4x128xi32, #tpu.memory_space<vmem>> -> memref<1x1x128xi32, #tpu.memory_space<vmem>>
      %dma_start3A_36 = tpu.memref_squeeze %dma_start3A_35 : memref<1x1x128xi32, #tpu.memory_space<vmem>> -> memref<128xi32, #tpu.memory_space<vmem>>
      %dma_start3A_37 = arith.constant 0 : i32
      %dma_start3A_38 = arith.constant 0 : i32
      %dma_start3A_39 = tpu.memref_slice %arg2[%dma_start3A_37, %dma_start3A_38] : memref<100000x16xf32, #tpu.memory_space<hbm>> -> memref<100000x16xf32, #tpu.memory_space<hbm>>
      tpu.enqueue_indirect_dma source(%dma_start3A_39 : memref<100000x16xf32, #tpu.memory_space<hbm>>) target(%dma_start3A_33 : memref<128x16xf32, #tpu.memory_space<vmem>>) offsets(%dma_start3A_36 : memref<128xi32, #tpu.memory_space<vmem>>) semaphore(%arg11 : memref<!tpu.dma_semaphore, #tpu.memory_space<semaphore_mem>>)
      %dma_start3A_40 = arith.constant 0 : i32
      %dma_start3A_41 = arith.constant 1 : i32
      %dma_start3A_42 = arith.constant 0 : i32
      %dma_start3A_43 = arith.constant 128 : i32
      %dma_start3A_44 = arith.constant 0 : i32
      %dma_start3A_45 = tpu.memref_slice %arg9[%dma_start3A_42, %dma_start3A_43, %dma_start3A_44] : memref<2x512x16xf32, #tpu.memory_space<vmem>> -> memref<1x128x16xf32, #tpu.memory_space<vmem>>
      %dma_start3A_46 = tpu.memref_squeeze %dma_start3A_45 : memref<1x128x16xf32, #tpu.memory_space<vmem>> -> memref<128x16xf32, #tpu.memory_space<vmem>>
      %dma_start3A_47 = arith.constant 0 : i32
      %dma_start3A_48 = tpu.memref_slice %arg7[%dma_start3A_40, %dma_start3A_41, %dma_start3A_47] : memref<2x4x128xi32, #tpu.memory_space<vmem>> -> memref<1x1x128xi32, #tpu.memory_space<vmem>>
      %dma_start3A_49 = tpu.memref_squeeze %dma_start3A_48 : memref<1x1x128xi32, #tpu.memory_space<vmem>> -> memref<128xi32, #tpu.memory_space<vmem>>
      %dma_start3A_50 = arith.constant 0 : i32
      %dma_start3A_51 = arith.constant 0 : i32
      %dma_start3A_52 = tpu.memref_slice %arg2[%dma_start3A_50, %dma_start3A_51] : memref<100000x16xf32, #tpu.memory_space<hbm>> -> memref<100000x16xf32, #tpu.memory_space<hbm>>
      tpu.enqueue_indirect_dma source(%dma_start3A_52 : memref<100000x16xf32, #tpu.memory_space<hbm>>) target(%dma_start3A_46 : memref<128x16xf32, #tpu.memory_space<vmem>>) offsets(%dma_start3A_49 : memref<128xi32, #tpu.memory_space<vmem>>) semaphore(%arg11 : memref<!tpu.dma_semaphore, #tpu.memory_space<semaphore_mem>>)
      %dma_start3A_53 = arith.constant 0 : i32
      %dma_start3A_54 = arith.constant 2 : i32
      %dma_start3A_55 = arith.constant 0 : i32
      %dma_start3A_56 = arith.constant 256 : i32
      %dma_start3A_57 = arith.constant 0 : i32
      %dma_start3A_58 = tpu.memref_slice %arg9[%dma_start3A_55, %dma_start3A_56, %dma_start3A_57] : memref<2x512x16xf32, #tpu.memory_space<vmem>> -> memref<1x128x16xf32, #tpu.memory_space<vmem>>
      %dma_start3A_59 = tpu.memref_squeeze %dma_start3A_58 : memref<1x128x16xf32, #tpu.memory_space<vmem>> -> memref<128x16xf32, #tpu.memory_space<vmem>>
      %dma_start3A_60 = arith.constant 0 : i32
      %dma_start3A_61 = tpu.memref_slice %arg7[%dma_start3A_53, %dma_start3A_54, %dma_start3A_60] : memref<2x4x128xi32, #tpu.memory_space<vmem>> -> memref<1x1x128xi32, #tpu.memory_space<vmem>>
      %dma_start3A_62 = tpu.memref_squeeze %dma_start3A_61 : memref<1x1x128xi32, #tpu.memory_space<vmem>> -> memref<128xi32, #tpu.memory_space<vmem>>
      %dma_start3A_63 = arith.constant 0 : i32
      %dma_start3A_64 = arith.constant 0 : i32
      %dma_start3A_65 = tpu.memref_slice %arg2[%dma_start3A_63, %dma_start3A_64] : memref<100000x16xf32, #tpu.memory_space<hbm>> -> memref<100000x16xf32, #tpu.memory_space<hbm>>
      tpu.enqueue_indirect_dma source(%dma_start3A_65 : memref<100000x16xf32, #tpu.memory_space<hbm>>) target(%dma_start3A_59 : memref<128x16xf32, #tpu.memory_space<vmem>>) offsets(%dma_start3A_62 : memref<128xi32, #tpu.memory_space<vmem>>) semaphore(%arg11 : memref<!tpu.dma_semaphore, #tpu.memory_space<semaphore_mem>>)
      %dma_start3A_66 = arith.constant 0 : i32
      %dma_start3A_67 = arith.constant 3 : i32
      %dma_start3A_68 = arith.constant 0 : i32
      %dma_start3A_69 = arith.constant 384 : i32
      %dma_start3A_70 = arith.constant 0 : i32
      %dma_start3A_71 = tpu.memref_slice %arg9[%dma_start3A_68, %dma_start3A_69, %dma_start3A_70] : memref<2x512x16xf32, #tpu.memory_space<vmem>> -> memref<1x128x16xf32, #tpu.memory_space<vmem>>
      %dma_start3A_72 = tpu.memref_squeeze %dma_start3A_71 : memref<1x128x16xf32, #tpu.memory_space<vmem>> -> memref<128x16xf32, #tpu.memory_space<vmem>>
      %dma_start3A_73 = arith.constant 0 : i32
      %dma_start3A_74 = tpu.memref_slice %arg7[%dma_start3A_66, %dma_start3A_67, %dma_start3A_73] : memref<2x4x128xi32, #tpu.memory_space<vmem>> -> memref<1x1x128xi32, #tpu.memory_space<vmem>>
      %dma_start3A_75 = tpu.memref_squeeze %dma_start3A_74 : memref<1x1x128xi32, #tpu.memory_space<vmem>> -> memref<128xi32, #tpu.memory_space<vmem>>
      %dma_start3A_76 = arith.constant 0 : i32
      %dma_start3A_77 = arith.constant 0 : i32
      %dma_start3A_78 = tpu.memref_slice %arg2[%dma_start3A_76, %dma_start3A_77] : memref<100000x16xf32, #tpu.memory_space<hbm>> -> memref<100000x16xf32, #tpu.memory_space<hbm>>
      tpu.enqueue_indirect_dma source(%dma_start3A_78 : memref<100000x16xf32, #tpu.memory_space<hbm>>) target(%dma_start3A_72 : memref<128x16xf32, #tpu.memory_space<vmem>>) offsets(%dma_start3A_75 : memref<128xi32, #tpu.memory_space<vmem>>) semaphore(%arg11 : memref<!tpu.dma_semaphore, #tpu.memory_space<semaphore_mem>>)
      %mul3A_79 = arith.constant 2 : i32
      %mul3A_80 = arith.muli %add3A_18, %mul3A_79 : i32
      %add3A_81 = arith.constant 1 : i32
      %add3A_82 = arith.addi %mul3A_80, %add3A_81 : i32
      %mul3A_83 = arith.constant 4 : i32
      %mul3A_84 = arith.muli %add3A_82, %mul3A_83 : i32
      %run_scoped3A_85 = arith.constant 1 : i32
      "tpu.region"() ({
        %run_scoped3A_452 = tpu.sem_alloc : memref<!tpu.dma_semaphore, #tpu.memory_space<semaphore_mem>>
        %dma_start3A_453 = arith.constant 0 : i32
        %dma_start3A_454 = arith.constant 0 : i32
        %dma_start3A_455 = tpu.memref_slice %arg7[%run_scoped3A_85, %dma_start3A_453, %dma_start3A_454] : memref<2x4x128xi32, #tpu.memory_space<vmem>> -> memref<1x4x128xi32, #tpu.memory_space<vmem>>
        %dma_start3A_456 = tpu.memref_squeeze %dma_start3A_455 : memref<1x4x128xi32, #tpu.memory_space<vmem>> -> memref<4x128xi32, #tpu.memory_space<vmem>>
        %dma_start3A_457 = arith.constant 0 : i32
        %dma_start3A_458 = tpu.memref_slice %arg3[%add3A, %mul3A_84, %dma_start3A_457] : memref<32x784x128xi32, #tpu.memory_space<hbm>> -> memref<1x4x128xi32, #tpu.memory_space<hbm>>
        %dma_start3A_459 = tpu.memref_squeeze %dma_start3A_458 : memref<1x4x128xi32, #tpu.memory_space<hbm>> -> memref<4x128xi32, #tpu.memory_space<hbm>>
        %dma_start3A_460 = arith.constant 0 : i32
        %dma_start3A_461 = arith.constant 0 : i32
        %dma_start3A_462 = tpu.memref_slice %arg7[%run_scoped3A_85, %dma_start3A_460, %dma_start3A_461] : memref<2x4x128xi32, #tpu.memory_space<vmem>> -> memref<1x4x128xi32, #tpu.memory_space<vmem>>
        %dma_start3A_463 = tpu.memref_squeeze %dma_start3A_462 : memref<1x4x128xi32, #tpu.memory_space<vmem>> -> memref<4x128xi32, #tpu.memory_space<vmem>>
        %dma_start3A_464 = arith.constant 0 : i32
        %dma_start3A_465 = tpu.memref_slice %arg3[%add3A, %mul3A_84, %dma_start3A_464] : memref<32x784x128xi32, #tpu.memory_space<hbm>> -> memref<1x4x128xi32, #tpu.memory_space<hbm>>
        %dma_start3A_466 = tpu.memref_squeeze %dma_start3A_465 : memref<1x4x128xi32, #tpu.memory_space<hbm>> -> memref<4x128xi32, #tpu.memory_space<hbm>>
        tpu.enqueue_dma source(%dma_start3A_466 : memref<4x128xi32, #tpu.memory_space<hbm>>) target(%dma_start3A_463 : memref<4x128xi32, #tpu.memory_space<vmem>>) target_semaphore(%run_scoped3A_452 : memref<!tpu.dma_semaphore, #tpu.memory_space<semaphore_mem>>)
        %dma_wait3A_467 = arith.constant 0 : i32
        %dma_wait3A_468 = arith.constant 0 : i32
        %dma_wait3A_469 = tpu.memref_slice %arg7[%run_scoped3A_85, %dma_wait3A_467, %dma_wait3A_468] : memref<2x4x128xi32, #tpu.memory_space<vmem>> -> memref<1x4x128xi32, #tpu.memory_space<vmem>>
        %dma_wait3A_470 = tpu.memref_squeeze %dma_wait3A_469 : memref<1x4x128xi32, #tpu.memory_space<vmem>> -> memref<4x128xi32, #tpu.memory_space<vmem>>
        %dma_wait3A_471 = arith.constant 0 : i32
        %dma_wait3A_472 = tpu.memref_slice %arg3[%add3A, %mul3A_84, %dma_wait3A_471] : memref<32x784x128xi32, #tpu.memory_space<hbm>> -> memref<1x4x128xi32, #tpu.memory_space<hbm>>
        %dma_wait3A_473 = tpu.memref_squeeze %dma_wait3A_472 : memref<1x4x128xi32, #tpu.memory_space<hbm>> -> memref<4x128xi32, #tpu.memory_space<hbm>>
        %dma_wait3A_474 = arith.constant 0 : i32
        %dma_wait3A_475 = arith.constant 0 : i32
        %dma_wait3A_476 = tpu.memref_slice %arg7[%run_scoped3A_85, %dma_wait3A_474, %dma_wait3A_475] : memref<2x4x128xi32, #tpu.memory_space<vmem>> -> memref<1x4x128xi32, #tpu.memory_space<vmem>>
        %dma_wait3A_477 = tpu.memref_squeeze %dma_wait3A_476 : memref<1x4x128xi32, #tpu.memory_space<vmem>> -> memref<4x128xi32, #tpu.memory_space<vmem>>
        %dma_wait3A_478 = arith.constant 0 : i32
        %dma_wait3A_479 = tpu.memref_slice %arg3[%add3A, %mul3A_84, %dma_wait3A_478] : memref<32x784x128xi32, #tpu.memory_space<hbm>> -> memref<1x4x128xi32, #tpu.memory_space<hbm>>
        %dma_wait3A_480 = tpu.memref_squeeze %dma_wait3A_479 : memref<1x4x128xi32, #tpu.memory_space<hbm>> -> memref<4x128xi32, #tpu.memory_space<hbm>>
        tpu.wait_dma2 semaphore(%run_scoped3A_452 : memref<!tpu.dma_semaphore, #tpu.memory_space<semaphore_mem>>) src(%dma_wait3A_480 : memref<4x128xi32, #tpu.memory_space<hbm>>) dst(%dma_wait3A_477 : memref<4x128xi32, #tpu.memory_space<vmem>>)
        tpu.yield
      }) : () -> ()
      %mul3A_86 = arith.constant 4 : i32
      %mul3A_87 = arith.muli %add3A_82, %mul3A_86 : i32
      %run_scoped3A_88 = arith.constant 1 : i32
      "tpu.region"() ({
        %run_scoped3A_452 = tpu.sem_alloc : memref<!tpu.dma_semaphore, #tpu.memory_space<semaphore_mem>>
        %dma_start3A_453 = arith.constant 0 : i32
        %dma_start3A_454 = arith.constant 0 : i32
        %dma_start3A_455 = tpu.memref_slice %arg8[%run_scoped3A_88, %dma_start3A_453, %dma_start3A_454] : memref<2x4x128xi32, #tpu.memory_space<vmem>> -> memref<1x4x128xi32, #tpu.memory_space<vmem>>
        %dma_start3A_456 = tpu.memref_squeeze %dma_start3A_455 : memref<1x4x128xi32, #tpu.memory_space<vmem>> -> memref<4x128xi32, #tpu.memory_space<vmem>>
        %dma_start3A_457 = arith.constant 0 : i32
        %dma_start3A_458 = tpu.memref_slice %arg4[%add3A, %mul3A_87, %dma_start3A_457] : memref<32x784x128xi32, #tpu.memory_space<hbm>> -> memref<1x4x128xi32, #tpu.memory_space<hbm>>
        %dma_start3A_459 = tpu.memref_squeeze %dma_start3A_458 : memref<1x4x128xi32, #tpu.memory_space<hbm>> -> memref<4x128xi32, #tpu.memory_space<hbm>>
        %dma_start3A_460 = arith.constant 0 : i32
        %dma_start3A_461 = arith.constant 0 : i32
        %dma_start3A_462 = tpu.memref_slice %arg8[%run_scoped3A_88, %dma_start3A_460, %dma_start3A_461] : memref<2x4x128xi32, #tpu.memory_space<vmem>> -> memref<1x4x128xi32, #tpu.memory_space<vmem>>
        %dma_start3A_463 = tpu.memref_squeeze %dma_start3A_462 : memref<1x4x128xi32, #tpu.memory_space<vmem>> -> memref<4x128xi32, #tpu.memory_space<vmem>>
        %dma_start3A_464 = arith.constant 0 : i32
        %dma_start3A_465 = tpu.memref_slice %arg4[%add3A, %mul3A_87, %dma_start3A_464] : memref<32x784x128xi32, #tpu.memory_space<hbm>> -> memref<1x4x128xi32, #tpu.memory_space<hbm>>
        %dma_start3A_466 = tpu.memref_squeeze %dma_start3A_465 : memref<1x4x128xi32, #tpu.memory_space<hbm>> -> memref<4x128xi32, #tpu.memory_space<hbm>>
        tpu.enqueue_dma source(%dma_start3A_466 : memref<4x128xi32, #tpu.memory_space<hbm>>) target(%dma_start3A_463 : memref<4x128xi32, #tpu.memory_space<vmem>>) target_semaphore(%run_scoped3A_452 : memref<!tpu.dma_semaphore, #tpu.memory_space<semaphore_mem>>)
        %dma_wait3A_467 = arith.constant 0 : i32
        %dma_wait3A_468 = arith.constant 0 : i32
        %dma_wait3A_469 = tpu.memref_slice %arg8[%run_scoped3A_88, %dma_wait3A_467, %dma_wait3A_468] : memref<2x4x128xi32, #tpu.memory_space<vmem>> -> memref<1x4x128xi32, #tpu.memory_space<vmem>>
        %dma_wait3A_470 = tpu.memref_squeeze %dma_wait3A_469 : memref<1x4x128xi32, #tpu.memory_space<vmem>> -> memref<4x128xi32, #tpu.memory_space<vmem>>
        %dma_wait3A_471 = arith.constant 0 : i32
        %dma_wait3A_472 = tpu.memref_slice %arg4[%add3A, %mul3A_87, %dma_wait3A_471] : memref<32x784x128xi32, #tpu.memory_space<hbm>> -> memref<1x4x128xi32, #tpu.memory_space<hbm>>
        %dma_wait3A_473 = tpu.memref_squeeze %dma_wait3A_472 : memref<1x4x128xi32, #tpu.memory_space<hbm>> -> memref<4x128xi32, #tpu.memory_space<hbm>>
        %dma_wait3A_474 = arith.constant 0 : i32
        %dma_wait3A_475 = arith.constant 0 : i32
        %dma_wait3A_476 = tpu.memref_slice %arg8[%run_scoped3A_88, %dma_wait3A_474, %dma_wait3A_475] : memref<2x4x128xi32, #tpu.memory_space<vmem>> -> memref<1x4x128xi32, #tpu.memory_space<vmem>>
        %dma_wait3A_477 = tpu.memref_squeeze %dma_wait3A_476 : memref<1x4x128xi32, #tpu.memory_space<vmem>> -> memref<4x128xi32, #tpu.memory_space<vmem>>
        %dma_wait3A_478 = arith.constant 0 : i32
        %dma_wait3A_479 = tpu.memref_slice %arg4[%add3A, %mul3A_87, %dma_wait3A_478] : memref<32x784x128xi32, #tpu.memory_space<hbm>> -> memref<1x4x128xi32, #tpu.memory_space<hbm>>
        %dma_wait3A_480 = tpu.memref_squeeze %dma_wait3A_479 : memref<1x4x128xi32, #tpu.memory_space<hbm>> -> memref<4x128xi32, #tpu.memory_space<hbm>>
        tpu.wait_dma2 semaphore(%run_scoped3A_452 : memref<!tpu.dma_semaphore, #tpu.memory_space<semaphore_mem>>) src(%dma_wait3A_480 : memref<4x128xi32, #tpu.memory_space<hbm>>) dst(%dma_wait3A_477 : memref<4x128xi32, #tpu.memory_space<vmem>>)
        tpu.yield
      }) : () -> ()
      %dma_start3A_89 = arith.constant 1 : i32
      %dma_start3A_90 = arith.constant 0 : i32
      %dma_start3A_91 = arith.constant 1 : i32
      %dma_start3A_92 = arith.constant 0 : i32
      %dma_start3A_93 = arith.constant 0 : i32
      %dma_start3A_94 = tpu.memref_slice %arg9[%dma_start3A_91, %dma_start3A_92, %dma_start3A_93] : memref<2x512x16xf32, #tpu.memory_space<vmem>> -> memref<1x128x16xf32, #tpu.memory_space<vmem>>
      %dma_start3A_95 = tpu.memref_squeeze %dma_start3A_94 : memref<1x128x16xf32, #tpu.memory_space<vmem>> -> memref<128x16xf32, #tpu.memory_space<vmem>>
      %dma_start3A_96 = arith.constant 0 : i32
      %dma_start3A_97 = tpu.memref_slice %arg7[%dma_start3A_89, %dma_start3A_90, %dma_start3A_96] : memref<2x4x128xi32, #tpu.memory_space<vmem>> -> memref<1x1x128xi32, #tpu.memory_space<vmem>>
      %dma_start3A_98 = tpu.memref_squeeze %dma_start3A_97 : memref<1x1x128xi32, #tpu.memory_space<vmem>> -> memref<128xi32, #tpu.memory_space<vmem>>
      %dma_start3A_99 = arith.constant 0 : i32
      %dma_start3A_100 = arith.constant 0 : i32
      %dma_start3A_101 = tpu.memref_slice %arg2[%dma_start3A_99, %dma_start3A_100] : memref<100000x16xf32, #tpu.memory_space<hbm>> -> memref<100000x16xf32, #tpu.memory_space<hbm>>
      tpu.enqueue_indirect_dma source(%dma_start3A_101 : memref<100000x16xf32, #tpu.memory_space<hbm>>) target(%dma_start3A_95 : memref<128x16xf32, #tpu.memory_space<vmem>>) offsets(%dma_start3A_98 : memref<128xi32, #tpu.memory_space<vmem>>) semaphore(%arg12 : memref<!tpu.dma_semaphore, #tpu.memory_space<semaphore_mem>>)
      %dma_start3A_102 = arith.constant 1 : i32
      %dma_start3A_103 = arith.constant 1 : i32
      %dma_start3A_104 = arith.constant 1 : i32
      %dma_start3A_105 = arith.constant 128 : i32
      %dma_start3A_106 = arith.constant 0 : i32
      %dma_start3A_107 = tpu.memref_slice %arg9[%dma_start3A_104, %dma_start3A_105, %dma_start3A_106] : memref<2x512x16xf32, #tpu.memory_space<vmem>> -> memref<1x128x16xf32, #tpu.memory_space<vmem>>
      %dma_start3A_108 = tpu.memref_squeeze %dma_start3A_107 : memref<1x128x16xf32, #tpu.memory_space<vmem>> -> memref<128x16xf32, #tpu.memory_space<vmem>>
      %dma_start3A_109 = arith.constant 0 : i32
      %dma_start3A_110 = tpu.memref_slice %arg7[%dma_start3A_102, %dma_start3A_103, %dma_start3A_109] : memref<2x4x128xi32, #tpu.memory_space<vmem>> -> memref<1x1x128xi32, #tpu.memory_space<vmem>>
      %dma_start3A_111 = tpu.memref_squeeze %dma_start3A_110 : memref<1x1x128xi32, #tpu.memory_space<vmem>> -> memref<128xi32, #tpu.memory_space<vmem>>
      %dma_start3A_112 = arith.constant 0 : i32
      %dma_start3A_113 = arith.constant 0 : i32
      %dma_start3A_114 = tpu.memref_slice %arg2[%dma_start3A_112, %dma_start3A_113] : memref<100000x16xf32, #tpu.memory_space<hbm>> -> memref<100000x16xf32, #tpu.memory_space<hbm>>
      tpu.enqueue_indirect_dma source(%dma_start3A_114 : memref<100000x16xf32, #tpu.memory_space<hbm>>) target(%dma_start3A_108 : memref<128x16xf32, #tpu.memory_space<vmem>>) offsets(%dma_start3A_111 : memref<128xi32, #tpu.memory_space<vmem>>) semaphore(%arg12 : memref<!tpu.dma_semaphore, #tpu.memory_space<semaphore_mem>>)
      %dma_start3A_115 = arith.constant 1 : i32
      %dma_start3A_116 = arith.constant 2 : i32
      %dma_start3A_117 = arith.constant 1 : i32
      %dma_start3A_118 = arith.constant 256 : i32
      %dma_start3A_119 = arith.constant 0 : i32
      %dma_start3A_120 = tpu.memref_slice %arg9[%dma_start3A_117, %dma_start3A_118, %dma_start3A_119] : memref<2x512x16xf32, #tpu.memory_space<vmem>> -> memref<1x128x16xf32, #tpu.memory_space<vmem>>
      %dma_start3A_121 = tpu.memref_squeeze %dma_start3A_120 : memref<1x128x16xf32, #tpu.memory_space<vmem>> -> memref<128x16xf32, #tpu.memory_space<vmem>>
      %dma_start3A_122 = arith.constant 0 : i32
      %dma_start3A_123 = tpu.memref_slice %arg7[%dma_start3A_115, %dma_start3A_116, %dma_start3A_122] : memref<2x4x128xi32, #tpu.memory_space<vmem>> -> memref<1x1x128xi32, #tpu.memory_space<vmem>>
      %dma_start3A_124 = tpu.memref_squeeze %dma_start3A_123 : memref<1x1x128xi32, #tpu.memory_space<vmem>> -> memref<128xi32, #tpu.memory_space<vmem>>
      %dma_start3A_125 = arith.constant 0 : i32
      %dma_start3A_126 = arith.constant 0 : i32
      %dma_start3A_127 = tpu.memref_slice %arg2[%dma_start3A_125, %dma_start3A_126] : memref<100000x16xf32, #tpu.memory_space<hbm>> -> memref<100000x16xf32, #tpu.memory_space<hbm>>
      tpu.enqueue_indirect_dma source(%dma_start3A_127 : memref<100000x16xf32, #tpu.memory_space<hbm>>) target(%dma_start3A_121 : memref<128x16xf32, #tpu.memory_space<vmem>>) offsets(%dma_start3A_124 : memref<128xi32, #tpu.memory_space<vmem>>) semaphore(%arg12 : memref<!tpu.dma_semaphore, #tpu.memory_space<semaphore_mem>>)
      %dma_start3A_128 = arith.constant 1 : i32
      %dma_start3A_129 = arith.constant 3 : i32
      %dma_start3A_130 = arith.constant 1 : i32
      %dma_start3A_131 = arith.constant 384 : i32
      %dma_start3A_132 = arith.constant 0 : i32
      %dma_start3A_133 = tpu.memref_slice %arg9[%dma_start3A_130, %dma_start3A_131, %dma_start3A_132] : memref<2x512x16xf32, #tpu.memory_space<vmem>> -> memref<1x128x16xf32, #tpu.memory_space<vmem>>
      %dma_start3A_134 = tpu.memref_squeeze %dma_start3A_133 : memref<1x128x16xf32, #tpu.memory_space<vmem>> -> memref<128x16xf32, #tpu.memory_space<vmem>>
      %dma_start3A_135 = arith.constant 0 : i32
      %dma_start3A_136 = tpu.memref_slice %arg7[%dma_start3A_128, %dma_start3A_129, %dma_start3A_135] : memref<2x4x128xi32, #tpu.memory_space<vmem>> -> memref<1x1x128xi32, #tpu.memory_space<vmem>>
      %dma_start3A_137 = tpu.memref_squeeze %dma_start3A_136 : memref<1x1x128xi32, #tpu.memory_space<vmem>> -> memref<128xi32, #tpu.memory_space<vmem>>
      %dma_start3A_138 = arith.constant 0 : i32
      %dma_start3A_139 = arith.constant 0 : i32
      %dma_start3A_140 = tpu.memref_slice %arg2[%dma_start3A_138, %dma_start3A_139] : memref<100000x16xf32, #tpu.memory_space<hbm>> -> memref<100000x16xf32, #tpu.memory_space<hbm>>
      tpu.enqueue_indirect_dma source(%dma_start3A_140 : memref<100000x16xf32, #tpu.memory_space<hbm>>) target(%dma_start3A_134 : memref<128x16xf32, #tpu.memory_space<vmem>>) offsets(%dma_start3A_137 : memref<128xi32, #tpu.memory_space<vmem>>) semaphore(%arg12 : memref<!tpu.dma_semaphore, #tpu.memory_space<semaphore_mem>>)
      %dma_wait3A = arith.constant 0 : i32
      %dma_wait3A_141 = arith.constant 0 : i32
      %dma_wait3A_142 = arith.constant 0 : i32
      %dma_wait3A_143 = arith.constant 0 : i32
      %dma_wait3A_144 = arith.constant 0 : i32
      %dma_wait3A_145 = tpu.memref_slice %arg9[%dma_wait3A_142, %dma_wait3A_143, %dma_wait3A_144] : memref<2x512x16xf32, #tpu.memory_space<vmem>> -> memref<1x128x16xf32, #tpu.memory_space<vmem>>
      %dma_wait3A_146 = tpu.memref_squeeze %dma_wait3A_145 : memref<1x128x16xf32, #tpu.memory_space<vmem>> -> memref<128x16xf32, #tpu.memory_space<vmem>>
      %dma_wait3A_147 = arith.constant 0 : i32
      %dma_wait3A_148 = tpu.memref_slice %arg7[%dma_wait3A, %dma_wait3A_141, %dma_wait3A_147] : memref<2x4x128xi32, #tpu.memory_space<vmem>> -> memref<1x1x128xi32, #tpu.memory_space<vmem>>
      %dma_wait3A_149 = tpu.memref_squeeze %dma_wait3A_148 : memref<1x1x128xi32, #tpu.memory_space<vmem>> -> memref<128xi32, #tpu.memory_space<vmem>>
      %dma_wait3A_150 = arith.constant 0 : i32
      %dma_wait3A_151 = arith.constant 0 : i32
      %dma_wait3A_152 = tpu.memref_slice %arg2[%dma_wait3A_150, %dma_wait3A_151] : memref<100000x16xf32, #tpu.memory_space<hbm>> -> memref<100000x16xf32, #tpu.memory_space<hbm>>
      tpu.wait_indirect_dma semaphore(%arg11 : memref<!tpu.dma_semaphore, #tpu.memory_space<semaphore_mem>>) src(%dma_wait3A_152 : memref<100000x16xf32, #tpu.memory_space<hbm>>) dst(%dma_wait3A_146 : memref<128x16xf32, #tpu.memory_space<vmem>>)
      %dma_wait3A_153 = arith.constant 0 : i32
      %dma_wait3A_154 = arith.constant 1 : i32
      %dma_wait3A_155 = arith.constant 0 : i32
      %dma_wait3A_156 = arith.constant 128 : i32
      %dma_wait3A_157 = arith.constant 0 : i32
      %dma_wait3A_158 = tpu.memref_slice %arg9[%dma_wait3A_155, %dma_wait3A_156, %dma_wait3A_157] : memref<2x512x16xf32, #tpu.memory_space<vmem>> -> memref<1x128x16xf32, #tpu.memory_space<vmem>>
      %dma_wait3A_159 = tpu.memref_squeeze %dma_wait3A_158 : memref<1x128x16xf32, #tpu.memory_space<vmem>> -> memref<128x16xf32, #tpu.memory_space<vmem>>
      %dma_wait3A_160 = arith.constant 0 : i32
      %dma_wait3A_161 = tpu.memref_slice %arg7[%dma_wait3A_153, %dma_wait3A_154, %dma_wait3A_160] : memref<2x4x128xi32, #tpu.memory_space<vmem>> -> memref<1x1x128xi32, #tpu.memory_space<vmem>>
      %dma_wait3A_162 = tpu.memref_squeeze %dma_wait3A_161 : memref<1x1x128xi32, #tpu.memory_space<vmem>> -> memref<128xi32, #tpu.memory_space<vmem>>
      %dma_wait3A_163 = arith.constant 0 : i32
      %dma_wait3A_164 = arith.constant 0 : i32
      %dma_wait3A_165 = tpu.memref_slice %arg2[%dma_wait3A_163, %dma_wait3A_164] : memref<100000x16xf32, #tpu.memory_space<hbm>> -> memref<100000x16xf32, #tpu.memory_space<hbm>>
      tpu.wait_indirect_dma semaphore(%arg11 : memref<!tpu.dma_semaphore, #tpu.memory_space<semaphore_mem>>) src(%dma_wait3A_165 : memref<100000x16xf32, #tpu.memory_space<hbm>>) dst(%dma_wait3A_159 : memref<128x16xf32, #tpu.memory_space<vmem>>)
      %dma_wait3A_166 = arith.constant 0 : i32
      %dma_wait3A_167 = arith.constant 2 : i32
      %dma_wait3A_168 = arith.constant 0 : i32
      %dma_wait3A_169 = arith.constant 256 : i32
      %dma_wait3A_170 = arith.constant 0 : i32
      %dma_wait3A_171 = tpu.memref_slice %arg9[%dma_wait3A_168, %dma_wait3A_169, %dma_wait3A_170] : memref<2x512x16xf32, #tpu.memory_space<vmem>> -> memref<1x128x16xf32, #tpu.memory_space<vmem>>
      %dma_wait3A_172 = tpu.memref_squeeze %dma_wait3A_171 : memref<1x128x16xf32, #tpu.memory_space<vmem>> -> memref<128x16xf32, #tpu.memory_space<vmem>>
      %dma_wait3A_173 = arith.constant 0 : i32
      %dma_wait3A_174 = tpu.memref_slice %arg7[%dma_wait3A_166, %dma_wait3A_167, %dma_wait3A_173] : memref<2x4x128xi32, #tpu.memory_space<vmem>> -> memref<1x1x128xi32, #tpu.memory_space<vmem>>
      %dma_wait3A_175 = tpu.memref_squeeze %dma_wait3A_174 : memref<1x1x128xi32, #tpu.memory_space<vmem>> -> memref<128xi32, #tpu.memory_space<vmem>>
      %dma_wait3A_176 = arith.constant 0 : i32
      %dma_wait3A_177 = arith.constant 0 : i32
      %dma_wait3A_178 = tpu.memref_slice %arg2[%dma_wait3A_176, %dma_wait3A_177] : memref<100000x16xf32, #tpu.memory_space<hbm>> -> memref<100000x16xf32, #tpu.memory_space<hbm>>
      tpu.wait_indirect_dma semaphore(%arg11 : memref<!tpu.dma_semaphore, #tpu.memory_space<semaphore_mem>>) src(%dma_wait3A_178 : memref<100000x16xf32, #tpu.memory_space<hbm>>) dst(%dma_wait3A_172 : memref<128x16xf32, #tpu.memory_space<vmem>>)
      %dma_wait3A_179 = arith.constant 0 : i32
      %dma_wait3A_180 = arith.constant 3 : i32
      %dma_wait3A_181 = arith.constant 0 : i32
      %dma_wait3A_182 = arith.constant 384 : i32
      %dma_wait3A_183 = arith.constant 0 : i32
      %dma_wait3A_184 = tpu.memref_slice %arg9[%dma_wait3A_181, %dma_wait3A_182, %dma_wait3A_183] : memref<2x512x16xf32, #tpu.memory_space<vmem>> -> memref<1x128x16xf32, #tpu.memory_space<vmem>>
      %dma_wait3A_185 = tpu.memref_squeeze %dma_wait3A_184 : memref<1x128x16xf32, #tpu.memory_space<vmem>> -> memref<128x16xf32, #tpu.memory_space<vmem>>
      %dma_wait3A_186 = arith.constant 0 : i32
      %dma_wait3A_187 = tpu.memref_slice %arg7[%dma_wait3A_179, %dma_wait3A_180, %dma_wait3A_186] : memref<2x4x128xi32, #tpu.memory_space<vmem>> -> memref<1x1x128xi32, #tpu.memory_space<vmem>>
      %dma_wait3A_188 = tpu.memref_squeeze %dma_wait3A_187 : memref<1x1x128xi32, #tpu.memory_space<vmem>> -> memref<128xi32, #tpu.memory_space<vmem>>
      %dma_wait3A_189 = arith.constant 0 : i32
      %dma_wait3A_190 = arith.constant 0 : i32
      %dma_wait3A_191 = tpu.memref_slice %arg2[%dma_wait3A_189, %dma_wait3A_190] : memref<100000x16xf32, #tpu.memory_space<hbm>> -> memref<100000x16xf32, #tpu.memory_space<hbm>>
      tpu.wait_indirect_dma semaphore(%arg11 : memref<!tpu.dma_semaphore, #tpu.memory_space<semaphore_mem>>) src(%dma_wait3A_191 : memref<100000x16xf32, #tpu.memory_space<hbm>>) dst(%dma_wait3A_185 : memref<128x16xf32, #tpu.memory_space<vmem>>)
      %dma_start3A_192 = arith.constant 0 : i32
      %dma_start3A_193 = arith.constant 0 : i32
      %dma_start3A_194 = arith.constant 0 : i32
      %dma_start3A_195 = arith.constant 0 : i32
      %dma_start3A_196 = arith.constant 0 : i32
      %dma_start3A_197 = tpu.memref_slice %arg9[%dma_start3A_192, %dma_start3A_195, %dma_start3A_196] : memref<2x512x16xf32, #tpu.memory_space<vmem>> -> memref<1x128x16xf32, #tpu.memory_space<vmem>>
      %dma_start3A_198 = tpu.memref_squeeze %dma_start3A_197 : memref<1x128x16xf32, #tpu.memory_space<vmem>> -> memref<128x16xf32, #tpu.memory_space<vmem>>
      %dma_start3A_199 = arith.constant 0 : i32
      %dma_start3A_200 = tpu.memref_slice %arg8[%dma_start3A_193, %dma_start3A_194, %dma_start3A_199] : memref<2x4x128xi32, #tpu.memory_space<vmem>> -> memref<1x1x128xi32, #tpu.memory_space<vmem>>
      %dma_start3A_201 = tpu.memref_squeeze %dma_start3A_200 : memref<1x1x128xi32, #tpu.memory_space<vmem>> -> memref<128xi32, #tpu.memory_space<vmem>>
      %dma_start3A_202 = arith.constant 0 : i32
      %dma_start3A_203 = arith.constant 0 : i32
      %dma_start3A_204 = tpu.memref_slice %arg10[%dma_start3A_202, %dma_start3A_203] : memref<100096x16xf32, #tpu.memory_space<vmem_shared>> -> memref<100096x16xf32, #tpu.memory_space<vmem_shared>>
      tpu.enqueue_indirect_dma source(%dma_start3A_198 : memref<128x16xf32, #tpu.memory_space<vmem>>) target(%dma_start3A_204 : memref<100096x16xf32, #tpu.memory_space<vmem_shared>>) offsets(%dma_start3A_201 : memref<128xi32, #tpu.memory_space<vmem>>) semaphore(%arg13 : memref<!tpu.dma_semaphore, #tpu.memory_space<semaphore_mem>>) {add = true}
      %dma_start3A_205 = arith.constant 0 : i32
      %dma_start3A_206 = arith.constant 0 : i32
      %dma_start3A_207 = arith.constant 1 : i32
      %dma_start3A_208 = arith.constant 128 : i32
      %dma_start3A_209 = arith.constant 0 : i32
      %dma_start3A_210 = tpu.memref_slice %arg9[%dma_start3A_205, %dma_start3A_208, %dma_start3A_209] : memref<2x512x16xf32, #tpu.memory_space<vmem>> -> memref<1x128x16xf32, #tpu.memory_space<vmem>>
      %dma_start3A_211 = tpu.memref_squeeze %dma_start3A_210 : memref<1x128x16xf32, #tpu.memory_space<vmem>> -> memref<128x16xf32, #tpu.memory_space<vmem>>
      %dma_start3A_212 = arith.constant 0 : i32
      %dma_start3A_213 = tpu.memref_slice %arg8[%dma_start3A_206, %dma_start3A_207, %dma_start3A_212] : memref<2x4x128xi32, #tpu.memory_space<vmem>> -> memref<1x1x128xi32, #tpu.memory_space<vmem>>
      %dma_start3A_214 = tpu.memref_squeeze %dma_start3A_213 : memref<1x1x128xi32, #tpu.memory_space<vmem>> -> memref<128xi32, #tpu.memory_space<vmem>>
      %dma_start3A_215 = arith.constant 0 : i32
      %dma_start3A_216 = arith.constant 0 : i32
      %dma_start3A_217 = tpu.memref_slice %arg10[%dma_start3A_215, %dma_start3A_216] : memref<100096x16xf32, #tpu.memory_space<vmem_shared>> -> memref<100096x16xf32, #tpu.memory_space<vmem_shared>>
      tpu.enqueue_indirect_dma source(%dma_start3A_211 : memref<128x16xf32, #tpu.memory_space<vmem>>) target(%dma_start3A_217 : memref<100096x16xf32, #tpu.memory_space<vmem_shared>>) offsets(%dma_start3A_214 : memref<128xi32, #tpu.memory_space<vmem>>) semaphore(%arg13 : memref<!tpu.dma_semaphore, #tpu.memory_space<semaphore_mem>>) {add = true}
      %dma_start3A_218 = arith.constant 0 : i32
      %dma_start3A_219 = arith.constant 0 : i32
      %dma_start3A_220 = arith.constant 2 : i32
      %dma_start3A_221 = arith.constant 256 : i32
      %dma_start3A_222 = arith.constant 0 : i32
      %dma_start3A_223 = tpu.memref_slice %arg9[%dma_start3A_218, %dma_start3A_221, %dma_start3A_222] : memref<2x512x16xf32, #tpu.memory_space<vmem>> -> memref<1x128x16xf32, #tpu.memory_space<vmem>>
      %dma_start3A_224 = tpu.memref_squeeze %dma_start3A_223 : memref<1x128x16xf32, #tpu.memory_space<vmem>> -> memref<128x16xf32, #tpu.memory_space<vmem>>
      %dma_start3A_225 = arith.constant 0 : i32
      %dma_start3A_226 = tpu.memref_slice %arg8[%dma_start3A_219, %dma_start3A_220, %dma_start3A_225] : memref<2x4x128xi32, #tpu.memory_space<vmem>> -> memref<1x1x128xi32, #tpu.memory_space<vmem>>
      %dma_start3A_227 = tpu.memref_squeeze %dma_start3A_226 : memref<1x1x128xi32, #tpu.memory_space<vmem>> -> memref<128xi32, #tpu.memory_space<vmem>>
      %dma_start3A_228 = arith.constant 0 : i32
      %dma_start3A_229 = arith.constant 0 : i32
      %dma_start3A_230 = tpu.memref_slice %arg10[%dma_start3A_228, %dma_start3A_229] : memref<100096x16xf32, #tpu.memory_space<vmem_shared>> -> memref<100096x16xf32, #tpu.memory_space<vmem_shared>>
      tpu.enqueue_indirect_dma source(%dma_start3A_224 : memref<128x16xf32, #tpu.memory_space<vmem>>) target(%dma_start3A_230 : memref<100096x16xf32, #tpu.memory_space<vmem_shared>>) offsets(%dma_start3A_227 : memref<128xi32, #tpu.memory_space<vmem>>) semaphore(%arg13 : memref<!tpu.dma_semaphore, #tpu.memory_space<semaphore_mem>>) {add = true}
      %dma_start3A_231 = arith.constant 0 : i32
      %dma_start3A_232 = arith.constant 0 : i32
      %dma_start3A_233 = arith.constant 3 : i32
      %dma_start3A_234 = arith.constant 384 : i32
      %dma_start3A_235 = arith.constant 0 : i32
      %dma_start3A_236 = tpu.memref_slice %arg9[%dma_start3A_231, %dma_start3A_234, %dma_start3A_235] : memref<2x512x16xf32, #tpu.memory_space<vmem>> -> memref<1x128x16xf32, #tpu.memory_space<vmem>>
      %dma_start3A_237 = tpu.memref_squeeze %dma_start3A_236 : memref<1x128x16xf32, #tpu.memory_space<vmem>> -> memref<128x16xf32, #tpu.memory_space<vmem>>
      %dma_start3A_238 = arith.constant 0 : i32
      %dma_start3A_239 = tpu.memref_slice %arg8[%dma_start3A_232, %dma_start3A_233, %dma_start3A_238] : memref<2x4x128xi32, #tpu.memory_space<vmem>> -> memref<1x1x128xi32, #tpu.memory_space<vmem>>
      %dma_start3A_240 = tpu.memref_squeeze %dma_start3A_239 : memref<1x1x128xi32, #tpu.memory_space<vmem>> -> memref<128xi32, #tpu.memory_space<vmem>>
      %dma_start3A_241 = arith.constant 0 : i32
      %dma_start3A_242 = arith.constant 0 : i32
      %dma_start3A_243 = tpu.memref_slice %arg10[%dma_start3A_241, %dma_start3A_242] : memref<100096x16xf32, #tpu.memory_space<vmem_shared>> -> memref<100096x16xf32, #tpu.memory_space<vmem_shared>>
      tpu.enqueue_indirect_dma source(%dma_start3A_237 : memref<128x16xf32, #tpu.memory_space<vmem>>) target(%dma_start3A_243 : memref<100096x16xf32, #tpu.memory_space<vmem_shared>>) offsets(%dma_start3A_240 : memref<128xi32, #tpu.memory_space<vmem>>) semaphore(%arg13 : memref<!tpu.dma_semaphore, #tpu.memory_space<semaphore_mem>>) {add = true}
      %dma_wait3A_244 = arith.constant 1 : i32
      %dma_wait3A_245 = arith.constant 0 : i32
      %dma_wait3A_246 = arith.constant 1 : i32
      %dma_wait3A_247 = arith.constant 0 : i32
      %dma_wait3A_248 = arith.constant 0 : i32
      %dma_wait3A_249 = tpu.memref_slice %arg9[%dma_wait3A_246, %dma_wait3A_247, %dma_wait3A_248] : memref<2x512x16xf32, #tpu.memory_space<vmem>> -> memref<1x128x16xf32, #tpu.memory_space<vmem>>
      %dma_wait3A_250 = tpu.memref_squeeze %dma_wait3A_249 : memref<1x128x16xf32, #tpu.memory_space<vmem>> -> memref<128x16xf32, #tpu.memory_space<vmem>>
      %dma_wait3A_251 = arith.constant 0 : i32
      %dma_wait3A_252 = tpu.memref_slice %arg7[%dma_wait3A_244, %dma_wait3A_245, %dma_wait3A_251] : memref<2x4x128xi32, #tpu.memory_space<vmem>> -> memref<1x1x128xi32, #tpu.memory_space<vmem>>
      %dma_wait3A_253 = tpu.memref_squeeze %dma_wait3A_252 : memref<1x1x128xi32, #tpu.memory_space<vmem>> -> memref<128xi32, #tpu.memory_space<vmem>>
      %dma_wait3A_254 = arith.constant 0 : i32
      %dma_wait3A_255 = arith.constant 0 : i32
      %dma_wait3A_256 = tpu.memref_slice %arg2[%dma_wait3A_254, %dma_wait3A_255] : memref<100000x16xf32, #tpu.memory_space<hbm>> -> memref<100000x16xf32, #tpu.memory_space<hbm>>
      tpu.wait_indirect_dma semaphore(%arg12 : memref<!tpu.dma_semaphore, #tpu.memory_space<semaphore_mem>>) src(%dma_wait3A_256 : memref<100000x16xf32, #tpu.memory_space<hbm>>) dst(%dma_wait3A_250 : memref<128x16xf32, #tpu.memory_space<vmem>>)
      %dma_wait3A_257 = arith.constant 1 : i32
      %dma_wait3A_258 = arith.constant 1 : i32
      %dma_wait3A_259 = arith.constant 1 : i32
      %dma_wait3A_260 = arith.constant 128 : i32
      %dma_wait3A_261 = arith.constant 0 : i32
      %dma_wait3A_262 = tpu.memref_slice %arg9[%dma_wait3A_259, %dma_wait3A_260, %dma_wait3A_261] : memref<2x512x16xf32, #tpu.memory_space<vmem>> -> memref<1x128x16xf32, #tpu.memory_space<vmem>>
      %dma_wait3A_263 = tpu.memref_squeeze %dma_wait3A_262 : memref<1x128x16xf32, #tpu.memory_space<vmem>> -> memref<128x16xf32, #tpu.memory_space<vmem>>
      %dma_wait3A_264 = arith.constant 0 : i32
      %dma_wait3A_265 = tpu.memref_slice %arg7[%dma_wait3A_257, %dma_wait3A_258, %dma_wait3A_264] : memref<2x4x128xi32, #tpu.memory_space<vmem>> -> memref<1x1x128xi32, #tpu.memory_space<vmem>>
      %dma_wait3A_266 = tpu.memref_squeeze %dma_wait3A_265 : memref<1x1x128xi32, #tpu.memory_space<vmem>> -> memref<128xi32, #tpu.memory_space<vmem>>
      %dma_wait3A_267 = arith.constant 0 : i32
      %dma_wait3A_268 = arith.constant 0 : i32
      %dma_wait3A_269 = tpu.memref_slice %arg2[%dma_wait3A_267, %dma_wait3A_268] : memref<100000x16xf32, #tpu.memory_space<hbm>> -> memref<100000x16xf32, #tpu.memory_space<hbm>>
      tpu.wait_indirect_dma semaphore(%arg12 : memref<!tpu.dma_semaphore, #tpu.memory_space<semaphore_mem>>) src(%dma_wait3A_269 : memref<100000x16xf32, #tpu.memory_space<hbm>>) dst(%dma_wait3A_263 : memref<128x16xf32, #tpu.memory_space<vmem>>)
      %dma_wait3A_270 = arith.constant 1 : i32
      %dma_wait3A_271 = arith.constant 2 : i32
      %dma_wait3A_272 = arith.constant 1 : i32
      %dma_wait3A_273 = arith.constant 256 : i32
      %dma_wait3A_274 = arith.constant 0 : i32
      %dma_wait3A_275 = tpu.memref_slice %arg9[%dma_wait3A_272, %dma_wait3A_273, %dma_wait3A_274] : memref<2x512x16xf32, #tpu.memory_space<vmem>> -> memref<1x128x16xf32, #tpu.memory_space<vmem>>
      %dma_wait3A_276 = tpu.memref_squeeze %dma_wait3A_275 : memref<1x128x16xf32, #tpu.memory_space<vmem>> -> memref<128x16xf32, #tpu.memory_space<vmem>>
      %dma_wait3A_277 = arith.constant 0 : i32
      %dma_wait3A_278 = tpu.memref_slice %arg7[%dma_wait3A_270, %dma_wait3A_271, %dma_wait3A_277] : memref<2x4x128xi32, #tpu.memory_space<vmem>> -> memref<1x1x128xi32, #tpu.memory_space<vmem>>
      %dma_wait3A_279 = tpu.memref_squeeze %dma_wait3A_278 : memref<1x1x128xi32, #tpu.memory_space<vmem>> -> memref<128xi32, #tpu.memory_space<vmem>>
      %dma_wait3A_280 = arith.constant 0 : i32
      %dma_wait3A_281 = arith.constant 0 : i32
      %dma_wait3A_282 = tpu.memref_slice %arg2[%dma_wait3A_280, %dma_wait3A_281] : memref<100000x16xf32, #tpu.memory_space<hbm>> -> memref<100000x16xf32, #tpu.memory_space<hbm>>
      tpu.wait_indirect_dma semaphore(%arg12 : memref<!tpu.dma_semaphore, #tpu.memory_space<semaphore_mem>>) src(%dma_wait3A_282 : memref<100000x16xf32, #tpu.memory_space<hbm>>) dst(%dma_wait3A_276 : memref<128x16xf32, #tpu.memory_space<vmem>>)
      %dma_wait3A_283 = arith.constant 1 : i32
      %dma_wait3A_284 = arith.constant 3 : i32
      %dma_wait3A_285 = arith.constant 1 : i32
      %dma_wait3A_286 = arith.constant 384 : i32
      %dma_wait3A_287 = arith.constant 0 : i32
      %dma_wait3A_288 = tpu.memref_slice %arg9[%dma_wait3A_285, %dma_wait3A_286, %dma_wait3A_287] : memref<2x512x16xf32, #tpu.memory_space<vmem>> -> memref<1x128x16xf32, #tpu.memory_space<vmem>>
      %dma_wait3A_289 = tpu.memref_squeeze %dma_wait3A_288 : memref<1x128x16xf32, #tpu.memory_space<vmem>> -> memref<128x16xf32, #tpu.memory_space<vmem>>
      %dma_wait3A_290 = arith.constant 0 : i32
      %dma_wait3A_291 = tpu.memref_slice %arg7[%dma_wait3A_283, %dma_wait3A_284, %dma_wait3A_290] : memref<2x4x128xi32, #tpu.memory_space<vmem>> -> memref<1x1x128xi32, #tpu.memory_space<vmem>>
      %dma_wait3A_292 = tpu.memref_squeeze %dma_wait3A_291 : memref<1x1x128xi32, #tpu.memory_space<vmem>> -> memref<128xi32, #tpu.memory_space<vmem>>
      %dma_wait3A_293 = arith.constant 0 : i32
      %dma_wait3A_294 = arith.constant 0 : i32
      %dma_wait3A_295 = tpu.memref_slice %arg2[%dma_wait3A_293, %dma_wait3A_294] : memref<100000x16xf32, #tpu.memory_space<hbm>> -> memref<100000x16xf32, #tpu.memory_space<hbm>>
      tpu.wait_indirect_dma semaphore(%arg12 : memref<!tpu.dma_semaphore, #tpu.memory_space<semaphore_mem>>) src(%dma_wait3A_295 : memref<100000x16xf32, #tpu.memory_space<hbm>>) dst(%dma_wait3A_289 : memref<128x16xf32, #tpu.memory_space<vmem>>)
      %dma_start3A_296 = arith.constant 1 : i32
      %dma_start3A_297 = arith.constant 1 : i32
      %dma_start3A_298 = arith.constant 0 : i32
      %dma_start3A_299 = arith.constant 0 : i32
      %dma_start3A_300 = arith.constant 0 : i32
      %dma_start3A_301 = tpu.memref_slice %arg9[%dma_start3A_296, %dma_start3A_299, %dma_start3A_300] : memref<2x512x16xf32, #tpu.memory_space<vmem>> -> memref<1x128x16xf32, #tpu.memory_space<vmem>>
      %dma_start3A_302 = tpu.memref_squeeze %dma_start3A_301 : memref<1x128x16xf32, #tpu.memory_space<vmem>> -> memref<128x16xf32, #tpu.memory_space<vmem>>
      %dma_start3A_303 = arith.constant 0 : i32
      %dma_start3A_304 = tpu.memref_slice %arg8[%dma_start3A_297, %dma_start3A_298, %dma_start3A_303] : memref<2x4x128xi32, #tpu.memory_space<vmem>> -> memref<1x1x128xi32, #tpu.memory_space<vmem>>
      %dma_start3A_305 = tpu.memref_squeeze %dma_start3A_304 : memref<1x1x128xi32, #tpu.memory_space<vmem>> -> memref<128xi32, #tpu.memory_space<vmem>>
      %dma_start3A_306 = arith.constant 0 : i32
      %dma_start3A_307 = arith.constant 0 : i32
      %dma_start3A_308 = tpu.memref_slice %arg10[%dma_start3A_306, %dma_start3A_307] : memref<100096x16xf32, #tpu.memory_space<vmem_shared>> -> memref<100096x16xf32, #tpu.memory_space<vmem_shared>>
      tpu.enqueue_indirect_dma source(%dma_start3A_302 : memref<128x16xf32, #tpu.memory_space<vmem>>) target(%dma_start3A_308 : memref<100096x16xf32, #tpu.memory_space<vmem_shared>>) offsets(%dma_start3A_305 : memref<128xi32, #tpu.memory_space<vmem>>) semaphore(%arg14 : memref<!tpu.dma_semaphore, #tpu.memory_space<semaphore_mem>>) {add = true}
      %dma_start3A_309 = arith.constant 1 : i32
      %dma_start3A_310 = arith.constant 1 : i32
      %dma_start3A_311 = arith.constant 1 : i32
      %dma_start3A_312 = arith.constant 128 : i32
      %dma_start3A_313 = arith.constant 0 : i32
      %dma_start3A_314 = tpu.memref_slice %arg9[%dma_start3A_309, %dma_start3A_312, %dma_start3A_313] : memref<2x512x16xf32, #tpu.memory_space<vmem>> -> memref<1x128x16xf32, #tpu.memory_space<vmem>>
      %dma_start3A_315 = tpu.memref_squeeze %dma_start3A_314 : memref<1x128x16xf32, #tpu.memory_space<vmem>> -> memref<128x16xf32, #tpu.memory_space<vmem>>
      %dma_start3A_316 = arith.constant 0 : i32
      %dma_start3A_317 = tpu.memref_slice %arg8[%dma_start3A_310, %dma_start3A_311, %dma_start3A_316] : memref<2x4x128xi32, #tpu.memory_space<vmem>> -> memref<1x1x128xi32, #tpu.memory_space<vmem>>
      %dma_start3A_318 = tpu.memref_squeeze %dma_start3A_317 : memref<1x1x128xi32, #tpu.memory_space<vmem>> -> memref<128xi32, #tpu.memory_space<vmem>>
      %dma_start3A_319 = arith.constant 0 : i32
      %dma_start3A_320 = arith.constant 0 : i32
      %dma_start3A_321 = tpu.memref_slice %arg10[%dma_start3A_319, %dma_start3A_320] : memref<100096x16xf32, #tpu.memory_space<vmem_shared>> -> memref<100096x16xf32, #tpu.memory_space<vmem_shared>>
      tpu.enqueue_indirect_dma source(%dma_start3A_315 : memref<128x16xf32, #tpu.memory_space<vmem>>) target(%dma_start3A_321 : memref<100096x16xf32, #tpu.memory_space<vmem_shared>>) offsets(%dma_start3A_318 : memref<128xi32, #tpu.memory_space<vmem>>) semaphore(%arg14 : memref<!tpu.dma_semaphore, #tpu.memory_space<semaphore_mem>>) {add = true}
      %dma_start3A_322 = arith.constant 1 : i32
      %dma_start3A_323 = arith.constant 1 : i32
      %dma_start3A_324 = arith.constant 2 : i32
      %dma_start3A_325 = arith.constant 256 : i32
      %dma_start3A_326 = arith.constant 0 : i32
      %dma_start3A_327 = tpu.memref_slice %arg9[%dma_start3A_322, %dma_start3A_325, %dma_start3A_326] : memref<2x512x16xf32, #tpu.memory_space<vmem>> -> memref<1x128x16xf32, #tpu.memory_space<vmem>>
      %dma_start3A_328 = tpu.memref_squeeze %dma_start3A_327 : memref<1x128x16xf32, #tpu.memory_space<vmem>> -> memref<128x16xf32, #tpu.memory_space<vmem>>
      %dma_start3A_329 = arith.constant 0 : i32
      %dma_start3A_330 = tpu.memref_slice %arg8[%dma_start3A_323, %dma_start3A_324, %dma_start3A_329] : memref<2x4x128xi32, #tpu.memory_space<vmem>> -> memref<1x1x128xi32, #tpu.memory_space<vmem>>
      %dma_start3A_331 = tpu.memref_squeeze %dma_start3A_330 : memref<1x1x128xi32, #tpu.memory_space<vmem>> -> memref<128xi32, #tpu.memory_space<vmem>>
      %dma_start3A_332 = arith.constant 0 : i32
      %dma_start3A_333 = arith.constant 0 : i32
      %dma_start3A_334 = tpu.memref_slice %arg10[%dma_start3A_332, %dma_start3A_333] : memref<100096x16xf32, #tpu.memory_space<vmem_shared>> -> memref<100096x16xf32, #tpu.memory_space<vmem_shared>>
      tpu.enqueue_indirect_dma source(%dma_start3A_328 : memref<128x16xf32, #tpu.memory_space<vmem>>) target(%dma_start3A_334 : memref<100096x16xf32, #tpu.memory_space<vmem_shared>>) offsets(%dma_start3A_331 : memref<128xi32, #tpu.memory_space<vmem>>) semaphore(%arg14 : memref<!tpu.dma_semaphore, #tpu.memory_space<semaphore_mem>>) {add = true}
      %dma_start3A_335 = arith.constant 1 : i32
      %dma_start3A_336 = arith.constant 1 : i32
      %dma_start3A_337 = arith.constant 3 : i32
      %dma_start3A_338 = arith.constant 384 : i32
      %dma_start3A_339 = arith.constant 0 : i32
      %dma_start3A_340 = tpu.memref_slice %arg9[%dma_start3A_335, %dma_start3A_338, %dma_start3A_339] : memref<2x512x16xf32, #tpu.memory_space<vmem>> -> memref<1x128x16xf32, #tpu.memory_space<vmem>>
      %dma_start3A_341 = tpu.memref_squeeze %dma_start3A_340 : memref<1x128x16xf32, #tpu.memory_space<vmem>> -> memref<128x16xf32, #tpu.memory_space<vmem>>
      %dma_start3A_342 = arith.constant 0 : i32
      %dma_start3A_343 = tpu.memref_slice %arg8[%dma_start3A_336, %dma_start3A_337, %dma_start3A_342] : memref<2x4x128xi32, #tpu.memory_space<vmem>> -> memref<1x1x128xi32, #tpu.memory_space<vmem>>
      %dma_start3A_344 = tpu.memref_squeeze %dma_start3A_343 : memref<1x1x128xi32, #tpu.memory_space<vmem>> -> memref<128xi32, #tpu.memory_space<vmem>>
      %dma_start3A_345 = arith.constant 0 : i32
      %dma_start3A_346 = arith.constant 0 : i32
      %dma_start3A_347 = tpu.memref_slice %arg10[%dma_start3A_345, %dma_start3A_346] : memref<100096x16xf32, #tpu.memory_space<vmem_shared>> -> memref<100096x16xf32, #tpu.memory_space<vmem_shared>>
      tpu.enqueue_indirect_dma source(%dma_start3A_341 : memref<128x16xf32, #tpu.memory_space<vmem>>) target(%dma_start3A_347 : memref<100096x16xf32, #tpu.memory_space<vmem_shared>>) offsets(%dma_start3A_344 : memref<128xi32, #tpu.memory_space<vmem>>) semaphore(%arg14 : memref<!tpu.dma_semaphore, #tpu.memory_space<semaphore_mem>>) {add = true}
      %dma_wait3A_348 = arith.constant 0 : i32
      %dma_wait3A_349 = arith.constant 0 : i32
      %dma_wait3A_350 = arith.constant 0 : i32
      %dma_wait3A_351 = arith.constant 0 : i32
      %dma_wait3A_352 = arith.constant 0 : i32
      %dma_wait3A_353 = tpu.memref_slice %arg9[%dma_wait3A_348, %dma_wait3A_351, %dma_wait3A_352] : memref<2x512x16xf32, #tpu.memory_space<vmem>> -> memref<1x128x16xf32, #tpu.memory_space<vmem>>
      %dma_wait3A_354 = tpu.memref_squeeze %dma_wait3A_353 : memref<1x128x16xf32, #tpu.memory_space<vmem>> -> memref<128x16xf32, #tpu.memory_space<vmem>>
      %dma_wait3A_355 = arith.constant 0 : i32
      %dma_wait3A_356 = tpu.memref_slice %arg8[%dma_wait3A_349, %dma_wait3A_350, %dma_wait3A_355] : memref<2x4x128xi32, #tpu.memory_space<vmem>> -> memref<1x1x128xi32, #tpu.memory_space<vmem>>
      %dma_wait3A_357 = tpu.memref_squeeze %dma_wait3A_356 : memref<1x1x128xi32, #tpu.memory_space<vmem>> -> memref<128xi32, #tpu.memory_space<vmem>>
      %dma_wait3A_358 = arith.constant 0 : i32
      %dma_wait3A_359 = arith.constant 0 : i32
      %dma_wait3A_360 = tpu.memref_slice %arg10[%dma_wait3A_358, %dma_wait3A_359] : memref<100096x16xf32, #tpu.memory_space<vmem_shared>> -> memref<100096x16xf32, #tpu.memory_space<vmem_shared>>
      tpu.wait_indirect_dma semaphore(%arg13 : memref<!tpu.dma_semaphore, #tpu.memory_space<semaphore_mem>>) src(%dma_wait3A_354 : memref<128x16xf32, #tpu.memory_space<vmem>>) dst(%dma_wait3A_360 : memref<100096x16xf32, #tpu.memory_space<vmem_shared>>)
      %dma_wait3A_361 = arith.constant 0 : i32
      %dma_wait3A_362 = arith.constant 0 : i32
      %dma_wait3A_363 = arith.constant 1 : i32
      %dma_wait3A_364 = arith.constant 128 : i32
      %dma_wait3A_365 = arith.constant 0 : i32
      %dma_wait3A_366 = tpu.memref_slice %arg9[%dma_wait3A_361, %dma_wait3A_364, %dma_wait3A_365] : memref<2x512x16xf32, #tpu.memory_space<vmem>> -> memref<1x128x16xf32, #tpu.memory_space<vmem>>
      %dma_wait3A_367 = tpu.memref_squeeze %dma_wait3A_366 : memref<1x128x16xf32, #tpu.memory_space<vmem>> -> memref<128x16xf32, #tpu.memory_space<vmem>>
      %dma_wait3A_368 = arith.constant 0 : i32
      %dma_wait3A_369 = tpu.memref_slice %arg8[%dma_wait3A_362, %dma_wait3A_363, %dma_wait3A_368] : memref<2x4x128xi32, #tpu.memory_space<vmem>> -> memref<1x1x128xi32, #tpu.memory_space<vmem>>
      %dma_wait3A_370 = tpu.memref_squeeze %dma_wait3A_369 : memref<1x1x128xi32, #tpu.memory_space<vmem>> -> memref<128xi32, #tpu.memory_space<vmem>>
      %dma_wait3A_371 = arith.constant 0 : i32
      %dma_wait3A_372 = arith.constant 0 : i32
      %dma_wait3A_373 = tpu.memref_slice %arg10[%dma_wait3A_371, %dma_wait3A_372] : memref<100096x16xf32, #tpu.memory_space<vmem_shared>> -> memref<100096x16xf32, #tpu.memory_space<vmem_shared>>
      tpu.wait_indirect_dma semaphore(%arg13 : memref<!tpu.dma_semaphore, #tpu.memory_space<semaphore_mem>>) src(%dma_wait3A_367 : memref<128x16xf32, #tpu.memory_space<vmem>>) dst(%dma_wait3A_373 : memref<100096x16xf32, #tpu.memory_space<vmem_shared>>)
      %dma_wait3A_374 = arith.constant 0 : i32
      %dma_wait3A_375 = arith.constant 0 : i32
      %dma_wait3A_376 = arith.constant 2 : i32
      %dma_wait3A_377 = arith.constant 256 : i32
      %dma_wait3A_378 = arith.constant 0 : i32
      %dma_wait3A_379 = tpu.memref_slice %arg9[%dma_wait3A_374, %dma_wait3A_377, %dma_wait3A_378] : memref<2x512x16xf32, #tpu.memory_space<vmem>> -> memref<1x128x16xf32, #tpu.memory_space<vmem>>
      %dma_wait3A_380 = tpu.memref_squeeze %dma_wait3A_379 : memref<1x128x16xf32, #tpu.memory_space<vmem>> -> memref<128x16xf32, #tpu.memory_space<vmem>>
      %dma_wait3A_381 = arith.constant 0 : i32
      %dma_wait3A_382 = tpu.memref_slice %arg8[%dma_wait3A_375, %dma_wait3A_376, %dma_wait3A_381] : memref<2x4x128xi32, #tpu.memory_space<vmem>> -> memref<1x1x128xi32, #tpu.memory_space<vmem>>
      %dma_wait3A_383 = tpu.memref_squeeze %dma_wait3A_382 : memref<1x1x128xi32, #tpu.memory_space<vmem>> -> memref<128xi32, #tpu.memory_space<vmem>>
      %dma_wait3A_384 = arith.constant 0 : i32
      %dma_wait3A_385 = arith.constant 0 : i32
      %dma_wait3A_386 = tpu.memref_slice %arg10[%dma_wait3A_384, %dma_wait3A_385] : memref<100096x16xf32, #tpu.memory_space<vmem_shared>> -> memref<100096x16xf32, #tpu.memory_space<vmem_shared>>
      tpu.wait_indirect_dma semaphore(%arg13 : memref<!tpu.dma_semaphore, #tpu.memory_space<semaphore_mem>>) src(%dma_wait3A_380 : memref<128x16xf32, #tpu.memory_space<vmem>>) dst(%dma_wait3A_386 : memref<100096x16xf32, #tpu.memory_space<vmem_shared>>)
      %dma_wait3A_387 = arith.constant 0 : i32
      %dma_wait3A_388 = arith.constant 0 : i32
      %dma_wait3A_389 = arith.constant 3 : i32
      %dma_wait3A_390 = arith.constant 384 : i32
      %dma_wait3A_391 = arith.constant 0 : i32
      %dma_wait3A_392 = tpu.memref_slice %arg9[%dma_wait3A_387, %dma_wait3A_390, %dma_wait3A_391] : memref<2x512x16xf32, #tpu.memory_space<vmem>> -> memref<1x128x16xf32, #tpu.memory_space<vmem>>
      %dma_wait3A_393 = tpu.memref_squeeze %dma_wait3A_392 : memref<1x128x16xf32, #tpu.memory_space<vmem>> -> memref<128x16xf32, #tpu.memory_space<vmem>>
      %dma_wait3A_394 = arith.constant 0 : i32
      %dma_wait3A_395 = tpu.memref_slice %arg8[%dma_wait3A_388, %dma_wait3A_389, %dma_wait3A_394] : memref<2x4x128xi32, #tpu.memory_space<vmem>> -> memref<1x1x128xi32, #tpu.memory_space<vmem>>
      %dma_wait3A_396 = tpu.memref_squeeze %dma_wait3A_395 : memref<1x1x128xi32, #tpu.memory_space<vmem>> -> memref<128xi32, #tpu.memory_space<vmem>>
      %dma_wait3A_397 = arith.constant 0 : i32
      %dma_wait3A_398 = arith.constant 0 : i32
      %dma_wait3A_399 = tpu.memref_slice %arg10[%dma_wait3A_397, %dma_wait3A_398] : memref<100096x16xf32, #tpu.memory_space<vmem_shared>> -> memref<100096x16xf32, #tpu.memory_space<vmem_shared>>
      tpu.wait_indirect_dma semaphore(%arg13 : memref<!tpu.dma_semaphore, #tpu.memory_space<semaphore_mem>>) src(%dma_wait3A_393 : memref<128x16xf32, #tpu.memory_space<vmem>>) dst(%dma_wait3A_399 : memref<100096x16xf32, #tpu.memory_space<vmem_shared>>)
      %dma_wait3A_400 = arith.constant 1 : i32
      %dma_wait3A_401 = arith.constant 1 : i32
      %dma_wait3A_402 = arith.constant 0 : i32
      %dma_wait3A_403 = arith.constant 0 : i32
      %dma_wait3A_404 = arith.constant 0 : i32
      %dma_wait3A_405 = tpu.memref_slice %arg9[%dma_wait3A_400, %dma_wait3A_403, %dma_wait3A_404] : memref<2x512x16xf32, #tpu.memory_space<vmem>> -> memref<1x128x16xf32, #tpu.memory_space<vmem>>
      %dma_wait3A_406 = tpu.memref_squeeze %dma_wait3A_405 : memref<1x128x16xf32, #tpu.memory_space<vmem>> -> memref<128x16xf32, #tpu.memory_space<vmem>>
      %dma_wait3A_407 = arith.constant 0 : i32
      %dma_wait3A_408 = tpu.memref_slice %arg8[%dma_wait3A_401, %dma_wait3A_402, %dma_wait3A_407] : memref<2x4x128xi32, #tpu.memory_space<vmem>> -> memref<1x1x128xi32, #tpu.memory_space<vmem>>
      %dma_wait3A_409 = tpu.memref_squeeze %dma_wait3A_408 : memref<1x1x128xi32, #tpu.memory_space<vmem>> -> memref<128xi32, #tpu.memory_space<vmem>>
      %dma_wait3A_410 = arith.constant 0 : i32
      %dma_wait3A_411 = arith.constant 0 : i32
      %dma_wait3A_412 = tpu.memref_slice %arg10[%dma_wait3A_410, %dma_wait3A_411] : memref<100096x16xf32, #tpu.memory_space<vmem_shared>> -> memref<100096x16xf32, #tpu.memory_space<vmem_shared>>
      tpu.wait_indirect_dma semaphore(%arg14 : memref<!tpu.dma_semaphore, #tpu.memory_space<semaphore_mem>>) src(%dma_wait3A_406 : memref<128x16xf32, #tpu.memory_space<vmem>>) dst(%dma_wait3A_412 : memref<100096x16xf32, #tpu.memory_space<vmem_shared>>)
      %dma_wait3A_413 = arith.constant 1 : i32
      %dma_wait3A_414 = arith.constant 1 : i32
      %dma_wait3A_415 = arith.constant 1 : i32
      %dma_wait3A_416 = arith.constant 128 : i32
      %dma_wait3A_417 = arith.constant 0 : i32
      %dma_wait3A_418 = tpu.memref_slice %arg9[%dma_wait3A_413, %dma_wait3A_416, %dma_wait3A_417] : memref<2x512x16xf32, #tpu.memory_space<vmem>> -> memref<1x128x16xf32, #tpu.memory_space<vmem>>
      %dma_wait3A_419 = tpu.memref_squeeze %dma_wait3A_418 : memref<1x128x16xf32, #tpu.memory_space<vmem>> -> memref<128x16xf32, #tpu.memory_space<vmem>>
      %dma_wait3A_420 = arith.constant 0 : i32
      %dma_wait3A_421 = tpu.memref_slice %arg8[%dma_wait3A_414, %dma_wait3A_415, %dma_wait3A_420] : memref<2x4x128xi32, #tpu.memory_space<vmem>> -> memref<1x1x128xi32, #tpu.memory_space<vmem>>
      %dma_wait3A_422 = tpu.memref_squeeze %dma_wait3A_421 : memref<1x1x128xi32, #tpu.memory_space<vmem>> -> memref<128xi32, #tpu.memory_space<vmem>>
      %dma_wait3A_423 = arith.constant 0 : i32
      %dma_wait3A_424 = arith.constant 0 : i32
      %dma_wait3A_425 = tpu.memref_slice %arg10[%dma_wait3A_423, %dma_wait3A_424] : memref<100096x16xf32, #tpu.memory_space<vmem_shared>> -> memref<100096x16xf32, #tpu.memory_space<vmem_shared>>
      tpu.wait_indirect_dma semaphore(%arg14 : memref<!tpu.dma_semaphore, #tpu.memory_space<semaphore_mem>>) src(%dma_wait3A_419 : memref<128x16xf32, #tpu.memory_space<vmem>>) dst(%dma_wait3A_425 : memref<100096x16xf32, #tpu.memory_space<vmem_shared>>)
      %dma_wait3A_426 = arith.constant 1 : i32
      %dma_wait3A_427 = arith.constant 1 : i32
      %dma_wait3A_428 = arith.constant 2 : i32
      %dma_wait3A_429 = arith.constant 256 : i32
      %dma_wait3A_430 = arith.constant 0 : i32
      %dma_wait3A_431 = tpu.memref_slice %arg9[%dma_wait3A_426, %dma_wait3A_429, %dma_wait3A_430] : memref<2x512x16xf32, #tpu.memory_space<vmem>> -> memref<1x128x16xf32, #tpu.memory_space<vmem>>
      %dma_wait3A_432 = tpu.memref_squeeze %dma_wait3A_431 : memref<1x128x16xf32, #tpu.memory_space<vmem>> -> memref<128x16xf32, #tpu.memory_space<vmem>>
      %dma_wait3A_433 = arith.constant 0 : i32
      %dma_wait3A_434 = tpu.memref_slice %arg8[%dma_wait3A_427, %dma_wait3A_428, %dma_wait3A_433] : memref<2x4x128xi32, #tpu.memory_space<vmem>> -> memref<1x1x128xi32, #tpu.memory_space<vmem>>
      %dma_wait3A_435 = tpu.memref_squeeze %dma_wait3A_434 : memref<1x1x128xi32, #tpu.memory_space<vmem>> -> memref<128xi32, #tpu.memory_space<vmem>>
      %dma_wait3A_436 = arith.constant 0 : i32
      %dma_wait3A_437 = arith.constant 0 : i32
      %dma_wait3A_438 = tpu.memref_slice %arg10[%dma_wait3A_436, %dma_wait3A_437] : memref<100096x16xf32, #tpu.memory_space<vmem_shared>> -> memref<100096x16xf32, #tpu.memory_space<vmem_shared>>
      tpu.wait_indirect_dma semaphore(%arg14 : memref<!tpu.dma_semaphore, #tpu.memory_space<semaphore_mem>>) src(%dma_wait3A_432 : memref<128x16xf32, #tpu.memory_space<vmem>>) dst(%dma_wait3A_438 : memref<100096x16xf32, #tpu.memory_space<vmem_shared>>)
      %dma_wait3A_439 = arith.constant 1 : i32
      %dma_wait3A_440 = arith.constant 1 : i32
      %dma_wait3A_441 = arith.constant 3 : i32
      %dma_wait3A_442 = arith.constant 384 : i32
      %dma_wait3A_443 = arith.constant 0 : i32
      %dma_wait3A_444 = tpu.memref_slice %arg9[%dma_wait3A_439, %dma_wait3A_442, %dma_wait3A_443] : memref<2x512x16xf32, #tpu.memory_space<vmem>> -> memref<1x128x16xf32, #tpu.memory_space<vmem>>
      %dma_wait3A_445 = tpu.memref_squeeze %dma_wait3A_444 : memref<1x128x16xf32, #tpu.memory_space<vmem>> -> memref<128x16xf32, #tpu.memory_space<vmem>>
      %dma_wait3A_446 = arith.constant 0 : i32
      %dma_wait3A_447 = tpu.memref_slice %arg8[%dma_wait3A_440, %dma_wait3A_441, %dma_wait3A_446] : memref<2x4x128xi32, #tpu.memory_space<vmem>> -> memref<1x1x128xi32, #tpu.memory_space<vmem>>
      %dma_wait3A_448 = tpu.memref_squeeze %dma_wait3A_447 : memref<1x1x128xi32, #tpu.memory_space<vmem>> -> memref<128xi32, #tpu.memory_space<vmem>>
      %dma_wait3A_449 = arith.constant 0 : i32
      %dma_wait3A_450 = arith.constant 0 : i32
      %dma_wait3A_451 = tpu.memref_slice %arg10[%dma_wait3A_449, %dma_wait3A_450] : memref<100096x16xf32, #tpu.memory_space<vmem_shared>> -> memref<100096x16xf32, #tpu.memory_space<vmem_shared>>
      tpu.wait_indirect_dma semaphore(%arg14 : memref<!tpu.dma_semaphore, #tpu.memory_space<semaphore_mem>>) src(%dma_wait3A_445 : memref<128x16xf32, #tpu.memory_space<vmem>>) dst(%dma_wait3A_451 : memref<100096x16xf32, #tpu.memory_space<vmem_shared>>)
    }
    %scan3A_8 = arith.constant 98 : i32
    %barrier3A_9 = arith.constant 0 : index
    tpu.barrier barrier_id(%barrier3A_9)
    %mul3A_10 = arith.constant 6256 : i32
    %mul3A_11 = arith.muli %arg1, %mul3A_10 : i32
    %mul3A_12 = arith.constant 6256 : i32
    %mul3A_13 = arith.muli %arg1, %mul3A_12 : i32
    "tpu.region"() ({
      %run_scoped3A = tpu.sem_alloc : memref<!tpu.dma_semaphore, #tpu.memory_space<semaphore_mem>>
      %dma_start3A = arith.constant 0 : i32
      %dma_start3A_14 = tpu.memref_slice %arg6[%arg0, %mul3A_13, %dma_start3A] : memref<2x100096x16xf32, #tpu.memory_space<hbm>> -> memref<1x6256x16xf32, #tpu.memory_space<hbm>>
      %dma_start3A_15 = tpu.memref_squeeze %dma_start3A_14 : memref<1x6256x16xf32, #tpu.memory_space<hbm>> -> memref<6256x16xf32, #tpu.memory_space<hbm>>
      %dma_start3A_16 = arith.constant 0 : i32
      %dma_start3A_17 = tpu.memref_slice %arg10[%mul3A_11, %dma_start3A_16] : memref<100096x16xf32, #tpu.memory_space<vmem_shared>> -> memref<6256x16xf32, #tpu.memory_space<vmem_shared>>
      tpu.enqueue_dma source(%dma_start3A_17 : memref<6256x16xf32, #tpu.memory_space<vmem_shared>>) target(%dma_start3A_15 : memref<6256x16xf32, #tpu.memory_space<hbm>>) target_semaphore(%run_scoped3A : memref<!tpu.dma_semaphore, #tpu.memory_space<semaphore_mem>>)
      %dma_wait3A = arith.constant 0 : i32
      %dma_wait3A_18 = tpu.memref_slice %arg6[%arg0, %mul3A_13, %dma_wait3A] : memref<2x100096x16xf32, #tpu.memory_space<hbm>> -> memref<1x6256x16xf32, #tpu.memory_space<hbm>>
      %dma_wait3A_19 = tpu.memref_squeeze %dma_wait3A_18 : memref<1x6256x16xf32, #tpu.memory_space<hbm>> -> memref<6256x16xf32, #tpu.memory_space<hbm>>
      %dma_wait3A_20 = arith.constant 0 : i32
      %dma_wait3A_21 = tpu.memref_slice %arg10[%mul3A_11, %dma_wait3A_20] : memref<100096x16xf32, #tpu.memory_space<vmem_shared>> -> memref<6256x16xf32, #tpu.memory_space<vmem_shared>>
      tpu.wait_dma2 semaphore(%run_scoped3A : memref<!tpu.dma_semaphore, #tpu.memory_space<semaphore_mem>>) src(%dma_wait3A_21 : memref<6256x16xf32, #tpu.memory_space<vmem_shared>>) dst(%dma_wait3A_19 : memref<6256x16xf32, #tpu.memory_space<hbm>>)
      tpu.yield
    }) : () -> ()
    return
  }
}

#map = affine_map<(d0, d1) -> (0, 0)>
#map1 = affine_map<(d0, d1) -> (0, 0, 0)>
module attributes {stable_mosaic.version = 14 : i64} {
  func.func @_scat_body(%arg0: i32, %arg1: i32, %arg2: memref<100000x1xf32, #tpu.memory_space<hbm>>, %arg3: memref<32x784x128xi32, #tpu.memory_space<hbm>>, %arg4: memref<32x784x128xi32, #tpu.memory_space<hbm>>, %arg5: memref<100096x1xf32, #tpu.memory_space<hbm>>, %arg6: memref<2x100096x1xf32, #tpu.memory_space<hbm>>, %arg7: memref<2x4x128xi32, #tpu.memory_space<vmem>>, %arg8: memref<2x4x128xi32, #tpu.memory_space<vmem>>, %arg9: memref<2x512x1xf32, #tpu.memory_space<vmem>>, %arg10: memref<100096x1xf32, #tpu.memory_space<vmem_shared>>, %arg11: memref<!tpu.dma_semaphore, #tpu.memory_space<semaphore_mem>>, %arg12: memref<!tpu.dma_semaphore, #tpu.memory_space<semaphore_mem>>, %arg13: memref<!tpu.dma_semaphore, #tpu.memory_space<semaphore_mem>>, %arg14: memref<!tpu.dma_semaphore, #tpu.memory_space<semaphore_mem>>) attributes {dimension_semantics = [#tpu.dimension_semantics<core_parallel>, #tpu.dimension_semantics<subcore_parallel>], iteration_bounds = array<i64: 2, 16>, scalar_prefetch = 0 : i64, scratch_operands = 8 : i64, tpu.core_type = #tpu.core_type<sc_vector_subcore>, window_params = [{transform_indices = #map}, {transform_indices = #map1}, {transform_indices = #map1}, {transform_indices = #map}, {transform_indices = #map1}]} {
    %mul3A = arith.constant 16 : i32
    %mul3A_0 = arith.muli %arg0, %mul3A : i32
    %add3A = arith.addi %mul3A_0, %arg1 : i32
    %mul3A_1 = arith.constant 6256 : i32
    %mul3A_2 = arith.muli %arg1, %mul3A_1 : i32
    %mul3A_3 = arith.constant 6256 : i32
    %mul3A_4 = arith.muli %arg1, %mul3A_3 : i32
    "tpu.region"() ({
      %run_scoped3A = tpu.sem_alloc : memref<!tpu.dma_semaphore, #tpu.memory_space<semaphore_mem>>
      %dma_start3A = arith.constant 0 : i32
      %dma_start3A_14 = tpu.memref_slice %arg10[%mul3A_4, %dma_start3A] : memref<100096x1xf32, #tpu.memory_space<vmem_shared>> -> memref<6256x1xf32, #tpu.memory_space<vmem_shared>>
      %dma_start3A_15 = arith.constant 0 : i32
      %dma_start3A_16 = tpu.memref_slice %arg5[%mul3A_2, %dma_start3A_15] : memref<100096x1xf32, #tpu.memory_space<hbm>> -> memref<6256x1xf32, #tpu.memory_space<hbm>>
      tpu.enqueue_dma source(%dma_start3A_16 : memref<6256x1xf32, #tpu.memory_space<hbm>>) target(%dma_start3A_14 : memref<6256x1xf32, #tpu.memory_space<vmem_shared>>) target_semaphore(%run_scoped3A : memref<!tpu.dma_semaphore, #tpu.memory_space<semaphore_mem>>)
      %dma_wait3A = arith.constant 0 : i32
      %dma_wait3A_17 = tpu.memref_slice %arg10[%mul3A_4, %dma_wait3A] : memref<100096x1xf32, #tpu.memory_space<vmem_shared>> -> memref<6256x1xf32, #tpu.memory_space<vmem_shared>>
      %dma_wait3A_18 = arith.constant 0 : i32
      %dma_wait3A_19 = tpu.memref_slice %arg5[%mul3A_2, %dma_wait3A_18] : memref<100096x1xf32, #tpu.memory_space<hbm>> -> memref<6256x1xf32, #tpu.memory_space<hbm>>
      tpu.wait_dma2 semaphore(%run_scoped3A : memref<!tpu.dma_semaphore, #tpu.memory_space<semaphore_mem>>) src(%dma_wait3A_19 : memref<6256x1xf32, #tpu.memory_space<hbm>>) dst(%dma_wait3A_17 : memref<6256x1xf32, #tpu.memory_space<vmem_shared>>)
      tpu.yield
    }) : () -> ()
    %barrier3A = arith.constant 0 : index
    tpu.barrier barrier_id(%barrier3A)
    %scan3A = arith.constant 0 : i32
    %scan3A_5 = arith.constant 98 : i32
    %scan3A_6 = arith.addi %scan3A, %scan3A_5 : i32
    %scan3A_7 = arith.constant 1 : i32
    scf.for %scan3A_14 = %scan3A to %scan3A_6 step %scan3A_7  : i32 {
      %mul3A_15 = arith.constant 1 : i32
      %mul3A_16 = arith.muli %scan3A_14, %mul3A_15 : i32
      %add3A_17 = arith.constant 0 : i32
      %add3A_18 = arith.addi %add3A_17, %mul3A_16 : i32
      %mul3A_19 = arith.constant 2 : i32
      %mul3A_20 = arith.muli %add3A_18, %mul3A_19 : i32
      %add3A_21 = arith.constant 0 : i32
      %add3A_22 = arith.addi %mul3A_20, %add3A_21 : i32
      %mul3A_23 = arith.constant 4 : i32
      %mul3A_24 = arith.muli %add3A_22, %mul3A_23 : i32
      %run_scoped3A = arith.constant 0 : i32
      "tpu.region"() ({
        %run_scoped3A_452 = tpu.sem_alloc : memref<!tpu.dma_semaphore, #tpu.memory_space<semaphore_mem>>
        %dma_start3A_453 = arith.constant 0 : i32
        %dma_start3A_454 = arith.constant 0 : i32
        %dma_start3A_455 = tpu.memref_slice %arg7[%run_scoped3A, %dma_start3A_453, %dma_start3A_454] : memref<2x4x128xi32, #tpu.memory_space<vmem>> -> memref<1x4x128xi32, #tpu.memory_space<vmem>>
        %dma_start3A_456 = tpu.memref_squeeze %dma_start3A_455 : memref<1x4x128xi32, #tpu.memory_space<vmem>> -> memref<4x128xi32, #tpu.memory_space<vmem>>
        %dma_start3A_457 = arith.constant 0 : i32
        %dma_start3A_458 = tpu.memref_slice %arg3[%add3A, %mul3A_24, %dma_start3A_457] : memref<32x784x128xi32, #tpu.memory_space<hbm>> -> memref<1x4x128xi32, #tpu.memory_space<hbm>>
        %dma_start3A_459 = tpu.memref_squeeze %dma_start3A_458 : memref<1x4x128xi32, #tpu.memory_space<hbm>> -> memref<4x128xi32, #tpu.memory_space<hbm>>
        %dma_start3A_460 = arith.constant 0 : i32
        %dma_start3A_461 = arith.constant 0 : i32
        %dma_start3A_462 = tpu.memref_slice %arg7[%run_scoped3A, %dma_start3A_460, %dma_start3A_461] : memref<2x4x128xi32, #tpu.memory_space<vmem>> -> memref<1x4x128xi32, #tpu.memory_space<vmem>>
        %dma_start3A_463 = tpu.memref_squeeze %dma_start3A_462 : memref<1x4x128xi32, #tpu.memory_space<vmem>> -> memref<4x128xi32, #tpu.memory_space<vmem>>
        %dma_start3A_464 = arith.constant 0 : i32
        %dma_start3A_465 = tpu.memref_slice %arg3[%add3A, %mul3A_24, %dma_start3A_464] : memref<32x784x128xi32, #tpu.memory_space<hbm>> -> memref<1x4x128xi32, #tpu.memory_space<hbm>>
        %dma_start3A_466 = tpu.memref_squeeze %dma_start3A_465 : memref<1x4x128xi32, #tpu.memory_space<hbm>> -> memref<4x128xi32, #tpu.memory_space<hbm>>
        tpu.enqueue_dma source(%dma_start3A_466 : memref<4x128xi32, #tpu.memory_space<hbm>>) target(%dma_start3A_463 : memref<4x128xi32, #tpu.memory_space<vmem>>) target_semaphore(%run_scoped3A_452 : memref<!tpu.dma_semaphore, #tpu.memory_space<semaphore_mem>>)
        %dma_wait3A_467 = arith.constant 0 : i32
        %dma_wait3A_468 = arith.constant 0 : i32
        %dma_wait3A_469 = tpu.memref_slice %arg7[%run_scoped3A, %dma_wait3A_467, %dma_wait3A_468] : memref<2x4x128xi32, #tpu.memory_space<vmem>> -> memref<1x4x128xi32, #tpu.memory_space<vmem>>
        %dma_wait3A_470 = tpu.memref_squeeze %dma_wait3A_469 : memref<1x4x128xi32, #tpu.memory_space<vmem>> -> memref<4x128xi32, #tpu.memory_space<vmem>>
        %dma_wait3A_471 = arith.constant 0 : i32
        %dma_wait3A_472 = tpu.memref_slice %arg3[%add3A, %mul3A_24, %dma_wait3A_471] : memref<32x784x128xi32, #tpu.memory_space<hbm>> -> memref<1x4x128xi32, #tpu.memory_space<hbm>>
        %dma_wait3A_473 = tpu.memref_squeeze %dma_wait3A_472 : memref<1x4x128xi32, #tpu.memory_space<hbm>> -> memref<4x128xi32, #tpu.memory_space<hbm>>
        %dma_wait3A_474 = arith.constant 0 : i32
        %dma_wait3A_475 = arith.constant 0 : i32
        %dma_wait3A_476 = tpu.memref_slice %arg7[%run_scoped3A, %dma_wait3A_474, %dma_wait3A_475] : memref<2x4x128xi32, #tpu.memory_space<vmem>> -> memref<1x4x128xi32, #tpu.memory_space<vmem>>
        %dma_wait3A_477 = tpu.memref_squeeze %dma_wait3A_476 : memref<1x4x128xi32, #tpu.memory_space<vmem>> -> memref<4x128xi32, #tpu.memory_space<vmem>>
        %dma_wait3A_478 = arith.constant 0 : i32
        %dma_wait3A_479 = tpu.memref_slice %arg3[%add3A, %mul3A_24, %dma_wait3A_478] : memref<32x784x128xi32, #tpu.memory_space<hbm>> -> memref<1x4x128xi32, #tpu.memory_space<hbm>>
        %dma_wait3A_480 = tpu.memref_squeeze %dma_wait3A_479 : memref<1x4x128xi32, #tpu.memory_space<hbm>> -> memref<4x128xi32, #tpu.memory_space<hbm>>
        tpu.wait_dma2 semaphore(%run_scoped3A_452 : memref<!tpu.dma_semaphore, #tpu.memory_space<semaphore_mem>>) src(%dma_wait3A_480 : memref<4x128xi32, #tpu.memory_space<hbm>>) dst(%dma_wait3A_477 : memref<4x128xi32, #tpu.memory_space<vmem>>)
        tpu.yield
      }) : () -> ()
      %mul3A_25 = arith.constant 4 : i32
      %mul3A_26 = arith.muli %add3A_22, %mul3A_25 : i32
      %run_scoped3A_27 = arith.constant 0 : i32
      "tpu.region"() ({
        %run_scoped3A_452 = tpu.sem_alloc : memref<!tpu.dma_semaphore, #tpu.memory_space<semaphore_mem>>
        %dma_start3A_453 = arith.constant 0 : i32
        %dma_start3A_454 = arith.constant 0 : i32
        %dma_start3A_455 = tpu.memref_slice %arg8[%run_scoped3A_27, %dma_start3A_453, %dma_start3A_454] : memref<2x4x128xi32, #tpu.memory_space<vmem>> -> memref<1x4x128xi32, #tpu.memory_space<vmem>>
        %dma_start3A_456 = tpu.memref_squeeze %dma_start3A_455 : memref<1x4x128xi32, #tpu.memory_space<vmem>> -> memref<4x128xi32, #tpu.memory_space<vmem>>
        %dma_start3A_457 = arith.constant 0 : i32
        %dma_start3A_458 = tpu.memref_slice %arg4[%add3A, %mul3A_26, %dma_start3A_457] : memref<32x784x128xi32, #tpu.memory_space<hbm>> -> memref<1x4x128xi32, #tpu.memory_space<hbm>>
        %dma_start3A_459 = tpu.memref_squeeze %dma_start3A_458 : memref<1x4x128xi32, #tpu.memory_space<hbm>> -> memref<4x128xi32, #tpu.memory_space<hbm>>
        %dma_start3A_460 = arith.constant 0 : i32
        %dma_start3A_461 = arith.constant 0 : i32
        %dma_start3A_462 = tpu.memref_slice %arg8[%run_scoped3A_27, %dma_start3A_460, %dma_start3A_461] : memref<2x4x128xi32, #tpu.memory_space<vmem>> -> memref<1x4x128xi32, #tpu.memory_space<vmem>>
        %dma_start3A_463 = tpu.memref_squeeze %dma_start3A_462 : memref<1x4x128xi32, #tpu.memory_space<vmem>> -> memref<4x128xi32, #tpu.memory_space<vmem>>
        %dma_start3A_464 = arith.constant 0 : i32
        %dma_start3A_465 = tpu.memref_slice %arg4[%add3A, %mul3A_26, %dma_start3A_464] : memref<32x784x128xi32, #tpu.memory_space<hbm>> -> memref<1x4x128xi32, #tpu.memory_space<hbm>>
        %dma_start3A_466 = tpu.memref_squeeze %dma_start3A_465 : memref<1x4x128xi32, #tpu.memory_space<hbm>> -> memref<4x128xi32, #tpu.memory_space<hbm>>
        tpu.enqueue_dma source(%dma_start3A_466 : memref<4x128xi32, #tpu.memory_space<hbm>>) target(%dma_start3A_463 : memref<4x128xi32, #tpu.memory_space<vmem>>) target_semaphore(%run_scoped3A_452 : memref<!tpu.dma_semaphore, #tpu.memory_space<semaphore_mem>>)
        %dma_wait3A_467 = arith.constant 0 : i32
        %dma_wait3A_468 = arith.constant 0 : i32
        %dma_wait3A_469 = tpu.memref_slice %arg8[%run_scoped3A_27, %dma_wait3A_467, %dma_wait3A_468] : memref<2x4x128xi32, #tpu.memory_space<vmem>> -> memref<1x4x128xi32, #tpu.memory_space<vmem>>
        %dma_wait3A_470 = tpu.memref_squeeze %dma_wait3A_469 : memref<1x4x128xi32, #tpu.memory_space<vmem>> -> memref<4x128xi32, #tpu.memory_space<vmem>>
        %dma_wait3A_471 = arith.constant 0 : i32
        %dma_wait3A_472 = tpu.memref_slice %arg4[%add3A, %mul3A_26, %dma_wait3A_471] : memref<32x784x128xi32, #tpu.memory_space<hbm>> -> memref<1x4x128xi32, #tpu.memory_space<hbm>>
        %dma_wait3A_473 = tpu.memref_squeeze %dma_wait3A_472 : memref<1x4x128xi32, #tpu.memory_space<hbm>> -> memref<4x128xi32, #tpu.memory_space<hbm>>
        %dma_wait3A_474 = arith.constant 0 : i32
        %dma_wait3A_475 = arith.constant 0 : i32
        %dma_wait3A_476 = tpu.memref_slice %arg8[%run_scoped3A_27, %dma_wait3A_474, %dma_wait3A_475] : memref<2x4x128xi32, #tpu.memory_space<vmem>> -> memref<1x4x128xi32, #tpu.memory_space<vmem>>
        %dma_wait3A_477 = tpu.memref_squeeze %dma_wait3A_476 : memref<1x4x128xi32, #tpu.memory_space<vmem>> -> memref<4x128xi32, #tpu.memory_space<vmem>>
        %dma_wait3A_478 = arith.constant 0 : i32
        %dma_wait3A_479 = tpu.memref_slice %arg4[%add3A, %mul3A_26, %dma_wait3A_478] : memref<32x784x128xi32, #tpu.memory_space<hbm>> -> memref<1x4x128xi32, #tpu.memory_space<hbm>>
        %dma_wait3A_480 = tpu.memref_squeeze %dma_wait3A_479 : memref<1x4x128xi32, #tpu.memory_space<hbm>> -> memref<4x128xi32, #tpu.memory_space<hbm>>
        tpu.wait_dma2 semaphore(%run_scoped3A_452 : memref<!tpu.dma_semaphore, #tpu.memory_space<semaphore_mem>>) src(%dma_wait3A_480 : memref<4x128xi32, #tpu.memory_space<hbm>>) dst(%dma_wait3A_477 : memref<4x128xi32, #tpu.memory_space<vmem>>)
        tpu.yield
      }) : () -> ()
      %dma_start3A = arith.constant 0 : i32
      %dma_start3A_28 = arith.constant 0 : i32
      %dma_start3A_29 = arith.constant 0 : i32
      %dma_start3A_30 = arith.constant 0 : i32
      %dma_start3A_31 = arith.constant 0 : i32
      %dma_start3A_32 = tpu.memref_slice %arg9[%dma_start3A_29, %dma_start3A_30, %dma_start3A_31] : memref<2x512x1xf32, #tpu.memory_space<vmem>> -> memref<1x128x1xf32, #tpu.memory_space<vmem>>
      %dma_start3A_33 = tpu.memref_squeeze %dma_start3A_32 : memref<1x128x1xf32, #tpu.memory_space<vmem>> -> memref<128x1xf32, #tpu.memory_space<vmem>>
      %dma_start3A_34 = arith.constant 0 : i32
      %dma_start3A_35 = tpu.memref_slice %arg7[%dma_start3A, %dma_start3A_28, %dma_start3A_34] : memref<2x4x128xi32, #tpu.memory_space<vmem>> -> memref<1x1x128xi32, #tpu.memory_space<vmem>>
      %dma_start3A_36 = tpu.memref_squeeze %dma_start3A_35 : memref<1x1x128xi32, #tpu.memory_space<vmem>> -> memref<128xi32, #tpu.memory_space<vmem>>
      %dma_start3A_37 = arith.constant 0 : i32
      %dma_start3A_38 = arith.constant 0 : i32
      %dma_start3A_39 = tpu.memref_slice %arg2[%dma_start3A_37, %dma_start3A_38] : memref<100000x1xf32, #tpu.memory_space<hbm>> -> memref<100000x1xf32, #tpu.memory_space<hbm>>
      tpu.enqueue_indirect_dma source(%dma_start3A_39 : memref<100000x1xf32, #tpu.memory_space<hbm>>) target(%dma_start3A_33 : memref<128x1xf32, #tpu.memory_space<vmem>>) offsets(%dma_start3A_36 : memref<128xi32, #tpu.memory_space<vmem>>) semaphore(%arg11 : memref<!tpu.dma_semaphore, #tpu.memory_space<semaphore_mem>>)
      %dma_start3A_40 = arith.constant 0 : i32
      %dma_start3A_41 = arith.constant 1 : i32
      %dma_start3A_42 = arith.constant 0 : i32
      %dma_start3A_43 = arith.constant 128 : i32
      %dma_start3A_44 = arith.constant 0 : i32
      %dma_start3A_45 = tpu.memref_slice %arg9[%dma_start3A_42, %dma_start3A_43, %dma_start3A_44] : memref<2x512x1xf32, #tpu.memory_space<vmem>> -> memref<1x128x1xf32, #tpu.memory_space<vmem>>
      %dma_start3A_46 = tpu.memref_squeeze %dma_start3A_45 : memref<1x128x1xf32, #tpu.memory_space<vmem>> -> memref<128x1xf32, #tpu.memory_space<vmem>>
      %dma_start3A_47 = arith.constant 0 : i32
      %dma_start3A_48 = tpu.memref_slice %arg7[%dma_start3A_40, %dma_start3A_41, %dma_start3A_47] : memref<2x4x128xi32, #tpu.memory_space<vmem>> -> memref<1x1x128xi32, #tpu.memory_space<vmem>>
      %dma_start3A_49 = tpu.memref_squeeze %dma_start3A_48 : memref<1x1x128xi32, #tpu.memory_space<vmem>> -> memref<128xi32, #tpu.memory_space<vmem>>
      %dma_start3A_50 = arith.constant 0 : i32
      %dma_start3A_51 = arith.constant 0 : i32
      %dma_start3A_52 = tpu.memref_slice %arg2[%dma_start3A_50, %dma_start3A_51] : memref<100000x1xf32, #tpu.memory_space<hbm>> -> memref<100000x1xf32, #tpu.memory_space<hbm>>
      tpu.enqueue_indirect_dma source(%dma_start3A_52 : memref<100000x1xf32, #tpu.memory_space<hbm>>) target(%dma_start3A_46 : memref<128x1xf32, #tpu.memory_space<vmem>>) offsets(%dma_start3A_49 : memref<128xi32, #tpu.memory_space<vmem>>) semaphore(%arg11 : memref<!tpu.dma_semaphore, #tpu.memory_space<semaphore_mem>>)
      %dma_start3A_53 = arith.constant 0 : i32
      %dma_start3A_54 = arith.constant 2 : i32
      %dma_start3A_55 = arith.constant 0 : i32
      %dma_start3A_56 = arith.constant 256 : i32
      %dma_start3A_57 = arith.constant 0 : i32
      %dma_start3A_58 = tpu.memref_slice %arg9[%dma_start3A_55, %dma_start3A_56, %dma_start3A_57] : memref<2x512x1xf32, #tpu.memory_space<vmem>> -> memref<1x128x1xf32, #tpu.memory_space<vmem>>
      %dma_start3A_59 = tpu.memref_squeeze %dma_start3A_58 : memref<1x128x1xf32, #tpu.memory_space<vmem>> -> memref<128x1xf32, #tpu.memory_space<vmem>>
      %dma_start3A_60 = arith.constant 0 : i32
      %dma_start3A_61 = tpu.memref_slice %arg7[%dma_start3A_53, %dma_start3A_54, %dma_start3A_60] : memref<2x4x128xi32, #tpu.memory_space<vmem>> -> memref<1x1x128xi32, #tpu.memory_space<vmem>>
      %dma_start3A_62 = tpu.memref_squeeze %dma_start3A_61 : memref<1x1x128xi32, #tpu.memory_space<vmem>> -> memref<128xi32, #tpu.memory_space<vmem>>
      %dma_start3A_63 = arith.constant 0 : i32
      %dma_start3A_64 = arith.constant 0 : i32
      %dma_start3A_65 = tpu.memref_slice %arg2[%dma_start3A_63, %dma_start3A_64] : memref<100000x1xf32, #tpu.memory_space<hbm>> -> memref<100000x1xf32, #tpu.memory_space<hbm>>
      tpu.enqueue_indirect_dma source(%dma_start3A_65 : memref<100000x1xf32, #tpu.memory_space<hbm>>) target(%dma_start3A_59 : memref<128x1xf32, #tpu.memory_space<vmem>>) offsets(%dma_start3A_62 : memref<128xi32, #tpu.memory_space<vmem>>) semaphore(%arg11 : memref<!tpu.dma_semaphore, #tpu.memory_space<semaphore_mem>>)
      %dma_start3A_66 = arith.constant 0 : i32
      %dma_start3A_67 = arith.constant 3 : i32
      %dma_start3A_68 = arith.constant 0 : i32
      %dma_start3A_69 = arith.constant 384 : i32
      %dma_start3A_70 = arith.constant 0 : i32
      %dma_start3A_71 = tpu.memref_slice %arg9[%dma_start3A_68, %dma_start3A_69, %dma_start3A_70] : memref<2x512x1xf32, #tpu.memory_space<vmem>> -> memref<1x128x1xf32, #tpu.memory_space<vmem>>
      %dma_start3A_72 = tpu.memref_squeeze %dma_start3A_71 : memref<1x128x1xf32, #tpu.memory_space<vmem>> -> memref<128x1xf32, #tpu.memory_space<vmem>>
      %dma_start3A_73 = arith.constant 0 : i32
      %dma_start3A_74 = tpu.memref_slice %arg7[%dma_start3A_66, %dma_start3A_67, %dma_start3A_73] : memref<2x4x128xi32, #tpu.memory_space<vmem>> -> memref<1x1x128xi32, #tpu.memory_space<vmem>>
      %dma_start3A_75 = tpu.memref_squeeze %dma_start3A_74 : memref<1x1x128xi32, #tpu.memory_space<vmem>> -> memref<128xi32, #tpu.memory_space<vmem>>
      %dma_start3A_76 = arith.constant 0 : i32
      %dma_start3A_77 = arith.constant 0 : i32
      %dma_start3A_78 = tpu.memref_slice %arg2[%dma_start3A_76, %dma_start3A_77] : memref<100000x1xf32, #tpu.memory_space<hbm>> -> memref<100000x1xf32, #tpu.memory_space<hbm>>
      tpu.enqueue_indirect_dma source(%dma_start3A_78 : memref<100000x1xf32, #tpu.memory_space<hbm>>) target(%dma_start3A_72 : memref<128x1xf32, #tpu.memory_space<vmem>>) offsets(%dma_start3A_75 : memref<128xi32, #tpu.memory_space<vmem>>) semaphore(%arg11 : memref<!tpu.dma_semaphore, #tpu.memory_space<semaphore_mem>>)
      %mul3A_79 = arith.constant 2 : i32
      %mul3A_80 = arith.muli %add3A_18, %mul3A_79 : i32
      %add3A_81 = arith.constant 1 : i32
      %add3A_82 = arith.addi %mul3A_80, %add3A_81 : i32
      %mul3A_83 = arith.constant 4 : i32
      %mul3A_84 = arith.muli %add3A_82, %mul3A_83 : i32
      %run_scoped3A_85 = arith.constant 1 : i32
      "tpu.region"() ({
        %run_scoped3A_452 = tpu.sem_alloc : memref<!tpu.dma_semaphore, #tpu.memory_space<semaphore_mem>>
        %dma_start3A_453 = arith.constant 0 : i32
        %dma_start3A_454 = arith.constant 0 : i32
        %dma_start3A_455 = tpu.memref_slice %arg7[%run_scoped3A_85, %dma_start3A_453, %dma_start3A_454] : memref<2x4x128xi32, #tpu.memory_space<vmem>> -> memref<1x4x128xi32, #tpu.memory_space<vmem>>
        %dma_start3A_456 = tpu.memref_squeeze %dma_start3A_455 : memref<1x4x128xi32, #tpu.memory_space<vmem>> -> memref<4x128xi32, #tpu.memory_space<vmem>>
        %dma_start3A_457 = arith.constant 0 : i32
        %dma_start3A_458 = tpu.memref_slice %arg3[%add3A, %mul3A_84, %dma_start3A_457] : memref<32x784x128xi32, #tpu.memory_space<hbm>> -> memref<1x4x128xi32, #tpu.memory_space<hbm>>
        %dma_start3A_459 = tpu.memref_squeeze %dma_start3A_458 : memref<1x4x128xi32, #tpu.memory_space<hbm>> -> memref<4x128xi32, #tpu.memory_space<hbm>>
        %dma_start3A_460 = arith.constant 0 : i32
        %dma_start3A_461 = arith.constant 0 : i32
        %dma_start3A_462 = tpu.memref_slice %arg7[%run_scoped3A_85, %dma_start3A_460, %dma_start3A_461] : memref<2x4x128xi32, #tpu.memory_space<vmem>> -> memref<1x4x128xi32, #tpu.memory_space<vmem>>
        %dma_start3A_463 = tpu.memref_squeeze %dma_start3A_462 : memref<1x4x128xi32, #tpu.memory_space<vmem>> -> memref<4x128xi32, #tpu.memory_space<vmem>>
        %dma_start3A_464 = arith.constant 0 : i32
        %dma_start3A_465 = tpu.memref_slice %arg3[%add3A, %mul3A_84, %dma_start3A_464] : memref<32x784x128xi32, #tpu.memory_space<hbm>> -> memref<1x4x128xi32, #tpu.memory_space<hbm>>
        %dma_start3A_466 = tpu.memref_squeeze %dma_start3A_465 : memref<1x4x128xi32, #tpu.memory_space<hbm>> -> memref<4x128xi32, #tpu.memory_space<hbm>>
        tpu.enqueue_dma source(%dma_start3A_466 : memref<4x128xi32, #tpu.memory_space<hbm>>) target(%dma_start3A_463 : memref<4x128xi32, #tpu.memory_space<vmem>>) target_semaphore(%run_scoped3A_452 : memref<!tpu.dma_semaphore, #tpu.memory_space<semaphore_mem>>)
        %dma_wait3A_467 = arith.constant 0 : i32
        %dma_wait3A_468 = arith.constant 0 : i32
        %dma_wait3A_469 = tpu.memref_slice %arg7[%run_scoped3A_85, %dma_wait3A_467, %dma_wait3A_468] : memref<2x4x128xi32, #tpu.memory_space<vmem>> -> memref<1x4x128xi32, #tpu.memory_space<vmem>>
        %dma_wait3A_470 = tpu.memref_squeeze %dma_wait3A_469 : memref<1x4x128xi32, #tpu.memory_space<vmem>> -> memref<4x128xi32, #tpu.memory_space<vmem>>
        %dma_wait3A_471 = arith.constant 0 : i32
        %dma_wait3A_472 = tpu.memref_slice %arg3[%add3A, %mul3A_84, %dma_wait3A_471] : memref<32x784x128xi32, #tpu.memory_space<hbm>> -> memref<1x4x128xi32, #tpu.memory_space<hbm>>
        %dma_wait3A_473 = tpu.memref_squeeze %dma_wait3A_472 : memref<1x4x128xi32, #tpu.memory_space<hbm>> -> memref<4x128xi32, #tpu.memory_space<hbm>>
        %dma_wait3A_474 = arith.constant 0 : i32
        %dma_wait3A_475 = arith.constant 0 : i32
        %dma_wait3A_476 = tpu.memref_slice %arg7[%run_scoped3A_85, %dma_wait3A_474, %dma_wait3A_475] : memref<2x4x128xi32, #tpu.memory_space<vmem>> -> memref<1x4x128xi32, #tpu.memory_space<vmem>>
        %dma_wait3A_477 = tpu.memref_squeeze %dma_wait3A_476 : memref<1x4x128xi32, #tpu.memory_space<vmem>> -> memref<4x128xi32, #tpu.memory_space<vmem>>
        %dma_wait3A_478 = arith.constant 0 : i32
        %dma_wait3A_479 = tpu.memref_slice %arg3[%add3A, %mul3A_84, %dma_wait3A_478] : memref<32x784x128xi32, #tpu.memory_space<hbm>> -> memref<1x4x128xi32, #tpu.memory_space<hbm>>
        %dma_wait3A_480 = tpu.memref_squeeze %dma_wait3A_479 : memref<1x4x128xi32, #tpu.memory_space<hbm>> -> memref<4x128xi32, #tpu.memory_space<hbm>>
        tpu.wait_dma2 semaphore(%run_scoped3A_452 : memref<!tpu.dma_semaphore, #tpu.memory_space<semaphore_mem>>) src(%dma_wait3A_480 : memref<4x128xi32, #tpu.memory_space<hbm>>) dst(%dma_wait3A_477 : memref<4x128xi32, #tpu.memory_space<vmem>>)
        tpu.yield
      }) : () -> ()
      %mul3A_86 = arith.constant 4 : i32
      %mul3A_87 = arith.muli %add3A_82, %mul3A_86 : i32
      %run_scoped3A_88 = arith.constant 1 : i32
      "tpu.region"() ({
        %run_scoped3A_452 = tpu.sem_alloc : memref<!tpu.dma_semaphore, #tpu.memory_space<semaphore_mem>>
        %dma_start3A_453 = arith.constant 0 : i32
        %dma_start3A_454 = arith.constant 0 : i32
        %dma_start3A_455 = tpu.memref_slice %arg8[%run_scoped3A_88, %dma_start3A_453, %dma_start3A_454] : memref<2x4x128xi32, #tpu.memory_space<vmem>> -> memref<1x4x128xi32, #tpu.memory_space<vmem>>
        %dma_start3A_456 = tpu.memref_squeeze %dma_start3A_455 : memref<1x4x128xi32, #tpu.memory_space<vmem>> -> memref<4x128xi32, #tpu.memory_space<vmem>>
        %dma_start3A_457 = arith.constant 0 : i32
        %dma_start3A_458 = tpu.memref_slice %arg4[%add3A, %mul3A_87, %dma_start3A_457] : memref<32x784x128xi32, #tpu.memory_space<hbm>> -> memref<1x4x128xi32, #tpu.memory_space<hbm>>
        %dma_start3A_459 = tpu.memref_squeeze %dma_start3A_458 : memref<1x4x128xi32, #tpu.memory_space<hbm>> -> memref<4x128xi32, #tpu.memory_space<hbm>>
        %dma_start3A_460 = arith.constant 0 : i32
        %dma_start3A_461 = arith.constant 0 : i32
        %dma_start3A_462 = tpu.memref_slice %arg8[%run_scoped3A_88, %dma_start3A_460, %dma_start3A_461] : memref<2x4x128xi32, #tpu.memory_space<vmem>> -> memref<1x4x128xi32, #tpu.memory_space<vmem>>
        %dma_start3A_463 = tpu.memref_squeeze %dma_start3A_462 : memref<1x4x128xi32, #tpu.memory_space<vmem>> -> memref<4x128xi32, #tpu.memory_space<vmem>>
        %dma_start3A_464 = arith.constant 0 : i32
        %dma_start3A_465 = tpu.memref_slice %arg4[%add3A, %mul3A_87, %dma_start3A_464] : memref<32x784x128xi32, #tpu.memory_space<hbm>> -> memref<1x4x128xi32, #tpu.memory_space<hbm>>
        %dma_start3A_466 = tpu.memref_squeeze %dma_start3A_465 : memref<1x4x128xi32, #tpu.memory_space<hbm>> -> memref<4x128xi32, #tpu.memory_space<hbm>>
        tpu.enqueue_dma source(%dma_start3A_466 : memref<4x128xi32, #tpu.memory_space<hbm>>) target(%dma_start3A_463 : memref<4x128xi32, #tpu.memory_space<vmem>>) target_semaphore(%run_scoped3A_452 : memref<!tpu.dma_semaphore, #tpu.memory_space<semaphore_mem>>)
        %dma_wait3A_467 = arith.constant 0 : i32
        %dma_wait3A_468 = arith.constant 0 : i32
        %dma_wait3A_469 = tpu.memref_slice %arg8[%run_scoped3A_88, %dma_wait3A_467, %dma_wait3A_468] : memref<2x4x128xi32, #tpu.memory_space<vmem>> -> memref<1x4x128xi32, #tpu.memory_space<vmem>>
        %dma_wait3A_470 = tpu.memref_squeeze %dma_wait3A_469 : memref<1x4x128xi32, #tpu.memory_space<vmem>> -> memref<4x128xi32, #tpu.memory_space<vmem>>
        %dma_wait3A_471 = arith.constant 0 : i32
        %dma_wait3A_472 = tpu.memref_slice %arg4[%add3A, %mul3A_87, %dma_wait3A_471] : memref<32x784x128xi32, #tpu.memory_space<hbm>> -> memref<1x4x128xi32, #tpu.memory_space<hbm>>
        %dma_wait3A_473 = tpu.memref_squeeze %dma_wait3A_472 : memref<1x4x128xi32, #tpu.memory_space<hbm>> -> memref<4x128xi32, #tpu.memory_space<hbm>>
        %dma_wait3A_474 = arith.constant 0 : i32
        %dma_wait3A_475 = arith.constant 0 : i32
        %dma_wait3A_476 = tpu.memref_slice %arg8[%run_scoped3A_88, %dma_wait3A_474, %dma_wait3A_475] : memref<2x4x128xi32, #tpu.memory_space<vmem>> -> memref<1x4x128xi32, #tpu.memory_space<vmem>>
        %dma_wait3A_477 = tpu.memref_squeeze %dma_wait3A_476 : memref<1x4x128xi32, #tpu.memory_space<vmem>> -> memref<4x128xi32, #tpu.memory_space<vmem>>
        %dma_wait3A_478 = arith.constant 0 : i32
        %dma_wait3A_479 = tpu.memref_slice %arg4[%add3A, %mul3A_87, %dma_wait3A_478] : memref<32x784x128xi32, #tpu.memory_space<hbm>> -> memref<1x4x128xi32, #tpu.memory_space<hbm>>
        %dma_wait3A_480 = tpu.memref_squeeze %dma_wait3A_479 : memref<1x4x128xi32, #tpu.memory_space<hbm>> -> memref<4x128xi32, #tpu.memory_space<hbm>>
        tpu.wait_dma2 semaphore(%run_scoped3A_452 : memref<!tpu.dma_semaphore, #tpu.memory_space<semaphore_mem>>) src(%dma_wait3A_480 : memref<4x128xi32, #tpu.memory_space<hbm>>) dst(%dma_wait3A_477 : memref<4x128xi32, #tpu.memory_space<vmem>>)
        tpu.yield
      }) : () -> ()
      %dma_start3A_89 = arith.constant 1 : i32
      %dma_start3A_90 = arith.constant 0 : i32
      %dma_start3A_91 = arith.constant 1 : i32
      %dma_start3A_92 = arith.constant 0 : i32
      %dma_start3A_93 = arith.constant 0 : i32
      %dma_start3A_94 = tpu.memref_slice %arg9[%dma_start3A_91, %dma_start3A_92, %dma_start3A_93] : memref<2x512x1xf32, #tpu.memory_space<vmem>> -> memref<1x128x1xf32, #tpu.memory_space<vmem>>
      %dma_start3A_95 = tpu.memref_squeeze %dma_start3A_94 : memref<1x128x1xf32, #tpu.memory_space<vmem>> -> memref<128x1xf32, #tpu.memory_space<vmem>>
      %dma_start3A_96 = arith.constant 0 : i32
      %dma_start3A_97 = tpu.memref_slice %arg7[%dma_start3A_89, %dma_start3A_90, %dma_start3A_96] : memref<2x4x128xi32, #tpu.memory_space<vmem>> -> memref<1x1x128xi32, #tpu.memory_space<vmem>>
      %dma_start3A_98 = tpu.memref_squeeze %dma_start3A_97 : memref<1x1x128xi32, #tpu.memory_space<vmem>> -> memref<128xi32, #tpu.memory_space<vmem>>
      %dma_start3A_99 = arith.constant 0 : i32
      %dma_start3A_100 = arith.constant 0 : i32
      %dma_start3A_101 = tpu.memref_slice %arg2[%dma_start3A_99, %dma_start3A_100] : memref<100000x1xf32, #tpu.memory_space<hbm>> -> memref<100000x1xf32, #tpu.memory_space<hbm>>
      tpu.enqueue_indirect_dma source(%dma_start3A_101 : memref<100000x1xf32, #tpu.memory_space<hbm>>) target(%dma_start3A_95 : memref<128x1xf32, #tpu.memory_space<vmem>>) offsets(%dma_start3A_98 : memref<128xi32, #tpu.memory_space<vmem>>) semaphore(%arg12 : memref<!tpu.dma_semaphore, #tpu.memory_space<semaphore_mem>>)
      %dma_start3A_102 = arith.constant 1 : i32
      %dma_start3A_103 = arith.constant 1 : i32
      %dma_start3A_104 = arith.constant 1 : i32
      %dma_start3A_105 = arith.constant 128 : i32
      %dma_start3A_106 = arith.constant 0 : i32
      %dma_start3A_107 = tpu.memref_slice %arg9[%dma_start3A_104, %dma_start3A_105, %dma_start3A_106] : memref<2x512x1xf32, #tpu.memory_space<vmem>> -> memref<1x128x1xf32, #tpu.memory_space<vmem>>
      %dma_start3A_108 = tpu.memref_squeeze %dma_start3A_107 : memref<1x128x1xf32, #tpu.memory_space<vmem>> -> memref<128x1xf32, #tpu.memory_space<vmem>>
      %dma_start3A_109 = arith.constant 0 : i32
      %dma_start3A_110 = tpu.memref_slice %arg7[%dma_start3A_102, %dma_start3A_103, %dma_start3A_109] : memref<2x4x128xi32, #tpu.memory_space<vmem>> -> memref<1x1x128xi32, #tpu.memory_space<vmem>>
      %dma_start3A_111 = tpu.memref_squeeze %dma_start3A_110 : memref<1x1x128xi32, #tpu.memory_space<vmem>> -> memref<128xi32, #tpu.memory_space<vmem>>
      %dma_start3A_112 = arith.constant 0 : i32
      %dma_start3A_113 = arith.constant 0 : i32
      %dma_start3A_114 = tpu.memref_slice %arg2[%dma_start3A_112, %dma_start3A_113] : memref<100000x1xf32, #tpu.memory_space<hbm>> -> memref<100000x1xf32, #tpu.memory_space<hbm>>
      tpu.enqueue_indirect_dma source(%dma_start3A_114 : memref<100000x1xf32, #tpu.memory_space<hbm>>) target(%dma_start3A_108 : memref<128x1xf32, #tpu.memory_space<vmem>>) offsets(%dma_start3A_111 : memref<128xi32, #tpu.memory_space<vmem>>) semaphore(%arg12 : memref<!tpu.dma_semaphore, #tpu.memory_space<semaphore_mem>>)
      %dma_start3A_115 = arith.constant 1 : i32
      %dma_start3A_116 = arith.constant 2 : i32
      %dma_start3A_117 = arith.constant 1 : i32
      %dma_start3A_118 = arith.constant 256 : i32
      %dma_start3A_119 = arith.constant 0 : i32
      %dma_start3A_120 = tpu.memref_slice %arg9[%dma_start3A_117, %dma_start3A_118, %dma_start3A_119] : memref<2x512x1xf32, #tpu.memory_space<vmem>> -> memref<1x128x1xf32, #tpu.memory_space<vmem>>
      %dma_start3A_121 = tpu.memref_squeeze %dma_start3A_120 : memref<1x128x1xf32, #tpu.memory_space<vmem>> -> memref<128x1xf32, #tpu.memory_space<vmem>>
      %dma_start3A_122 = arith.constant 0 : i32
      %dma_start3A_123 = tpu.memref_slice %arg7[%dma_start3A_115, %dma_start3A_116, %dma_start3A_122] : memref<2x4x128xi32, #tpu.memory_space<vmem>> -> memref<1x1x128xi32, #tpu.memory_space<vmem>>
      %dma_start3A_124 = tpu.memref_squeeze %dma_start3A_123 : memref<1x1x128xi32, #tpu.memory_space<vmem>> -> memref<128xi32, #tpu.memory_space<vmem>>
      %dma_start3A_125 = arith.constant 0 : i32
      %dma_start3A_126 = arith.constant 0 : i32
      %dma_start3A_127 = tpu.memref_slice %arg2[%dma_start3A_125, %dma_start3A_126] : memref<100000x1xf32, #tpu.memory_space<hbm>> -> memref<100000x1xf32, #tpu.memory_space<hbm>>
      tpu.enqueue_indirect_dma source(%dma_start3A_127 : memref<100000x1xf32, #tpu.memory_space<hbm>>) target(%dma_start3A_121 : memref<128x1xf32, #tpu.memory_space<vmem>>) offsets(%dma_start3A_124 : memref<128xi32, #tpu.memory_space<vmem>>) semaphore(%arg12 : memref<!tpu.dma_semaphore, #tpu.memory_space<semaphore_mem>>)
      %dma_start3A_128 = arith.constant 1 : i32
      %dma_start3A_129 = arith.constant 3 : i32
      %dma_start3A_130 = arith.constant 1 : i32
      %dma_start3A_131 = arith.constant 384 : i32
      %dma_start3A_132 = arith.constant 0 : i32
      %dma_start3A_133 = tpu.memref_slice %arg9[%dma_start3A_130, %dma_start3A_131, %dma_start3A_132] : memref<2x512x1xf32, #tpu.memory_space<vmem>> -> memref<1x128x1xf32, #tpu.memory_space<vmem>>
      %dma_start3A_134 = tpu.memref_squeeze %dma_start3A_133 : memref<1x128x1xf32, #tpu.memory_space<vmem>> -> memref<128x1xf32, #tpu.memory_space<vmem>>
      %dma_start3A_135 = arith.constant 0 : i32
      %dma_start3A_136 = tpu.memref_slice %arg7[%dma_start3A_128, %dma_start3A_129, %dma_start3A_135] : memref<2x4x128xi32, #tpu.memory_space<vmem>> -> memref<1x1x128xi32, #tpu.memory_space<vmem>>
      %dma_start3A_137 = tpu.memref_squeeze %dma_start3A_136 : memref<1x1x128xi32, #tpu.memory_space<vmem>> -> memref<128xi32, #tpu.memory_space<vmem>>
      %dma_start3A_138 = arith.constant 0 : i32
      %dma_start3A_139 = arith.constant 0 : i32
      %dma_start3A_140 = tpu.memref_slice %arg2[%dma_start3A_138, %dma_start3A_139] : memref<100000x1xf32, #tpu.memory_space<hbm>> -> memref<100000x1xf32, #tpu.memory_space<hbm>>
      tpu.enqueue_indirect_dma source(%dma_start3A_140 : memref<100000x1xf32, #tpu.memory_space<hbm>>) target(%dma_start3A_134 : memref<128x1xf32, #tpu.memory_space<vmem>>) offsets(%dma_start3A_137 : memref<128xi32, #tpu.memory_space<vmem>>) semaphore(%arg12 : memref<!tpu.dma_semaphore, #tpu.memory_space<semaphore_mem>>)
      %dma_wait3A = arith.constant 0 : i32
      %dma_wait3A_141 = arith.constant 0 : i32
      %dma_wait3A_142 = arith.constant 0 : i32
      %dma_wait3A_143 = arith.constant 0 : i32
      %dma_wait3A_144 = arith.constant 0 : i32
      %dma_wait3A_145 = tpu.memref_slice %arg9[%dma_wait3A_142, %dma_wait3A_143, %dma_wait3A_144] : memref<2x512x1xf32, #tpu.memory_space<vmem>> -> memref<1x128x1xf32, #tpu.memory_space<vmem>>
      %dma_wait3A_146 = tpu.memref_squeeze %dma_wait3A_145 : memref<1x128x1xf32, #tpu.memory_space<vmem>> -> memref<128x1xf32, #tpu.memory_space<vmem>>
      %dma_wait3A_147 = arith.constant 0 : i32
      %dma_wait3A_148 = tpu.memref_slice %arg7[%dma_wait3A, %dma_wait3A_141, %dma_wait3A_147] : memref<2x4x128xi32, #tpu.memory_space<vmem>> -> memref<1x1x128xi32, #tpu.memory_space<vmem>>
      %dma_wait3A_149 = tpu.memref_squeeze %dma_wait3A_148 : memref<1x1x128xi32, #tpu.memory_space<vmem>> -> memref<128xi32, #tpu.memory_space<vmem>>
      %dma_wait3A_150 = arith.constant 0 : i32
      %dma_wait3A_151 = arith.constant 0 : i32
      %dma_wait3A_152 = tpu.memref_slice %arg2[%dma_wait3A_150, %dma_wait3A_151] : memref<100000x1xf32, #tpu.memory_space<hbm>> -> memref<100000x1xf32, #tpu.memory_space<hbm>>
      tpu.wait_indirect_dma semaphore(%arg11 : memref<!tpu.dma_semaphore, #tpu.memory_space<semaphore_mem>>) src(%dma_wait3A_152 : memref<100000x1xf32, #tpu.memory_space<hbm>>) dst(%dma_wait3A_146 : memref<128x1xf32, #tpu.memory_space<vmem>>)
      %dma_wait3A_153 = arith.constant 0 : i32
      %dma_wait3A_154 = arith.constant 1 : i32
      %dma_wait3A_155 = arith.constant 0 : i32
      %dma_wait3A_156 = arith.constant 128 : i32
      %dma_wait3A_157 = arith.constant 0 : i32
      %dma_wait3A_158 = tpu.memref_slice %arg9[%dma_wait3A_155, %dma_wait3A_156, %dma_wait3A_157] : memref<2x512x1xf32, #tpu.memory_space<vmem>> -> memref<1x128x1xf32, #tpu.memory_space<vmem>>
      %dma_wait3A_159 = tpu.memref_squeeze %dma_wait3A_158 : memref<1x128x1xf32, #tpu.memory_space<vmem>> -> memref<128x1xf32, #tpu.memory_space<vmem>>
      %dma_wait3A_160 = arith.constant 0 : i32
      %dma_wait3A_161 = tpu.memref_slice %arg7[%dma_wait3A_153, %dma_wait3A_154, %dma_wait3A_160] : memref<2x4x128xi32, #tpu.memory_space<vmem>> -> memref<1x1x128xi32, #tpu.memory_space<vmem>>
      %dma_wait3A_162 = tpu.memref_squeeze %dma_wait3A_161 : memref<1x1x128xi32, #tpu.memory_space<vmem>> -> memref<128xi32, #tpu.memory_space<vmem>>
      %dma_wait3A_163 = arith.constant 0 : i32
      %dma_wait3A_164 = arith.constant 0 : i32
      %dma_wait3A_165 = tpu.memref_slice %arg2[%dma_wait3A_163, %dma_wait3A_164] : memref<100000x1xf32, #tpu.memory_space<hbm>> -> memref<100000x1xf32, #tpu.memory_space<hbm>>
      tpu.wait_indirect_dma semaphore(%arg11 : memref<!tpu.dma_semaphore, #tpu.memory_space<semaphore_mem>>) src(%dma_wait3A_165 : memref<100000x1xf32, #tpu.memory_space<hbm>>) dst(%dma_wait3A_159 : memref<128x1xf32, #tpu.memory_space<vmem>>)
      %dma_wait3A_166 = arith.constant 0 : i32
      %dma_wait3A_167 = arith.constant 2 : i32
      %dma_wait3A_168 = arith.constant 0 : i32
      %dma_wait3A_169 = arith.constant 256 : i32
      %dma_wait3A_170 = arith.constant 0 : i32
      %dma_wait3A_171 = tpu.memref_slice %arg9[%dma_wait3A_168, %dma_wait3A_169, %dma_wait3A_170] : memref<2x512x1xf32, #tpu.memory_space<vmem>> -> memref<1x128x1xf32, #tpu.memory_space<vmem>>
      %dma_wait3A_172 = tpu.memref_squeeze %dma_wait3A_171 : memref<1x128x1xf32, #tpu.memory_space<vmem>> -> memref<128x1xf32, #tpu.memory_space<vmem>>
      %dma_wait3A_173 = arith.constant 0 : i32
      %dma_wait3A_174 = tpu.memref_slice %arg7[%dma_wait3A_166, %dma_wait3A_167, %dma_wait3A_173] : memref<2x4x128xi32, #tpu.memory_space<vmem>> -> memref<1x1x128xi32, #tpu.memory_space<vmem>>
      %dma_wait3A_175 = tpu.memref_squeeze %dma_wait3A_174 : memref<1x1x128xi32, #tpu.memory_space<vmem>> -> memref<128xi32, #tpu.memory_space<vmem>>
      %dma_wait3A_176 = arith.constant 0 : i32
      %dma_wait3A_177 = arith.constant 0 : i32
      %dma_wait3A_178 = tpu.memref_slice %arg2[%dma_wait3A_176, %dma_wait3A_177] : memref<100000x1xf32, #tpu.memory_space<hbm>> -> memref<100000x1xf32, #tpu.memory_space<hbm>>
      tpu.wait_indirect_dma semaphore(%arg11 : memref<!tpu.dma_semaphore, #tpu.memory_space<semaphore_mem>>) src(%dma_wait3A_178 : memref<100000x1xf32, #tpu.memory_space<hbm>>) dst(%dma_wait3A_172 : memref<128x1xf32, #tpu.memory_space<vmem>>)
      %dma_wait3A_179 = arith.constant 0 : i32
      %dma_wait3A_180 = arith.constant 3 : i32
      %dma_wait3A_181 = arith.constant 0 : i32
      %dma_wait3A_182 = arith.constant 384 : i32
      %dma_wait3A_183 = arith.constant 0 : i32
      %dma_wait3A_184 = tpu.memref_slice %arg9[%dma_wait3A_181, %dma_wait3A_182, %dma_wait3A_183] : memref<2x512x1xf32, #tpu.memory_space<vmem>> -> memref<1x128x1xf32, #tpu.memory_space<vmem>>
      %dma_wait3A_185 = tpu.memref_squeeze %dma_wait3A_184 : memref<1x128x1xf32, #tpu.memory_space<vmem>> -> memref<128x1xf32, #tpu.memory_space<vmem>>
      %dma_wait3A_186 = arith.constant 0 : i32
      %dma_wait3A_187 = tpu.memref_slice %arg7[%dma_wait3A_179, %dma_wait3A_180, %dma_wait3A_186] : memref<2x4x128xi32, #tpu.memory_space<vmem>> -> memref<1x1x128xi32, #tpu.memory_space<vmem>>
      %dma_wait3A_188 = tpu.memref_squeeze %dma_wait3A_187 : memref<1x1x128xi32, #tpu.memory_space<vmem>> -> memref<128xi32, #tpu.memory_space<vmem>>
      %dma_wait3A_189 = arith.constant 0 : i32
      %dma_wait3A_190 = arith.constant 0 : i32
      %dma_wait3A_191 = tpu.memref_slice %arg2[%dma_wait3A_189, %dma_wait3A_190] : memref<100000x1xf32, #tpu.memory_space<hbm>> -> memref<100000x1xf32, #tpu.memory_space<hbm>>
      tpu.wait_indirect_dma semaphore(%arg11 : memref<!tpu.dma_semaphore, #tpu.memory_space<semaphore_mem>>) src(%dma_wait3A_191 : memref<100000x1xf32, #tpu.memory_space<hbm>>) dst(%dma_wait3A_185 : memref<128x1xf32, #tpu.memory_space<vmem>>)
      %dma_start3A_192 = arith.constant 0 : i32
      %dma_start3A_193 = arith.constant 0 : i32
      %dma_start3A_194 = arith.constant 0 : i32
      %dma_start3A_195 = arith.constant 0 : i32
      %dma_start3A_196 = arith.constant 0 : i32
      %dma_start3A_197 = tpu.memref_slice %arg9[%dma_start3A_192, %dma_start3A_195, %dma_start3A_196] : memref<2x512x1xf32, #tpu.memory_space<vmem>> -> memref<1x128x1xf32, #tpu.memory_space<vmem>>
      %dma_start3A_198 = tpu.memref_squeeze %dma_start3A_197 : memref<1x128x1xf32, #tpu.memory_space<vmem>> -> memref<128x1xf32, #tpu.memory_space<vmem>>
      %dma_start3A_199 = arith.constant 0 : i32
      %dma_start3A_200 = tpu.memref_slice %arg8[%dma_start3A_193, %dma_start3A_194, %dma_start3A_199] : memref<2x4x128xi32, #tpu.memory_space<vmem>> -> memref<1x1x128xi32, #tpu.memory_space<vmem>>
      %dma_start3A_201 = tpu.memref_squeeze %dma_start3A_200 : memref<1x1x128xi32, #tpu.memory_space<vmem>> -> memref<128xi32, #tpu.memory_space<vmem>>
      %dma_start3A_202 = arith.constant 0 : i32
      %dma_start3A_203 = arith.constant 0 : i32
      %dma_start3A_204 = tpu.memref_slice %arg10[%dma_start3A_202, %dma_start3A_203] : memref<100096x1xf32, #tpu.memory_space<vmem_shared>> -> memref<100096x1xf32, #tpu.memory_space<vmem_shared>>
      tpu.enqueue_indirect_dma source(%dma_start3A_198 : memref<128x1xf32, #tpu.memory_space<vmem>>) target(%dma_start3A_204 : memref<100096x1xf32, #tpu.memory_space<vmem_shared>>) offsets(%dma_start3A_201 : memref<128xi32, #tpu.memory_space<vmem>>) semaphore(%arg13 : memref<!tpu.dma_semaphore, #tpu.memory_space<semaphore_mem>>) {add = true}
      %dma_start3A_205 = arith.constant 0 : i32
      %dma_start3A_206 = arith.constant 0 : i32
      %dma_start3A_207 = arith.constant 1 : i32
      %dma_start3A_208 = arith.constant 128 : i32
      %dma_start3A_209 = arith.constant 0 : i32
      %dma_start3A_210 = tpu.memref_slice %arg9[%dma_start3A_205, %dma_start3A_208, %dma_start3A_209] : memref<2x512x1xf32, #tpu.memory_space<vmem>> -> memref<1x128x1xf32, #tpu.memory_space<vmem>>
      %dma_start3A_211 = tpu.memref_squeeze %dma_start3A_210 : memref<1x128x1xf32, #tpu.memory_space<vmem>> -> memref<128x1xf32, #tpu.memory_space<vmem>>
      %dma_start3A_212 = arith.constant 0 : i32
      %dma_start3A_213 = tpu.memref_slice %arg8[%dma_start3A_206, %dma_start3A_207, %dma_start3A_212] : memref<2x4x128xi32, #tpu.memory_space<vmem>> -> memref<1x1x128xi32, #tpu.memory_space<vmem>>
      %dma_start3A_214 = tpu.memref_squeeze %dma_start3A_213 : memref<1x1x128xi32, #tpu.memory_space<vmem>> -> memref<128xi32, #tpu.memory_space<vmem>>
      %dma_start3A_215 = arith.constant 0 : i32
      %dma_start3A_216 = arith.constant 0 : i32
      %dma_start3A_217 = tpu.memref_slice %arg10[%dma_start3A_215, %dma_start3A_216] : memref<100096x1xf32, #tpu.memory_space<vmem_shared>> -> memref<100096x1xf32, #tpu.memory_space<vmem_shared>>
      tpu.enqueue_indirect_dma source(%dma_start3A_211 : memref<128x1xf32, #tpu.memory_space<vmem>>) target(%dma_start3A_217 : memref<100096x1xf32, #tpu.memory_space<vmem_shared>>) offsets(%dma_start3A_214 : memref<128xi32, #tpu.memory_space<vmem>>) semaphore(%arg13 : memref<!tpu.dma_semaphore, #tpu.memory_space<semaphore_mem>>) {add = true}
      %dma_start3A_218 = arith.constant 0 : i32
      %dma_start3A_219 = arith.constant 0 : i32
      %dma_start3A_220 = arith.constant 2 : i32
      %dma_start3A_221 = arith.constant 256 : i32
      %dma_start3A_222 = arith.constant 0 : i32
      %dma_start3A_223 = tpu.memref_slice %arg9[%dma_start3A_218, %dma_start3A_221, %dma_start3A_222] : memref<2x512x1xf32, #tpu.memory_space<vmem>> -> memref<1x128x1xf32, #tpu.memory_space<vmem>>
      %dma_start3A_224 = tpu.memref_squeeze %dma_start3A_223 : memref<1x128x1xf32, #tpu.memory_space<vmem>> -> memref<128x1xf32, #tpu.memory_space<vmem>>
      %dma_start3A_225 = arith.constant 0 : i32
      %dma_start3A_226 = tpu.memref_slice %arg8[%dma_start3A_219, %dma_start3A_220, %dma_start3A_225] : memref<2x4x128xi32, #tpu.memory_space<vmem>> -> memref<1x1x128xi32, #tpu.memory_space<vmem>>
      %dma_start3A_227 = tpu.memref_squeeze %dma_start3A_226 : memref<1x1x128xi32, #tpu.memory_space<vmem>> -> memref<128xi32, #tpu.memory_space<vmem>>
      %dma_start3A_228 = arith.constant 0 : i32
      %dma_start3A_229 = arith.constant 0 : i32
      %dma_start3A_230 = tpu.memref_slice %arg10[%dma_start3A_228, %dma_start3A_229] : memref<100096x1xf32, #tpu.memory_space<vmem_shared>> -> memref<100096x1xf32, #tpu.memory_space<vmem_shared>>
      tpu.enqueue_indirect_dma source(%dma_start3A_224 : memref<128x1xf32, #tpu.memory_space<vmem>>) target(%dma_start3A_230 : memref<100096x1xf32, #tpu.memory_space<vmem_shared>>) offsets(%dma_start3A_227 : memref<128xi32, #tpu.memory_space<vmem>>) semaphore(%arg13 : memref<!tpu.dma_semaphore, #tpu.memory_space<semaphore_mem>>) {add = true}
      %dma_start3A_231 = arith.constant 0 : i32
      %dma_start3A_232 = arith.constant 0 : i32
      %dma_start3A_233 = arith.constant 3 : i32
      %dma_start3A_234 = arith.constant 384 : i32
      %dma_start3A_235 = arith.constant 0 : i32
      %dma_start3A_236 = tpu.memref_slice %arg9[%dma_start3A_231, %dma_start3A_234, %dma_start3A_235] : memref<2x512x1xf32, #tpu.memory_space<vmem>> -> memref<1x128x1xf32, #tpu.memory_space<vmem>>
      %dma_start3A_237 = tpu.memref_squeeze %dma_start3A_236 : memref<1x128x1xf32, #tpu.memory_space<vmem>> -> memref<128x1xf32, #tpu.memory_space<vmem>>
      %dma_start3A_238 = arith.constant 0 : i32
      %dma_start3A_239 = tpu.memref_slice %arg8[%dma_start3A_232, %dma_start3A_233, %dma_start3A_238] : memref<2x4x128xi32, #tpu.memory_space<vmem>> -> memref<1x1x128xi32, #tpu.memory_space<vmem>>
      %dma_start3A_240 = tpu.memref_squeeze %dma_start3A_239 : memref<1x1x128xi32, #tpu.memory_space<vmem>> -> memref<128xi32, #tpu.memory_space<vmem>>
      %dma_start3A_241 = arith.constant 0 : i32
      %dma_start3A_242 = arith.constant 0 : i32
      %dma_start3A_243 = tpu.memref_slice %arg10[%dma_start3A_241, %dma_start3A_242] : memref<100096x1xf32, #tpu.memory_space<vmem_shared>> -> memref<100096x1xf32, #tpu.memory_space<vmem_shared>>
      tpu.enqueue_indirect_dma source(%dma_start3A_237 : memref<128x1xf32, #tpu.memory_space<vmem>>) target(%dma_start3A_243 : memref<100096x1xf32, #tpu.memory_space<vmem_shared>>) offsets(%dma_start3A_240 : memref<128xi32, #tpu.memory_space<vmem>>) semaphore(%arg13 : memref<!tpu.dma_semaphore, #tpu.memory_space<semaphore_mem>>) {add = true}
      %dma_wait3A_244 = arith.constant 1 : i32
      %dma_wait3A_245 = arith.constant 0 : i32
      %dma_wait3A_246 = arith.constant 1 : i32
      %dma_wait3A_247 = arith.constant 0 : i32
      %dma_wait3A_248 = arith.constant 0 : i32
      %dma_wait3A_249 = tpu.memref_slice %arg9[%dma_wait3A_246, %dma_wait3A_247, %dma_wait3A_248] : memref<2x512x1xf32, #tpu.memory_space<vmem>> -> memref<1x128x1xf32, #tpu.memory_space<vmem>>
      %dma_wait3A_250 = tpu.memref_squeeze %dma_wait3A_249 : memref<1x128x1xf32, #tpu.memory_space<vmem>> -> memref<128x1xf32, #tpu.memory_space<vmem>>
      %dma_wait3A_251 = arith.constant 0 : i32
      %dma_wait3A_252 = tpu.memref_slice %arg7[%dma_wait3A_244, %dma_wait3A_245, %dma_wait3A_251] : memref<2x4x128xi32, #tpu.memory_space<vmem>> -> memref<1x1x128xi32, #tpu.memory_space<vmem>>
      %dma_wait3A_253 = tpu.memref_squeeze %dma_wait3A_252 : memref<1x1x128xi32, #tpu.memory_space<vmem>> -> memref<128xi32, #tpu.memory_space<vmem>>
      %dma_wait3A_254 = arith.constant 0 : i32
      %dma_wait3A_255 = arith.constant 0 : i32
      %dma_wait3A_256 = tpu.memref_slice %arg2[%dma_wait3A_254, %dma_wait3A_255] : memref<100000x1xf32, #tpu.memory_space<hbm>> -> memref<100000x1xf32, #tpu.memory_space<hbm>>
      tpu.wait_indirect_dma semaphore(%arg12 : memref<!tpu.dma_semaphore, #tpu.memory_space<semaphore_mem>>) src(%dma_wait3A_256 : memref<100000x1xf32, #tpu.memory_space<hbm>>) dst(%dma_wait3A_250 : memref<128x1xf32, #tpu.memory_space<vmem>>)
      %dma_wait3A_257 = arith.constant 1 : i32
      %dma_wait3A_258 = arith.constant 1 : i32
      %dma_wait3A_259 = arith.constant 1 : i32
      %dma_wait3A_260 = arith.constant 128 : i32
      %dma_wait3A_261 = arith.constant 0 : i32
      %dma_wait3A_262 = tpu.memref_slice %arg9[%dma_wait3A_259, %dma_wait3A_260, %dma_wait3A_261] : memref<2x512x1xf32, #tpu.memory_space<vmem>> -> memref<1x128x1xf32, #tpu.memory_space<vmem>>
      %dma_wait3A_263 = tpu.memref_squeeze %dma_wait3A_262 : memref<1x128x1xf32, #tpu.memory_space<vmem>> -> memref<128x1xf32, #tpu.memory_space<vmem>>
      %dma_wait3A_264 = arith.constant 0 : i32
      %dma_wait3A_265 = tpu.memref_slice %arg7[%dma_wait3A_257, %dma_wait3A_258, %dma_wait3A_264] : memref<2x4x128xi32, #tpu.memory_space<vmem>> -> memref<1x1x128xi32, #tpu.memory_space<vmem>>
      %dma_wait3A_266 = tpu.memref_squeeze %dma_wait3A_265 : memref<1x1x128xi32, #tpu.memory_space<vmem>> -> memref<128xi32, #tpu.memory_space<vmem>>
      %dma_wait3A_267 = arith.constant 0 : i32
      %dma_wait3A_268 = arith.constant 0 : i32
      %dma_wait3A_269 = tpu.memref_slice %arg2[%dma_wait3A_267, %dma_wait3A_268] : memref<100000x1xf32, #tpu.memory_space<hbm>> -> memref<100000x1xf32, #tpu.memory_space<hbm>>
      tpu.wait_indirect_dma semaphore(%arg12 : memref<!tpu.dma_semaphore, #tpu.memory_space<semaphore_mem>>) src(%dma_wait3A_269 : memref<100000x1xf32, #tpu.memory_space<hbm>>) dst(%dma_wait3A_263 : memref<128x1xf32, #tpu.memory_space<vmem>>)
      %dma_wait3A_270 = arith.constant 1 : i32
      %dma_wait3A_271 = arith.constant 2 : i32
      %dma_wait3A_272 = arith.constant 1 : i32
      %dma_wait3A_273 = arith.constant 256 : i32
      %dma_wait3A_274 = arith.constant 0 : i32
      %dma_wait3A_275 = tpu.memref_slice %arg9[%dma_wait3A_272, %dma_wait3A_273, %dma_wait3A_274] : memref<2x512x1xf32, #tpu.memory_space<vmem>> -> memref<1x128x1xf32, #tpu.memory_space<vmem>>
      %dma_wait3A_276 = tpu.memref_squeeze %dma_wait3A_275 : memref<1x128x1xf32, #tpu.memory_space<vmem>> -> memref<128x1xf32, #tpu.memory_space<vmem>>
      %dma_wait3A_277 = arith.constant 0 : i32
      %dma_wait3A_278 = tpu.memref_slice %arg7[%dma_wait3A_270, %dma_wait3A_271, %dma_wait3A_277] : memref<2x4x128xi32, #tpu.memory_space<vmem>> -> memref<1x1x128xi32, #tpu.memory_space<vmem>>
      %dma_wait3A_279 = tpu.memref_squeeze %dma_wait3A_278 : memref<1x1x128xi32, #tpu.memory_space<vmem>> -> memref<128xi32, #tpu.memory_space<vmem>>
      %dma_wait3A_280 = arith.constant 0 : i32
      %dma_wait3A_281 = arith.constant 0 : i32
      %dma_wait3A_282 = tpu.memref_slice %arg2[%dma_wait3A_280, %dma_wait3A_281] : memref<100000x1xf32, #tpu.memory_space<hbm>> -> memref<100000x1xf32, #tpu.memory_space<hbm>>
      tpu.wait_indirect_dma semaphore(%arg12 : memref<!tpu.dma_semaphore, #tpu.memory_space<semaphore_mem>>) src(%dma_wait3A_282 : memref<100000x1xf32, #tpu.memory_space<hbm>>) dst(%dma_wait3A_276 : memref<128x1xf32, #tpu.memory_space<vmem>>)
      %dma_wait3A_283 = arith.constant 1 : i32
      %dma_wait3A_284 = arith.constant 3 : i32
      %dma_wait3A_285 = arith.constant 1 : i32
      %dma_wait3A_286 = arith.constant 384 : i32
      %dma_wait3A_287 = arith.constant 0 : i32
      %dma_wait3A_288 = tpu.memref_slice %arg9[%dma_wait3A_285, %dma_wait3A_286, %dma_wait3A_287] : memref<2x512x1xf32, #tpu.memory_space<vmem>> -> memref<1x128x1xf32, #tpu.memory_space<vmem>>
      %dma_wait3A_289 = tpu.memref_squeeze %dma_wait3A_288 : memref<1x128x1xf32, #tpu.memory_space<vmem>> -> memref<128x1xf32, #tpu.memory_space<vmem>>
      %dma_wait3A_290 = arith.constant 0 : i32
      %dma_wait3A_291 = tpu.memref_slice %arg7[%dma_wait3A_283, %dma_wait3A_284, %dma_wait3A_290] : memref<2x4x128xi32, #tpu.memory_space<vmem>> -> memref<1x1x128xi32, #tpu.memory_space<vmem>>
      %dma_wait3A_292 = tpu.memref_squeeze %dma_wait3A_291 : memref<1x1x128xi32, #tpu.memory_space<vmem>> -> memref<128xi32, #tpu.memory_space<vmem>>
      %dma_wait3A_293 = arith.constant 0 : i32
      %dma_wait3A_294 = arith.constant 0 : i32
      %dma_wait3A_295 = tpu.memref_slice %arg2[%dma_wait3A_293, %dma_wait3A_294] : memref<100000x1xf32, #tpu.memory_space<hbm>> -> memref<100000x1xf32, #tpu.memory_space<hbm>>
      tpu.wait_indirect_dma semaphore(%arg12 : memref<!tpu.dma_semaphore, #tpu.memory_space<semaphore_mem>>) src(%dma_wait3A_295 : memref<100000x1xf32, #tpu.memory_space<hbm>>) dst(%dma_wait3A_289 : memref<128x1xf32, #tpu.memory_space<vmem>>)
      %dma_start3A_296 = arith.constant 1 : i32
      %dma_start3A_297 = arith.constant 1 : i32
      %dma_start3A_298 = arith.constant 0 : i32
      %dma_start3A_299 = arith.constant 0 : i32
      %dma_start3A_300 = arith.constant 0 : i32
      %dma_start3A_301 = tpu.memref_slice %arg9[%dma_start3A_296, %dma_start3A_299, %dma_start3A_300] : memref<2x512x1xf32, #tpu.memory_space<vmem>> -> memref<1x128x1xf32, #tpu.memory_space<vmem>>
      %dma_start3A_302 = tpu.memref_squeeze %dma_start3A_301 : memref<1x128x1xf32, #tpu.memory_space<vmem>> -> memref<128x1xf32, #tpu.memory_space<vmem>>
      %dma_start3A_303 = arith.constant 0 : i32
      %dma_start3A_304 = tpu.memref_slice %arg8[%dma_start3A_297, %dma_start3A_298, %dma_start3A_303] : memref<2x4x128xi32, #tpu.memory_space<vmem>> -> memref<1x1x128xi32, #tpu.memory_space<vmem>>
      %dma_start3A_305 = tpu.memref_squeeze %dma_start3A_304 : memref<1x1x128xi32, #tpu.memory_space<vmem>> -> memref<128xi32, #tpu.memory_space<vmem>>
      %dma_start3A_306 = arith.constant 0 : i32
      %dma_start3A_307 = arith.constant 0 : i32
      %dma_start3A_308 = tpu.memref_slice %arg10[%dma_start3A_306, %dma_start3A_307] : memref<100096x1xf32, #tpu.memory_space<vmem_shared>> -> memref<100096x1xf32, #tpu.memory_space<vmem_shared>>
      tpu.enqueue_indirect_dma source(%dma_start3A_302 : memref<128x1xf32, #tpu.memory_space<vmem>>) target(%dma_start3A_308 : memref<100096x1xf32, #tpu.memory_space<vmem_shared>>) offsets(%dma_start3A_305 : memref<128xi32, #tpu.memory_space<vmem>>) semaphore(%arg14 : memref<!tpu.dma_semaphore, #tpu.memory_space<semaphore_mem>>) {add = true}
      %dma_start3A_309 = arith.constant 1 : i32
      %dma_start3A_310 = arith.constant 1 : i32
      %dma_start3A_311 = arith.constant 1 : i32
      %dma_start3A_312 = arith.constant 128 : i32
      %dma_start3A_313 = arith.constant 0 : i32
      %dma_start3A_314 = tpu.memref_slice %arg9[%dma_start3A_309, %dma_start3A_312, %dma_start3A_313] : memref<2x512x1xf32, #tpu.memory_space<vmem>> -> memref<1x128x1xf32, #tpu.memory_space<vmem>>
      %dma_start3A_315 = tpu.memref_squeeze %dma_start3A_314 : memref<1x128x1xf32, #tpu.memory_space<vmem>> -> memref<128x1xf32, #tpu.memory_space<vmem>>
      %dma_start3A_316 = arith.constant 0 : i32
      %dma_start3A_317 = tpu.memref_slice %arg8[%dma_start3A_310, %dma_start3A_311, %dma_start3A_316] : memref<2x4x128xi32, #tpu.memory_space<vmem>> -> memref<1x1x128xi32, #tpu.memory_space<vmem>>
      %dma_start3A_318 = tpu.memref_squeeze %dma_start3A_317 : memref<1x1x128xi32, #tpu.memory_space<vmem>> -> memref<128xi32, #tpu.memory_space<vmem>>
      %dma_start3A_319 = arith.constant 0 : i32
      %dma_start3A_320 = arith.constant 0 : i32
      %dma_start3A_321 = tpu.memref_slice %arg10[%dma_start3A_319, %dma_start3A_320] : memref<100096x1xf32, #tpu.memory_space<vmem_shared>> -> memref<100096x1xf32, #tpu.memory_space<vmem_shared>>
      tpu.enqueue_indirect_dma source(%dma_start3A_315 : memref<128x1xf32, #tpu.memory_space<vmem>>) target(%dma_start3A_321 : memref<100096x1xf32, #tpu.memory_space<vmem_shared>>) offsets(%dma_start3A_318 : memref<128xi32, #tpu.memory_space<vmem>>) semaphore(%arg14 : memref<!tpu.dma_semaphore, #tpu.memory_space<semaphore_mem>>) {add = true}
      %dma_start3A_322 = arith.constant 1 : i32
      %dma_start3A_323 = arith.constant 1 : i32
      %dma_start3A_324 = arith.constant 2 : i32
      %dma_start3A_325 = arith.constant 256 : i32
      %dma_start3A_326 = arith.constant 0 : i32
      %dma_start3A_327 = tpu.memref_slice %arg9[%dma_start3A_322, %dma_start3A_325, %dma_start3A_326] : memref<2x512x1xf32, #tpu.memory_space<vmem>> -> memref<1x128x1xf32, #tpu.memory_space<vmem>>
      %dma_start3A_328 = tpu.memref_squeeze %dma_start3A_327 : memref<1x128x1xf32, #tpu.memory_space<vmem>> -> memref<128x1xf32, #tpu.memory_space<vmem>>
      %dma_start3A_329 = arith.constant 0 : i32
      %dma_start3A_330 = tpu.memref_slice %arg8[%dma_start3A_323, %dma_start3A_324, %dma_start3A_329] : memref<2x4x128xi32, #tpu.memory_space<vmem>> -> memref<1x1x128xi32, #tpu.memory_space<vmem>>
      %dma_start3A_331 = tpu.memref_squeeze %dma_start3A_330 : memref<1x1x128xi32, #tpu.memory_space<vmem>> -> memref<128xi32, #tpu.memory_space<vmem>>
      %dma_start3A_332 = arith.constant 0 : i32
      %dma_start3A_333 = arith.constant 0 : i32
      %dma_start3A_334 = tpu.memref_slice %arg10[%dma_start3A_332, %dma_start3A_333] : memref<100096x1xf32, #tpu.memory_space<vmem_shared>> -> memref<100096x1xf32, #tpu.memory_space<vmem_shared>>
      tpu.enqueue_indirect_dma source(%dma_start3A_328 : memref<128x1xf32, #tpu.memory_space<vmem>>) target(%dma_start3A_334 : memref<100096x1xf32, #tpu.memory_space<vmem_shared>>) offsets(%dma_start3A_331 : memref<128xi32, #tpu.memory_space<vmem>>) semaphore(%arg14 : memref<!tpu.dma_semaphore, #tpu.memory_space<semaphore_mem>>) {add = true}
      %dma_start3A_335 = arith.constant 1 : i32
      %dma_start3A_336 = arith.constant 1 : i32
      %dma_start3A_337 = arith.constant 3 : i32
      %dma_start3A_338 = arith.constant 384 : i32
      %dma_start3A_339 = arith.constant 0 : i32
      %dma_start3A_340 = tpu.memref_slice %arg9[%dma_start3A_335, %dma_start3A_338, %dma_start3A_339] : memref<2x512x1xf32, #tpu.memory_space<vmem>> -> memref<1x128x1xf32, #tpu.memory_space<vmem>>
      %dma_start3A_341 = tpu.memref_squeeze %dma_start3A_340 : memref<1x128x1xf32, #tpu.memory_space<vmem>> -> memref<128x1xf32, #tpu.memory_space<vmem>>
      %dma_start3A_342 = arith.constant 0 : i32
      %dma_start3A_343 = tpu.memref_slice %arg8[%dma_start3A_336, %dma_start3A_337, %dma_start3A_342] : memref<2x4x128xi32, #tpu.memory_space<vmem>> -> memref<1x1x128xi32, #tpu.memory_space<vmem>>
      %dma_start3A_344 = tpu.memref_squeeze %dma_start3A_343 : memref<1x1x128xi32, #tpu.memory_space<vmem>> -> memref<128xi32, #tpu.memory_space<vmem>>
      %dma_start3A_345 = arith.constant 0 : i32
      %dma_start3A_346 = arith.constant 0 : i32
      %dma_start3A_347 = tpu.memref_slice %arg10[%dma_start3A_345, %dma_start3A_346] : memref<100096x1xf32, #tpu.memory_space<vmem_shared>> -> memref<100096x1xf32, #tpu.memory_space<vmem_shared>>
      tpu.enqueue_indirect_dma source(%dma_start3A_341 : memref<128x1xf32, #tpu.memory_space<vmem>>) target(%dma_start3A_347 : memref<100096x1xf32, #tpu.memory_space<vmem_shared>>) offsets(%dma_start3A_344 : memref<128xi32, #tpu.memory_space<vmem>>) semaphore(%arg14 : memref<!tpu.dma_semaphore, #tpu.memory_space<semaphore_mem>>) {add = true}
      %dma_wait3A_348 = arith.constant 0 : i32
      %dma_wait3A_349 = arith.constant 0 : i32
      %dma_wait3A_350 = arith.constant 0 : i32
      %dma_wait3A_351 = arith.constant 0 : i32
      %dma_wait3A_352 = arith.constant 0 : i32
      %dma_wait3A_353 = tpu.memref_slice %arg9[%dma_wait3A_348, %dma_wait3A_351, %dma_wait3A_352] : memref<2x512x1xf32, #tpu.memory_space<vmem>> -> memref<1x128x1xf32, #tpu.memory_space<vmem>>
      %dma_wait3A_354 = tpu.memref_squeeze %dma_wait3A_353 : memref<1x128x1xf32, #tpu.memory_space<vmem>> -> memref<128x1xf32, #tpu.memory_space<vmem>>
      %dma_wait3A_355 = arith.constant 0 : i32
      %dma_wait3A_356 = tpu.memref_slice %arg8[%dma_wait3A_349, %dma_wait3A_350, %dma_wait3A_355] : memref<2x4x128xi32, #tpu.memory_space<vmem>> -> memref<1x1x128xi32, #tpu.memory_space<vmem>>
      %dma_wait3A_357 = tpu.memref_squeeze %dma_wait3A_356 : memref<1x1x128xi32, #tpu.memory_space<vmem>> -> memref<128xi32, #tpu.memory_space<vmem>>
      %dma_wait3A_358 = arith.constant 0 : i32
      %dma_wait3A_359 = arith.constant 0 : i32
      %dma_wait3A_360 = tpu.memref_slice %arg10[%dma_wait3A_358, %dma_wait3A_359] : memref<100096x1xf32, #tpu.memory_space<vmem_shared>> -> memref<100096x1xf32, #tpu.memory_space<vmem_shared>>
      tpu.wait_indirect_dma semaphore(%arg13 : memref<!tpu.dma_semaphore, #tpu.memory_space<semaphore_mem>>) src(%dma_wait3A_354 : memref<128x1xf32, #tpu.memory_space<vmem>>) dst(%dma_wait3A_360 : memref<100096x1xf32, #tpu.memory_space<vmem_shared>>)
      %dma_wait3A_361 = arith.constant 0 : i32
      %dma_wait3A_362 = arith.constant 0 : i32
      %dma_wait3A_363 = arith.constant 1 : i32
      %dma_wait3A_364 = arith.constant 128 : i32
      %dma_wait3A_365 = arith.constant 0 : i32
      %dma_wait3A_366 = tpu.memref_slice %arg9[%dma_wait3A_361, %dma_wait3A_364, %dma_wait3A_365] : memref<2x512x1xf32, #tpu.memory_space<vmem>> -> memref<1x128x1xf32, #tpu.memory_space<vmem>>
      %dma_wait3A_367 = tpu.memref_squeeze %dma_wait3A_366 : memref<1x128x1xf32, #tpu.memory_space<vmem>> -> memref<128x1xf32, #tpu.memory_space<vmem>>
      %dma_wait3A_368 = arith.constant 0 : i32
      %dma_wait3A_369 = tpu.memref_slice %arg8[%dma_wait3A_362, %dma_wait3A_363, %dma_wait3A_368] : memref<2x4x128xi32, #tpu.memory_space<vmem>> -> memref<1x1x128xi32, #tpu.memory_space<vmem>>
      %dma_wait3A_370 = tpu.memref_squeeze %dma_wait3A_369 : memref<1x1x128xi32, #tpu.memory_space<vmem>> -> memref<128xi32, #tpu.memory_space<vmem>>
      %dma_wait3A_371 = arith.constant 0 : i32
      %dma_wait3A_372 = arith.constant 0 : i32
      %dma_wait3A_373 = tpu.memref_slice %arg10[%dma_wait3A_371, %dma_wait3A_372] : memref<100096x1xf32, #tpu.memory_space<vmem_shared>> -> memref<100096x1xf32, #tpu.memory_space<vmem_shared>>
      tpu.wait_indirect_dma semaphore(%arg13 : memref<!tpu.dma_semaphore, #tpu.memory_space<semaphore_mem>>) src(%dma_wait3A_367 : memref<128x1xf32, #tpu.memory_space<vmem>>) dst(%dma_wait3A_373 : memref<100096x1xf32, #tpu.memory_space<vmem_shared>>)
      %dma_wait3A_374 = arith.constant 0 : i32
      %dma_wait3A_375 = arith.constant 0 : i32
      %dma_wait3A_376 = arith.constant 2 : i32
      %dma_wait3A_377 = arith.constant 256 : i32
      %dma_wait3A_378 = arith.constant 0 : i32
      %dma_wait3A_379 = tpu.memref_slice %arg9[%dma_wait3A_374, %dma_wait3A_377, %dma_wait3A_378] : memref<2x512x1xf32, #tpu.memory_space<vmem>> -> memref<1x128x1xf32, #tpu.memory_space<vmem>>
      %dma_wait3A_380 = tpu.memref_squeeze %dma_wait3A_379 : memref<1x128x1xf32, #tpu.memory_space<vmem>> -> memref<128x1xf32, #tpu.memory_space<vmem>>
      %dma_wait3A_381 = arith.constant 0 : i32
      %dma_wait3A_382 = tpu.memref_slice %arg8[%dma_wait3A_375, %dma_wait3A_376, %dma_wait3A_381] : memref<2x4x128xi32, #tpu.memory_space<vmem>> -> memref<1x1x128xi32, #tpu.memory_space<vmem>>
      %dma_wait3A_383 = tpu.memref_squeeze %dma_wait3A_382 : memref<1x1x128xi32, #tpu.memory_space<vmem>> -> memref<128xi32, #tpu.memory_space<vmem>>
      %dma_wait3A_384 = arith.constant 0 : i32
      %dma_wait3A_385 = arith.constant 0 : i32
      %dma_wait3A_386 = tpu.memref_slice %arg10[%dma_wait3A_384, %dma_wait3A_385] : memref<100096x1xf32, #tpu.memory_space<vmem_shared>> -> memref<100096x1xf32, #tpu.memory_space<vmem_shared>>
      tpu.wait_indirect_dma semaphore(%arg13 : memref<!tpu.dma_semaphore, #tpu.memory_space<semaphore_mem>>) src(%dma_wait3A_380 : memref<128x1xf32, #tpu.memory_space<vmem>>) dst(%dma_wait3A_386 : memref<100096x1xf32, #tpu.memory_space<vmem_shared>>)
      %dma_wait3A_387 = arith.constant 0 : i32
      %dma_wait3A_388 = arith.constant 0 : i32
      %dma_wait3A_389 = arith.constant 3 : i32
      %dma_wait3A_390 = arith.constant 384 : i32
      %dma_wait3A_391 = arith.constant 0 : i32
      %dma_wait3A_392 = tpu.memref_slice %arg9[%dma_wait3A_387, %dma_wait3A_390, %dma_wait3A_391] : memref<2x512x1xf32, #tpu.memory_space<vmem>> -> memref<1x128x1xf32, #tpu.memory_space<vmem>>
      %dma_wait3A_393 = tpu.memref_squeeze %dma_wait3A_392 : memref<1x128x1xf32, #tpu.memory_space<vmem>> -> memref<128x1xf32, #tpu.memory_space<vmem>>
      %dma_wait3A_394 = arith.constant 0 : i32
      %dma_wait3A_395 = tpu.memref_slice %arg8[%dma_wait3A_388, %dma_wait3A_389, %dma_wait3A_394] : memref<2x4x128xi32, #tpu.memory_space<vmem>> -> memref<1x1x128xi32, #tpu.memory_space<vmem>>
      %dma_wait3A_396 = tpu.memref_squeeze %dma_wait3A_395 : memref<1x1x128xi32, #tpu.memory_space<vmem>> -> memref<128xi32, #tpu.memory_space<vmem>>
      %dma_wait3A_397 = arith.constant 0 : i32
      %dma_wait3A_398 = arith.constant 0 : i32
      %dma_wait3A_399 = tpu.memref_slice %arg10[%dma_wait3A_397, %dma_wait3A_398] : memref<100096x1xf32, #tpu.memory_space<vmem_shared>> -> memref<100096x1xf32, #tpu.memory_space<vmem_shared>>
      tpu.wait_indirect_dma semaphore(%arg13 : memref<!tpu.dma_semaphore, #tpu.memory_space<semaphore_mem>>) src(%dma_wait3A_393 : memref<128x1xf32, #tpu.memory_space<vmem>>) dst(%dma_wait3A_399 : memref<100096x1xf32, #tpu.memory_space<vmem_shared>>)
      %dma_wait3A_400 = arith.constant 1 : i32
      %dma_wait3A_401 = arith.constant 1 : i32
      %dma_wait3A_402 = arith.constant 0 : i32
      %dma_wait3A_403 = arith.constant 0 : i32
      %dma_wait3A_404 = arith.constant 0 : i32
      %dma_wait3A_405 = tpu.memref_slice %arg9[%dma_wait3A_400, %dma_wait3A_403, %dma_wait3A_404] : memref<2x512x1xf32, #tpu.memory_space<vmem>> -> memref<1x128x1xf32, #tpu.memory_space<vmem>>
      %dma_wait3A_406 = tpu.memref_squeeze %dma_wait3A_405 : memref<1x128x1xf32, #tpu.memory_space<vmem>> -> memref<128x1xf32, #tpu.memory_space<vmem>>
      %dma_wait3A_407 = arith.constant 0 : i32
      %dma_wait3A_408 = tpu.memref_slice %arg8[%dma_wait3A_401, %dma_wait3A_402, %dma_wait3A_407] : memref<2x4x128xi32, #tpu.memory_space<vmem>> -> memref<1x1x128xi32, #tpu.memory_space<vmem>>
      %dma_wait3A_409 = tpu.memref_squeeze %dma_wait3A_408 : memref<1x1x128xi32, #tpu.memory_space<vmem>> -> memref<128xi32, #tpu.memory_space<vmem>>
      %dma_wait3A_410 = arith.constant 0 : i32
      %dma_wait3A_411 = arith.constant 0 : i32
      %dma_wait3A_412 = tpu.memref_slice %arg10[%dma_wait3A_410, %dma_wait3A_411] : memref<100096x1xf32, #tpu.memory_space<vmem_shared>> -> memref<100096x1xf32, #tpu.memory_space<vmem_shared>>
      tpu.wait_indirect_dma semaphore(%arg14 : memref<!tpu.dma_semaphore, #tpu.memory_space<semaphore_mem>>) src(%dma_wait3A_406 : memref<128x1xf32, #tpu.memory_space<vmem>>) dst(%dma_wait3A_412 : memref<100096x1xf32, #tpu.memory_space<vmem_shared>>)
      %dma_wait3A_413 = arith.constant 1 : i32
      %dma_wait3A_414 = arith.constant 1 : i32
      %dma_wait3A_415 = arith.constant 1 : i32
      %dma_wait3A_416 = arith.constant 128 : i32
      %dma_wait3A_417 = arith.constant 0 : i32
      %dma_wait3A_418 = tpu.memref_slice %arg9[%dma_wait3A_413, %dma_wait3A_416, %dma_wait3A_417] : memref<2x512x1xf32, #tpu.memory_space<vmem>> -> memref<1x128x1xf32, #tpu.memory_space<vmem>>
      %dma_wait3A_419 = tpu.memref_squeeze %dma_wait3A_418 : memref<1x128x1xf32, #tpu.memory_space<vmem>> -> memref<128x1xf32, #tpu.memory_space<vmem>>
      %dma_wait3A_420 = arith.constant 0 : i32
      %dma_wait3A_421 = tpu.memref_slice %arg8[%dma_wait3A_414, %dma_wait3A_415, %dma_wait3A_420] : memref<2x4x128xi32, #tpu.memory_space<vmem>> -> memref<1x1x128xi32, #tpu.memory_space<vmem>>
      %dma_wait3A_422 = tpu.memref_squeeze %dma_wait3A_421 : memref<1x1x128xi32, #tpu.memory_space<vmem>> -> memref<128xi32, #tpu.memory_space<vmem>>
      %dma_wait3A_423 = arith.constant 0 : i32
      %dma_wait3A_424 = arith.constant 0 : i32
      %dma_wait3A_425 = tpu.memref_slice %arg10[%dma_wait3A_423, %dma_wait3A_424] : memref<100096x1xf32, #tpu.memory_space<vmem_shared>> -> memref<100096x1xf32, #tpu.memory_space<vmem_shared>>
      tpu.wait_indirect_dma semaphore(%arg14 : memref<!tpu.dma_semaphore, #tpu.memory_space<semaphore_mem>>) src(%dma_wait3A_419 : memref<128x1xf32, #tpu.memory_space<vmem>>) dst(%dma_wait3A_425 : memref<100096x1xf32, #tpu.memory_space<vmem_shared>>)
      %dma_wait3A_426 = arith.constant 1 : i32
      %dma_wait3A_427 = arith.constant 1 : i32
      %dma_wait3A_428 = arith.constant 2 : i32
      %dma_wait3A_429 = arith.constant 256 : i32
      %dma_wait3A_430 = arith.constant 0 : i32
      %dma_wait3A_431 = tpu.memref_slice %arg9[%dma_wait3A_426, %dma_wait3A_429, %dma_wait3A_430] : memref<2x512x1xf32, #tpu.memory_space<vmem>> -> memref<1x128x1xf32, #tpu.memory_space<vmem>>
      %dma_wait3A_432 = tpu.memref_squeeze %dma_wait3A_431 : memref<1x128x1xf32, #tpu.memory_space<vmem>> -> memref<128x1xf32, #tpu.memory_space<vmem>>
      %dma_wait3A_433 = arith.constant 0 : i32
      %dma_wait3A_434 = tpu.memref_slice %arg8[%dma_wait3A_427, %dma_wait3A_428, %dma_wait3A_433] : memref<2x4x128xi32, #tpu.memory_space<vmem>> -> memref<1x1x128xi32, #tpu.memory_space<vmem>>
      %dma_wait3A_435 = tpu.memref_squeeze %dma_wait3A_434 : memref<1x1x128xi32, #tpu.memory_space<vmem>> -> memref<128xi32, #tpu.memory_space<vmem>>
      %dma_wait3A_436 = arith.constant 0 : i32
      %dma_wait3A_437 = arith.constant 0 : i32
      %dma_wait3A_438 = tpu.memref_slice %arg10[%dma_wait3A_436, %dma_wait3A_437] : memref<100096x1xf32, #tpu.memory_space<vmem_shared>> -> memref<100096x1xf32, #tpu.memory_space<vmem_shared>>
      tpu.wait_indirect_dma semaphore(%arg14 : memref<!tpu.dma_semaphore, #tpu.memory_space<semaphore_mem>>) src(%dma_wait3A_432 : memref<128x1xf32, #tpu.memory_space<vmem>>) dst(%dma_wait3A_438 : memref<100096x1xf32, #tpu.memory_space<vmem_shared>>)
      %dma_wait3A_439 = arith.constant 1 : i32
      %dma_wait3A_440 = arith.constant 1 : i32
      %dma_wait3A_441 = arith.constant 3 : i32
      %dma_wait3A_442 = arith.constant 384 : i32
      %dma_wait3A_443 = arith.constant 0 : i32
      %dma_wait3A_444 = tpu.memref_slice %arg9[%dma_wait3A_439, %dma_wait3A_442, %dma_wait3A_443] : memref<2x512x1xf32, #tpu.memory_space<vmem>> -> memref<1x128x1xf32, #tpu.memory_space<vmem>>
      %dma_wait3A_445 = tpu.memref_squeeze %dma_wait3A_444 : memref<1x128x1xf32, #tpu.memory_space<vmem>> -> memref<128x1xf32, #tpu.memory_space<vmem>>
      %dma_wait3A_446 = arith.constant 0 : i32
      %dma_wait3A_447 = tpu.memref_slice %arg8[%dma_wait3A_440, %dma_wait3A_441, %dma_wait3A_446] : memref<2x4x128xi32, #tpu.memory_space<vmem>> -> memref<1x1x128xi32, #tpu.memory_space<vmem>>
      %dma_wait3A_448 = tpu.memref_squeeze %dma_wait3A_447 : memref<1x1x128xi32, #tpu.memory_space<vmem>> -> memref<128xi32, #tpu.memory_space<vmem>>
      %dma_wait3A_449 = arith.constant 0 : i32
      %dma_wait3A_450 = arith.constant 0 : i32
      %dma_wait3A_451 = tpu.memref_slice %arg10[%dma_wait3A_449, %dma_wait3A_450] : memref<100096x1xf32, #tpu.memory_space<vmem_shared>> -> memref<100096x1xf32, #tpu.memory_space<vmem_shared>>
      tpu.wait_indirect_dma semaphore(%arg14 : memref<!tpu.dma_semaphore, #tpu.memory_space<semaphore_mem>>) src(%dma_wait3A_445 : memref<128x1xf32, #tpu.memory_space<vmem>>) dst(%dma_wait3A_451 : memref<100096x1xf32, #tpu.memory_space<vmem_shared>>)
    }
    %scan3A_8 = arith.constant 98 : i32
    %barrier3A_9 = arith.constant 0 : index
    tpu.barrier barrier_id(%barrier3A_9)
    %mul3A_10 = arith.constant 6256 : i32
    %mul3A_11 = arith.muli %arg1, %mul3A_10 : i32
    %mul3A_12 = arith.constant 6256 : i32
    %mul3A_13 = arith.muli %arg1, %mul3A_12 : i32
    "tpu.region"() ({
      %run_scoped3A = tpu.sem_alloc : memref<!tpu.dma_semaphore, #tpu.memory_space<semaphore_mem>>
      %dma_start3A = arith.constant 0 : i32
      %dma_start3A_14 = tpu.memref_slice %arg6[%arg0, %mul3A_13, %dma_start3A] : memref<2x100096x1xf32, #tpu.memory_space<hbm>> -> memref<1x6256x1xf32, #tpu.memory_space<hbm>>
      %dma_start3A_15 = tpu.memref_squeeze %dma_start3A_14 : memref<1x6256x1xf32, #tpu.memory_space<hbm>> -> memref<6256x1xf32, #tpu.memory_space<hbm>>
      %dma_start3A_16 = arith.constant 0 : i32
      %dma_start3A_17 = tpu.memref_slice %arg10[%mul3A_11, %dma_start3A_16] : memref<100096x1xf32, #tpu.memory_space<vmem_shared>> -> memref<6256x1xf32, #tpu.memory_space<vmem_shared>>
      tpu.enqueue_dma source(%dma_start3A_17 : memref<6256x1xf32, #tpu.memory_space<vmem_shared>>) target(%dma_start3A_15 : memref<6256x1xf32, #tpu.memory_space<hbm>>) target_semaphore(%run_scoped3A : memref<!tpu.dma_semaphore, #tpu.memory_space<semaphore_mem>>)
      %dma_wait3A = arith.constant 0 : i32
      %dma_wait3A_18 = tpu.memref_slice %arg6[%arg0, %mul3A_13, %dma_wait3A] : memref<2x100096x1xf32, #tpu.memory_space<hbm>> -> memref<1x6256x1xf32, #tpu.memory_space<hbm>>
      %dma_wait3A_19 = tpu.memref_squeeze %dma_wait3A_18 : memref<1x6256x1xf32, #tpu.memory_space<hbm>> -> memref<6256x1xf32, #tpu.memory_space<hbm>>
      %dma_wait3A_20 = arith.constant 0 : i32
      %dma_wait3A_21 = tpu.memref_slice %arg10[%mul3A_11, %dma_wait3A_20] : memref<100096x1xf32, #tpu.memory_space<vmem_shared>> -> memref<6256x1xf32, #tpu.memory_space<vmem_shared>>
      tpu.wait_dma2 semaphore(%run_scoped3A : memref<!tpu.dma_semaphore, #tpu.memory_space<semaphore_mem>>) src(%dma_wait3A_21 : memref<6256x1xf32, #tpu.memory_space<vmem_shared>>) dst(%dma_wait3A_19 : memref<6256x1xf32, #tpu.memory_space<hbm>>)
      tpu.yield
    }) : () -> ()
    return
  }
}

#map = affine_map<(d0, d1) -> (0, 0, 0)>
#map1 = affine_map<(d0, d1) -> (0, 0)>
module attributes {stable_mosaic.version = 14 : i64} {
  func.func @_deg_body(%arg0: i32, %arg1: i32, %arg2: memref<32x784x128xi32, #tpu.memory_space<hbm>>, %arg3: memref<512x1xf32, #tpu.memory_space<hbm>>, %arg4: memref<100096x1xf32, #tpu.memory_space<hbm>>, %arg5: memref<2x100096x1xf32, #tpu.memory_space<hbm>>, %arg6: memref<2x4x128xi32, #tpu.memory_space<vmem>>, %arg7: memref<512x1xf32, #tpu.memory_space<vmem>>, %arg8: memref<100096x1xf32, #tpu.memory_space<vmem_shared>>, %arg9: memref<!tpu.dma_semaphore, #tpu.memory_space<semaphore_mem>>, %arg10: memref<!tpu.dma_semaphore, #tpu.memory_space<semaphore_mem>>) attributes {dimension_semantics = [#tpu.dimension_semantics<core_parallel>, #tpu.dimension_semantics<subcore_parallel>], iteration_bounds = array<i64: 2, 16>, scalar_prefetch = 0 : i64, scratch_operands = 5 : i64, tpu.core_type = #tpu.core_type<sc_vector_subcore>, window_params = [{transform_indices = #map}, {transform_indices = #map1}, {transform_indices = #map1}, {transform_indices = #map}]} {
    %mul3A = arith.constant 16 : i32
    %mul3A_0 = arith.muli %arg0, %mul3A : i32
    %add3A = arith.addi %mul3A_0, %arg1 : i32
    %mul3A_1 = arith.constant 6256 : i32
    %mul3A_2 = arith.muli %arg1, %mul3A_1 : i32
    %mul3A_3 = arith.constant 6256 : i32
    %mul3A_4 = arith.muli %arg1, %mul3A_3 : i32
    "tpu.region"() ({
      %run_scoped3A = tpu.sem_alloc : memref<!tpu.dma_semaphore, #tpu.memory_space<semaphore_mem>>
      %dma_start3A = arith.constant 0 : i32
      %dma_start3A_14 = tpu.memref_slice %arg8[%mul3A_4, %dma_start3A] : memref<100096x1xf32, #tpu.memory_space<vmem_shared>> -> memref<6256x1xf32, #tpu.memory_space<vmem_shared>>
      %dma_start3A_15 = arith.constant 0 : i32
      %dma_start3A_16 = tpu.memref_slice %arg4[%mul3A_2, %dma_start3A_15] : memref<100096x1xf32, #tpu.memory_space<hbm>> -> memref<6256x1xf32, #tpu.memory_space<hbm>>
      tpu.enqueue_dma source(%dma_start3A_16 : memref<6256x1xf32, #tpu.memory_space<hbm>>) target(%dma_start3A_14 : memref<6256x1xf32, #tpu.memory_space<vmem_shared>>) target_semaphore(%run_scoped3A : memref<!tpu.dma_semaphore, #tpu.memory_space<semaphore_mem>>)
      %dma_wait3A = arith.constant 0 : i32
      %dma_wait3A_17 = tpu.memref_slice %arg8[%mul3A_4, %dma_wait3A] : memref<100096x1xf32, #tpu.memory_space<vmem_shared>> -> memref<6256x1xf32, #tpu.memory_space<vmem_shared>>
      %dma_wait3A_18 = arith.constant 0 : i32
      %dma_wait3A_19 = tpu.memref_slice %arg4[%mul3A_2, %dma_wait3A_18] : memref<100096x1xf32, #tpu.memory_space<hbm>> -> memref<6256x1xf32, #tpu.memory_space<hbm>>
      tpu.wait_dma2 semaphore(%run_scoped3A : memref<!tpu.dma_semaphore, #tpu.memory_space<semaphore_mem>>) src(%dma_wait3A_19 : memref<6256x1xf32, #tpu.memory_space<hbm>>) dst(%dma_wait3A_17 : memref<6256x1xf32, #tpu.memory_space<vmem_shared>>)
      tpu.yield
    }) : () -> ()
    "tpu.region"() ({
      %run_scoped3A = tpu.sem_alloc : memref<!tpu.dma_semaphore, #tpu.memory_space<semaphore_mem>>
      tpu.enqueue_dma source(%arg3 : memref<512x1xf32, #tpu.memory_space<hbm>>) target(%arg7 : memref<512x1xf32, #tpu.memory_space<vmem>>) target_semaphore(%run_scoped3A : memref<!tpu.dma_semaphore, #tpu.memory_space<semaphore_mem>>)
      tpu.wait_dma2 semaphore(%run_scoped3A : memref<!tpu.dma_semaphore, #tpu.memory_space<semaphore_mem>>) src(%arg3 : memref<512x1xf32, #tpu.memory_space<hbm>>) dst(%arg7 : memref<512x1xf32, #tpu.memory_space<vmem>>)
      tpu.yield
    }) : () -> ()
    %barrier3A = arith.constant 0 : index
    tpu.barrier barrier_id(%barrier3A)
    %scan3A = arith.constant 0 : i32
    %scan3A_5 = arith.constant 98 : i32
    %scan3A_6 = arith.addi %scan3A, %scan3A_5 : i32
    %scan3A_7 = arith.constant 1 : i32
    scf.for %scan3A_14 = %scan3A to %scan3A_6 step %scan3A_7  : i32 {
      %mul3A_15 = arith.constant 1 : i32
      %mul3A_16 = arith.muli %scan3A_14, %mul3A_15 : i32
      %add3A_17 = arith.constant 0 : i32
      %add3A_18 = arith.addi %add3A_17, %mul3A_16 : i32
      %mul3A_19 = arith.constant 2 : i32
      %mul3A_20 = arith.muli %add3A_18, %mul3A_19 : i32
      %add3A_21 = arith.constant 0 : i32
      %add3A_22 = arith.addi %mul3A_20, %add3A_21 : i32
      %mul3A_23 = arith.constant 4 : i32
      %mul3A_24 = arith.muli %add3A_22, %mul3A_23 : i32
      %run_scoped3A = arith.constant 0 : i32
      "tpu.region"() ({
        %run_scoped3A_206 = tpu.sem_alloc : memref<!tpu.dma_semaphore, #tpu.memory_space<semaphore_mem>>
        %dma_start3A_207 = arith.constant 0 : i32
        %dma_start3A_208 = arith.constant 0 : i32
        %dma_start3A_209 = tpu.memref_slice %arg6[%run_scoped3A, %dma_start3A_207, %dma_start3A_208] : memref<2x4x128xi32, #tpu.memory_space<vmem>> -> memref<1x4x128xi32, #tpu.memory_space<vmem>>
        %dma_start3A_210 = tpu.memref_squeeze %dma_start3A_209 : memref<1x4x128xi32, #tpu.memory_space<vmem>> -> memref<4x128xi32, #tpu.memory_space<vmem>>
        %dma_start3A_211 = arith.constant 0 : i32
        %dma_start3A_212 = tpu.memref_slice %arg2[%add3A, %mul3A_24, %dma_start3A_211] : memref<32x784x128xi32, #tpu.memory_space<hbm>> -> memref<1x4x128xi32, #tpu.memory_space<hbm>>
        %dma_start3A_213 = tpu.memref_squeeze %dma_start3A_212 : memref<1x4x128xi32, #tpu.memory_space<hbm>> -> memref<4x128xi32, #tpu.memory_space<hbm>>
        %dma_start3A_214 = arith.constant 0 : i32
        %dma_start3A_215 = arith.constant 0 : i32
        %dma_start3A_216 = tpu.memref_slice %arg6[%run_scoped3A, %dma_start3A_214, %dma_start3A_215] : memref<2x4x128xi32, #tpu.memory_space<vmem>> -> memref<1x4x128xi32, #tpu.memory_space<vmem>>
        %dma_start3A_217 = tpu.memref_squeeze %dma_start3A_216 : memref<1x4x128xi32, #tpu.memory_space<vmem>> -> memref<4x128xi32, #tpu.memory_space<vmem>>
        %dma_start3A_218 = arith.constant 0 : i32
        %dma_start3A_219 = tpu.memref_slice %arg2[%add3A, %mul3A_24, %dma_start3A_218] : memref<32x784x128xi32, #tpu.memory_space<hbm>> -> memref<1x4x128xi32, #tpu.memory_space<hbm>>
        %dma_start3A_220 = tpu.memref_squeeze %dma_start3A_219 : memref<1x4x128xi32, #tpu.memory_space<hbm>> -> memref<4x128xi32, #tpu.memory_space<hbm>>
        tpu.enqueue_dma source(%dma_start3A_220 : memref<4x128xi32, #tpu.memory_space<hbm>>) target(%dma_start3A_217 : memref<4x128xi32, #tpu.memory_space<vmem>>) target_semaphore(%run_scoped3A_206 : memref<!tpu.dma_semaphore, #tpu.memory_space<semaphore_mem>>)
        %dma_wait3A_221 = arith.constant 0 : i32
        %dma_wait3A_222 = arith.constant 0 : i32
        %dma_wait3A_223 = tpu.memref_slice %arg6[%run_scoped3A, %dma_wait3A_221, %dma_wait3A_222] : memref<2x4x128xi32, #tpu.memory_space<vmem>> -> memref<1x4x128xi32, #tpu.memory_space<vmem>>
        %dma_wait3A_224 = tpu.memref_squeeze %dma_wait3A_223 : memref<1x4x128xi32, #tpu.memory_space<vmem>> -> memref<4x128xi32, #tpu.memory_space<vmem>>
        %dma_wait3A_225 = arith.constant 0 : i32
        %dma_wait3A_226 = tpu.memref_slice %arg2[%add3A, %mul3A_24, %dma_wait3A_225] : memref<32x784x128xi32, #tpu.memory_space<hbm>> -> memref<1x4x128xi32, #tpu.memory_space<hbm>>
        %dma_wait3A_227 = tpu.memref_squeeze %dma_wait3A_226 : memref<1x4x128xi32, #tpu.memory_space<hbm>> -> memref<4x128xi32, #tpu.memory_space<hbm>>
        %dma_wait3A_228 = arith.constant 0 : i32
        %dma_wait3A_229 = arith.constant 0 : i32
        %dma_wait3A_230 = tpu.memref_slice %arg6[%run_scoped3A, %dma_wait3A_228, %dma_wait3A_229] : memref<2x4x128xi32, #tpu.memory_space<vmem>> -> memref<1x4x128xi32, #tpu.memory_space<vmem>>
        %dma_wait3A_231 = tpu.memref_squeeze %dma_wait3A_230 : memref<1x4x128xi32, #tpu.memory_space<vmem>> -> memref<4x128xi32, #tpu.memory_space<vmem>>
        %dma_wait3A_232 = arith.constant 0 : i32
        %dma_wait3A_233 = tpu.memref_slice %arg2[%add3A, %mul3A_24, %dma_wait3A_232] : memref<32x784x128xi32, #tpu.memory_space<hbm>> -> memref<1x4x128xi32, #tpu.memory_space<hbm>>
        %dma_wait3A_234 = tpu.memref_squeeze %dma_wait3A_233 : memref<1x4x128xi32, #tpu.memory_space<hbm>> -> memref<4x128xi32, #tpu.memory_space<hbm>>
        tpu.wait_dma2 semaphore(%run_scoped3A_206 : memref<!tpu.dma_semaphore, #tpu.memory_space<semaphore_mem>>) src(%dma_wait3A_234 : memref<4x128xi32, #tpu.memory_space<hbm>>) dst(%dma_wait3A_231 : memref<4x128xi32, #tpu.memory_space<vmem>>)
        tpu.yield
      }) : () -> ()
      %dma_start3A = arith.constant 0 : i32
      %dma_start3A_25 = arith.constant 0 : i32
      %dma_start3A_26 = arith.constant 0 : i32
      %dma_start3A_27 = arith.constant 0 : i32
      %dma_start3A_28 = tpu.memref_slice %arg7[%dma_start3A_26, %dma_start3A_27] : memref<512x1xf32, #tpu.memory_space<vmem>> -> memref<128x1xf32, #tpu.memory_space<vmem>>
      %dma_start3A_29 = arith.constant 0 : i32
      %dma_start3A_30 = tpu.memref_slice %arg6[%dma_start3A, %dma_start3A_25, %dma_start3A_29] : memref<2x4x128xi32, #tpu.memory_space<vmem>> -> memref<1x1x128xi32, #tpu.memory_space<vmem>>
      %dma_start3A_31 = tpu.memref_squeeze %dma_start3A_30 : memref<1x1x128xi32, #tpu.memory_space<vmem>> -> memref<128xi32, #tpu.memory_space<vmem>>
      %dma_start3A_32 = arith.constant 0 : i32
      %dma_start3A_33 = arith.constant 0 : i32
      %dma_start3A_34 = tpu.memref_slice %arg8[%dma_start3A_32, %dma_start3A_33] : memref<100096x1xf32, #tpu.memory_space<vmem_shared>> -> memref<100096x1xf32, #tpu.memory_space<vmem_shared>>
      tpu.enqueue_indirect_dma source(%dma_start3A_28 : memref<128x1xf32, #tpu.memory_space<vmem>>) target(%dma_start3A_34 : memref<100096x1xf32, #tpu.memory_space<vmem_shared>>) offsets(%dma_start3A_31 : memref<128xi32, #tpu.memory_space<vmem>>) semaphore(%arg9 : memref<!tpu.dma_semaphore, #tpu.memory_space<semaphore_mem>>) {add = true}
      %dma_start3A_35 = arith.constant 0 : i32
      %dma_start3A_36 = arith.constant 1 : i32
      %dma_start3A_37 = arith.constant 128 : i32
      %dma_start3A_38 = arith.constant 0 : i32
      %dma_start3A_39 = tpu.memref_slice %arg7[%dma_start3A_37, %dma_start3A_38] : memref<512x1xf32, #tpu.memory_space<vmem>> -> memref<128x1xf32, #tpu.memory_space<vmem>>
      %dma_start3A_40 = arith.constant 0 : i32
      %dma_start3A_41 = tpu.memref_slice %arg6[%dma_start3A_35, %dma_start3A_36, %dma_start3A_40] : memref<2x4x128xi32, #tpu.memory_space<vmem>> -> memref<1x1x128xi32, #tpu.memory_space<vmem>>
      %dma_start3A_42 = tpu.memref_squeeze %dma_start3A_41 : memref<1x1x128xi32, #tpu.memory_space<vmem>> -> memref<128xi32, #tpu.memory_space<vmem>>
      %dma_start3A_43 = arith.constant 0 : i32
      %dma_start3A_44 = arith.constant 0 : i32
      %dma_start3A_45 = tpu.memref_slice %arg8[%dma_start3A_43, %dma_start3A_44] : memref<100096x1xf32, #tpu.memory_space<vmem_shared>> -> memref<100096x1xf32, #tpu.memory_space<vmem_shared>>
      tpu.enqueue_indirect_dma source(%dma_start3A_39 : memref<128x1xf32, #tpu.memory_space<vmem>>) target(%dma_start3A_45 : memref<100096x1xf32, #tpu.memory_space<vmem_shared>>) offsets(%dma_start3A_42 : memref<128xi32, #tpu.memory_space<vmem>>) semaphore(%arg9 : memref<!tpu.dma_semaphore, #tpu.memory_space<semaphore_mem>>) {add = true}
      %dma_start3A_46 = arith.constant 0 : i32
      %dma_start3A_47 = arith.constant 2 : i32
      %dma_start3A_48 = arith.constant 256 : i32
      %dma_start3A_49 = arith.constant 0 : i32
      %dma_start3A_50 = tpu.memref_slice %arg7[%dma_start3A_48, %dma_start3A_49] : memref<512x1xf32, #tpu.memory_space<vmem>> -> memref<128x1xf32, #tpu.memory_space<vmem>>
      %dma_start3A_51 = arith.constant 0 : i32
      %dma_start3A_52 = tpu.memref_slice %arg6[%dma_start3A_46, %dma_start3A_47, %dma_start3A_51] : memref<2x4x128xi32, #tpu.memory_space<vmem>> -> memref<1x1x128xi32, #tpu.memory_space<vmem>>
      %dma_start3A_53 = tpu.memref_squeeze %dma_start3A_52 : memref<1x1x128xi32, #tpu.memory_space<vmem>> -> memref<128xi32, #tpu.memory_space<vmem>>
      %dma_start3A_54 = arith.constant 0 : i32
      %dma_start3A_55 = arith.constant 0 : i32
      %dma_start3A_56 = tpu.memref_slice %arg8[%dma_start3A_54, %dma_start3A_55] : memref<100096x1xf32, #tpu.memory_space<vmem_shared>> -> memref<100096x1xf32, #tpu.memory_space<vmem_shared>>
      tpu.enqueue_indirect_dma source(%dma_start3A_50 : memref<128x1xf32, #tpu.memory_space<vmem>>) target(%dma_start3A_56 : memref<100096x1xf32, #tpu.memory_space<vmem_shared>>) offsets(%dma_start3A_53 : memref<128xi32, #tpu.memory_space<vmem>>) semaphore(%arg9 : memref<!tpu.dma_semaphore, #tpu.memory_space<semaphore_mem>>) {add = true}
      %dma_start3A_57 = arith.constant 0 : i32
      %dma_start3A_58 = arith.constant 3 : i32
      %dma_start3A_59 = arith.constant 384 : i32
      %dma_start3A_60 = arith.constant 0 : i32
      %dma_start3A_61 = tpu.memref_slice %arg7[%dma_start3A_59, %dma_start3A_60] : memref<512x1xf32, #tpu.memory_space<vmem>> -> memref<128x1xf32, #tpu.memory_space<vmem>>
      %dma_start3A_62 = arith.constant 0 : i32
      %dma_start3A_63 = tpu.memref_slice %arg6[%dma_start3A_57, %dma_start3A_58, %dma_start3A_62] : memref<2x4x128xi32, #tpu.memory_space<vmem>> -> memref<1x1x128xi32, #tpu.memory_space<vmem>>
      %dma_start3A_64 = tpu.memref_squeeze %dma_start3A_63 : memref<1x1x128xi32, #tpu.memory_space<vmem>> -> memref<128xi32, #tpu.memory_space<vmem>>
      %dma_start3A_65 = arith.constant 0 : i32
      %dma_start3A_66 = arith.constant 0 : i32
      %dma_start3A_67 = tpu.memref_slice %arg8[%dma_start3A_65, %dma_start3A_66] : memref<100096x1xf32, #tpu.memory_space<vmem_shared>> -> memref<100096x1xf32, #tpu.memory_space<vmem_shared>>
      tpu.enqueue_indirect_dma source(%dma_start3A_61 : memref<128x1xf32, #tpu.memory_space<vmem>>) target(%dma_start3A_67 : memref<100096x1xf32, #tpu.memory_space<vmem_shared>>) offsets(%dma_start3A_64 : memref<128xi32, #tpu.memory_space<vmem>>) semaphore(%arg9 : memref<!tpu.dma_semaphore, #tpu.memory_space<semaphore_mem>>) {add = true}
      %mul3A_68 = arith.constant 2 : i32
      %mul3A_69 = arith.muli %add3A_18, %mul3A_68 : i32
      %add3A_70 = arith.constant 1 : i32
      %add3A_71 = arith.addi %mul3A_69, %add3A_70 : i32
      %mul3A_72 = arith.constant 4 : i32
      %mul3A_73 = arith.muli %add3A_71, %mul3A_72 : i32
      %run_scoped3A_74 = arith.constant 1 : i32
      "tpu.region"() ({
        %run_scoped3A_206 = tpu.sem_alloc : memref<!tpu.dma_semaphore, #tpu.memory_space<semaphore_mem>>
        %dma_start3A_207 = arith.constant 0 : i32
        %dma_start3A_208 = arith.constant 0 : i32
        %dma_start3A_209 = tpu.memref_slice %arg6[%run_scoped3A_74, %dma_start3A_207, %dma_start3A_208] : memref<2x4x128xi32, #tpu.memory_space<vmem>> -> memref<1x4x128xi32, #tpu.memory_space<vmem>>
        %dma_start3A_210 = tpu.memref_squeeze %dma_start3A_209 : memref<1x4x128xi32, #tpu.memory_space<vmem>> -> memref<4x128xi32, #tpu.memory_space<vmem>>
        %dma_start3A_211 = arith.constant 0 : i32
        %dma_start3A_212 = tpu.memref_slice %arg2[%add3A, %mul3A_73, %dma_start3A_211] : memref<32x784x128xi32, #tpu.memory_space<hbm>> -> memref<1x4x128xi32, #tpu.memory_space<hbm>>
        %dma_start3A_213 = tpu.memref_squeeze %dma_start3A_212 : memref<1x4x128xi32, #tpu.memory_space<hbm>> -> memref<4x128xi32, #tpu.memory_space<hbm>>
        %dma_start3A_214 = arith.constant 0 : i32
        %dma_start3A_215 = arith.constant 0 : i32
        %dma_start3A_216 = tpu.memref_slice %arg6[%run_scoped3A_74, %dma_start3A_214, %dma_start3A_215] : memref<2x4x128xi32, #tpu.memory_space<vmem>> -> memref<1x4x128xi32, #tpu.memory_space<vmem>>
        %dma_start3A_217 = tpu.memref_squeeze %dma_start3A_216 : memref<1x4x128xi32, #tpu.memory_space<vmem>> -> memref<4x128xi32, #tpu.memory_space<vmem>>
        %dma_start3A_218 = arith.constant 0 : i32
        %dma_start3A_219 = tpu.memref_slice %arg2[%add3A, %mul3A_73, %dma_start3A_218] : memref<32x784x128xi32, #tpu.memory_space<hbm>> -> memref<1x4x128xi32, #tpu.memory_space<hbm>>
        %dma_start3A_220 = tpu.memref_squeeze %dma_start3A_219 : memref<1x4x128xi32, #tpu.memory_space<hbm>> -> memref<4x128xi32, #tpu.memory_space<hbm>>
        tpu.enqueue_dma source(%dma_start3A_220 : memref<4x128xi32, #tpu.memory_space<hbm>>) target(%dma_start3A_217 : memref<4x128xi32, #tpu.memory_space<vmem>>) target_semaphore(%run_scoped3A_206 : memref<!tpu.dma_semaphore, #tpu.memory_space<semaphore_mem>>)
        %dma_wait3A_221 = arith.constant 0 : i32
        %dma_wait3A_222 = arith.constant 0 : i32
        %dma_wait3A_223 = tpu.memref_slice %arg6[%run_scoped3A_74, %dma_wait3A_221, %dma_wait3A_222] : memref<2x4x128xi32, #tpu.memory_space<vmem>> -> memref<1x4x128xi32, #tpu.memory_space<vmem>>
        %dma_wait3A_224 = tpu.memref_squeeze %dma_wait3A_223 : memref<1x4x128xi32, #tpu.memory_space<vmem>> -> memref<4x128xi32, #tpu.memory_space<vmem>>
        %dma_wait3A_225 = arith.constant 0 : i32
        %dma_wait3A_226 = tpu.memref_slice %arg2[%add3A, %mul3A_73, %dma_wait3A_225] : memref<32x784x128xi32, #tpu.memory_space<hbm>> -> memref<1x4x128xi32, #tpu.memory_space<hbm>>
        %dma_wait3A_227 = tpu.memref_squeeze %dma_wait3A_226 : memref<1x4x128xi32, #tpu.memory_space<hbm>> -> memref<4x128xi32, #tpu.memory_space<hbm>>
        %dma_wait3A_228 = arith.constant 0 : i32
        %dma_wait3A_229 = arith.constant 0 : i32
        %dma_wait3A_230 = tpu.memref_slice %arg6[%run_scoped3A_74, %dma_wait3A_228, %dma_wait3A_229] : memref<2x4x128xi32, #tpu.memory_space<vmem>> -> memref<1x4x128xi32, #tpu.memory_space<vmem>>
        %dma_wait3A_231 = tpu.memref_squeeze %dma_wait3A_230 : memref<1x4x128xi32, #tpu.memory_space<vmem>> -> memref<4x128xi32, #tpu.memory_space<vmem>>
        %dma_wait3A_232 = arith.constant 0 : i32
        %dma_wait3A_233 = tpu.memref_slice %arg2[%add3A, %mul3A_73, %dma_wait3A_232] : memref<32x784x128xi32, #tpu.memory_space<hbm>> -> memref<1x4x128xi32, #tpu.memory_space<hbm>>
        %dma_wait3A_234 = tpu.memref_squeeze %dma_wait3A_233 : memref<1x4x128xi32, #tpu.memory_space<hbm>> -> memref<4x128xi32, #tpu.memory_space<hbm>>
        tpu.wait_dma2 semaphore(%run_scoped3A_206 : memref<!tpu.dma_semaphore, #tpu.memory_space<semaphore_mem>>) src(%dma_wait3A_234 : memref<4x128xi32, #tpu.memory_space<hbm>>) dst(%dma_wait3A_231 : memref<4x128xi32, #tpu.memory_space<vmem>>)
        tpu.yield
      }) : () -> ()
      %dma_start3A_75 = arith.constant 1 : i32
      %dma_start3A_76 = arith.constant 0 : i32
      %dma_start3A_77 = arith.constant 0 : i32
      %dma_start3A_78 = arith.constant 0 : i32
      %dma_start3A_79 = tpu.memref_slice %arg7[%dma_start3A_77, %dma_start3A_78] : memref<512x1xf32, #tpu.memory_space<vmem>> -> memref<128x1xf32, #tpu.memory_space<vmem>>
      %dma_start3A_80 = arith.constant 0 : i32
      %dma_start3A_81 = tpu.memref_slice %arg6[%dma_start3A_75, %dma_start3A_76, %dma_start3A_80] : memref<2x4x128xi32, #tpu.memory_space<vmem>> -> memref<1x1x128xi32, #tpu.memory_space<vmem>>
      %dma_start3A_82 = tpu.memref_squeeze %dma_start3A_81 : memref<1x1x128xi32, #tpu.memory_space<vmem>> -> memref<128xi32, #tpu.memory_space<vmem>>
      %dma_start3A_83 = arith.constant 0 : i32
      %dma_start3A_84 = arith.constant 0 : i32
      %dma_start3A_85 = tpu.memref_slice %arg8[%dma_start3A_83, %dma_start3A_84] : memref<100096x1xf32, #tpu.memory_space<vmem_shared>> -> memref<100096x1xf32, #tpu.memory_space<vmem_shared>>
      tpu.enqueue_indirect_dma source(%dma_start3A_79 : memref<128x1xf32, #tpu.memory_space<vmem>>) target(%dma_start3A_85 : memref<100096x1xf32, #tpu.memory_space<vmem_shared>>) offsets(%dma_start3A_82 : memref<128xi32, #tpu.memory_space<vmem>>) semaphore(%arg10 : memref<!tpu.dma_semaphore, #tpu.memory_space<semaphore_mem>>) {add = true}
      %dma_start3A_86 = arith.constant 1 : i32
      %dma_start3A_87 = arith.constant 1 : i32
      %dma_start3A_88 = arith.constant 128 : i32
      %dma_start3A_89 = arith.constant 0 : i32
      %dma_start3A_90 = tpu.memref_slice %arg7[%dma_start3A_88, %dma_start3A_89] : memref<512x1xf32, #tpu.memory_space<vmem>> -> memref<128x1xf32, #tpu.memory_space<vmem>>
      %dma_start3A_91 = arith.constant 0 : i32
      %dma_start3A_92 = tpu.memref_slice %arg6[%dma_start3A_86, %dma_start3A_87, %dma_start3A_91] : memref<2x4x128xi32, #tpu.memory_space<vmem>> -> memref<1x1x128xi32, #tpu.memory_space<vmem>>
      %dma_start3A_93 = tpu.memref_squeeze %dma_start3A_92 : memref<1x1x128xi32, #tpu.memory_space<vmem>> -> memref<128xi32, #tpu.memory_space<vmem>>
      %dma_start3A_94 = arith.constant 0 : i32
      %dma_start3A_95 = arith.constant 0 : i32
      %dma_start3A_96 = tpu.memref_slice %arg8[%dma_start3A_94, %dma_start3A_95] : memref<100096x1xf32, #tpu.memory_space<vmem_shared>> -> memref<100096x1xf32, #tpu.memory_space<vmem_shared>>
      tpu.enqueue_indirect_dma source(%dma_start3A_90 : memref<128x1xf32, #tpu.memory_space<vmem>>) target(%dma_start3A_96 : memref<100096x1xf32, #tpu.memory_space<vmem_shared>>) offsets(%dma_start3A_93 : memref<128xi32, #tpu.memory_space<vmem>>) semaphore(%arg10 : memref<!tpu.dma_semaphore, #tpu.memory_space<semaphore_mem>>) {add = true}
      %dma_start3A_97 = arith.constant 1 : i32
      %dma_start3A_98 = arith.constant 2 : i32
      %dma_start3A_99 = arith.constant 256 : i32
      %dma_start3A_100 = arith.constant 0 : i32
      %dma_start3A_101 = tpu.memref_slice %arg7[%dma_start3A_99, %dma_start3A_100] : memref<512x1xf32, #tpu.memory_space<vmem>> -> memref<128x1xf32, #tpu.memory_space<vmem>>
      %dma_start3A_102 = arith.constant 0 : i32
      %dma_start3A_103 = tpu.memref_slice %arg6[%dma_start3A_97, %dma_start3A_98, %dma_start3A_102] : memref<2x4x128xi32, #tpu.memory_space<vmem>> -> memref<1x1x128xi32, #tpu.memory_space<vmem>>
      %dma_start3A_104 = tpu.memref_squeeze %dma_start3A_103 : memref<1x1x128xi32, #tpu.memory_space<vmem>> -> memref<128xi32, #tpu.memory_space<vmem>>
      %dma_start3A_105 = arith.constant 0 : i32
      %dma_start3A_106 = arith.constant 0 : i32
      %dma_start3A_107 = tpu.memref_slice %arg8[%dma_start3A_105, %dma_start3A_106] : memref<100096x1xf32, #tpu.memory_space<vmem_shared>> -> memref<100096x1xf32, #tpu.memory_space<vmem_shared>>
      tpu.enqueue_indirect_dma source(%dma_start3A_101 : memref<128x1xf32, #tpu.memory_space<vmem>>) target(%dma_start3A_107 : memref<100096x1xf32, #tpu.memory_space<vmem_shared>>) offsets(%dma_start3A_104 : memref<128xi32, #tpu.memory_space<vmem>>) semaphore(%arg10 : memref<!tpu.dma_semaphore, #tpu.memory_space<semaphore_mem>>) {add = true}
      %dma_start3A_108 = arith.constant 1 : i32
      %dma_start3A_109 = arith.constant 3 : i32
      %dma_start3A_110 = arith.constant 384 : i32
      %dma_start3A_111 = arith.constant 0 : i32
      %dma_start3A_112 = tpu.memref_slice %arg7[%dma_start3A_110, %dma_start3A_111] : memref<512x1xf32, #tpu.memory_space<vmem>> -> memref<128x1xf32, #tpu.memory_space<vmem>>
      %dma_start3A_113 = arith.constant 0 : i32
      %dma_start3A_114 = tpu.memref_slice %arg6[%dma_start3A_108, %dma_start3A_109, %dma_start3A_113] : memref<2x4x128xi32, #tpu.memory_space<vmem>> -> memref<1x1x128xi32, #tpu.memory_space<vmem>>
      %dma_start3A_115 = tpu.memref_squeeze %dma_start3A_114 : memref<1x1x128xi32, #tpu.memory_space<vmem>> -> memref<128xi32, #tpu.memory_space<vmem>>
      %dma_start3A_116 = arith.constant 0 : i32
      %dma_start3A_117 = arith.constant 0 : i32
      %dma_start3A_118 = tpu.memref_slice %arg8[%dma_start3A_116, %dma_start3A_117] : memref<100096x1xf32, #tpu.memory_space<vmem_shared>> -> memref<100096x1xf32, #tpu.memory_space<vmem_shared>>
      tpu.enqueue_indirect_dma source(%dma_start3A_112 : memref<128x1xf32, #tpu.memory_space<vmem>>) target(%dma_start3A_118 : memref<100096x1xf32, #tpu.memory_space<vmem_shared>>) offsets(%dma_start3A_115 : memref<128xi32, #tpu.memory_space<vmem>>) semaphore(%arg10 : memref<!tpu.dma_semaphore, #tpu.memory_space<semaphore_mem>>) {add = true}
      %dma_wait3A = arith.constant 0 : i32
      %dma_wait3A_119 = arith.constant 0 : i32
      %dma_wait3A_120 = arith.constant 0 : i32
      %dma_wait3A_121 = arith.constant 0 : i32
      %dma_wait3A_122 = tpu.memref_slice %arg7[%dma_wait3A_120, %dma_wait3A_121] : memref<512x1xf32, #tpu.memory_space<vmem>> -> memref<128x1xf32, #tpu.memory_space<vmem>>
      %dma_wait3A_123 = arith.constant 0 : i32
      %dma_wait3A_124 = tpu.memref_slice %arg6[%dma_wait3A, %dma_wait3A_119, %dma_wait3A_123] : memref<2x4x128xi32, #tpu.memory_space<vmem>> -> memref<1x1x128xi32, #tpu.memory_space<vmem>>
      %dma_wait3A_125 = tpu.memref_squeeze %dma_wait3A_124 : memref<1x1x128xi32, #tpu.memory_space<vmem>> -> memref<128xi32, #tpu.memory_space<vmem>>
      %dma_wait3A_126 = arith.constant 0 : i32
      %dma_wait3A_127 = arith.constant 0 : i32
      %dma_wait3A_128 = tpu.memref_slice %arg8[%dma_wait3A_126, %dma_wait3A_127] : memref<100096x1xf32, #tpu.memory_space<vmem_shared>> -> memref<100096x1xf32, #tpu.memory_space<vmem_shared>>
      tpu.wait_indirect_dma semaphore(%arg9 : memref<!tpu.dma_semaphore, #tpu.memory_space<semaphore_mem>>) src(%dma_wait3A_122 : memref<128x1xf32, #tpu.memory_space<vmem>>) dst(%dma_wait3A_128 : memref<100096x1xf32, #tpu.memory_space<vmem_shared>>)
      %dma_wait3A_129 = arith.constant 0 : i32
      %dma_wait3A_130 = arith.constant 1 : i32
      %dma_wait3A_131 = arith.constant 128 : i32
      %dma_wait3A_132 = arith.constant 0 : i32
      %dma_wait3A_133 = tpu.memref_slice %arg7[%dma_wait3A_131, %dma_wait3A_132] : memref<512x1xf32, #tpu.memory_space<vmem>> -> memref<128x1xf32, #tpu.memory_space<vmem>>
      %dma_wait3A_134 = arith.constant 0 : i32
      %dma_wait3A_135 = tpu.memref_slice %arg6[%dma_wait3A_129, %dma_wait3A_130, %dma_wait3A_134] : memref<2x4x128xi32, #tpu.memory_space<vmem>> -> memref<1x1x128xi32, #tpu.memory_space<vmem>>
      %dma_wait3A_136 = tpu.memref_squeeze %dma_wait3A_135 : memref<1x1x128xi32, #tpu.memory_space<vmem>> -> memref<128xi32, #tpu.memory_space<vmem>>
      %dma_wait3A_137 = arith.constant 0 : i32
      %dma_wait3A_138 = arith.constant 0 : i32
      %dma_wait3A_139 = tpu.memref_slice %arg8[%dma_wait3A_137, %dma_wait3A_138] : memref<100096x1xf32, #tpu.memory_space<vmem_shared>> -> memref<100096x1xf32, #tpu.memory_space<vmem_shared>>
      tpu.wait_indirect_dma semaphore(%arg9 : memref<!tpu.dma_semaphore, #tpu.memory_space<semaphore_mem>>) src(%dma_wait3A_133 : memref<128x1xf32, #tpu.memory_space<vmem>>) dst(%dma_wait3A_139 : memref<100096x1xf32, #tpu.memory_space<vmem_shared>>)
      %dma_wait3A_140 = arith.constant 0 : i32
      %dma_wait3A_141 = arith.constant 2 : i32
      %dma_wait3A_142 = arith.constant 256 : i32
      %dma_wait3A_143 = arith.constant 0 : i32
      %dma_wait3A_144 = tpu.memref_slice %arg7[%dma_wait3A_142, %dma_wait3A_143] : memref<512x1xf32, #tpu.memory_space<vmem>> -> memref<128x1xf32, #tpu.memory_space<vmem>>
      %dma_wait3A_145 = arith.constant 0 : i32
      %dma_wait3A_146 = tpu.memref_slice %arg6[%dma_wait3A_140, %dma_wait3A_141, %dma_wait3A_145] : memref<2x4x128xi32, #tpu.memory_space<vmem>> -> memref<1x1x128xi32, #tpu.memory_space<vmem>>
      %dma_wait3A_147 = tpu.memref_squeeze %dma_wait3A_146 : memref<1x1x128xi32, #tpu.memory_space<vmem>> -> memref<128xi32, #tpu.memory_space<vmem>>
      %dma_wait3A_148 = arith.constant 0 : i32
      %dma_wait3A_149 = arith.constant 0 : i32
      %dma_wait3A_150 = tpu.memref_slice %arg8[%dma_wait3A_148, %dma_wait3A_149] : memref<100096x1xf32, #tpu.memory_space<vmem_shared>> -> memref<100096x1xf32, #tpu.memory_space<vmem_shared>>
      tpu.wait_indirect_dma semaphore(%arg9 : memref<!tpu.dma_semaphore, #tpu.memory_space<semaphore_mem>>) src(%dma_wait3A_144 : memref<128x1xf32, #tpu.memory_space<vmem>>) dst(%dma_wait3A_150 : memref<100096x1xf32, #tpu.memory_space<vmem_shared>>)
      %dma_wait3A_151 = arith.constant 0 : i32
      %dma_wait3A_152 = arith.constant 3 : i32
      %dma_wait3A_153 = arith.constant 384 : i32
      %dma_wait3A_154 = arith.constant 0 : i32
      %dma_wait3A_155 = tpu.memref_slice %arg7[%dma_wait3A_153, %dma_wait3A_154] : memref<512x1xf32, #tpu.memory_space<vmem>> -> memref<128x1xf32, #tpu.memory_space<vmem>>
      %dma_wait3A_156 = arith.constant 0 : i32
      %dma_wait3A_157 = tpu.memref_slice %arg6[%dma_wait3A_151, %dma_wait3A_152, %dma_wait3A_156] : memref<2x4x128xi32, #tpu.memory_space<vmem>> -> memref<1x1x128xi32, #tpu.memory_space<vmem>>
      %dma_wait3A_158 = tpu.memref_squeeze %dma_wait3A_157 : memref<1x1x128xi32, #tpu.memory_space<vmem>> -> memref<128xi32, #tpu.memory_space<vmem>>
      %dma_wait3A_159 = arith.constant 0 : i32
      %dma_wait3A_160 = arith.constant 0 : i32
      %dma_wait3A_161 = tpu.memref_slice %arg8[%dma_wait3A_159, %dma_wait3A_160] : memref<100096x1xf32, #tpu.memory_space<vmem_shared>> -> memref<100096x1xf32, #tpu.memory_space<vmem_shared>>
      tpu.wait_indirect_dma semaphore(%arg9 : memref<!tpu.dma_semaphore, #tpu.memory_space<semaphore_mem>>) src(%dma_wait3A_155 : memref<128x1xf32, #tpu.memory_space<vmem>>) dst(%dma_wait3A_161 : memref<100096x1xf32, #tpu.memory_space<vmem_shared>>)
      %dma_wait3A_162 = arith.constant 1 : i32
      %dma_wait3A_163 = arith.constant 0 : i32
      %dma_wait3A_164 = arith.constant 0 : i32
      %dma_wait3A_165 = arith.constant 0 : i32
      %dma_wait3A_166 = tpu.memref_slice %arg7[%dma_wait3A_164, %dma_wait3A_165] : memref<512x1xf32, #tpu.memory_space<vmem>> -> memref<128x1xf32, #tpu.memory_space<vmem>>
      %dma_wait3A_167 = arith.constant 0 : i32
      %dma_wait3A_168 = tpu.memref_slice %arg6[%dma_wait3A_162, %dma_wait3A_163, %dma_wait3A_167] : memref<2x4x128xi32, #tpu.memory_space<vmem>> -> memref<1x1x128xi32, #tpu.memory_space<vmem>>
      %dma_wait3A_169 = tpu.memref_squeeze %dma_wait3A_168 : memref<1x1x128xi32, #tpu.memory_space<vmem>> -> memref<128xi32, #tpu.memory_space<vmem>>
      %dma_wait3A_170 = arith.constant 0 : i32
      %dma_wait3A_171 = arith.constant 0 : i32
      %dma_wait3A_172 = tpu.memref_slice %arg8[%dma_wait3A_170, %dma_wait3A_171] : memref<100096x1xf32, #tpu.memory_space<vmem_shared>> -> memref<100096x1xf32, #tpu.memory_space<vmem_shared>>
      tpu.wait_indirect_dma semaphore(%arg10 : memref<!tpu.dma_semaphore, #tpu.memory_space<semaphore_mem>>) src(%dma_wait3A_166 : memref<128x1xf32, #tpu.memory_space<vmem>>) dst(%dma_wait3A_172 : memref<100096x1xf32, #tpu.memory_space<vmem_shared>>)
      %dma_wait3A_173 = arith.constant 1 : i32
      %dma_wait3A_174 = arith.constant 1 : i32
      %dma_wait3A_175 = arith.constant 128 : i32
      %dma_wait3A_176 = arith.constant 0 : i32
      %dma_wait3A_177 = tpu.memref_slice %arg7[%dma_wait3A_175, %dma_wait3A_176] : memref<512x1xf32, #tpu.memory_space<vmem>> -> memref<128x1xf32, #tpu.memory_space<vmem>>
      %dma_wait3A_178 = arith.constant 0 : i32
      %dma_wait3A_179 = tpu.memref_slice %arg6[%dma_wait3A_173, %dma_wait3A_174, %dma_wait3A_178] : memref<2x4x128xi32, #tpu.memory_space<vmem>> -> memref<1x1x128xi32, #tpu.memory_space<vmem>>
      %dma_wait3A_180 = tpu.memref_squeeze %dma_wait3A_179 : memref<1x1x128xi32, #tpu.memory_space<vmem>> -> memref<128xi32, #tpu.memory_space<vmem>>
      %dma_wait3A_181 = arith.constant 0 : i32
      %dma_wait3A_182 = arith.constant 0 : i32
      %dma_wait3A_183 = tpu.memref_slice %arg8[%dma_wait3A_181, %dma_wait3A_182] : memref<100096x1xf32, #tpu.memory_space<vmem_shared>> -> memref<100096x1xf32, #tpu.memory_space<vmem_shared>>
      tpu.wait_indirect_dma semaphore(%arg10 : memref<!tpu.dma_semaphore, #tpu.memory_space<semaphore_mem>>) src(%dma_wait3A_177 : memref<128x1xf32, #tpu.memory_space<vmem>>) dst(%dma_wait3A_183 : memref<100096x1xf32, #tpu.memory_space<vmem_shared>>)
      %dma_wait3A_184 = arith.constant 1 : i32
      %dma_wait3A_185 = arith.constant 2 : i32
      %dma_wait3A_186 = arith.constant 256 : i32
      %dma_wait3A_187 = arith.constant 0 : i32
      %dma_wait3A_188 = tpu.memref_slice %arg7[%dma_wait3A_186, %dma_wait3A_187] : memref<512x1xf32, #tpu.memory_space<vmem>> -> memref<128x1xf32, #tpu.memory_space<vmem>>
      %dma_wait3A_189 = arith.constant 0 : i32
      %dma_wait3A_190 = tpu.memref_slice %arg6[%dma_wait3A_184, %dma_wait3A_185, %dma_wait3A_189] : memref<2x4x128xi32, #tpu.memory_space<vmem>> -> memref<1x1x128xi32, #tpu.memory_space<vmem>>
      %dma_wait3A_191 = tpu.memref_squeeze %dma_wait3A_190 : memref<1x1x128xi32, #tpu.memory_space<vmem>> -> memref<128xi32, #tpu.memory_space<vmem>>
      %dma_wait3A_192 = arith.constant 0 : i32
      %dma_wait3A_193 = arith.constant 0 : i32
      %dma_wait3A_194 = tpu.memref_slice %arg8[%dma_wait3A_192, %dma_wait3A_193] : memref<100096x1xf32, #tpu.memory_space<vmem_shared>> -> memref<100096x1xf32, #tpu.memory_space<vmem_shared>>
      tpu.wait_indirect_dma semaphore(%arg10 : memref<!tpu.dma_semaphore, #tpu.memory_space<semaphore_mem>>) src(%dma_wait3A_188 : memref<128x1xf32, #tpu.memory_space<vmem>>) dst(%dma_wait3A_194 : memref<100096x1xf32, #tpu.memory_space<vmem_shared>>)
      %dma_wait3A_195 = arith.constant 1 : i32
      %dma_wait3A_196 = arith.constant 3 : i32
      %dma_wait3A_197 = arith.constant 384 : i32
      %dma_wait3A_198 = arith.constant 0 : i32
      %dma_wait3A_199 = tpu.memref_slice %arg7[%dma_wait3A_197, %dma_wait3A_198] : memref<512x1xf32, #tpu.memory_space<vmem>> -> memref<128x1xf32, #tpu.memory_space<vmem>>
      %dma_wait3A_200 = arith.constant 0 : i32
      %dma_wait3A_201 = tpu.memref_slice %arg6[%dma_wait3A_195, %dma_wait3A_196, %dma_wait3A_200] : memref<2x4x128xi32, #tpu.memory_space<vmem>> -> memref<1x1x128xi32, #tpu.memory_space<vmem>>
      %dma_wait3A_202 = tpu.memref_squeeze %dma_wait3A_201 : memref<1x1x128xi32, #tpu.memory_space<vmem>> -> memref<128xi32, #tpu.memory_space<vmem>>
      %dma_wait3A_203 = arith.constant 0 : i32
      %dma_wait3A_204 = arith.constant 0 : i32
      %dma_wait3A_205 = tpu.memref_slice %arg8[%dma_wait3A_203, %dma_wait3A_204] : memref<100096x1xf32, #tpu.memory_space<vmem_shared>> -> memref<100096x1xf32, #tpu.memory_space<vmem_shared>>
      tpu.wait_indirect_dma semaphore(%arg10 : memref<!tpu.dma_semaphore, #tpu.memory_space<semaphore_mem>>) src(%dma_wait3A_199 : memref<128x1xf32, #tpu.memory_space<vmem>>) dst(%dma_wait3A_205 : memref<100096x1xf32, #tpu.memory_space<vmem_shared>>)
    }
    %scan3A_8 = arith.constant 98 : i32
    %barrier3A_9 = arith.constant 0 : index
    tpu.barrier barrier_id(%barrier3A_9)
    %mul3A_10 = arith.constant 6256 : i32
    %mul3A_11 = arith.muli %arg1, %mul3A_10 : i32
    %mul3A_12 = arith.constant 6256 : i32
    %mul3A_13 = arith.muli %arg1, %mul3A_12 : i32
    "tpu.region"() ({
      %run_scoped3A = tpu.sem_alloc : memref<!tpu.dma_semaphore, #tpu.memory_space<semaphore_mem>>
      %dma_start3A = arith.constant 0 : i32
      %dma_start3A_14 = tpu.memref_slice %arg5[%arg0, %mul3A_13, %dma_start3A] : memref<2x100096x1xf32, #tpu.memory_space<hbm>> -> memref<1x6256x1xf32, #tpu.memory_space<hbm>>
      %dma_start3A_15 = tpu.memref_squeeze %dma_start3A_14 : memref<1x6256x1xf32, #tpu.memory_space<hbm>> -> memref<6256x1xf32, #tpu.memory_space<hbm>>
      %dma_start3A_16 = arith.constant 0 : i32
      %dma_start3A_17 = tpu.memref_slice %arg8[%mul3A_11, %dma_start3A_16] : memref<100096x1xf32, #tpu.memory_space<vmem_shared>> -> memref<6256x1xf32, #tpu.memory_space<vmem_shared>>
      tpu.enqueue_dma source(%dma_start3A_17 : memref<6256x1xf32, #tpu.memory_space<vmem_shared>>) target(%dma_start3A_15 : memref<6256x1xf32, #tpu.memory_space<hbm>>) target_semaphore(%run_scoped3A : memref<!tpu.dma_semaphore, #tpu.memory_space<semaphore_mem>>)
      %dma_wait3A = arith.constant 0 : i32
      %dma_wait3A_18 = tpu.memref_slice %arg5[%arg0, %mul3A_13, %dma_wait3A] : memref<2x100096x1xf32, #tpu.memory_space<hbm>> -> memref<1x6256x1xf32, #tpu.memory_space<hbm>>
      %dma_wait3A_19 = tpu.memref_squeeze %dma_wait3A_18 : memref<1x6256x1xf32, #tpu.memory_space<hbm>> -> memref<6256x1xf32, #tpu.memory_space<hbm>>
      %dma_wait3A_20 = arith.constant 0 : i32
      %dma_wait3A_21 = tpu.memref_slice %arg8[%mul3A_11, %dma_wait3A_20] : memref<100096x1xf32, #tpu.memory_space<vmem_shared>> -> memref<6256x1xf32, #tpu.memory_space<vmem_shared>>
      tpu.wait_dma2 semaphore(%run_scoped3A : memref<!tpu.dma_semaphore, #tpu.memory_space<semaphore_mem>>) src(%dma_wait3A_21 : memref<6256x1xf32, #tpu.memory_space<vmem_shared>>) dst(%dma_wait3A_19 : memref<6256x1xf32, #tpu.memory_space<hbm>>)
      tpu.yield
    }) : () -> ()
    return
  }
}

module attributes {stable_mosaic.version = 14 : i64} {
  func.func @_stage0_body(%arg0: i32, %arg1: memref<2048x1xf32, #tpu.memory_space<vmem>>, %arg2: memref<2048x1xf32, #tpu.memory_space<vmem>>, %arg3: memref<2048x3xf32, #tpu.memory_space<vmem>>, %arg4: memref<2048x1xf32, #tpu.memory_space<vmem>>, %arg5: memref<2048x1xf32, #tpu.memory_space<vmem>>, %arg6: memref<2048x3xf32, #tpu.memory_space<vmem>>) attributes {dimension_semantics = [#tpu.dimension_semantics<arbitrary>], iteration_bounds = array<i64: 49>, scalar_prefetch = 0 : i64, scratch_operands = 0 : i64, tpu.core_type = #tpu.core_type<tc>, window_params = [{transform_indices = @transform_0, window_bounds = array<i64: 2048, 1>}, {transform_indices = @transform_1, window_bounds = array<i64: 2048, 1>}, {transform_indices = @transform_2, window_bounds = array<i64: 2048, 3>}, {transform_indices = @transform_3, window_bounds = array<i64: 2048, 1>}, {transform_indices = @transform_4, window_bounds = array<i64: 2048, 1>}, {transform_indices = @transform_5, window_bounds = array<i64: 2048, 3>}]} {
    %get3A = arith.constant 0 : index
    %get3A_0 = arith.constant 0 : index
    %get3A_1 = vector.load %arg1[%get3A, %get3A_0] : memref<2048x1xf32, #tpu.memory_space<vmem>>, vector<2048x1xf32>
    %get3A_2 = arith.constant 0 : index
    %get3A_3 = arith.constant 0 : index
    %get3A_4 = vector.load %arg2[%get3A_2, %get3A_3] : memref<2048x1xf32, #tpu.memory_space<vmem>>, vector<2048x1xf32>
    %add3A = arith.addf %get3A_1, %get3A_4 : vector<2048x1xf32>
    %add3A_5 = arith.constant 1.000000e+00 : f32
    %add3A_6 = vector.broadcast %add3A_5 : f32 to vector<2048x1xf32>
    %add3A_7 = arith.addf %add3A, %add3A_6 : vector<2048x1xf32>
    %div3A = arith.constant 1.000000e+00 : f32
    %div3A_8 = vector.broadcast %div3A : f32 to vector<2048x1xf32>
    %div3A_9 = arith.divf %div3A_8, %add3A_7 : vector<2048x1xf32>
    %rsqrt3A = math.rsqrt %add3A_7 : vector<2048x1xf32>
    %swap3A = arith.constant 0 : index
    %swap3A_10 = arith.constant 0 : index
    %swap3A_11 = vector.load %arg4[%swap3A, %swap3A_10] : memref<2048x1xf32, #tpu.memory_space<vmem>>, vector<2048x1xf32>
    tpu.vector_store %arg4[%swap3A, %swap3A_10], %rsqrt3A {strides = array<i32>} : memref<2048x1xf32, #tpu.memory_space<vmem>>, vector<2048x1xf32>,
    %swap3A_12 = arith.constant 0 : index
    %swap3A_13 = arith.constant 0 : index
    %swap3A_14 = vector.load %arg5[%swap3A_12, %swap3A_13] : memref<2048x1xf32, #tpu.memory_space<vmem>>, vector<2048x1xf32>
    tpu.vector_store %arg5[%swap3A_12, %swap3A_13], %div3A_9 {strides = array<i32>} : memref<2048x1xf32, #tpu.memory_space<vmem>>, vector<2048x1xf32>,
    %get3A_15 = arith.constant 0 : index
    %get3A_16 = arith.constant 0 : index
    %get3A_17 = vector.load %arg3[%get3A_15, %get3A_16] : memref<2048x3xf32, #tpu.memory_space<vmem>>, vector<2048x3xf32>
    %mul3A = vector.broadcast %rsqrt3A : vector<2048x1xf32> to vector<2048x3xf32>
    %mul3A_18 = arith.mulf %get3A_17, %mul3A : vector<2048x3xf32>
    %swap3A_19 = arith.constant 0 : index
    %swap3A_20 = arith.constant 0 : index
    %swap3A_21 = vector.load %arg6[%swap3A_19, %swap3A_20] : memref<2048x3xf32, #tpu.memory_space<vmem>>, vector<2048x3xf32>
    tpu.vector_store %arg6[%swap3A_19, %swap3A_20], %mul3A_18 {strides = array<i32>} : memref<2048x3xf32, #tpu.memory_space<vmem>>, vector<2048x3xf32>,
    return
  }
  func.func @transform_0(%arg0: i32) -> (i32, i32) {
    %c0_i32 = arith.constant 0 : i32
    %c0_i32_0 = arith.constant 0 : i32
    return %arg0, %c0_i32 : i32, i32
  }
  func.func @transform_1(%arg0: i32) -> (i32, i32) {
    %c0_i32 = arith.constant 0 : i32
    %c0_i32_0 = arith.constant 0 : i32
    return %arg0, %c0_i32 : i32, i32
  }
  func.func @transform_2(%arg0: i32) -> (i32, i32) {
    %c0_i32 = arith.constant 0 : i32
    %c0_i32_0 = arith.constant 0 : i32
    return %arg0, %c0_i32 : i32, i32
  }
  func.func @transform_3(%arg0: i32) -> (i32, i32) {
    %c0_i32 = arith.constant 0 : i32
    %c0_i32_0 = arith.constant 0 : i32
    return %arg0, %c0_i32 : i32, i32
  }
  func.func @transform_4(%arg0: i32) -> (i32, i32) {
    %c0_i32 = arith.constant 0 : i32
    %c0_i32_0 = arith.constant 0 : i32
    return %arg0, %c0_i32 : i32, i32
  }
  func.func @transform_5(%arg0: i32) -> (i32, i32) {
    %c0_i32 = arith.constant 0 : i32
    %c0_i32_0 = arith.constant 0 : i32
    return %arg0, %c0_i32 : i32, i32
  }
}

module attributes {stable_mosaic.version = 14 : i64} {
  func.func @_stage1_body(%arg0: i32, %arg1: memref<2048x4xf32, #tpu.memory_space<vmem>>, %arg2: memref<2048x4xf32, #tpu.memory_space<vmem>>, %arg3: memref<2048x3xf32, #tpu.memory_space<vmem>>, %arg4: memref<2048x1xf32, #tpu.memory_space<vmem>>, %arg5: memref<2048x1xf32, #tpu.memory_space<vmem>>, %arg6: memref<3x16xf32, #tpu.memory_space<vmem>>, %arg7: memref<1x16xf32, #tpu.memory_space<vmem>>, %arg8: memref<2048x16xf32, #tpu.memory_space<vmem>>, %arg9: memref<2048x16xf32, #tpu.memory_space<vmem>>) attributes {dimension_semantics = [#tpu.dimension_semantics<arbitrary>], iteration_bounds = array<i64: 49>, scalar_prefetch = 0 : i64, scratch_operands = 0 : i64, tpu.core_type = #tpu.core_type<tc>, window_params = [{transform_indices = @transform_0, window_bounds = array<i64: 2048, 4>}, {transform_indices = @transform_1, window_bounds = array<i64: 2048, 4>}, {transform_indices = @transform_2, window_bounds = array<i64: 2048, 3>}, {transform_indices = @transform_3, window_bounds = array<i64: 2048, 1>}, {transform_indices = @transform_4, window_bounds = array<i64: 2048, 1>}, {pipeline_mode = #tpu.pipeline_mode<synchronous>, transform_indices = @transform_5, window_bounds = array<i64: 3, 16>}, {pipeline_mode = #tpu.pipeline_mode<synchronous>, transform_indices = @transform_6, window_bounds = array<i64: 1, 16>}, {transform_indices = @transform_7, window_bounds = array<i64: 2048, 16>}, {transform_indices = @transform_8, window_bounds = array<i64: 2048, 16>}]} {
    %get3A = arith.constant 0 : index
    %get3A_0 = arith.constant 0 : index
    %get3A_1 = vector.load %arg1[%get3A, %get3A_0] : memref<2048x4xf32, #tpu.memory_space<vmem>>, vector<2048x4xf32>
    %get3A_2 = arith.constant 0 : index
    %get3A_3 = arith.constant 0 : index
    %get3A_4 = vector.load %arg2[%get3A_2, %get3A_3] : memref<2048x4xf32, #tpu.memory_space<vmem>>, vector<2048x4xf32>
    %add3A = arith.addf %get3A_1, %get3A_4 : vector<2048x4xf32>
    %slice3A = vector.extract_strided_slice %add3A {offsets = [0, 0], sizes = [2048, 3], strides = [1, 1]} : vector<2048x4xf32> to vector<2048x3xf32>
    %get3A_5 = arith.constant 0 : index
    %get3A_6 = arith.constant 0 : index
    %get3A_7 = vector.load %arg4[%get3A_5, %get3A_6] : memref<2048x1xf32, #tpu.memory_space<vmem>>, vector<2048x1xf32>
    %mul3A = vector.broadcast %get3A_7 : vector<2048x1xf32> to vector<2048x3xf32>
    %mul3A_8 = arith.mulf %mul3A, %slice3A : vector<2048x3xf32>
    %get3A_9 = arith.constant 0 : index
    %get3A_10 = arith.constant 0 : index
    %get3A_11 = vector.load %arg3[%get3A_9, %get3A_10] : memref<2048x3xf32, #tpu.memory_space<vmem>>, vector<2048x3xf32>
    %get3A_12 = arith.constant 0 : index
    %get3A_13 = arith.constant 0 : index
    %get3A_14 = vector.load %arg5[%get3A_12, %get3A_13] : memref<2048x1xf32, #tpu.memory_space<vmem>>, vector<2048x1xf32>
    %mul3A_15 = vector.broadcast %get3A_14 : vector<2048x1xf32> to vector<2048x3xf32>
    %mul3A_16 = arith.mulf %get3A_11, %mul3A_15 : vector<2048x3xf32>
    %add3A_17 = arith.addf %mul3A_8, %mul3A_16 : vector<2048x3xf32>
    %get3A_18 = arith.constant 0 : index
    %get3A_19 = arith.constant 0 : index
    %get3A_20 = vector.load %arg6[%get3A_18, %get3A_19] : memref<3x16xf32, #tpu.memory_space<vmem>>, vector<3x16xf32>
    %dot_general3A = arith.constant dense<0.000000e+00> : vector<2048x16xf32>
    %dot_general3A_21 = tpu.matmul %add3A_17, %get3A_20, %dot_general3A {dimension_numbers = #tpu.dot_dimension_numbers<[1], [0], [0], [1], [0, 0, 1, 1], [], []>, transpose_lhs_hint = false} : vector<2048x3xf32>, vector<3x16xf32>, vector<2048x16xf32> -> vector<2048x16xf32>
    %get3A_22 = arith.constant 0 : index
    %get3A_23 = arith.constant 0 : index
    %get3A_24 = vector.load %arg7[%get3A_22, %get3A_23] : memref<1x16xf32, #tpu.memory_space<vmem>>, vector<1x16xf32>
    %add3A_25 = vector.broadcast %get3A_24 : vector<1x16xf32> to vector<2048x16xf32>
    %add3A_26 = arith.addf %dot_general3A_21, %add3A_25 : vector<2048x16xf32>
    %max3A = arith.constant 0.000000e+00 : f32
    %max3A_27 = vector.broadcast %max3A : f32 to vector<2048x16xf32>
    %max3A_28 = arith.maximumf %add3A_26, %max3A_27 : vector<2048x16xf32>
    %swap3A = arith.constant 0 : index
    %swap3A_29 = arith.constant 0 : index
    %swap3A_30 = vector.load %arg8[%swap3A, %swap3A_29] : memref<2048x16xf32, #tpu.memory_space<vmem>>, vector<2048x16xf32>
    tpu.vector_store %arg8[%swap3A, %swap3A_29], %max3A_28 {strides = array<i32>} : memref<2048x16xf32, #tpu.memory_space<vmem>>, vector<2048x16xf32>,
    %get3A_31 = arith.constant 0 : index
    %get3A_32 = arith.constant 0 : index
    %get3A_33 = vector.load %arg4[%get3A_31, %get3A_32] : memref<2048x1xf32, #tpu.memory_space<vmem>>, vector<2048x1xf32>
    %mul3A_34 = vector.broadcast %get3A_33 : vector<2048x1xf32> to vector<2048x16xf32>
    %mul3A_35 = arith.mulf %max3A_28, %mul3A_34 : vector<2048x16xf32>
    %swap3A_36 = arith.constant 0 : index
    %swap3A_37 = arith.constant 0 : index
    %swap3A_38 = vector.load %arg9[%swap3A_36, %swap3A_37] : memref<2048x16xf32, #tpu.memory_space<vmem>>, vector<2048x16xf32>
    tpu.vector_store %arg9[%swap3A_36, %swap3A_37], %mul3A_35 {strides = array<i32>} : memref<2048x16xf32, #tpu.memory_space<vmem>>, vector<2048x16xf32>,
    return
  }
  func.func @transform_0(%arg0: i32) -> (i32, i32) {
    %c0_i32 = arith.constant 0 : i32
    %c0_i32_0 = arith.constant 0 : i32
    return %arg0, %c0_i32 : i32, i32
  }
  func.func @transform_1(%arg0: i32) -> (i32, i32) {
    %c0_i32 = arith.constant 0 : i32
    %c0_i32_0 = arith.constant 0 : i32
    return %arg0, %c0_i32 : i32, i32
  }
  func.func @transform_2(%arg0: i32) -> (i32, i32) {
    %c0_i32 = arith.constant 0 : i32
    %c0_i32_0 = arith.constant 0 : i32
    return %arg0, %c0_i32 : i32, i32
  }
  func.func @transform_3(%arg0: i32) -> (i32, i32) {
    %c0_i32 = arith.constant 0 : i32
    %c0_i32_0 = arith.constant 0 : i32
    return %arg0, %c0_i32 : i32, i32
  }
  func.func @transform_4(%arg0: i32) -> (i32, i32) {
    %c0_i32 = arith.constant 0 : i32
    %c0_i32_0 = arith.constant 0 : i32
    return %arg0, %c0_i32 : i32, i32
  }
  func.func @transform_5(%arg0: i32) -> (i32, i32) {
    %c0_i32 = arith.constant 0 : i32
    %c0_i32_0 = arith.constant 0 : i32
    %c0_i32_1 = arith.constant 0 : i32
    return %c0_i32, %c0_i32_0 : i32, i32
  }
  func.func @transform_6(%arg0: i32) -> (i32, i32) {
    %c0_i32 = arith.constant 0 : i32
    %c0_i32_0 = arith.constant 0 : i32
    %c0_i32_1 = arith.constant 0 : i32
    return %c0_i32, %c0_i32_0 : i32, i32
  }
  func.func @transform_7(%arg0: i32) -> (i32, i32) {
    %c0_i32 = arith.constant 0 : i32
    %c0_i32_0 = arith.constant 0 : i32
    return %arg0, %c0_i32 : i32, i32
  }
  func.func @transform_8(%arg0: i32) -> (i32, i32) {
    %c0_i32 = arith.constant 0 : i32
    %c0_i32_0 = arith.constant 0 : i32
    return %arg0, %c0_i32 : i32, i32
  }
}

module attributes {stable_mosaic.version = 14 : i64} {
  func.func @_stage2_body(%arg0: i32, %arg1: memref<2048x16xf32, #tpu.memory_space<vmem>>, %arg2: memref<2048x16xf32, #tpu.memory_space<vmem>>, %arg3: memref<2048x16xf32, #tpu.memory_space<vmem>>, %arg4: memref<2048x1xf32, #tpu.memory_space<vmem>>, %arg5: memref<2048x1xf32, #tpu.memory_space<vmem>>, %arg6: memref<16x16xf32, #tpu.memory_space<vmem>>, %arg7: memref<1x16xf32, #tpu.memory_space<vmem>>, %arg8: memref<16x1xf32, #tpu.memory_space<vmem>>, %arg9: memref<2048x1xf32, #tpu.memory_space<vmem>>, %arg10: memref<2048x1xf32, #tpu.memory_space<vmem>>) attributes {dimension_semantics = [#tpu.dimension_semantics<arbitrary>], iteration_bounds = array<i64: 49>, scalar_prefetch = 0 : i64, scratch_operands = 0 : i64, tpu.core_type = #tpu.core_type<tc>, window_params = [{transform_indices = @transform_0, window_bounds = array<i64: 2048, 16>}, {transform_indices = @transform_1, window_bounds = array<i64: 2048, 16>}, {transform_indices = @transform_2, window_bounds = array<i64: 2048, 16>}, {transform_indices = @transform_3, window_bounds = array<i64: 2048, 1>}, {transform_indices = @transform_4, window_bounds = array<i64: 2048, 1>}, {pipeline_mode = #tpu.pipeline_mode<synchronous>, transform_indices = @transform_5, window_bounds = array<i64: 16, 16>}, {pipeline_mode = #tpu.pipeline_mode<synchronous>, transform_indices = @transform_6, window_bounds = array<i64: 1, 16>}, {pipeline_mode = #tpu.pipeline_mode<synchronous>, transform_indices = @transform_7, window_bounds = array<i64: 16, 1>}, {transform_indices = @transform_8, window_bounds = array<i64: 2048, 1>}, {transform_indices = @transform_9, window_bounds = array<i64: 2048, 1>}]} {
    %get3A = arith.constant 0 : index
    %get3A_0 = arith.constant 0 : index
    %get3A_1 = vector.load %arg4[%get3A, %get3A_0] : memref<2048x1xf32, #tpu.memory_space<vmem>>, vector<2048x1xf32>
    %get3A_2 = arith.constant 0 : index
    %get3A_3 = arith.constant 0 : index
    %get3A_4 = vector.load %arg1[%get3A_2, %get3A_3] : memref<2048x16xf32, #tpu.memory_space<vmem>>, vector<2048x16xf32>
    %get3A_5 = arith.constant 0 : index
    %get3A_6 = arith.constant 0 : index
    %get3A_7 = vector.load %arg2[%get3A_5, %get3A_6] : memref<2048x16xf32, #tpu.memory_space<vmem>>, vector<2048x16xf32>
    %add3A = arith.addf %get3A_4, %get3A_7 : vector<2048x16xf32>
    %mul3A = vector.broadcast %get3A_1 : vector<2048x1xf32> to vector<2048x16xf32>
    %mul3A_8 = arith.mulf %mul3A, %add3A : vector<2048x16xf32>
    %get3A_9 = arith.constant 0 : index
    %get3A_10 = arith.constant 0 : index
    %get3A_11 = vector.load %arg3[%get3A_9, %get3A_10] : memref<2048x16xf32, #tpu.memory_space<vmem>>, vector<2048x16xf32>
    %get3A_12 = arith.constant 0 : index
    %get3A_13 = arith.constant 0 : index
    %get3A_14 = vector.load %arg5[%get3A_12, %get3A_13] : memref<2048x1xf32, #tpu.memory_space<vmem>>, vector<2048x1xf32>
    %mul3A_15 = vector.broadcast %get3A_14 : vector<2048x1xf32> to vector<2048x16xf32>
    %mul3A_16 = arith.mulf %get3A_11, %mul3A_15 : vector<2048x16xf32>
    %add3A_17 = arith.addf %mul3A_8, %mul3A_16 : vector<2048x16xf32>
    %get3A_18 = arith.constant 0 : index
    %get3A_19 = arith.constant 0 : index
    %get3A_20 = vector.load %arg6[%get3A_18, %get3A_19] : memref<16x16xf32, #tpu.memory_space<vmem>>, vector<16x16xf32>
    %dot_general3A = arith.constant dense<0.000000e+00> : vector<2048x16xf32>
    %dot_general3A_21 = tpu.matmul %add3A_17, %get3A_20, %dot_general3A {dimension_numbers = #tpu.dot_dimension_numbers<[1], [0], [0], [1], [0, 0, 1, 1], [], []>, transpose_lhs_hint = false} : vector<2048x16xf32>, vector<16x16xf32>, vector<2048x16xf32> -> vector<2048x16xf32>
    %get3A_22 = arith.constant 0 : index
    %get3A_23 = arith.constant 0 : index
    %get3A_24 = vector.load %arg7[%get3A_22, %get3A_23] : memref<1x16xf32, #tpu.memory_space<vmem>>, vector<1x16xf32>
    %add3A_25 = vector.broadcast %get3A_24 : vector<1x16xf32> to vector<2048x16xf32>
    %add3A_26 = arith.addf %dot_general3A_21, %add3A_25 : vector<2048x16xf32>
    %max3A = arith.constant 0.000000e+00 : f32
    %max3A_27 = vector.broadcast %max3A : f32 to vector<2048x16xf32>
    %max3A_28 = arith.maximumf %add3A_26, %max3A_27 : vector<2048x16xf32>
    %get3A_29 = arith.constant 0 : index
    %get3A_30 = arith.constant 0 : index
    %get3A_31 = vector.load %arg8[%get3A_29, %get3A_30] : memref<16x1xf32, #tpu.memory_space<vmem>>, vector<16x1xf32>
    %dot_general3A_32 = arith.constant dense<0.000000e+00> : vector<2048x1xf32>
    %dot_general3A_33 = tpu.matmul %max3A_28, %get3A_31, %dot_general3A_32 {dimension_numbers = #tpu.dot_dimension_numbers<[1], [0], [0], [1], [0, 0, 1, 1], [], []>, transpose_lhs_hint = false} : vector<2048x16xf32>, vector<16x1xf32>, vector<2048x1xf32> -> vector<2048x1xf32>
    %swap3A = arith.constant 0 : index
    %swap3A_34 = arith.constant 0 : index
    %swap3A_35 = vector.load %arg9[%swap3A, %swap3A_34] : memref<2048x1xf32, #tpu.memory_space<vmem>>, vector<2048x1xf32>
    tpu.vector_store %arg9[%swap3A, %swap3A_34], %dot_general3A_33 {strides = array<i32>} : memref<2048x1xf32, #tpu.memory_space<vmem>>, vector<2048x1xf32>,
    %get3A_36 = arith.constant 0 : index
    %get3A_37 = arith.constant 0 : index
    %get3A_38 = vector.load %arg4[%get3A_36, %get3A_37] : memref<2048x1xf32, #tpu.memory_space<vmem>>, vector<2048x1xf32>
    %mul3A_39 = arith.mulf %dot_general3A_33, %get3A_38 : vector<2048x1xf32>
    %swap3A_40 = arith.constant 0 : index
    %swap3A_41 = arith.constant 0 : index
    %swap3A_42 = vector.load %arg10[%swap3A_40, %swap3A_41] : memref<2048x1xf32, #tpu.memory_space<vmem>>, vector<2048x1xf32>
    tpu.vector_store %arg10[%swap3A_40, %swap3A_41], %mul3A_39 {strides = array<i32>} : memref<2048x1xf32, #tpu.memory_space<vmem>>, vector<2048x1xf32>,
    return
  }
  func.func @transform_0(%arg0: i32) -> (i32, i32) {
    %c0_i32 = arith.constant 0 : i32
    %c0_i32_0 = arith.constant 0 : i32
    return %arg0, %c0_i32 : i32, i32
  }
  func.func @transform_1(%arg0: i32) -> (i32, i32) {
    %c0_i32 = arith.constant 0 : i32
    %c0_i32_0 = arith.constant 0 : i32
    return %arg0, %c0_i32 : i32, i32
  }
  func.func @transform_2(%arg0: i32) -> (i32, i32) {
    %c0_i32 = arith.constant 0 : i32
    %c0_i32_0 = arith.constant 0 : i32
    return %arg0, %c0_i32 : i32, i32
  }
  func.func @transform_3(%arg0: i32) -> (i32, i32) {
    %c0_i32 = arith.constant 0 : i32
    %c0_i32_0 = arith.constant 0 : i32
    return %arg0, %c0_i32 : i32, i32
  }
  func.func @transform_4(%arg0: i32) -> (i32, i32) {
    %c0_i32 = arith.constant 0 : i32
    %c0_i32_0 = arith.constant 0 : i32
    return %arg0, %c0_i32 : i32, i32
  }
  func.func @transform_5(%arg0: i32) -> (i32, i32) {
    %c0_i32 = arith.constant 0 : i32
    %c0_i32_0 = arith.constant 0 : i32
    %c0_i32_1 = arith.constant 0 : i32
    return %c0_i32, %c0_i32_0 : i32, i32
  }
  func.func @transform_6(%arg0: i32) -> (i32, i32) {
    %c0_i32 = arith.constant 0 : i32
    %c0_i32_0 = arith.constant 0 : i32
    %c0_i32_1 = arith.constant 0 : i32
    return %c0_i32, %c0_i32_0 : i32, i32
  }
  func.func @transform_7(%arg0: i32) -> (i32, i32) {
    %c0_i32 = arith.constant 0 : i32
    %c0_i32_0 = arith.constant 0 : i32
    %c0_i32_1 = arith.constant 0 : i32
    return %c0_i32, %c0_i32_0 : i32, i32
  }
  func.func @transform_8(%arg0: i32) -> (i32, i32) {
    %c0_i32 = arith.constant 0 : i32
    %c0_i32_0 = arith.constant 0 : i32
    return %arg0, %c0_i32 : i32, i32
  }
  func.func @transform_9(%arg0: i32) -> (i32, i32) {
    %c0_i32 = arith.constant 0 : i32
    %c0_i32_0 = arith.constant 0 : i32
    return %arg0, %c0_i32 : i32, i32
  }
}

module attributes {stable_mosaic.version = 14 : i64} {
  func.func @_stage3_body(%arg0: i32, %arg1: memref<2048x1xf32, #tpu.memory_space<vmem>>, %arg2: memref<2048x1xf32, #tpu.memory_space<vmem>>, %arg3: memref<2048x1xf32, #tpu.memory_space<vmem>>, %arg4: memref<2048x1xf32, #tpu.memory_space<vmem>>, %arg5: memref<2048x1xf32, #tpu.memory_space<vmem>>, %arg6: memref<1x1xf32, #tpu.memory_space<vmem>>, %arg7: memref<2048x1xf32, #tpu.memory_space<vmem>>) attributes {dimension_semantics = [#tpu.dimension_semantics<arbitrary>], iteration_bounds = array<i64: 49>, scalar_prefetch = 0 : i64, scratch_operands = 0 : i64, tpu.core_type = #tpu.core_type<tc>, window_params = [{transform_indices = @transform_0, window_bounds = array<i64: 2048, 1>}, {transform_indices = @transform_1, window_bounds = array<i64: 2048, 1>}, {transform_indices = @transform_2, window_bounds = array<i64: 2048, 1>}, {transform_indices = @transform_3, window_bounds = array<i64: 2048, 1>}, {transform_indices = @transform_4, window_bounds = array<i64: 2048, 1>}, {pipeline_mode = #tpu.pipeline_mode<synchronous>, transform_indices = @transform_5, window_bounds = array<i64: 1, 1>}, {transform_indices = @transform_6, window_bounds = array<i64: 2048, 1>}]} {
    %get3A = arith.constant 0 : index
    %get3A_0 = arith.constant 0 : index
    %get3A_1 = vector.load %arg4[%get3A, %get3A_0] : memref<2048x1xf32, #tpu.memory_space<vmem>>, vector<2048x1xf32>
    %get3A_2 = arith.constant 0 : index
    %get3A_3 = arith.constant 0 : index
    %get3A_4 = vector.load %arg1[%get3A_2, %get3A_3] : memref<2048x1xf32, #tpu.memory_space<vmem>>, vector<2048x1xf32>
    %get3A_5 = arith.constant 0 : index
    %get3A_6 = arith.constant 0 : index
    %get3A_7 = vector.load %arg2[%get3A_5, %get3A_6] : memref<2048x1xf32, #tpu.memory_space<vmem>>, vector<2048x1xf32>
    %add3A = arith.addf %get3A_4, %get3A_7 : vector<2048x1xf32>
    %mul3A = arith.mulf %get3A_1, %add3A : vector<2048x1xf32>
    %get3A_8 = arith.constant 0 : index
    %get3A_9 = arith.constant 0 : index
    %get3A_10 = vector.load %arg3[%get3A_8, %get3A_9] : memref<2048x1xf32, #tpu.memory_space<vmem>>, vector<2048x1xf32>
    %get3A_11 = arith.constant 0 : index
    %get3A_12 = arith.constant 0 : index
    %get3A_13 = vector.load %arg5[%get3A_11, %get3A_12] : memref<2048x1xf32, #tpu.memory_space<vmem>>, vector<2048x1xf32>
    %mul3A_14 = arith.mulf %get3A_10, %get3A_13 : vector<2048x1xf32>
    %add3A_15 = arith.addf %mul3A, %mul3A_14 : vector<2048x1xf32>
    %get3A_16 = arith.constant 0 : index
    %get3A_17 = arith.constant 0 : index
    %get3A_18 = vector.load %arg6[%get3A_16, %get3A_17] : memref<1x1xf32, #tpu.memory_space<vmem>>, vector<1x1xf32>
    %add3A_19 = vector.broadcast %get3A_18 : vector<1x1xf32> to vector<2048x1xf32>
    %add3A_20 = arith.addf %add3A_15, %add3A_19 : vector<2048x1xf32>
    %logistic3A = arith.negf %add3A_20 : vector<2048x1xf32>
    %logistic3A_21 = math.exp %logistic3A : vector<2048x1xf32>
    %logistic3A_22 = arith.constant 1.000000e+00 : f32
    %logistic3A_23 = vector.broadcast %logistic3A_22 : f32 to vector<2048x1xf32>
    %logistic3A_24 = arith.addf %logistic3A_23, %logistic3A_21 : vector<2048x1xf32>
    %logistic3A_25 = arith.divf %logistic3A_23, %logistic3A_24 : vector<2048x1xf32>
    %swap3A = arith.constant 0 : index
    %swap3A_26 = arith.constant 0 : index
    %swap3A_27 = vector.load %arg7[%swap3A, %swap3A_26] : memref<2048x1xf32, #tpu.memory_space<vmem>>, vector<2048x1xf32>
    tpu.vector_store %arg7[%swap3A, %swap3A_26], %logistic3A_25 {strides = array<i32>} : memref<2048x1xf32, #tpu.memory_space<vmem>>, vector<2048x1xf32>,
    return
  }
  func.func @transform_0(%arg0: i32) -> (i32, i32) {
    %c0_i32 = arith.constant 0 : i32
    %c0_i32_0 = arith.constant 0 : i32
    return %arg0, %c0_i32 : i32, i32
  }
  func.func @transform_1(%arg0: i32) -> (i32, i32) {
    %c0_i32 = arith.constant 0 : i32
    %c0_i32_0 = arith.constant 0 : i32
    return %arg0, %c0_i32 : i32, i32
  }
  func.func @transform_2(%arg0: i32) -> (i32, i32) {
    %c0_i32 = arith.constant 0 : i32
    %c0_i32_0 = arith.constant 0 : i32
    return %arg0, %c0_i32 : i32, i32
  }
  func.func @transform_3(%arg0: i32) -> (i32, i32) {
    %c0_i32 = arith.constant 0 : i32
    %c0_i32_0 = arith.constant 0 : i32
    return %arg0, %c0_i32 : i32, i32
  }
  func.func @transform_4(%arg0: i32) -> (i32, i32) {
    %c0_i32 = arith.constant 0 : i32
    %c0_i32_0 = arith.constant 0 : i32
    return %arg0, %c0_i32 : i32, i32
  }
  func.func @transform_5(%arg0: i32) -> (i32, i32) {
    %c0_i32 = arith.constant 0 : i32
    %c0_i32_0 = arith.constant 0 : i32
    %c0_i32_1 = arith.constant 0 : i32
    return %c0_i32, %c0_i32_0 : i32, i32
  }
  func.func @transform_6(%arg0: i32) -> (i32, i32) {
    %c0_i32 = arith.constant 0 : i32
    %c0_i32_0 = arith.constant 0 : i32
    return %arg0, %c0_i32 : i32, i32
  }
}

</mosaic_0001>

<sc_bundles>
// kernel: kernel.10.cloned.1.call-start
scs
__scs_entry_jumppad:
0x0: {  	(pc) =	sbr.rel $0x88, $3  }
0x1: {  	(tag) =	ssettag $0x0;
	lr =	simm.s32 $0x1  }
0x2: {  	[smem:$0x3F99] =	sst lr;
	_ =	strace $0xD0000000  }
0x3: {  	_ = 	snop  }
0x4: {  	_ = 	snop  }
0x5: {  	_ = 	snop  }
0x6: {  	_ = 	snop  }
0x7: {  	_ = 	snop  }
__scs_overlays_trampoline_lowered:
0x8: {  	[smem:$0x3FA8] =	sst s0  }
0x9: {  	[smem:$0x3FA9] =	sst s1  }
0xa: {  	[smem:$0x3FAA] =	sst s2  }
0xb: {  	[smem:$0x3FAB] =	sst s3  }
0xc: {  	[smem:$0x3FAC] =	sst s4  }
0xd: {  	[smem:$0x3FAD] =	sst s5  }
0xe: {  	[smem:$0x3FAE] =	sst s6  }
0xf: {  	[smem:$0x3FAF] =	sst s7  }
0x10: {  	[smem:$0x3FB0] =	sst s8  }
0x11: {  	[smem:$0x3FB1] =	sst s9;
	s0 =	simm.s32 @!p0 $0x0  }
0x12: {  	s1 =	sld [smem:$0x3F97];
	s0 =	simm.s32 @p0 $0x1  }
0x13: {  	[smem:$0x3FB2] =	sst s0;
	s0 =	simm.s32 @!p1 $0x0  }
0x14: {  	s2 =	sld [smem:$0x3F96];
	s0 =	simm.s32 @p1 $0x1  }
0x15: {  	[smem:$0x3FB3] =	sst s0;
	s0 =	simm.s32 @!p2 $0x0  }
0x16: {  	s3 =	sld [smem:$0x3FDB];
	s0 =	simm.s32 @p2 $0x1  }
0x17: {  	s4 =	simm.s32 $0x1BF5;
	[smem:$0x3FB5] =	sst s0  }
0x18: {  	s0 =	sld [smem:$0x3F98];
	_ =	swait.ge [sflag:s4], $0x0  }
0x19: {  	s7 =	sld [smem:$0x3F99]  }
0x1a: {  	s8 =	sadd.s32 $0xFFFFE003, lr  }
0x1b: {  	s9 =	sadd.s32 $0xFFFFFEF7, lr;
	s5 =	simm.s32 $0xFFFFFFFF;
	p2 =	slt.u32 s8, $0xFFFFF086  }
0x1c: {  	p1 =	slt.u32 s9, $0xF7A;
	s5 =	simm.s32 @!p2 $0x0  }
0x1d: {  	s5 =	simm.s32 @p1 $0x1;
	p0 =	seq.s32 s7, s2  }
0x1e: {  	s7 =	smul.u32 @!p0 $0xF7A, s2;
	p2 =	seq.s32 @!p0 s5, $0x0  }
0x1f: {  	s9 =	smul.u32 $0xF7A, s1;
	s8 =	simm.s32 @!p0 $0x1BF5;
	p2 =	por !p2, p0  }
0x20: {  	[sflag:s8] =	ssyncset.s32 @!p0 $0xFFFFF086;
	s6 =	sadd.s32 @!p0 s3, s7;
	s7 =	simm.s32 @!p0 $0x108  }
0x21: {  	s3 =	sadd.s32 s3, s9;
	s6 =	sadd.s32 @!p0 $0x88, s6;
	s7 =	simm.s32 @p2 $0x1082  }
0x22: {  	[simem:s7], [sflag:s8] =	dma.local @!p0 [hbm:s6], $0xF7A  }
0x23: {  	s9 =	sor.u32 $0xD0000000, s2;
	s6 =	simm.s32 $0x108;
	_ =	swait.ge @!p0 [sflag:s8], $0x0  }
0x24: {  	s3 =	sadd.s32 $0x88, s3;
	s6 =	simm.s32 @!p1 $0x1082;
	[sflag:s4] =	ssyncset.s32 $0xFFFFF086  }
0x25: {  	[simem:s6], [sflag:s4] =	dma.local [hbm:s3], $0xF7A  }
0x26: {  	[smem:$0x3F99] =	sst s1;
	(tag) =	ssettag s2;
	_ =	strace s9  }
0x27: {  	s1 =	sld [smem:$0x3FA9]  }
0x28: {  	s2 =	sld [smem:$0x3FAA]  }
0x29: {  	s4 =	sld [smem:$0x3FAC]  }
0x2a: {  	p0 =	seq.s32 s5, $0x0;
	s5 =	sld [smem:$0x3FAD]  }
0x2b: {  	s6 =	sld [smem:$0x3FAE]  }
0x2c: {  	s7 =	sld [smem:$0x3FAF]  }
0x2d: {  	s3 =	simm.s32 $0x108;
	s8 =	sld [smem:$0x3FB0]  }
0x2e: {  	s3 =	simm.s32 @!p0 $0x1082;
	s9 =	sld [smem:$0x3FB1]  }
0x2f: {  	lr =	sadd.s32 s0, s3;
	s0 =	sld [smem:$0x3FA8]  }
0x30: {  	s3 =	sld [smem:$0x3FAB]  }
0x31: {  	[smem:$0x3FB4] =	sst s10  }
0x32: {  	s10 =	sld [smem:$0x3FB2];
	_ =	sdelay $0x3  }
0x33: {  	p0 =	seq.s32 s10, $0x1;
	s10 =	sld [smem:$0x3FB4];
	_ =	sdelay $0x3  }
0x34: {  	[smem:$0x3FB4] =	sst s10  }
0x35: {  	s10 =	sld [smem:$0x3FB3];
	_ =	sdelay $0x3  }
0x36: {  	p1 =	seq.s32 s10, $0x1;
	s10 =	sld [smem:$0x3FB4];
	_ =	sdelay $0x3  }
0x37: {  	[smem:$0x3FB4] =	sst s10  }
0x38: {  	s10 =	sld [smem:$0x3FB5]  }
0x39: {  	_ = 	snop;
	(pc) =	sbr.ind lr, $3  }
0x3a: {  	_ = 	snop  }
0x3b: {  	_ = 	snop  }
0x3c: {  	p2 =	seq.s32 s10, $0x1;
	s10 =	sld [smem:$0x3FB4]  }
0x3d: {  	_ =	shalt  }
0x3e: {  	_ =	shalt  }
0x3f: {  	_ =	shalt  }
0x40: {  	_ =	shalt  }
0x41: {  	_ =	shalt  }
0x42: {  	_ =	shalt  }
0x43: {  	_ =	shalt  }
0x44: {  	_ =	shalt  }
0x45: {  	_ =	shalt  }
0x46: {  	_ =	shalt  }
0x47: {  	_ =	shalt  }
0x48: {  	_ =	shalt  }
0x49: {  	_ =	shalt  }
0x4a: {  	_ =	shalt  }
0x4b: {  	_ =	shalt  }
0x4c: {  	_ =	shalt  }
0x4d: {  	_ =	shalt  }
0x4e: {  	_ =	shalt  }
0x4f: {  	_ =	shalt  }
0x50: {  	_ =	shalt  }
0x51: {  	_ =	shalt  }
0x52: {  	_ =	shalt  }
0x53: {  	_ =	shalt  }
0x54: {  	_ =	shalt  }
0x55: {  	_ =	shalt  }
0x56: {  	_ =	shalt  }
0x57: {  	_ =	shalt  }
0x58: {  	_ =	shalt  }
0x59: {  	_ =	shalt  }
0x5a: {  	_ =	shalt  }
0x5b: {  	_ =	shalt  }
0x5c: {  	_ =	shalt  }
0x5d: {  	_ =	shalt  }
0x5e: {  	_ =	shalt  }
0x5f: {  	_ =	shalt  }
0x60: {  	_ =	shalt  }
0x61: {  	_ =	shalt  }
0x62: {  	_ =	shalt  }
0x63: {  	_ =	shalt  }
0x64: {  	_ =	shalt  }
0x65: {  	_ =	shalt  }
0x66: {  	_ =	shalt  }
0x67: {  	_ =	shalt  }
0x68: {  	_ =	shalt  }
0x69: {  	_ =	shalt  }
0x6a: {  	_ =	shalt  }
0x6b: {  	_ =	shalt  }
0x6c: {  	_ =	shalt  }
0x6d: {  	_ =	shalt  }
0x6e: {  	_ =	shalt  }
0x6f: {  	_ =	shalt  }
0x70: {  	_ =	shalt  }
0x71: {  	_ =	shalt  }
0x72: {  	_ =	shalt  }
0x73: {  	_ =	shalt  }
0x74: {  	_ =	shalt  }
0x75: {  	_ =	shalt  }
0x76: {  	_ =	shalt  }
0x77: {  	_ =	shalt  }
0x78: {  	_ =	shalt  }
0x79: {  	_ =	shalt  }
0x7a: {  	_ =	shalt  }
0x7b: {  	_ =	shalt  }
0x7c: {  	_ =	shalt  }
0x7d: {  	_ =	shalt  }
0x7e: {  	_ =	shalt  }
0x7f: {  	_ =	shalt  }
0x80: {  	_ =	shalt  }
0x81: {  	_ =	shalt  }
0x82: {  	_ =	shalt  }
0x83: {  	_ =	shalt  }
0x84: {  	_ =	shalt  }
0x85: {  	_ =	shalt  }
0x86: {  	_ =	shalt  }
0x87: {  	_ =	shalt  }
.Lfunc_end0:
.L_simem_size_0:
called_computation_lowered:
.L_overlay_start_0:
0x88: {  	s2 =	sld [smem:$0x3FD9]  }
0x89: {  	s3 =	sld [smem:$0x3FFE];
	_ =	sdelay $0x1  }
0x8a: {  	s1 =	srdreg.scid  }
0x8b: {  	s0 =	sand.u32 $0x1, s1  }
0x8c: {  	s17 =	sshll.u32 s0, $0xA;
	s2 =	sadd.s32 s3, s2  }
0x8d: {  	s2 =	sadd.s32 s2, s17  }
0x8e: {  	[smem:$0x3FC0] =	sst s2  }
0x8f: {  	_ = 	snop  }
0x90: {  	s2 =	sld [smem:$0x3FD0];
	(tm) =	ssettm $0x1  }
0x91: {  	s18 =	sld [smem:$0x3FFB];
	_ =	sdelay $0x3  }
0x92: {  	_ =	strace s18  }
0x93: {  	s3 =	sld [smem:$0x3FFC];
	_ =	sdelay $0x3  }
0x94: {  	_ =	strace s3  }
0x95: {  	s3 =	sld [smem:$0x3FFD];
	_ =	sdelay $0x3  }
0x96: {  	_ =	strace s3  }
0x97: {  	_ =	strace $0x8FFFFFFF  }
0x98: {  	s19 =	sld [smem:$0x3FDB];
	_ =	sdelay $0x1  }
0x99: {  	s4 =	simm.s32 $_scs_section_size  }
0x9a: {  	s5 =	simm.s32 $_size__tile_overlayer_lowered;
	s6 =	simm.s32 $_tile_overlayer_lowered  }
0x9b: {  	s22 =	simm.s32 $0x1BFF;
	s21 =	sshll.u32 s6, $0x1;
	s3 =	sadd.s32 s4, s19  }
0x9c: {  	s7 =	simm.s32 $0x0;
	s20 =	sshll.u32 s5, $0x1;
	s5 =	sadd.s32 s21, s3  }
0x9d: {  	[timem:s7], [sflag:s22] =	dma.local [hbm:s5], s20  }
0x9e: {  	_ =	swait.ge [sflag:s22], s20  }
0x9f: {  	s4 =	ssub.s32 $0x0, s20;
	[sflag:s22] =	ssyncset.done $0x0  }
0xa0: {  	[sflag:s22] =	ssyncadd.s32 s4;
	_ =	sdelay $0x1  }
0xa1: {  	s23 =	simm.s32 $0x1B8B  }
0xa2: {  	_ =	swait.ge [sflag:s23], $0x1  }
0xa3: {  	[sflag:s23] =	ssyncset.done $0x0  }
0xa4: {  	s25 =	simm.s32 $0x1B8E;
	s24 =	sld [smem:$0x3FFE];
	[sflag:s23] =	ssyncadd.s32 $0xFFFFFFFF  }
0xa5: {  	s26 =	simm.s32 $execute0_lowered;
	[smem:$0x3FD2] =	sst s25  }
0xa6: {  	s5 =	sshll.u32 s26, $0x1;
	_ =	strace $0x80000046;
	[dreg:$0x1] =	wrdreg $0xFFFFFFFF  }
0xa7: {  	s28 =	simm.s32 $_size_execute0_lowered;
	s3 =	sadd.s32 s3, s5;
	[dreg:$0x0] =	wrdreg $0x0  }
0xa8: {  	s5 =	sshll.u32 s28, $0x1;
	[dreg:$0x2] =	wrdreg s3  }
0xa9: {  	[dreg:$0x3] =	wrdreg s5  }
0xaa: {  	[dreg:$0x4] =	wrdreg $0xC0  }
0xab: {  	_ =	task [dreg:s7], $0x5FFFF  }
0xac: {  	[dreg:$0x1] =	wrdreg $0xFFFFFFFF  }
0xad: {  	[dreg:$0x0] =	wrdreg $0x60  }
0xae: {  	[dreg:$0x2] =	wrdreg s24  }
0xaf: {  	[dreg:$0x3] =	wrdreg s2  }
0xb0: {  	[dreg:$0x4] =	wrdreg $0x14000  }
0xb1: {  	[dreg:$0x5] =	wrdreg $0x9  }
0xb2: {  	_ =	task.clear_ibuf [dreg:s7], $0x6FFFF;
	_ =	strace $0x90000046  }
0xb3: {  	s29 =	simm.s32 $0x9;
	_ =	strace $0x80000048  }
0xb4: {  	_ =	swait.ge [sflag:s29], $0x1  }
0xb5: {  	[sflag:s29] =	ssyncadd.s32 $0xFFFFFFFF  }
0xb6: {  	_ =	strace $0x90000048  }
0xb7: {  	_ =	sfence  }
0xb8: {  	s30 =	sld [smem:$0x0];
	_ =	sdelay $0x2  }
0xb9: {  	s31 =	sshll.u32 s1, $0xD;
	s1 =	sshrl.u32 s1, $0x2  }
0xba: {  	s3 =	sand.u32 $0x4000, s31;
	s1 =	sadd.s32 s1, s30  }
0xbb: {  	s0 =	sor.u32 s3, s0;
	s1 =	sshll.u32 s1, $0x11  }
0xbc: {  	s0 =	sor.u32 s1, s0  }
0xbd: {  	s0 =	sadd.s32 $0x8F2B, s0  }
0xbe: {  	[sflag:s0] =	ssyncadd.remote.s32 $0x1  }
0xbf: {  	_ =	sfence.sel $0xFFFF  }
0xc0: {  	[dreg:$0x0] =	wrdreg $0xFFFFFFFF;
	(pc) =	sbr.abs _section_cstart, $3  }
0xc1: {  	[dreg:$0x1] =	wrdreg $0xFFFFFFFF  }
0xc2: {  	_ =	task.clear_ibuf [dreg:s7], $0x2FFFF;
	_ =	strace $0x9FFFFFFF  }
0xc3: {  	(tm) =	ssettm $0x7FFFFFFF  }
tec
execute0_lowered:
.L_overlay_start_1:
0x0: {  	(tag) =	ssettag $0x1  }
0x1: {  	s5 =	rddreg [dreg:$0x0]  }
0x2: {  	s2 =	rddreg [dreg:$0x1]  }
0x3: {  	s3 =	rddreg [dreg:$0x2]  }
0x4: {  	s0 =	stileid.u32;
	s7 =	srdreg.scid  }
0x5: {  	s4 =	simm.s32 $0x0;
	s14 =	simm.s32 $0x80;
	s15 =	simm.s32 $0x800  }
0x6: {  	s16 =	simm.s32 $0x100;
	s17 =	simm.s32 $0xC00;
	s18 =	simm.s32 $0x180  }
0x7: {  	s19 =	simm.s32 $0x1000;
	s20 =	simm.s32 $0x200;
	s21 =	simm.s32 $0x280  }
0x8: {  	s22 =	simm.s32 $0x300;
	s23 =	simm.s32 $0x380;
	s24 =	simm.s32 $0x1  }
0x9: {  	s25 =	simm.s32 $0x2;
	s26 =	simm.s32 $0x0;
	s6 =	smul.u32 $0xC380, s0  }
0xa: {  	s7 =	sand.u32 $0x1, s7;
	[smem:$0x7FF] =	sst s4;
	s13 =	smul.u32 $0x18800, s0  }
0xb: {  	s10 =	sadd.s32 $0x2C00, s5;
	s29 =	sshll.u32 s0, $0x6;
	s9 =	smul.u32 $0xC3800, s7  }
0xc: {  	_ =	strace $0x80000047;
	s11 =	ssub.s32 $0x2, s7;
	s7 =	smul.u32 $0x188000, s7  }
0xd: {  	s8 =	sshrl.u32 s6, $0x3;
	s12 =	sshrl.u32 s11, $0x1;
	s28 =	sadd.s32 s6, s3  }
0xe: {  	s8 =	sadd.s32 s8, s5;
	s9 =	sadd.s32 s6, s9;
	s11 =	ssub.s32 s11, s12  }
0xf: {  	s13 =	sadd.s32 s13, s7;
	s6 =	sor.u32 $0x1C03, s29;
	s12 =	simm.s32 $0x3  }
0x10: {  	s9 =	sshrl.u32 s9, $0x3;
	s30 =	sor.u32 $0x200, s13;
	s31 =	sshrl.u32 s13, $0x3  }
0x11: {  	s13 =	simm.s32 $0x400;
	s9 =	sadd.s32 s9, s5;
	s5 =	sadd.s32 $0x189C00, s8  }
0x12: {  	s8 =	smax.u32 s11, $0x1;
	s7 =	sadd.s32 $0x64C00, s9;
	s9 =	sshrl.u32 s30, $0x3  }
0x13: {  	s11 =	sshrl.u32 s28, $0x3;
	s9 =	sadd.s32 s9, s10;
	s10 =	sadd.s32 s31, s10  }
.LBB2_1:
0x14: {  	[spmem:s11], [sflag:s6] =	dma.local [hbm:s5], $0x1870  }
0x15: {  	_ =	swait.ge [sflag:s12], $0x1870  }
0x16: {  	[sflag:s12] =	ssyncset.done $0x0  }
0x17: {  	[sflag:s12] =	ssyncadd.s32 $0xFFFFE790  }
0x18: {  	[tilespmem:s13], [sflag:$0x3] =	stream.linear.gather [hbm4b:s2+s4], $0x1000, $0x38;
	[tilespmem:$0x2C70] =	vst v63  }
0x19: {  	_ =	swait.ge [sflag:s12], $0x1000  }
0x1a: {  	[sflag:s12] =	ssyncset.done $0x0  }
0x1b: {  	[sflag:s12] =	ssyncadd.s32 $0xFFFFF000  }
0x1c: {  	s28 =	sadd.s32 $0x0, s10;
	[bflag:$0x0] =	sbarrier.arrive $0xFFFF  }
0x1d: {  	[tilespmem:s4], [sflag:$0x3] =	stream.linear.gather [hbm4b:s28+s4], $0x200, $0x38;
	[tilespmem:$0x2C70] =	vst v63  }
0x1e: {  	_ =	swait.ge [sflag:s12], $0x200  }
0x1f: {  	[sflag:s12] =	ssyncset.done $0x0  }
0x20: {  	[sflag:s12] =	ssyncadd.s32 $0xFFFFFE00  }
0x21: {  	[spmem:s3] =	stream.indirect.scatter.add.f32 [tilespmem:s13], [sflag:$0x1], $0x1, s4, s14, $0xb8;
	[tilespmem:$0x2C70] =	vst v63  }
0x22: {  	_ = 	snop  }
0x23: {  	[spmem:s3] =	stream.indirect.scatter.add.f32 [tilespmem:s15], [sflag:$0x1], $0x1, s14, s14, $0xb8;
	[tilespmem:$0x2C70] =	vst v63  }
0x24: {  	_ = 	snop  }
0x25: {  	[spmem:s3] =	stream.indirect.scatter.add.f32 [tilespmem:s17], [sflag:$0x1], $0x1, s16, s14, $0xb8;
	[tilespmem:$0x2C70] =	vst v63  }
0x26: {  	_ = 	snop  }
0x27: {  	[spmem:s3] =	stream.indirect.scatter.add.f32 [tilespmem:s19], [sflag:$0x1], $0x1, s18, s14, $0xb8;
	[tilespmem:$0x2C70] =	vst v63  }
0x28: {  	s28 =	sadd.s32 $0x0, s9  }
0x29: {  	[tilespmem:s20], [sflag:$0x3] =	stream.linear.gather [hbm4b:s28+s4], $0x200, $0x38;
	[tilespmem:$0x2C70] =	vst v63  }
0x2a: {  	_ =	swait.ge [sflag:s12], $0x200  }
0x2b: {  	[sflag:s12] =	ssyncset.done $0x0  }
0x2c: {  	[sflag:s12] =	ssyncadd.s32 $0xFFFFFE00  }
0x2d: {  	[spmem:s3] =	stream.indirect.scatter.add.f32 [tilespmem:s13], [sflag:$0x2], $0x1, s20, s14, $0xb8;
	[tilespmem:$0x2C70] =	vst v63  }
0x2e: {  	_ = 	snop  }
0x2f: {  	[spmem:s3] =	stream.indirect.scatter.add.f32 [tilespmem:s15], [sflag:$0x2], $0x1, s21, s14, $0xb8;
	[tilespmem:$0x2C70] =	vst v63  }
0x30: {  	_ = 	snop  }
0x31: {  	[spmem:s3] =	stream.indirect.scatter.add.f32 [tilespmem:s17], [sflag:$0x2], $0x1, s22, s14, $0xb8;
	[tilespmem:$0x2C70] =	vst v63  }
0x32: {  	_ = 	snop  }
0x33: {  	[spmem:s3] =	stream.indirect.scatter.add.f32 [tilespmem:s19], [sflag:$0x2], $0x1, s23, s14, $0xb8;
	[tilespmem:$0x2C70] =	vst v63  }
0x34: {  	_ =	swait.ge [sflag:s24], $0x80  }
0x35: {  	[sflag:s24] =	ssyncset.done $0x0  }
0x36: {  	[sflag:s24] =	ssyncadd.s32 $0xFFFFFF80  }
0x37: {  	_ =	swait.ge [sflag:s24], $0x80  }
0x38: {  	[sflag:s24] =	ssyncset.done $0x0  }
0x39: {  	[sflag:s24] =	ssyncadd.s32 $0xFFFFFF80  }
0x3a: {  	_ =	swait.ge [sflag:s24], $0x80  }
0x3b: {  	[sflag:s24] =	ssyncset.done $0x0  }
0x3c: {  	[sflag:s24] =	ssyncadd.s32 $0xFFFFFF80  }
0x3d: {  	_ =	swait.ge [sflag:s24], $0x80  }
0x3e: {  	[sflag:s24] =	ssyncset.done $0x0  }
0x3f: {  	[sflag:s24] =	ssyncadd.s32 $0xFFFFFF80  }
0x40: {  	_ =	swait.ge [sflag:s25], $0x80  }
0x41: {  	[sflag:s25] =	ssyncset.done $0x0  }
0x42: {  	[sflag:s25] =	ssyncadd.s32 $0xFFFFFF80  }
0x43: {  	_ =	swait.ge [sflag:s25], $0x80  }
0x44: {  	[sflag:s25] =	ssyncset.done $0x0  }
0x45: {  	[sflag:s25] =	ssyncadd.s32 $0xFFFFFF80  }
0x46: {  	_ =	swait.ge [sflag:s25], $0x80  }
0x47: {  	[sflag:s25] =	ssyncset.done $0x0  }
0x48: {  	[sflag:s25] =	ssyncadd.s32 $0xFFFFFF80  }
0x49: {  	_ =	swait.ge [sflag:s25], $0x80  }
0x4a: {  	s30 =	simm.s32 $0x100;
	s28 =	simm.s32 $0x80;
	[sflag:s25] =	ssyncset.done $0x0  }
.LBB2_2:
0x4b: {  	s31 =	sadd.s32 s28, s10  }
0x4c: {  	[sflag:s25] =	ssyncadd.s32 $0xFFFFFF80;
	s1 =	smov.u32 s30;
	s29 =	sadd.s32 $0x80, s30  }
0x4d: {  	[tilespmem:s4], [sflag:$0x3] =	stream.linear.gather [hbm4b:s31+s4], $0x200, $0x38;
	[tilespmem:$0x2C70] =	vst v63  }
0x4e: {  	p0 =	sne.s32 s30, $0x3080;
	_ =	swait.ge [sflag:s12], $0x200  }
0x4f: {  	[sflag:s12] =	ssyncset.done $0x0  }
0x50: {  	[sflag:s12] =	ssyncadd.s32 $0xFFFFFE00  }
0x51: {  	[spmem:s3] =	stream.indirect.scatter.add.f32 [tilespmem:s13], [sflag:$0x1], $0x1, s4, s14, $0xb8;
	[tilespmem:$0x2C70] =	vst v63  }
0x52: {  	_ = 	snop  }
0x53: {  	[spmem:s3] =	stream.indirect.scatter.add.f32 [tilespmem:s15], [sflag:$0x1], $0x1, s14, s14, $0xb8;
	[tilespmem:$0x2C70] =	vst v63  }
0x54: {  	_ = 	snop  }
0x55: {  	[spmem:s3] =	stream.indirect.scatter.add.f32 [tilespmem:s17], [sflag:$0x1], $0x1, s16, s14, $0xb8;
	[tilespmem:$0x2C70] =	vst v63  }
0x56: {  	_ = 	snop  }
0x57: {  	[spmem:s3] =	stream.indirect.scatter.add.f32 [tilespmem:s19], [sflag:$0x1], $0x1, s18, s14, $0xb8;
	[tilespmem:$0x2C70] =	vst v63  }
0x58: {  	s30 =	sadd.s32 s28, s9;
	s28 =	smov.u32 s1  }
0x59: {  	[tilespmem:s20], [sflag:$0x3] =	stream.linear.gather [hbm4b:s30+s4], $0x200, $0x38;
	[tilespmem:$0x2C70] =	vst v63  }
0x5a: {  	_ =	swait.ge [sflag:s12], $0x200  }
0x5b: {  	[sflag:s12] =	ssyncset.done $0x0  }
0x5c: {  	[sflag:s12] =	ssyncadd.s32 $0xFFFFFE00  }
0x5d: {  	[spmem:s3] =	stream.indirect.scatter.add.f32 [tilespmem:s13], [sflag:$0x2], $0x1, s20, s14, $0xb8;
	[tilespmem:$0x2C70] =	vst v63  }
0x5e: {  	_ = 	snop  }
0x5f: {  	[spmem:s3] =	stream.indirect.scatter.add.f32 [tilespmem:s15], [sflag:$0x2], $0x1, s21, s14, $0xb8;
	[tilespmem:$0x2C70] =	vst v63  }
0x60: {  	_ = 	snop  }
0x61: {  	[spmem:s3] =	stream.indirect.scatter.add.f32 [tilespmem:s17], [sflag:$0x2], $0x1, s22, s14, $0xb8;
	[tilespmem:$0x2C70] =	vst v63  }
0x62: {  	_ = 	snop  }
0x63: {  	[spmem:s3] =	stream.indirect.scatter.add.f32 [tilespmem:s19], [sflag:$0x2], $0x1, s23, s14, $0xb8;
	[tilespmem:$0x2C70] =	vst v63  }
0x64: {  	_ =	swait.ge [sflag:s24], $0x80  }
0x65: {  	[sflag:s24] =	ssyncset.done $0x0  }
0x66: {  	[sflag:s24] =	ssyncadd.s32 $0xFFFFFF80  }
0x67: {  	_ =	swait.ge [sflag:s24], $0x80  }
0x68: {  	[sflag:s24] =	ssyncset.done $0x0  }
0x69: {  	[sflag:s24] =	ssyncadd.s32 $0xFFFFFF80  }
0x6a: {  	_ =	swait.ge [sflag:s24], $0x80  }
0x6b: {  	[sflag:s24] =	ssyncset.done $0x0  }
0x6c: {  	[sflag:s24] =	ssyncadd.s32 $0xFFFFFF80  }
0x6d: {  	_ =	swait.ge [sflag:s24], $0x80  }
0x6e: {  	[sflag:s24] =	ssyncset.done $0x0  }
0x6f: {  	[sflag:s24] =	ssyncadd.s32 $0xFFFFFF80  }
0x70: {  	_ =	swait.ge [sflag:s25], $0x80  }
0x71: {  	[sflag:s25] =	ssyncset.done $0x0  }
0x72: {  	[sflag:s25] =	ssyncadd.s32 $0xFFFFFF80  }
0x73: {  	_ =	swait.ge [sflag:s25], $0x80  }
0x74: {  	[sflag:s25] =	ssyncset.done $0x0  }
0x75: {  	[sflag:s25] =	ssyncadd.s32 $0xFFFFFF80  }
.Ltmp0:
0x76: {  	_ =	swait.ge [sflag:s25], $0x80;
	(pc) =	sbr.rel @p0 .LBB2_2-.Ltmp0, $4  }
0x77: {  	[sflag:s25] =	ssyncset.done $0x0  }
0x78: {  	[sflag:s25] =	ssyncadd.s32 $0xFFFFFF80  }
0x79: {  	_ =	swait.ge [sflag:s25], $0x80  }
0x7a: {  	s30 =	smov.u32 s29;
	[sflag:s25] =	ssyncset.done $0x0  }
0x7b: {  	s1 =	sadd.s32 s28, s10;
	[sflag:s25] =	ssyncadd.s32 $0xFFFFFF80  }
0x7c: {  	[tilespmem:s4], [sflag:$0x3] =	stream.linear.gather [hbm4b:s1+s4], $0x200, $0x38;
	[tilespmem:$0x2C70] =	vst v63  }
0x7d: {  	_ =	swait.ge [sflag:s12], $0x200  }
0x7e: {  	[sflag:s12] =	ssyncset.done $0x0  }
0x7f: {  	[sflag:s12] =	ssyncadd.s32 $0xFFFFFE00  }
0x80: {  	[spmem:s3] =	stream.indirect.scatter.add.f32 [tilespmem:s13], [sflag:$0x1], $0x1, s4, s14, $0xb8;
	[tilespmem:$0x2C70] =	vst v63  }
0x81: {  	_ = 	snop  }
0x82: {  	[spmem:s3] =	stream.indirect.scatter.add.f32 [tilespmem:s15], [sflag:$0x1], $0x1, s14, s14, $0xb8;
	[tilespmem:$0x2C70] =	vst v63  }
0x83: {  	_ = 	snop  }
0x84: {  	[spmem:s3] =	stream.indirect.scatter.add.f32 [tilespmem:s17], [sflag:$0x1], $0x1, s16, s14, $0xb8;
	[tilespmem:$0x2C70] =	vst v63  }
0x85: {  	_ = 	snop  }
0x86: {  	[spmem:s3] =	stream.indirect.scatter.add.f32 [tilespmem:s19], [sflag:$0x1], $0x1, s18, s14, $0xb8;
	[tilespmem:$0x2C70] =	vst v63  }
0x87: {  	s31 =	sadd.s32 s28, s9  }
0x88: {  	[tilespmem:s20], [sflag:$0x3] =	stream.linear.gather [hbm4b:s31+s4], $0x200, $0x38;
	[tilespmem:$0x2C70] =	vst v63  }
0x89: {  	_ =	swait.ge [sflag:s12], $0x200  }
0x8a: {  	[sflag:s12] =	ssyncset.done $0x0  }
0x8b: {  	[sflag:s12] =	ssyncadd.s32 $0xFFFFFE00  }
0x8c: {  	[spmem:s3] =	stream.indirect.scatter.add.f32 [tilespmem:s13], [sflag:$0x2], $0x1, s20, s14, $0xb8;
	[tilespmem:$0x2C70] =	vst v63  }
0x8d: {  	_ = 	snop  }
0x8e: {  	[spmem:s3] =	stream.indirect.scatter.add.f32 [tilespmem:s15], [sflag:$0x2], $0x1, s21, s14, $0xb8;
	[tilespmem:$0x2C70] =	vst v63  }
0x8f: {  	_ = 	snop  }
0x90: {  	[spmem:s3] =	stream.indirect.scatter.add.f32 [tilespmem:s17], [sflag:$0x2], $0x1, s22, s14, $0xb8;
	[tilespmem:$0x2C70] =	vst v63  }
0x91: {  	_ = 	snop  }
0x92: {  	[spmem:s3] =	stream.indirect.scatter.add.f32 [tilespmem:s19], [sflag:$0x2], $0x1, s23, s14, $0xb8;
	[tilespmem:$0x2C70] =	vst v63  }
0x93: {  	_ =	swait.ge [sflag:s24], $0x80  }
0x94: {  	[sflag:s24] =	ssyncset.done $0x0  }
0x95: {  	[sflag:s24] =	ssyncadd.s32 $0xFFFFFF80  }
0x96: {  	_ =	swait.ge [sflag:s24], $0x80  }
0x97: {  	[sflag:s24] =	ssyncset.done $0x0  }
0x98: {  	[sflag:s24] =	ssyncadd.s32 $0xFFFFFF80  }
0x99: {  	_ =	swait.ge [sflag:s24], $0x80  }
0x9a: {  	[sflag:s24] =	ssyncset.done $0x0  }
0x9b: {  	[sflag:s24] =	ssyncadd.s32 $0xFFFFFF80  }
0x9c: {  	_ =	swait.ge [sflag:s24], $0x80  }
0x9d: {  	[sflag:s24] =	ssyncset.done $0x0  }
0x9e: {  	[sflag:s24] =	ssyncadd.s32 $0xFFFFFF80  }
0x9f: {  	_ =	swait.ge [sflag:s25], $0x80  }
0xa0: {  	[sflag:s25] =	ssyncset.done $0x0  }
0xa1: {  	[sflag:s25] =	ssyncadd.s32 $0xFFFFFF80  }
0xa2: {  	_ =	swait.ge [sflag:s25], $0x80  }
0xa3: {  	[sflag:s25] =	ssyncset.done $0x0  }
0xa4: {  	[sflag:s25] =	ssyncadd.s32 $0xFFFFFF80  }
0xa5: {  	_ =	swait.ge [sflag:s25], $0x80  }
0xa6: {  	[sflag:s25] =	ssyncset.done $0x0  }
0xa7: {  	[sflag:s25] =	ssyncadd.s32 $0xFFFFFF80  }
0xa8: {  	_ =	swait.ge [sflag:s25], $0x80  }
0xa9: {  	s26 =	sadd.s32 $0x1, s26;
	[sflag:s25] =	ssyncset.done $0x0  }
0xaa: {  	p0 =	sne.s32 s26, s8;
	[sflag:s25] =	ssyncadd.s32 $0xFFFFFF80  }
.Ltmp1:
0xab: {  	[bflag:$0x0] =	sbarrier.arrive $0xFFFF;
	(pc) =	sbr.rel @p0 .LBB2_1-.Ltmp1, $4  }
0xac: {  	[hbm:s7], [sflag:s6] =	dma.local [spmem:s11], $0x1870  }
0xad: {  	_ =	swait.ge [sflag:s12], $0x1870  }
0xae: {  	[sflag:s12] =	ssyncset.done $0x0  }
0xaf: {  	[sflag:s12] =	ssyncadd.s32 $0xFFFFE790  }
0xb0: {  	_ =	sfence.sel $0x180000  }
0xb1: {  	[bflag:$0x0] =	sbarrier.arrive $0xFFFF  }
0xb2: {  	_ =	strace $0x90000047  }
0xb3: {  	[bflag:$0x2] =	sbarrier.arrive $0xFFFF  }
0xb4: {  	p0 =	sne.s32 s0, $0x0;
	s0 =	rddreg [dreg:$0x3]  }
0xb5: {  	s0 =	sadd.s32 @!p0 $0x100000, s0  }
0xb6: {  	[sflag:s0] =	ssyncadd.tile.s32 @!p0 $0x1;
	_ =	shalt  }
.Lfunc_end2:
_tile_overlayer_lowered:
.L_overlay_start_2:
0xb7: {  	(tag) =	ssettag $0x2  }
0xb8: {  	s0 =	rddreg [dreg:$0x0];
	s2 =	stileid.u32  }
0xb9: {  	s1 =	rddreg [dreg:$0x1];
	p0 =	sne.s32 s2, $0x0  }
0xba: {  	s3 =	rddreg [dreg:$0x2];
	[bflag:$0x3] =	sbarrier.arrive $0xFFFF;
	s2 =	simm.s32 @!p0 $0x1C03  }
0xbb: {  	[timem:s3], [sflag:s2] =	dma.local @!p0 [hbm:s0], s1  }
0xbc: {  	s0 =	simm.s32 @!p0 $0x3  }
0xbd: {  	_ =	swait.ge @!p0 [sflag:s0], s1  }
0xbe: {  	s1 =	ssub.s32 @!p0 $0x0, s1;
	[sflag:s0] =	ssyncset.done @!p0 $0x0  }
0xbf: {  	[sflag:s0] =	ssyncadd.s32 @!p0 s1  }
0xc0: {  	[bflag:$0x3] =	sbarrier.arrive $0xFFFF  }
0xc1: {  	_ =	shalt  }

// kernel: kernel.13.cloned.1.call-start
scs
__scs_entry_jumppad:
0x0: {  	(pc) =	sbr.rel $0x88, $3  }
0x1: {  	(tag) =	ssettag $0x0;
	lr =	simm.s32 $0x1  }
0x2: {  	[smem:$0x3F99] =	sst lr;
	_ =	strace $0xD0000000  }
0x3: {  	_ = 	snop  }
0x4: {  	_ = 	snop  }
0x5: {  	_ = 	snop  }
0x6: {  	_ = 	snop  }
0x7: {  	_ = 	snop  }
__scs_overlays_trampoline_lowered:
0x8: {  	[smem:$0x3FA8] =	sst s0  }
0x9: {  	[smem:$0x3FA9] =	sst s1  }
0xa: {  	[smem:$0x3FAA] =	sst s2  }
0xb: {  	[smem:$0x3FAB] =	sst s3  }
0xc: {  	[smem:$0x3FAC] =	sst s4  }
0xd: {  	[smem:$0x3FAD] =	sst s5  }
0xe: {  	[smem:$0x3FAE] =	sst s6  }
0xf: {  	[smem:$0x3FAF] =	sst s7  }
0x10: {  	[smem:$0x3FB0] =	sst s8  }
0x11: {  	[smem:$0x3FB1] =	sst s9;
	s0 =	simm.s32 @!p0 $0x0  }
0x12: {  	s1 =	sld [smem:$0x3F97];
	s0 =	simm.s32 @p0 $0x1  }
0x13: {  	[smem:$0x3FB2] =	sst s0;
	s0 =	simm.s32 @!p1 $0x0  }
0x14: {  	s2 =	sld [smem:$0x3F96];
	s0 =	simm.s32 @p1 $0x1  }
0x15: {  	[smem:$0x3FB3] =	sst s0;
	s0 =	simm.s32 @!p2 $0x0  }
0x16: {  	s3 =	sld [smem:$0x3FDB];
	s0 =	simm.s32 @p2 $0x1  }
0x17: {  	s4 =	simm.s32 $0x1BF5;
	[smem:$0x3FB5] =	sst s0  }
0x18: {  	s0 =	sld [smem:$0x3F98];
	_ =	swait.ge [sflag:s4], $0x0  }
0x19: {  	s7 =	sld [smem:$0x3F99]  }
0x1a: {  	s8 =	sadd.s32 $0xFFFFE003, lr  }
0x1b: {  	s9 =	sadd.s32 $0xFFFFFEF7, lr;
	s5 =	simm.s32 $0xFFFFFFFF;
	p2 =	slt.u32 s8, $0xFFFFF086  }
0x1c: {  	p1 =	slt.u32 s9, $0xF7A;
	s5 =	simm.s32 @!p2 $0x0  }
0x1d: {  	s5 =	simm.s32 @p1 $0x1;
	p0 =	seq.s32 s7, s2  }
0x1e: {  	s7 =	smul.u32 @!p0 $0xF7A, s2;
	p2 =	seq.s32 @!p0 s5, $0x0  }
0x1f: {  	s9 =	smul.u32 $0xF7A, s1;
	s8 =	simm.s32 @!p0 $0x1BF5;
	p2 =	por !p2, p0  }
0x20: {  	[sflag:s8] =	ssyncset.s32 @!p0 $0xFFFFF086;
	s6 =	sadd.s32 @!p0 s3, s7;
	s7 =	simm.s32 @!p0 $0x108  }
0x21: {  	s3 =	sadd.s32 s3, s9;
	s6 =	sadd.s32 @!p0 $0x88, s6;
	s7 =	simm.s32 @p2 $0x1082  }
0x22: {  	[simem:s7], [sflag:s8] =	dma.local @!p0 [hbm:s6], $0xF7A  }
0x23: {  	s9 =	sor.u32 $0xD0000000, s2;
	s6 =	simm.s32 $0x108;
	_ =	swait.ge @!p0 [sflag:s8], $0x0  }
0x24: {  	s3 =	sadd.s32 $0x88, s3;
	s6 =	simm.s32 @!p1 $0x1082;
	[sflag:s4] =	ssyncset.s32 $0xFFFFF086  }
0x25: {  	[simem:s6], [sflag:s4] =	dma.local [hbm:s3], $0xF7A  }
0x26: {  	[smem:$0x3F99] =	sst s1;
	(tag) =	ssettag s2;
	_ =	strace s9  }
0x27: {  	s1 =	sld [smem:$0x3FA9]  }
0x28: {  	s2 =	sld [smem:$0x3FAA]  }
0x29: {  	s4 =	sld [smem:$0x3FAC]  }
0x2a: {  	p0 =	seq.s32 s5, $0x0;
	s5 =	sld [smem:$0x3FAD]  }
0x2b: {  	s6 =	sld [smem:$0x3FAE]  }
0x2c: {  	s7 =	sld [smem:$0x3FAF]  }
0x2d: {  	s3 =	simm.s32 $0x108;
	s8 =	sld [smem:$0x3FB0]  }
0x2e: {  	s3 =	simm.s32 @!p0 $0x1082;
	s9 =	sld [smem:$0x3FB1]  }
0x2f: {  	lr =	sadd.s32 s0, s3;
	s0 =	sld [smem:$0x3FA8]  }
0x30: {  	s3 =	sld [smem:$0x3FAB]  }
0x31: {  	[smem:$0x3FB4] =	sst s10  }
0x32: {  	s10 =	sld [smem:$0x3FB2];
	_ =	sdelay $0x3  }
0x33: {  	p0 =	seq.s32 s10, $0x1;
	s10 =	sld [smem:$0x3FB4];
	_ =	sdelay $0x3  }
0x34: {  	[smem:$0x3FB4] =	sst s10  }
0x35: {  	s10 =	sld [smem:$0x3FB3];
	_ =	sdelay $0x3  }
0x36: {  	p1 =	seq.s32 s10, $0x1;
	s10 =	sld [smem:$0x3FB4];
	_ =	sdelay $0x3  }
0x37: {  	[smem:$0x3FB4] =	sst s10  }
0x38: {  	s10 =	sld [smem:$0x3FB5]  }
0x39: {  	_ = 	snop;
	(pc) =	sbr.ind lr, $3  }
0x3a: {  	_ = 	snop  }
0x3b: {  	_ = 	snop  }
0x3c: {  	p2 =	seq.s32 s10, $0x1;
	s10 =	sld [smem:$0x3FB4]  }
0x3d: {  	_ =	shalt  }
0x3e: {  	_ =	shalt  }
0x3f: {  	_ =	shalt  }
0x40: {  	_ =	shalt  }
0x41: {  	_ =	shalt  }
0x42: {  	_ =	shalt  }
0x43: {  	_ =	shalt  }
0x44: {  	_ =	shalt  }
0x45: {  	_ =	shalt  }
0x46: {  	_ =	shalt  }
0x47: {  	_ =	shalt  }
0x48: {  	_ =	shalt  }
0x49: {  	_ =	shalt  }
0x4a: {  	_ =	shalt  }
0x4b: {  	_ =	shalt  }
0x4c: {  	_ =	shalt  }
0x4d: {  	_ =	shalt  }
0x4e: {  	_ =	shalt  }
0x4f: {  	_ =	shalt  }
0x50: {  	_ =	shalt  }
0x51: {  	_ =	shalt  }
0x52: {  	_ =	shalt  }
0x53: {  	_ =	shalt  }
0x54: {  	_ =	shalt  }
0x55: {  	_ =	shalt  }
0x56: {  	_ =	shalt  }
0x57: {  	_ =	shalt  }
0x58: {  	_ =	shalt  }
0x59: {  	_ =	shalt  }
0x5a: {  	_ =	shalt  }
0x5b: {  	_ =	shalt  }
0x5c: {  	_ =	shalt  }
0x5d: {  	_ =	shalt  }
0x5e: {  	_ =	shalt  }
0x5f: {  	_ =	shalt  }
0x60: {  	_ =	shalt  }
0x61: {  	_ =	shalt  }
0x62: {  	_ =	shalt  }
0x63: {  	_ =	shalt  }
0x64: {  	_ =	shalt  }
0x65: {  	_ =	shalt  }
0x66: {  	_ =	shalt  }
0x67: {  	_ =	shalt  }
0x68: {  	_ =	shalt  }
0x69: {  	_ =	shalt  }
0x6a: {  	_ =	shalt  }
0x6b: {  	_ =	shalt  }
0x6c: {  	_ =	shalt  }
0x6d: {  	_ =	shalt  }
0x6e: {  	_ =	shalt  }
0x6f: {  	_ =	shalt  }
0x70: {  	_ =	shalt  }
0x71: {  	_ =	shalt  }
0x72: {  	_ =	shalt  }
0x73: {  	_ =	shalt  }
0x74: {  	_ =	shalt  }
0x75: {  	_ =	shalt  }
0x76: {  	_ =	shalt  }
0x77: {  	_ =	shalt  }
0x78: {  	_ =	shalt  }
0x79: {  	_ =	shalt  }
0x7a: {  	_ =	shalt  }
0x7b: {  	_ =	shalt  }
0x7c: {  	_ =	shalt  }
0x7d: {  	_ =	shalt  }
0x7e: {  	_ =	shalt  }
0x7f: {  	_ =	shalt  }
0x80: {  	_ =	shalt  }
0x81: {  	_ =	shalt  }
0x82: {  	_ =	shalt  }
0x83: {  	_ =	shalt  }
0x84: {  	_ =	shalt  }
0x85: {  	_ =	shalt  }
0x86: {  	_ =	shalt  }
0x87: {  	_ =	shalt  }
.Lfunc_end0:
.L_simem_size_0:
called_computation.1_lowered:
.L_overlay_start_0:
0x88: {  	s2 =	sld [smem:$0x3FD9]  }
0x89: {  	s3 =	sld [smem:$0x3FFE];
	_ =	sdelay $0x1  }
0x8a: {  	s1 =	srdreg.scid  }
0x8b: {  	s0 =	sand.u32 $0x1, s1  }
0x8c: {  	s16 =	sshll.u32 s0, $0xA;
	s2 =	sadd.s32 s3, s2  }
0x8d: {  	s2 =	sadd.s32 s2, s16  }
0x8e: {  	[smem:$0x3FC0] =	sst s2  }
0x8f: {  	_ = 	snop  }
0x90: {  	(tm) =	ssettm $0x1  }
0x91: {  	s17 =	sld [smem:$0x3FFB];
	_ =	sdelay $0x3  }
0x92: {  	_ =	strace s17  }
0x93: {  	s2 =	sld [smem:$0x3FFC];
	_ =	sdelay $0x3  }
0x94: {  	_ =	strace s2  }
0x95: {  	s2 =	sld [smem:$0x3FFD];
	_ =	sdelay $0x3  }
0x96: {  	_ =	strace s2  }
0x97: {  	_ =	strace $0x8FFFFFFF  }
0x98: {  	s18 =	sld [smem:$0x3FDB];
	_ =	sdelay $0x1  }
0x99: {  	s19 =	simm.s32 $_scs_section_size  }
0x9a: {  	s4 =	simm.s32 $_size__tile_overlayer_lowered;
	s5 =	simm.s32 $_tile_overlayer_lowered  }
0x9b: {  	s22 =	simm.s32 $0x1BFF;
	s21 =	sshll.u32 s5, $0x1;
	s2 =	sadd.s32 s19, s18  }
0x9c: {  	s6 =	simm.s32 $0x0;
	s20 =	sshll.u32 s4, $0x1;
	s4 =	sadd.s32 s21, s2  }
0x9d: {  	[timem:s6], [sflag:s22] =	dma.local [hbm:s4], s20  }
0x9e: {  	_ =	swait.ge [sflag:s22], s20  }
0x9f: {  	s3 =	ssub.s32 $0x0, s20;
	[sflag:s22] =	ssyncset.done $0x0  }
0xa0: {  	[sflag:s22] =	ssyncadd.s32 s3;
	_ =	sdelay $0x1  }
0xa1: {  	s23 =	simm.s32 $0x1B8B  }
0xa2: {  	_ =	swait.ge [sflag:s23], $0x1  }
0xa3: {  	[sflag:s23] =	ssyncset.done $0x0  }
0xa4: {  	s25 =	simm.s32 $0x1B8E;
	s24 =	sld [smem:$0x3FFE];
	[sflag:s23] =	ssyncadd.s32 $0xFFFFFFFF  }
0xa5: {  	s26 =	simm.s32 $execute0_lowered;
	[smem:$0x3FD2] =	sst s25  }
0xa6: {  	s4 =	sshll.u32 s26, $0x1;
	_ =	strace $0x80000049;
	[dreg:$0x1] =	wrdreg $0xFFFFFFFF  }
0xa7: {  	s28 =	simm.s32 $_size_execute0_lowered;
	s2 =	sadd.s32 s2, s4;
	[dreg:$0x0] =	wrdreg $0x0  }
0xa8: {  	s4 =	sshll.u32 s28, $0x1;
	[dreg:$0x2] =	wrdreg s2  }
0xa9: {  	[dreg:$0x3] =	wrdreg s4  }
0xaa: {  	[dreg:$0x4] =	wrdreg $0xC0  }
0xab: {  	_ =	task [dreg:s6], $0x5FFFF  }
0xac: {  	[dreg:$0x1] =	wrdreg $0xFFFFFFFF  }
0xad: {  	[dreg:$0x0] =	wrdreg $0x60  }
0xae: {  	[dreg:$0x2] =	wrdreg s24  }
0xaf: {  	[dreg:$0x3] =	wrdreg $0x28000  }
0xb0: {  	[dreg:$0x4] =	wrdreg $0x9  }
0xb1: {  	_ =	task.clear_ibuf [dreg:s6], $0x5FFFF;
	_ =	strace $0x90000049  }
0xb2: {  	s29 =	simm.s32 $0x9;
	_ =	strace $0x8000004B  }
0xb3: {  	_ =	swait.ge [sflag:s29], $0x1  }
0xb4: {  	[sflag:s29] =	ssyncadd.s32 $0xFFFFFFFF  }
0xb5: {  	_ =	strace $0x9000004B  }
0xb6: {  	_ =	sfence  }
0xb7: {  	s30 =	sld [smem:$0x0];
	_ =	sdelay $0x2  }
0xb8: {  	s31 =	sshll.u32 s1, $0xD;
	s1 =	sshrl.u32 s1, $0x2  }
0xb9: {  	s3 =	sand.u32 $0x4000, s31;
	s1 =	sadd.s32 s1, s30  }
0xba: {  	s0 =	sor.u32 s3, s0;
	s1 =	sshll.u32 s1, $0x11  }
0xbb: {  	s0 =	sor.u32 s1, s0  }
0xbc: {  	s0 =	sadd.s32 $0x8F2B, s0  }
0xbd: {  	[sflag:s0] =	ssyncadd.remote.s32 $0x1  }
0xbe: {  	_ =	sfence.sel $0xFFFF  }
0xbf: {  	[dreg:$0x0] =	wrdreg $0xFFFFFFFF;
	(pc) =	sbr.abs _section_cstart, $3  }
0xc0: {  	[dreg:$0x1] =	wrdreg $0xFFFFFFFF  }
0xc1: {  	_ =	task.clear_ibuf [dreg:s6], $0x2FFFF;
	_ =	strace $0x9FFFFFFF  }
0xc2: {  	(tm) =	ssettm $0x7FFFFFFF  }
0xc3: {  	_ =	shalt  }
tec
execute0_lowered:
.L_overlay_start_1:
0x0: {  	(tag) =	ssettag $0x1  }
0x1: {  	s0 =	rddreg [dreg:$0x0]  }
0x2: {  	s2 =	rddreg [dreg:$0x1]  }
0x3: {  	s13 =	stileid.u32;
	s1 =	srdreg.scid  }
0x4: {  	s3 =	simm.s32 $0x0;
	s21 =	simm.s32 $0x100;
	s14 =	simm.s32 $0xC00  }
0x5: {  	s22 =	simm.s32 $0x180;
	s23 =	simm.s32 $0x280;
	s24 =	simm.s32 $0x300  }
0x6: {  	s25 =	simm.s32 $0x380;
	s26 =	simm.s32 $0x480;
	s28 =	simm.s32 $0x680  }
0x7: {  	s29 =	simm.s32 $0x700;
	s30 =	simm.s32 $0x780;
	s31 =	simm.s32 $0x3  }
0x8: {  	s5 =	smul.u32 $0xC380, s13;
	s1 =	sand.u32 $0x1, s1;
	[smem:$0x7FF] =	sst s3  }
0x9: {  	s4 =	sadd.s32 $0x64C00, s0;
	s9 =	smul.u32 $0x18800, s13;
	s10 =	sadd.s32 $0xAE200, s0  }
0xa: {  	s11 =	sadd.s32 $0x2C00, s0;
	_ =	strace $0x8000004A;
	[dreg:$0x7] =	wrdreg s21  }
0xb: {  	s18 =	sshll.u32 s13, $0x6;
	s6 =	smul.u32 $0xC3800, s1;
	[dreg:$0x8] =	wrdreg s22  }
0xc: {  	s13 =	simm.s32 $0x800;
	s7 =	smul.u32 $0x188000, s1;
	[dreg:$0x9] =	wrdreg s23  }
0xd: {  	s1 =	ssub.s32 $0x2, s1;
	[dreg:$0xa] =	wrdreg s24;
	s21 =	simm.s32 $0x2000  }
0xe: {  	[dreg:$0xb] =	wrdreg s25;
	s22 =	simm.s32 $0x2400;
	s23 =	simm.s32 $0x1  }
0xf: {  	[dreg:$0xc] =	wrdreg s26;
	s24 =	simm.s32 $0x500;
	s25 =	simm.s32 $0x580  }
0x10: {  	s26 =	simm.s32 $0x2;
	s8 =	sshrl.u32 s5, $0x3;
	s15 =	sshrl.u32 s1, $0x1  }
0x11: {  	s8 =	sadd.s32 s8, s0;
	s6 =	sadd.s32 s5, s6;
	s7 =	sadd.s32 s9, s7  }
0x12: {  	s1 =	ssub.s32 s1, s15;
	s5 =	sadd.s32 s5, s2;
	s15 =	simm.s32 $0x1000  }
0x13: {  	s6 =	sshrl.u32 s6, $0x3;
	s12 =	sor.u32 $0x200, s7;
	s8 =	sadd.s32 $0x95A00, s8  }
0x14: {  	s7 =	sshrl.u32 s7, $0x3;
	s20 =	smax.u32 s1, $0x1;
	s5 =	sshrl.u32 s5, $0x3  }
0x15: {  	s0 =	sadd.s32 s6, s0;
	s16 =	sshrl.u32 s12, $0x3;
	[dreg:$0xd] =	wrdreg s8  }
0x16: {  	s19 =	sadd.s32 s7, s11;
	s7 =	sadd.s32 s7, s10;
	[dreg:$0x10] =	wrdreg s20  }
0x17: {  	s12 =	simm.s32 $0x80;
	s20 =	simm.s32 $0x1C00;
	[dreg:$0x11] =	wrdreg s5  }
0x18: {  	s17 =	sadd.s32 s16, s11;
	s6 =	sadd.s32 s16, s10;
	[dreg:$0x5] =	wrdreg s19  }
0x19: {  	s0 =	sadd.s32 $0x110200, s0;
	[dreg:$0x6] =	wrdreg s7;
	s10 =	simm.s32 $0x5  }
0x1a: {  	s11 =	simm.s32 $0x400;
	s16 =	simm.s32 $0x1400;
	[dreg:$0x3] =	wrdreg s17  }
0x1b: {  	s19 =	simm.s32 $0x1800;
	s7 =	simm.s32 $0x0;
	[dreg:$0x4] =	wrdreg s6  }
0x1c: {  	s6 =	sor.u32 $0x1C05, s18;
	[dreg:$0xf] =	wrdreg s0;
	s17 =	simm.s32 $0x200  }
0x1d: {  	s18 =	simm.s32 $0x600;
	s0 =	simm.s32 $0x4;
	[dreg:$0xe] =	wrdreg s6  }
.LBB2_1:
0x1e: {  	[dreg:$0x12] =	wrdreg s7  }
0x1f: {  	s1 =	rddreg [dreg:$0xd]  }
0x20: {  	[spmem:s5], [sflag:s6] =	dma.local [hbm:s1], $0x1870  }
0x21: {  	_ =	swait.ge [sflag:s10], $0x1870  }
0x22: {  	[sflag:s10] =	ssyncset.done $0x0  }
0x23: {  	[sflag:s10] =	ssyncadd.s32 $0xFFFFE790  }
0x24: {  	[bflag:$0x0] =	sbarrier.arrive $0xFFFF  }
0x25: {  	s8 =	rddreg [dreg:$0x6]  }
0x26: {  	s5 =	sadd.s32 $0x0, s8  }
0x27: {  	[tilespmem:s3], [sflag:$0x5] =	stream.linear.gather [hbm4b:s5+s3], $0x200, $0x38;
	[tilespmem:$0x89C0] =	vst v63  }
0x28: {  	_ =	swait.ge [sflag:s10], $0x200  }
0x29: {  	s9 =	rddreg [dreg:$0x5];
	[sflag:s10] =	ssyncset.done $0x0  }
0x2a: {  	[sflag:s10] =	ssyncadd.s32 $0xFFFFFE00;
	s5 =	sadd.s32 $0x0, s9  }
0x2b: {  	[tilespmem:s11], [sflag:$0x5] =	stream.linear.gather [hbm4b:s5+s3], $0x200, $0x38;
	[tilespmem:$0x89C0] =	vst v63  }
0x2c: {  	_ =	swait.ge [sflag:s10], $0x200  }
0x2d: {  	[sflag:s10] =	ssyncset.done $0x0  }
0x2e: {  	[sflag:s10] =	ssyncadd.s32 $0xFFFFFE00  }
0x2f: {  	[tilespmem:s13], [sflag:$0x1] =	stream.indirect.gather [hbm4b:s4+s12], $0x4, s3, s12, $0xb8;
	[tilespmem:$0x89C0] =	vst v63  }
0x30: {  	s1 =	rddreg [dreg:$0x4]  }
0x31: {  	[tilespmem:s14], [sflag:$0x1] =	stream.indirect.gather [hbm4b:s4+s12], $0x4, s12, s12, $0xb8;
	[tilespmem:$0x89C0] =	vst v63  }
0x32: {  	s6 =	rddreg [dreg:$0x7]  }
0x33: {  	[tilespmem:s15], [sflag:$0x1] =	stream.indirect.gather [hbm4b:s4+s12], $0x4, s6, s12, $0xb8;
	[tilespmem:$0x89C0] =	vst v63  }
0x34: {  	s8 =	rddreg [dreg:$0x8]  }
0x35: {  	[tilespmem:s16], [sflag:$0x1] =	stream.indirect.gather [hbm4b:s4+s12], $0x4, s8, s12, $0xb8;
	[tilespmem:$0x89C0] =	vst v63  }
0x36: {  	s5 =	sadd.s32 $0x0, s1  }
0x37: {  	[tilespmem:s17], [sflag:$0x5] =	stream.linear.gather [hbm4b:s5+s3], $0x200, $0x38;
	[tilespmem:$0x89C0] =	vst v63  }
0x38: {  	_ =	swait.ge [sflag:s10], $0x200  }
0x39: {  	s9 =	rddreg [dreg:$0x3];
	[sflag:s10] =	ssyncset.done $0x0  }
0x3a: {  	[sflag:s10] =	ssyncadd.s32 $0xFFFFFE00;
	s5 =	sadd.s32 $0x0, s9  }
0x3b: {  	[tilespmem:s18], [sflag:$0x5] =	stream.linear.gather [hbm4b:s5+s3], $0x200, $0x38;
	[tilespmem:$0x89C0] =	vst v63  }
0x3c: {  	_ =	swait.ge [sflag:s10], $0x200  }
0x3d: {  	[sflag:s10] =	ssyncset.done $0x0  }
0x3e: {  	[sflag:s10] =	ssyncadd.s32 $0xFFFFFE00  }
0x3f: {  	[tilespmem:s19], [sflag:$0x2] =	stream.indirect.gather [hbm4b:s4+s12], $0x4, s17, s12, $0xb8;
	[tilespmem:$0x89C0] =	vst v63  }
0x40: {  	s1 =	rddreg [dreg:$0x9]  }
0x41: {  	[tilespmem:s20], [sflag:$0x2] =	stream.indirect.gather [hbm4b:s4+s12], $0x4, s1, s12, $0xb8;
	[tilespmem:$0x89C0] =	vst v63  }
0x42: {  	s6 =	rddreg [dreg:$0xa]  }
0x43: {  	[tilespmem:s21], [sflag:$0x2] =	stream.indirect.gather [hbm4b:s4+s12], $0x4, s6, s12, $0xb8;
	[tilespmem:$0x89C0] =	vst v63  }
0x44: {  	s8 =	rddreg [dreg:$0xb]  }
0x45: {  	[tilespmem:s22], [sflag:$0x2] =	stream.indirect.gather [hbm4b:s4+s12], $0x4, s8, s12, $0xb8;
	[tilespmem:$0x89C0] =	vst v63  }
0x46: {  	_ =	swait.ge [sflag:s23], $0x200  }
0x47: {  	[sflag:s23] =	ssyncset.done $0x0  }
0x48: {  	[sflag:s23] =	ssyncadd.s32 $0xFFFFFE00  }
0x49: {  	_ =	swait.ge [sflag:s23], $0x200  }
0x4a: {  	[sflag:s23] =	ssyncset.done $0x0  }
0x4b: {  	[sflag:s23] =	ssyncadd.s32 $0xFFFFFE00  }
0x4c: {  	_ =	swait.ge [sflag:s23], $0x200  }
0x4d: {  	[sflag:s23] =	ssyncset.done $0x0  }
0x4e: {  	[sflag:s23] =	ssyncadd.s32 $0xFFFFFE00  }
0x4f: {  	_ =	swait.ge [sflag:s23], $0x200  }
0x50: {  	[sflag:s23] =	ssyncset.done $0x0  }
0x51: {  	[sflag:s23] =	ssyncadd.s32 $0xFFFFFE00  }
0x52: {  	[spmem:s2] =	stream.indirect.scatter.add.f32 [tilespmem:s13], [sflag:$0x3], $0x4, s11, s12, $0xb8;
	[tilespmem:$0x89C0] =	vst v63  }
0x53: {  	s9 =	rddreg [dreg:$0xc]  }
0x54: {  	[spmem:s2] =	stream.indirect.scatter.add.f32 [tilespmem:s14], [sflag:$0x3], $0x4, s9, s12, $0xb8;
	[tilespmem:$0x89C0] =	vst v63  }
0x55: {  	_ = 	snop  }
0x56: {  	[spmem:s2] =	stream.indirect.scatter.add.f32 [tilespmem:s15], [sflag:$0x3], $0x4, s24, s12, $0xb8;
	[tilespmem:$0x89C0] =	vst v63  }
0x57: {  	_ = 	snop  }
0x58: {  	[spmem:s2] =	stream.indirect.scatter.add.f32 [tilespmem:s16], [sflag:$0x3], $0x4, s25, s12, $0xb8;
	[tilespmem:$0x89C0] =	vst v63  }
0x59: {  	_ =	swait.ge [sflag:s26], $0x200  }
0x5a: {  	[sflag:s26] =	ssyncset.done $0x0  }
0x5b: {  	[sflag:s26] =	ssyncadd.s32 $0xFFFFFE00  }
0x5c: {  	_ =	swait.ge [sflag:s26], $0x200  }
0x5d: {  	[sflag:s26] =	ssyncset.done $0x0  }
0x5e: {  	[sflag:s26] =	ssyncadd.s32 $0xFFFFFE00  }
0x5f: {  	_ =	swait.ge [sflag:s26], $0x200  }
0x60: {  	[sflag:s26] =	ssyncset.done $0x0  }
0x61: {  	[sflag:s26] =	ssyncadd.s32 $0xFFFFFE00  }
0x62: {  	_ =	swait.ge [sflag:s26], $0x200  }
0x63: {  	[sflag:s26] =	ssyncset.done $0x0  }
0x64: {  	[sflag:s26] =	ssyncadd.s32 $0xFFFFFE00  }
0x65: {  	[spmem:s2] =	stream.indirect.scatter.add.f32 [tilespmem:s19], [sflag:$0x4], $0x4, s18, s12, $0xb8;
	[tilespmem:$0x89C0] =	vst v63  }
0x66: {  	_ = 	snop  }
0x67: {  	[spmem:s2] =	stream.indirect.scatter.add.f32 [tilespmem:s20], [sflag:$0x4], $0x4, s28, s12, $0xb8;
	[tilespmem:$0x89C0] =	vst v63  }
0x68: {  	_ = 	snop  }
0x69: {  	[spmem:s2] =	stream.indirect.scatter.add.f32 [tilespmem:s21], [sflag:$0x4], $0x4, s29, s12, $0xb8;
	[tilespmem:$0x89C0] =	vst v63  }
0x6a: {  	_ = 	snop  }
0x6b: {  	[spmem:s2] =	stream.indirect.scatter.add.f32 [tilespmem:s22], [sflag:$0x4], $0x4, s30, s12, $0xb8;
	[tilespmem:$0x89C0] =	vst v63  }
0x6c: {  	_ =	swait.ge [sflag:s31], $0x200  }
0x6d: {  	[sflag:s31] =	ssyncset.done $0x0  }
0x6e: {  	[sflag:s31] =	ssyncadd.s32 $0xFFFFFE00  }
0x6f: {  	_ =	swait.ge [sflag:s31], $0x200  }
0x70: {  	[sflag:s31] =	ssyncset.done $0x0  }
0x71: {  	[sflag:s31] =	ssyncadd.s32 $0xFFFFFE00  }
0x72: {  	_ =	swait.ge [sflag:s31], $0x200  }
0x73: {  	[sflag:s31] =	ssyncset.done $0x0  }
0x74: {  	[sflag:s31] =	ssyncadd.s32 $0xFFFFFE00  }
0x75: {  	_ =	swait.ge [sflag:s31], $0x200  }
0x76: {  	[sflag:s31] =	ssyncset.done $0x0  }
0x77: {  	[sflag:s31] =	ssyncadd.s32 $0xFFFFFE00  }
0x78: {  	_ =	swait.ge [sflag:s0], $0x200  }
0x79: {  	[sflag:s0] =	ssyncset.done $0x0  }
0x7a: {  	[sflag:s0] =	ssyncadd.s32 $0xFFFFFE00  }
0x7b: {  	_ =	swait.ge [sflag:s0], $0x200  }
0x7c: {  	[sflag:s0] =	ssyncset.done $0x0  }
0x7d: {  	[sflag:s0] =	ssyncadd.s32 $0xFFFFFE00  }
0x7e: {  	_ =	swait.ge [sflag:s0], $0x200  }
0x7f: {  	[sflag:s0] =	ssyncset.done $0x0  }
0x80: {  	[sflag:s0] =	ssyncadd.s32 $0xFFFFFE00  }
0x81: {  	s7 =	simm.s32 $0x100;
	_ =	swait.ge [sflag:s0], $0x200  }
0x82: {  	s5 =	simm.s32 $0x80;
	s8 =	rddreg [dreg:$0x6];
	[sflag:s0] =	ssyncset.done $0x0  }
.LBB2_2:
0x83: {  	[sflag:s0] =	ssyncadd.s32 $0xFFFFFE00;
	s8 =	sadd.s32 s5, s8  }
0x84: {  	[tilespmem:s3], [sflag:$0x5] =	stream.linear.gather [hbm4b:s8+s3], $0x200, $0x38;
	[tilespmem:$0x89C0] =	vst v63  }
0x85: {  	_ =	swait.ge [sflag:s10], $0x200  }
0x86: {  	s1 =	rddreg [dreg:$0x5];
	[sflag:s10] =	ssyncset.done $0x0  }
0x87: {  	[sflag:s10] =	ssyncadd.s32 $0xFFFFFE00;
	s8 =	sadd.s32 s5, s1  }
0x88: {  	[tilespmem:s11], [sflag:$0x5] =	stream.linear.gather [hbm4b:s8+s3], $0x200, $0x38;
	[tilespmem:$0x89C0] =	vst v63  }
0x89: {  	_ =	swait.ge [sflag:s10], $0x200  }
0x8a: {  	[sflag:s10] =	ssyncset.done $0x0  }
0x8b: {  	[sflag:s10] =	ssyncadd.s32 $0xFFFFFE00  }
0x8c: {  	[tilespmem:s13], [sflag:$0x1] =	stream.indirect.gather [hbm4b:s4+s12], $0x4, s3, s12, $0xb8;
	[tilespmem:$0x89C0] =	vst v63  }
0x8d: {  	s8 =	rddreg [dreg:$0x4]  }
0x8e: {  	[tilespmem:s14], [sflag:$0x1] =	stream.indirect.gather [hbm4b:s4+s12], $0x4, s12, s12, $0xb8;
	[tilespmem:$0x89C0] =	vst v63  }
0x8f: {  	s9 =	rddreg [dreg:$0x7]  }
0x90: {  	[tilespmem:s15], [sflag:$0x1] =	stream.indirect.gather [hbm4b:s4+s12], $0x4, s9, s12, $0xb8;
	[tilespmem:$0x89C0] =	vst v63  }
0x91: {  	s1 =	rddreg [dreg:$0x8]  }
0x92: {  	[tilespmem:s16], [sflag:$0x1] =	stream.indirect.gather [hbm4b:s4+s12], $0x4, s1, s12, $0xb8;
	[tilespmem:$0x89C0] =	vst v63  }
0x93: {  	s8 =	sadd.s32 s5, s8  }
0x94: {  	[tilespmem:s17], [sflag:$0x5] =	stream.linear.gather [hbm4b:s8+s3], $0x200, $0x38;
	[tilespmem:$0x89C0] =	vst v63  }
0x95: {  	_ =	swait.ge [sflag:s10], $0x200  }
0x96: {  	s9 =	rddreg [dreg:$0x3];
	[sflag:s10] =	ssyncset.done $0x0  }
0x97: {  	[sflag:s10] =	ssyncadd.s32 $0xFFFFFE00;
	s1 =	sadd.s32 s5, s9  }
0x98: {  	[tilespmem:s18], [sflag:$0x5] =	stream.linear.gather [hbm4b:s1+s3], $0x200, $0x38;
	[tilespmem:$0x89C0] =	vst v63  }
0x99: {  	_ =	swait.ge [sflag:s10], $0x200  }
0x9a: {  	[sflag:s10] =	ssyncset.done $0x0  }
0x9b: {  	[sflag:s10] =	ssyncadd.s32 $0xFFFFFE00  }
0x9c: {  	[tilespmem:s19], [sflag:$0x2] =	stream.indirect.gather [hbm4b:s4+s12], $0x4, s17, s12, $0xb8;
	[tilespmem:$0x89C0] =	vst v63  }
0x9d: {  	s8 =	rddreg [dreg:$0x9]  }
0x9e: {  	[tilespmem:s20], [sflag:$0x2] =	stream.indirect.gather [hbm4b:s4+s12], $0x4, s8, s12, $0xb8;
	[tilespmem:$0x89C0] =	vst v63  }
0x9f: {  	s9 =	rddreg [dreg:$0xa]  }
0xa0: {  	[tilespmem:s21], [sflag:$0x2] =	stream.indirect.gather [hbm4b:s4+s12], $0x4, s9, s12, $0xb8;
	[tilespmem:$0x89C0] =	vst v63  }
0xa1: {  	s8 =	rddreg [dreg:$0xb]  }
0xa2: {  	[tilespmem:s22], [sflag:$0x2] =	stream.indirect.gather [hbm4b:s4+s12], $0x4, s8, s12, $0xb8;
	[tilespmem:$0x89C0] =	vst v63  }
0xa3: {  	_ =	swait.ge [sflag:s23], $0x200  }
0xa4: {  	[sflag:s23] =	ssyncset.done $0x0  }
0xa5: {  	[sflag:s23] =	ssyncadd.s32 $0xFFFFFE00  }
0xa6: {  	_ =	swait.ge [sflag:s23], $0x200  }
0xa7: {  	[sflag:s23] =	ssyncset.done $0x0  }
0xa8: {  	[sflag:s23] =	ssyncadd.s32 $0xFFFFFE00  }
0xa9: {  	_ =	swait.ge [sflag:s23], $0x200  }
0xaa: {  	[sflag:s23] =	ssyncset.done $0x0  }
0xab: {  	[sflag:s23] =	ssyncadd.s32 $0xFFFFFE00  }
0xac: {  	_ =	swait.ge [sflag:s23], $0x200  }
0xad: {  	[sflag:s23] =	ssyncset.done $0x0  }
0xae: {  	[sflag:s23] =	ssyncadd.s32 $0xFFFFFE00  }
0xaf: {  	[spmem:s2] =	stream.indirect.scatter.add.f32 [tilespmem:s13], [sflag:$0x3], $0x4, s11, s12, $0xb8;
	[tilespmem:$0x89C0] =	vst v63  }
0xb0: {  	s9 =	rddreg [dreg:$0xc]  }
0xb1: {  	[spmem:s2] =	stream.indirect.scatter.add.f32 [tilespmem:s14], [sflag:$0x3], $0x4, s9, s12, $0xb8;
	[tilespmem:$0x89C0] =	vst v63  }
0xb2: {  	_ = 	snop  }
0xb3: {  	[spmem:s2] =	stream.indirect.scatter.add.f32 [tilespmem:s15], [sflag:$0x3], $0x4, s24, s12, $0xb8;
	[tilespmem:$0x89C0] =	vst v63  }
0xb4: {  	_ = 	snop  }
0xb5: {  	[spmem:s2] =	stream.indirect.scatter.add.f32 [tilespmem:s16], [sflag:$0x3], $0x4, s25, s12, $0xb8;
	[tilespmem:$0x89C0] =	vst v63  }
0xb6: {  	_ =	swait.ge [sflag:s26], $0x200  }
0xb7: {  	[sflag:s26] =	ssyncset.done $0x0  }
0xb8: {  	[sflag:s26] =	ssyncadd.s32 $0xFFFFFE00  }
0xb9: {  	_ =	swait.ge [sflag:s26], $0x200  }
0xba: {  	[sflag:s26] =	ssyncset.done $0x0  }
0xbb: {  	[sflag:s26] =	ssyncadd.s32 $0xFFFFFE00  }
0xbc: {  	_ =	swait.ge [sflag:s26], $0x200  }
0xbd: {  	[sflag:s26] =	ssyncset.done $0x0  }
0xbe: {  	[sflag:s26] =	ssyncadd.s32 $0xFFFFFE00  }
0xbf: {  	_ =	swait.ge [sflag:s26], $0x200  }
0xc0: {  	[sflag:s26] =	ssyncset.done $0x0  }
0xc1: {  	[sflag:s26] =	ssyncadd.s32 $0xFFFFFE00  }
0xc2: {  	[spmem:s2] =	stream.indirect.scatter.add.f32 [tilespmem:s19], [sflag:$0x4], $0x4, s18, s12, $0xb8;
	[tilespmem:$0x89C0] =	vst v63  }
0xc3: {  	_ = 	snop  }
0xc4: {  	[spmem:s2] =	stream.indirect.scatter.add.f32 [tilespmem:s20], [sflag:$0x4], $0x4, s28, s12, $0xb8;
	[tilespmem:$0x89C0] =	vst v63  }
0xc5: {  	_ = 	snop  }
0xc6: {  	[spmem:s2] =	stream.indirect.scatter.add.f32 [tilespmem:s21], [sflag:$0x4], $0x4, s29, s12, $0xb8;
	[tilespmem:$0x89C0] =	vst v63  }
0xc7: {  	_ = 	snop  }
0xc8: {  	[spmem:s2] =	stream.indirect.scatter.add.f32 [tilespmem:s22], [sflag:$0x4], $0x4, s30, s12, $0xb8;
	[tilespmem:$0x89C0] =	vst v63  }
0xc9: {  	_ =	swait.ge [sflag:s31], $0x200  }
0xca: {  	[sflag:s31] =	ssyncset.done $0x0  }
0xcb: {  	[sflag:s31] =	ssyncadd.s32 $0xFFFFFE00  }
0xcc: {  	_ =	swait.ge [sflag:s31], $0x200  }
0xcd: {  	[sflag:s31] =	ssyncset.done $0x0  }
0xce: {  	[sflag:s31] =	ssyncadd.s32 $0xFFFFFE00  }
0xcf: {  	_ =	swait.ge [sflag:s31], $0x200  }
0xd0: {  	[sflag:s31] =	ssyncset.done $0x0  }
0xd1: {  	[sflag:s31] =	ssyncadd.s32 $0xFFFFFE00  }
0xd2: {  	_ =	swait.ge [sflag:s31], $0x200  }
0xd3: {  	[sflag:s31] =	ssyncset.done $0x0  }
0xd4: {  	[sflag:s31] =	ssyncadd.s32 $0xFFFFFE00  }
0xd5: {  	_ =	swait.ge [sflag:s0], $0x200  }
0xd6: {  	[sflag:s0] =	ssyncset.done $0x0  }
0xd7: {  	[sflag:s0] =	ssyncadd.s32 $0xFFFFFE00  }
0xd8: {  	_ =	swait.ge [sflag:s0], $0x200  }
0xd9: {  	[sflag:s0] =	ssyncset.done $0x0  }
0xda: {  	p0 =	sne.s32 s7, $0x3080;
	[sflag:s0] =	ssyncadd.s32 $0xFFFFFE00  }
.Ltmp0:
0xdb: {  	_ =	swait.ge [sflag:s0], $0x200;
	(pc) =	sbr.rel @p0 .LBB2_2-.Ltmp0, $4  }
0xdc: {  	[sflag:s0] =	ssyncset.done $0x0  }
0xdd: {  	[sflag:s0] =	ssyncadd.s32 $0xFFFFFE00  }
0xde: {  	s6 =	smov.u32 s7;
	s7 =	sadd.s32 $0x80, s7;
	_ =	swait.ge [sflag:s0], $0x200  }
0xdf: {  	s5 =	smov.u32 s6;
	s8 =	rddreg [dreg:$0x6];
	[sflag:s0] =	ssyncset.done $0x0  }
0xe0: {  	[sflag:s0] =	ssyncadd.s32 $0xFFFFFE00;
	s1 =	sadd.s32 s5, s8  }
0xe1: {  	[tilespmem:s3], [sflag:$0x5] =	stream.linear.gather [hbm4b:s1+s3], $0x200, $0x38;
	[tilespmem:$0x89C0] =	vst v63  }
0xe2: {  	_ =	swait.ge [sflag:s10], $0x200  }
0xe3: {  	s7 =	rddreg [dreg:$0x5];
	[sflag:s10] =	ssyncset.done $0x0  }
0xe4: {  	[sflag:s10] =	ssyncadd.s32 $0xFFFFFE00;
	s1 =	sadd.s32 s5, s7  }
0xe5: {  	[tilespmem:s11], [sflag:$0x5] =	stream.linear.gather [hbm4b:s1+s3], $0x200, $0x38;
	[tilespmem:$0x89C0] =	vst v63  }
0xe6: {  	_ =	swait.ge [sflag:s10], $0x200  }
0xe7: {  	[sflag:s10] =	ssyncset.done $0x0  }
0xe8: {  	[sflag:s10] =	ssyncadd.s32 $0xFFFFFE00  }
0xe9: {  	[tilespmem:s13], [sflag:$0x1] =	stream.indirect.gather [hbm4b:s4+s12], $0x4, s3, s12, $0xb8;
	[tilespmem:$0x89C0] =	vst v63  }
0xea: {  	s8 =	rddreg [dreg:$0x7]  }
0xeb: {  	[tilespmem:s14], [sflag:$0x1] =	stream.indirect.gather [hbm4b:s4+s12], $0x4, s12, s12, $0xb8;
	[tilespmem:$0x89C0] =	vst v63  }
0xec: {  	s6 =	rddreg [dreg:$0x8]  }
0xed: {  	[tilespmem:s15], [sflag:$0x1] =	stream.indirect.gather [hbm4b:s4+s12], $0x4, s8, s12, $0xb8;
	[tilespmem:$0x89C0] =	vst v63  }
0xee: {  	s9 =	rddreg [dreg:$0x4]  }
0xef: {  	[tilespmem:s16], [sflag:$0x1] =	stream.indirect.gather [hbm4b:s4+s12], $0x4, s6, s12, $0xb8;
	[tilespmem:$0x89C0] =	vst v63  }
0xf0: {  	s1 =	sadd.s32 s5, s9  }
0xf1: {  	[tilespmem:s17], [sflag:$0x5] =	stream.linear.gather [hbm4b:s1+s3], $0x200, $0x38;
	[tilespmem:$0x89C0] =	vst v63  }
0xf2: {  	_ =	swait.ge [sflag:s10], $0x200  }
0xf3: {  	s7 =	rddreg [dreg:$0x3];
	[sflag:s10] =	ssyncset.done $0x0  }
0xf4: {  	[sflag:s10] =	ssyncadd.s32 $0xFFFFFE00;
	s1 =	sadd.s32 s5, s7  }
0xf5: {  	[tilespmem:s18], [sflag:$0x5] =	stream.linear.gather [hbm4b:s1+s3], $0x200, $0x38;
	[tilespmem:$0x89C0] =	vst v63  }
0xf6: {  	_ =	swait.ge [sflag:s10], $0x200  }
0xf7: {  	[sflag:s10] =	ssyncset.done $0x0  }
0xf8: {  	[sflag:s10] =	ssyncadd.s32 $0xFFFFFE00  }
0xf9: {  	[tilespmem:s19], [sflag:$0x2] =	stream.indirect.gather [hbm4b:s4+s12], $0x4, s17, s12, $0xb8;
	[tilespmem:$0x89C0] =	vst v63  }
0xfa: {  	s8 =	rddreg [dreg:$0x9]  }
0xfb: {  	[tilespmem:s20], [sflag:$0x2] =	stream.indirect.gather [hbm4b:s4+s12], $0x4, s8, s12, $0xb8;
	[tilespmem:$0x89C0] =	vst v63  }
0xfc: {  	s9 =	rddreg [dreg:$0xa]  }
0xfd: {  	[tilespmem:s21], [sflag:$0x2] =	stream.indirect.gather [hbm4b:s4+s12], $0x4, s9, s12, $0xb8;
	[tilespmem:$0x89C0] =	vst v63  }
0xfe: {  	s6 =	rddreg [dreg:$0xb]  }
0xff: {  	[tilespmem:s22], [sflag:$0x2] =	stream.indirect.gather [hbm4b:s4+s12], $0x4, s6, s12, $0xb8;
	[tilespmem:$0x89C0] =	vst v63  }
0x100: {  	_ =	swait.ge [sflag:s23], $0x200  }
0x101: {  	[sflag:s23] =	ssyncset.done $0x0  }
0x102: {  	[sflag:s23] =	ssyncadd.s32 $0xFFFFFE00  }
0x103: {  	_ =	swait.ge [sflag:s23], $0x200  }
0x104: {  	[sflag:s23] =	ssyncset.done $0x0  }
0x105: {  	[sflag:s23] =	ssyncadd.s32 $0xFFFFFE00  }
0x106: {  	_ =	swait.ge [sflag:s23], $0x200  }
0x107: {  	[sflag:s23] =	ssyncset.done $0x0  }
0x108: {  	[sflag:s23] =	ssyncadd.s32 $0xFFFFFE00  }
0x109: {  	_ =	swait.ge [sflag:s23], $0x200  }
0x10a: {  	[sflag:s23] =	ssyncset.done $0x0  }
0x10b: {  	[sflag:s23] =	ssyncadd.s32 $0xFFFFFE00  }
0x10c: {  	[spmem:s2] =	stream.indirect.scatter.add.f32 [tilespmem:s13], [sflag:$0x3], $0x4, s11, s12, $0xb8;
	[tilespmem:$0x89C0] =	vst v63  }
0x10d: {  	s7 =	rddreg [dreg:$0xc]  }
0x10e: {  	[spmem:s2] =	stream.indirect.scatter.add.f32 [tilespmem:s14], [sflag:$0x3], $0x4, s7, s12, $0xb8;
	[tilespmem:$0x89C0] =	vst v63  }
0x10f: {  	_ = 	snop  }
0x110: {  	[spmem:s2] =	stream.indirect.scatter.add.f32 [tilespmem:s15], [sflag:$0x3], $0x4, s24, s12, $0xb8;
	[tilespmem:$0x89C0] =	vst v63  }
0x111: {  	_ = 	snop  }
0x112: {  	[spmem:s2] =	stream.indirect.scatter.add.f32 [tilespmem:s16], [sflag:$0x3], $0x4, s25, s12, $0xb8;
	[tilespmem:$0x89C0] =	vst v63  }
0x113: {  	_ =	swait.ge [sflag:s26], $0x200  }
0x114: {  	[sflag:s26] =	ssyncset.done $0x0  }
0x115: {  	[sflag:s26] =	ssyncadd.s32 $0xFFFFFE00  }
0x116: {  	_ =	swait.ge [sflag:s26], $0x200  }
0x117: {  	[sflag:s26] =	ssyncset.done $0x0  }
0x118: {  	[sflag:s26] =	ssyncadd.s32 $0xFFFFFE00  }
0x119: {  	_ =	swait.ge [sflag:s26], $0x200  }
0x11a: {  	[sflag:s26] =	ssyncset.done $0x0  }
0x11b: {  	[sflag:s26] =	ssyncadd.s32 $0xFFFFFE00  }
0x11c: {  	_ =	swait.ge [sflag:s26], $0x200  }
0x11d: {  	[sflag:s26] =	ssyncset.done $0x0  }
0x11e: {  	[sflag:s26] =	ssyncadd.s32 $0xFFFFFE00  }
0x11f: {  	[spmem:s2] =	stream.indirect.scatter.add.f32 [tilespmem:s19], [sflag:$0x4], $0x4, s18, s12, $0xb8;
	[tilespmem:$0x89C0] =	vst v63  }
0x120: {  	_ = 	snop  }
0x121: {  	[spmem:s2] =	stream.indirect.scatter.add.f32 [tilespmem:s20], [sflag:$0x4], $0x4, s28, s12, $0xb8;
	[tilespmem:$0x89C0] =	vst v63  }
0x122: {  	_ = 	snop  }
0x123: {  	[spmem:s2] =	stream.indirect.scatter.add.f32 [tilespmem:s21], [sflag:$0x4], $0x4, s29, s12, $0xb8;
	[tilespmem:$0x89C0] =	vst v63  }
0x124: {  	_ = 	snop  }
0x125: {  	[spmem:s2] =	stream.indirect.scatter.add.f32 [tilespmem:s22], [sflag:$0x4], $0x4, s30, s12, $0xb8;
	[tilespmem:$0x89C0] =	vst v63  }
0x126: {  	_ =	swait.ge [sflag:s31], $0x200  }
0x127: {  	[sflag:s31] =	ssyncset.done $0x0  }
0x128: {  	[sflag:s31] =	ssyncadd.s32 $0xFFFFFE00  }
0x129: {  	_ =	swait.ge [sflag:s31], $0x200  }
0x12a: {  	[sflag:s31] =	ssyncset.done $0x0  }
0x12b: {  	[sflag:s31] =	ssyncadd.s32 $0xFFFFFE00  }
0x12c: {  	_ =	swait.ge [sflag:s31], $0x200  }
0x12d: {  	[sflag:s31] =	ssyncset.done $0x0  }
0x12e: {  	[sflag:s31] =	ssyncadd.s32 $0xFFFFFE00  }
0x12f: {  	_ =	swait.ge [sflag:s31], $0x200  }
0x130: {  	[sflag:s31] =	ssyncset.done $0x0  }
0x131: {  	[sflag:s31] =	ssyncadd.s32 $0xFFFFFE00  }
0x132: {  	_ =	swait.ge [sflag:s0], $0x200  }
0x133: {  	[sflag:s0] =	ssyncset.done $0x0  }
0x134: {  	[sflag:s0] =	ssyncadd.s32 $0xFFFFFE00  }
0x135: {  	_ =	swait.ge [sflag:s0], $0x200  }
0x136: {  	[sflag:s0] =	ssyncset.done $0x0  }
0x137: {  	[sflag:s0] =	ssyncadd.s32 $0xFFFFFE00  }
0x138: {  	_ =	swait.ge [sflag:s0], $0x200  }
0x139: {  	[sflag:s0] =	ssyncset.done $0x0  }
0x13a: {  	[sflag:s0] =	ssyncadd.s32 $0xFFFFFE00  }
0x13b: {  	_ =	swait.ge [sflag:s0], $0x200  }
0x13c: {  	[sflag:s0] =	ssyncset.done $0x0  }
0x13d: {  	[sflag:s0] =	ssyncadd.s32 $0xFFFFFE00  }
0x13e: {  	[bflag:$0x0] =	sbarrier.arrive $0xFFFF  }
0x13f: {  	s6 =	rddreg [dreg:$0xe]  }
0x140: {  	s8 =	rddreg [dreg:$0xf]  }
0x141: {  	s5 =	rddreg [dreg:$0x11]  }
0x142: {  	[hbm:s8], [sflag:s6] =	dma.local [spmem:s5], $0x1870  }
0x143: {  	_ =	swait.ge [sflag:s10], $0x1870  }
0x144: {  	s7 =	rddreg [dreg:$0x12]  }
0x145: {  	s9 =	rddreg [dreg:$0x10];
	s7 =	sadd.s32 $0x1, s7  }
0x146: {  	p0 =	sne.s32 s7, s9  }
.Ltmp1:
0x147: {  	_ = 	snop;
	(pc) =	sbr.rel @p0 .LBB2_1-.Ltmp1, $3  }
0x148: {  	_ =	sdelay $0x1  }
0x149: {  	[sflag:s10] =	ssyncset.done $0x0  }
0x14a: {  	[sflag:s10] =	ssyncadd.s32 $0xFFFFE790  }
0x14b: {  	_ =	sfence.sel $0x180000  }
0x14c: {  	[bflag:$0x0] =	sbarrier.arrive $0xFFFF  }
0x14d: {  	_ =	strace $0x9000004A  }
0x14e: {  	s0 =	stileid.u32;
	[bflag:$0x2] =	sbarrier.arrive $0xFFFF  }
0x14f: {  	p0 =	sne.s32 s0, $0x0;
	s0 =	rddreg [dreg:$0x2]  }
0x150: {  	s0 =	sadd.s32 @!p0 $0x100000, s0  }
0x151: {  	[sflag:s0] =	ssyncadd.tile.s32 @!p0 $0x1;
	_ =	shalt  }
.Lfunc_end2:
_tile_overlayer_lowered:
.L_overlay_start_2:
0x152: {  	(tag) =	ssettag $0x2  }
0x153: {  	s0 =	rddreg [dreg:$0x0];
	s2 =	stileid.u32  }
0x154: {  	s1 =	rddreg [dreg:$0x1];
	p0 =	sne.s32 s2, $0x0  }
0x155: {  	s3 =	rddreg [dreg:$0x2];
	[bflag:$0x3] =	sbarrier.arrive $0xFFFF;
	s2 =	simm.s32 @!p0 $0x1C05  }
0x156: {  	[timem:s3], [sflag:s2] =	dma.local @!p0 [hbm:s0], s1  }
0x157: {  	s0 =	simm.s32 @!p0 $0x5  }
0x158: {  	_ =	swait.ge @!p0 [sflag:s0], s1  }
0x159: {  	s1 =	ssub.s32 @!p0 $0x0, s1;
	[sflag:s0] =	ssyncset.done @!p0 $0x0  }
0x15a: {  	[sflag:s0] =	ssyncadd.s32 @!p0 s1  }
0x15b: {  	[bflag:$0x3] =	sbarrier.arrive $0xFFFF  }
0x15c: {  	_ =	shalt  }

// kernel: kernel.16.cloned.1.call-start
scs
__scs_entry_jumppad:
0x0: {  	(pc) =	sbr.rel $0x88, $3  }
0x1: {  	(tag) =	ssettag $0x0;
	lr =	simm.s32 $0x1  }
0x2: {  	[smem:$0x3F99] =	sst lr;
	_ =	strace $0xD0000000  }
0x3: {  	_ = 	snop  }
0x4: {  	_ = 	snop  }
0x5: {  	_ = 	snop  }
0x6: {  	_ = 	snop  }
0x7: {  	_ = 	snop  }
__scs_overlays_trampoline_lowered:
0x8: {  	[smem:$0x3FA8] =	sst s0  }
0x9: {  	[smem:$0x3FA9] =	sst s1  }
0xa: {  	[smem:$0x3FAA] =	sst s2  }
0xb: {  	[smem:$0x3FAB] =	sst s3  }
0xc: {  	[smem:$0x3FAC] =	sst s4  }
0xd: {  	[smem:$0x3FAD] =	sst s5  }
0xe: {  	[smem:$0x3FAE] =	sst s6  }
0xf: {  	[smem:$0x3FAF] =	sst s7  }
0x10: {  	[smem:$0x3FB0] =	sst s8  }
0x11: {  	[smem:$0x3FB1] =	sst s9;
	s0 =	simm.s32 @!p0 $0x0  }
0x12: {  	s1 =	sld [smem:$0x3F97];
	s0 =	simm.s32 @p0 $0x1  }
0x13: {  	[smem:$0x3FB2] =	sst s0;
	s0 =	simm.s32 @!p1 $0x0  }
0x14: {  	s2 =	sld [smem:$0x3F96];
	s0 =	simm.s32 @p1 $0x1  }
0x15: {  	[smem:$0x3FB3] =	sst s0;
	s0 =	simm.s32 @!p2 $0x0  }
0x16: {  	s3 =	sld [smem:$0x3FDB];
	s0 =	simm.s32 @p2 $0x1  }
0x17: {  	s4 =	simm.s32 $0x1BF5;
	[smem:$0x3FB5] =	sst s0  }
0x18: {  	s0 =	sld [smem:$0x3F98];
	_ =	swait.ge [sflag:s4], $0x0  }
0x19: {  	s7 =	sld [smem:$0x3F99]  }
0x1a: {  	s8 =	sadd.s32 $0xFFFFE003, lr  }
0x1b: {  	s9 =	sadd.s32 $0xFFFFFEF7, lr;
	s5 =	simm.s32 $0xFFFFFFFF;
	p2 =	slt.u32 s8, $0xFFFFF086  }
0x1c: {  	p1 =	slt.u32 s9, $0xF7A;
	s5 =	simm.s32 @!p2 $0x0  }
0x1d: {  	s5 =	simm.s32 @p1 $0x1;
	p0 =	seq.s32 s7, s2  }
0x1e: {  	s7 =	smul.u32 @!p0 $0xF7A, s2;
	p2 =	seq.s32 @!p0 s5, $0x0  }
0x1f: {  	s9 =	smul.u32 $0xF7A, s1;
	s8 =	simm.s32 @!p0 $0x1BF5;
	p2 =	por !p2, p0  }
0x20: {  	[sflag:s8] =	ssyncset.s32 @!p0 $0xFFFFF086;
	s6 =	sadd.s32 @!p0 s3, s7;
	s7 =	simm.s32 @!p0 $0x108  }
0x21: {  	s3 =	sadd.s32 s3, s9;
	s6 =	sadd.s32 @!p0 $0x88, s6;
	s7 =	simm.s32 @p2 $0x1082  }
0x22: {  	[simem:s7], [sflag:s8] =	dma.local @!p0 [hbm:s6], $0xF7A  }
0x23: {  	s9 =	sor.u32 $0xD0000000, s2;
	s6 =	simm.s32 $0x108;
	_ =	swait.ge @!p0 [sflag:s8], $0x0  }
0x24: {  	s3 =	sadd.s32 $0x88, s3;
	s6 =	simm.s32 @!p1 $0x1082;
	[sflag:s4] =	ssyncset.s32 $0xFFFFF086  }
0x25: {  	[simem:s6], [sflag:s4] =	dma.local [hbm:s3], $0xF7A  }
0x26: {  	[smem:$0x3F99] =	sst s1;
	(tag) =	ssettag s2;
	_ =	strace s9  }
0x27: {  	s1 =	sld [smem:$0x3FA9]  }
0x28: {  	s2 =	sld [smem:$0x3FAA]  }
0x29: {  	s4 =	sld [smem:$0x3FAC]  }
0x2a: {  	p0 =	seq.s32 s5, $0x0;
	s5 =	sld [smem:$0x3FAD]  }
0x2b: {  	s6 =	sld [smem:$0x3FAE]  }
0x2c: {  	s7 =	sld [smem:$0x3FAF]  }
0x2d: {  	s3 =	simm.s32 $0x108;
	s8 =	sld [smem:$0x3FB0]  }
0x2e: {  	s3 =	simm.s32 @!p0 $0x1082;
	s9 =	sld [smem:$0x3FB1]  }
0x2f: {  	lr =	sadd.s32 s0, s3;
	s0 =	sld [smem:$0x3FA8]  }
0x30: {  	s3 =	sld [smem:$0x3FAB]  }
0x31: {  	[smem:$0x3FB4] =	sst s10  }
0x32: {  	s10 =	sld [smem:$0x3FB2];
	_ =	sdelay $0x3  }
0x33: {  	p0 =	seq.s32 s10, $0x1;
	s10 =	sld [smem:$0x3FB4];
	_ =	sdelay $0x3  }
0x34: {  	[smem:$0x3FB4] =	sst s10  }
0x35: {  	s10 =	sld [smem:$0x3FB3];
	_ =	sdelay $0x3  }
0x36: {  	p1 =	seq.s32 s10, $0x1;
	s10 =	sld [smem:$0x3FB4];
	_ =	sdelay $0x3  }
0x37: {  	[smem:$0x3FB4] =	sst s10  }
0x38: {  	s10 =	sld [smem:$0x3FB5]  }
0x39: {  	_ = 	snop;
	(pc) =	sbr.ind lr, $3  }
0x3a: {  	_ = 	snop  }
0x3b: {  	_ = 	snop  }
0x3c: {  	p2 =	seq.s32 s10, $0x1;
	s10 =	sld [smem:$0x3FB4]  }
0x3d: {  	_ =	shalt  }
0x3e: {  	_ =	shalt  }
0x3f: {  	_ =	shalt  }
0x40: {  	_ =	shalt  }
0x41: {  	_ =	shalt  }
0x42: {  	_ =	shalt  }
0x43: {  	_ =	shalt  }
0x44: {  	_ =	shalt  }
0x45: {  	_ =	shalt  }
0x46: {  	_ =	shalt  }
0x47: {  	_ =	shalt  }
0x48: {  	_ =	shalt  }
0x49: {  	_ =	shalt  }
0x4a: {  	_ =	shalt  }
0x4b: {  	_ =	shalt  }
0x4c: {  	_ =	shalt  }
0x4d: {  	_ =	shalt  }
0x4e: {  	_ =	shalt  }
0x4f: {  	_ =	shalt  }
0x50: {  	_ =	shalt  }
0x51: {  	_ =	shalt  }
0x52: {  	_ =	shalt  }
0x53: {  	_ =	shalt  }
0x54: {  	_ =	shalt  }
0x55: {  	_ =	shalt  }
0x56: {  	_ =	shalt  }
0x57: {  	_ =	shalt  }
0x58: {  	_ =	shalt  }
0x59: {  	_ =	shalt  }
0x5a: {  	_ =	shalt  }
0x5b: {  	_ =	shalt  }
0x5c: {  	_ =	shalt  }
0x5d: {  	_ =	shalt  }
0x5e: {  	_ =	shalt  }
0x5f: {  	_ =	shalt  }
0x60: {  	_ =	shalt  }
0x61: {  	_ =	shalt  }
0x62: {  	_ =	shalt  }
0x63: {  	_ =	shalt  }
0x64: {  	_ =	shalt  }
0x65: {  	_ =	shalt  }
0x66: {  	_ =	shalt  }
0x67: {  	_ =	shalt  }
0x68: {  	_ =	shalt  }
0x69: {  	_ =	shalt  }
0x6a: {  	_ =	shalt  }
0x6b: {  	_ =	shalt  }
0x6c: {  	_ =	shalt  }
0x6d: {  	_ =	shalt  }
0x6e: {  	_ =	shalt  }
0x6f: {  	_ =	shalt  }
0x70: {  	_ =	shalt  }
0x71: {  	_ =	shalt  }
0x72: {  	_ =	shalt  }
0x73: {  	_ =	shalt  }
0x74: {  	_ =	shalt  }
0x75: {  	_ =	shalt  }
0x76: {  	_ =	shalt  }
0x77: {  	_ =	shalt  }
0x78: {  	_ =	shalt  }
0x79: {  	_ =	shalt  }
0x7a: {  	_ =	shalt  }
0x7b: {  	_ =	shalt  }
0x7c: {  	_ =	shalt  }
0x7d: {  	_ =	shalt  }
0x7e: {  	_ =	shalt  }
0x7f: {  	_ =	shalt  }
0x80: {  	_ =	shalt  }
0x81: {  	_ =	shalt  }
0x82: {  	_ =	shalt  }
0x83: {  	_ =	shalt  }
0x84: {  	_ =	shalt  }
0x85: {  	_ =	shalt  }
0x86: {  	_ =	shalt  }
0x87: {  	_ =	shalt  }
.Lfunc_end0:
.L_simem_size_0:
called_computation.2_lowered:
.L_overlay_start_0:
0x88: {  	s2 =	sld [smem:$0x3FD9]  }
0x89: {  	s3 =	sld [smem:$0x3FFE];
	_ =	sdelay $0x1  }
0x8a: {  	s1 =	srdreg.scid  }
0x8b: {  	s0 =	sand.u32 $0x1, s1  }
0x8c: {  	s16 =	sshll.u32 s0, $0xA;
	s2 =	sadd.s32 s3, s2  }
0x8d: {  	s2 =	sadd.s32 s2, s16  }
0x8e: {  	[smem:$0x3FC0] =	sst s2  }
0x8f: {  	_ = 	snop  }
0x90: {  	(tm) =	ssettm $0x1  }
0x91: {  	s17 =	sld [smem:$0x3FFB];
	_ =	sdelay $0x3  }
0x92: {  	_ =	strace s17  }
0x93: {  	s2 =	sld [smem:$0x3FFC];
	_ =	sdelay $0x3  }
0x94: {  	_ =	strace s2  }
0x95: {  	s2 =	sld [smem:$0x3FFD];
	_ =	sdelay $0x3  }
0x96: {  	_ =	strace s2  }
0x97: {  	_ =	strace $0x8FFFFFFF  }
0x98: {  	s18 =	sld [smem:$0x3FDB];
	_ =	sdelay $0x1  }
0x99: {  	s19 =	simm.s32 $_scs_section_size  }
0x9a: {  	s4 =	simm.s32 $_size__tile_overlayer_lowered;
	s5 =	simm.s32 $_tile_overlayer_lowered  }
0x9b: {  	s22 =	simm.s32 $0x1BFF;
	s21 =	sshll.u32 s5, $0x1;
	s2 =	sadd.s32 s19, s18  }
0x9c: {  	s6 =	simm.s32 $0x0;
	s20 =	sshll.u32 s4, $0x1;
	s4 =	sadd.s32 s21, s2  }
0x9d: {  	[timem:s6], [sflag:s22] =	dma.local [hbm:s4], s20  }
0x9e: {  	_ =	swait.ge [sflag:s22], s20  }
0x9f: {  	s3 =	ssub.s32 $0x0, s20;
	[sflag:s22] =	ssyncset.done $0x0  }
0xa0: {  	[sflag:s22] =	ssyncadd.s32 s3;
	_ =	sdelay $0x1  }
0xa1: {  	s23 =	simm.s32 $0x1B8B  }
0xa2: {  	_ =	swait.ge [sflag:s23], $0x1  }
0xa3: {  	[sflag:s23] =	ssyncset.done $0x0  }
0xa4: {  	s25 =	simm.s32 $0x1B8E;
	s24 =	sld [smem:$0x3FFE];
	[sflag:s23] =	ssyncadd.s32 $0xFFFFFFFF  }
0xa5: {  	s26 =	simm.s32 $execute0_lowered;
	[smem:$0x3FD2] =	sst s25  }
0xa6: {  	s4 =	sshll.u32 s26, $0x1;
	_ =	strace $0x8000004C;
	[dreg:$0x1] =	wrdreg $0xFFFFFFFF  }
0xa7: {  	s28 =	simm.s32 $_size_execute0_lowered;
	s2 =	sadd.s32 s2, s4;
	[dreg:$0x0] =	wrdreg $0x0  }
0xa8: {  	s4 =	sshll.u32 s28, $0x1;
	[dreg:$0x2] =	wrdreg s2  }
0xa9: {  	[dreg:$0x3] =	wrdreg s4  }
0xaa: {  	[dreg:$0x4] =	wrdreg $0xC0  }
0xab: {  	_ =	task [dreg:s6], $0x5FFFF  }
0xac: {  	[dreg:$0x1] =	wrdreg $0xFFFFFFFF  }
0xad: {  	[dreg:$0x0] =	wrdreg $0x60  }
0xae: {  	[dreg:$0x2] =	wrdreg s24  }
0xaf: {  	[dreg:$0x3] =	wrdreg $0x48000  }
0xb0: {  	[dreg:$0x4] =	wrdreg $0x9  }
0xb1: {  	_ =	task.clear_ibuf [dreg:s6], $0x5FFFF;
	_ =	strace $0x9000004C  }
0xb2: {  	s29 =	simm.s32 $0x9;
	_ =	strace $0x8000004E  }
0xb3: {  	_ =	swait.ge [sflag:s29], $0x1  }
0xb4: {  	[sflag:s29] =	ssyncadd.s32 $0xFFFFFFFF  }
0xb5: {  	_ =	strace $0x9000004E  }
0xb6: {  	_ =	sfence  }
0xb7: {  	s30 =	sld [smem:$0x0];
	_ =	sdelay $0x2  }
0xb8: {  	s31 =	sshll.u32 s1, $0xD;
	s1 =	sshrl.u32 s1, $0x2  }
0xb9: {  	s3 =	sand.u32 $0x4000, s31;
	s1 =	sadd.s32 s1, s30  }
0xba: {  	s0 =	sor.u32 s3, s0;
	s1 =	sshll.u32 s1, $0x11  }
0xbb: {  	s0 =	sor.u32 s1, s0  }
0xbc: {  	s0 =	sadd.s32 $0x8F2B, s0  }
0xbd: {  	[sflag:s0] =	ssyncadd.remote.s32 $0x1  }
0xbe: {  	_ =	sfence.sel $0xFFFF  }
0xbf: {  	[dreg:$0x0] =	wrdreg $0xFFFFFFFF;
	(pc) =	sbr.abs _section_cstart, $3  }
0xc0: {  	[dreg:$0x1] =	wrdreg $0xFFFFFFFF  }
0xc1: {  	_ =	task.clear_ibuf [dreg:s6], $0x2FFFF;
	_ =	strace $0x9FFFFFFF  }
0xc2: {  	(tm) =	ssettm $0x7FFFFFFF  }
0xc3: {  	_ =	shalt  }
tec
execute0_lowered:
.L_overlay_start_1:
0x0: {  	(tag) =	ssettag $0x1  }
0x1: {  	s0 =	rddreg [dreg:$0x0]  }
0x2: {  	s2 =	rddreg [dreg:$0x1]  }
0x3: {  	s13 =	stileid.u32;
	s1 =	srdreg.scid  }
0x4: {  	s3 =	simm.s32 $0x0;
	s21 =	simm.s32 $0x100;
	s14 =	simm.s32 $0x1000  }
0x5: {  	s22 =	simm.s32 $0x180;
	s23 =	simm.s32 $0x280;
	s24 =	simm.s32 $0x300  }
0x6: {  	s25 =	simm.s32 $0x380;
	s26 =	simm.s32 $0x480;
	s28 =	simm.s32 $0x680  }
0x7: {  	s29 =	simm.s32 $0x700;
	s30 =	simm.s32 $0x780;
	s31 =	simm.s32 $0x3  }
0x8: {  	s5 =	smul.u32 $0x18700, s13;
	s1 =	sand.u32 $0x1, s1;
	[smem:$0x7FF] =	sst s3  }
0x9: {  	s4 =	sadd.s32 $0x64C00, s0;
	s9 =	smul.u32 $0x18800, s13;
	s10 =	sadd.s32 $0xAE200, s0  }
0xa: {  	s11 =	sadd.s32 $0x2C00, s0;
	_ =	strace $0x8000004D;
	[dreg:$0x7] =	wrdreg s21  }
0xb: {  	s18 =	sshll.u32 s13, $0x6;
	s6 =	smul.u32 $0x187000, s1;
	[dreg:$0x8] =	wrdreg s22  }
0xc: {  	s13 =	simm.s32 $0x800;
	s7 =	smul.u32 $0x188000, s1;
	[dreg:$0x9] =	wrdreg s23  }
0xd: {  	s1 =	ssub.s32 $0x2, s1;
	[dreg:$0xa] =	wrdreg s24;
	s21 =	simm.s32 $0x3800  }
0xe: {  	[dreg:$0xb] =	wrdreg s25;
	s22 =	simm.s32 $0x4000;
	s23 =	simm.s32 $0x1  }
0xf: {  	[dreg:$0xc] =	wrdreg s26;
	s24 =	simm.s32 $0x500;
	s25 =	simm.s32 $0x580  }
0x10: {  	s26 =	simm.s32 $0x2;
	s8 =	sshrl.u32 s5, $0x3;
	s15 =	sshrl.u32 s1, $0x1  }
0x11: {  	s8 =	sadd.s32 s8, s0;
	s6 =	sadd.s32 s5, s6;
	s7 =	sadd.s32 s9, s7  }
0x12: {  	s1 =	ssub.s32 s1, s15;
	s5 =	sadd.s32 s5, s2;
	s15 =	simm.s32 $0x1800  }
0x13: {  	s6 =	sshrl.u32 s6, $0x3;
	s12 =	sor.u32 $0x200, s7;
	s8 =	sadd.s32 $0x110200, s8  }
0x14: {  	s7 =	sshrl.u32 s7, $0x3;
	s20 =	smax.u32 s1, $0x1;
	s5 =	sshrl.u32 s5, $0x3  }
0x15: {  	s0 =	sadd.s32 s6, s0;
	s16 =	sshrl.u32 s12, $0x3;
	[dreg:$0xd] =	wrdreg s8  }
0x16: {  	s19 =	sadd.s32 s7, s11;
	s7 =	sadd.s32 s7, s10;
	[dreg:$0x10] =	wrdreg s20  }
0x17: {  	s12 =	simm.s32 $0x80;
	s20 =	simm.s32 $0x3000;
	[dreg:$0x11] =	wrdreg s5  }
0x18: {  	s17 =	sadd.s32 s16, s11;
	s6 =	sadd.s32 s16, s10;
	[dreg:$0x5] =	wrdreg s19  }
0x19: {  	s0 =	sadd.s32 $0x636200, s0;
	[dreg:$0x6] =	wrdreg s7;
	s10 =	simm.s32 $0x5  }
0x1a: {  	s11 =	simm.s32 $0x400;
	s16 =	simm.s32 $0x2000;
	[dreg:$0x3] =	wrdreg s17  }
0x1b: {  	s19 =	simm.s32 $0x2800;
	s7 =	simm.s32 $0x0;
	[dreg:$0x4] =	wrdreg s6  }
0x1c: {  	s6 =	sor.u32 $0x1C05, s18;
	[dreg:$0xf] =	wrdreg s0;
	s17 =	simm.s32 $0x200  }
0x1d: {  	s18 =	simm.s32 $0x600;
	s0 =	simm.s32 $0x4;
	[dreg:$0xe] =	wrdreg s6  }
.LBB2_1:
0x1e: {  	[dreg:$0x12] =	wrdreg s7  }
0x1f: {  	s1 =	rddreg [dreg:$0xd]  }
0x20: {  	[spmem:s5], [sflag:s6] =	dma.local [hbm:s1], $0x30E0  }
0x21: {  	_ =	swait.ge [sflag:s10], $0x30E0  }
0x22: {  	[sflag:s10] =	ssyncset.done $0x0  }
0x23: {  	[sflag:s10] =	ssyncadd.s32 $0xFFFFCF20  }
0x24: {  	[bflag:$0x0] =	sbarrier.arrive $0xFFFF  }
0x25: {  	s8 =	rddreg [dreg:$0x6]  }
0x26: {  	s5 =	sadd.s32 $0x0, s8  }
0x27: {  	[tilespmem:s3], [sflag:$0x5] =	stream.linear.gather [hbm4b:s5+s3], $0x200, $0x38;
	[tilespmem:$0x1CF00] =	vst v63  }
0x28: {  	_ =	swait.ge [sflag:s10], $0x200  }
0x29: {  	s9 =	rddreg [dreg:$0x5];
	[sflag:s10] =	ssyncset.done $0x0  }
0x2a: {  	[sflag:s10] =	ssyncadd.s32 $0xFFFFFE00;
	s5 =	sadd.s32 $0x0, s9  }
0x2b: {  	[tilespmem:s11], [sflag:$0x5] =	stream.linear.gather [hbm4b:s5+s3], $0x200, $0x38;
	[tilespmem:$0x1CF00] =	vst v63  }
0x2c: {  	_ =	swait.ge [sflag:s10], $0x200  }
0x2d: {  	[sflag:s10] =	ssyncset.done $0x0  }
0x2e: {  	[sflag:s10] =	ssyncadd.s32 $0xFFFFFE00  }
0x2f: {  	[tilespmem:s13], [sflag:$0x1] =	stream.indirect.gather [hbm4b:s4+s12], $0x10, s3, s12, $0xb8;
	[tilespmem:$0x1CF00] =	vst v63  }
0x30: {  	s1 =	rddreg [dreg:$0x4]  }
0x31: {  	[tilespmem:s14], [sflag:$0x1] =	stream.indirect.gather [hbm4b:s4+s12], $0x10, s12, s12, $0xb8;
	[tilespmem:$0x1CF00] =	vst v63  }
0x32: {  	s6 =	rddreg [dreg:$0x7]  }
0x33: {  	[tilespmem:s15], [sflag:$0x1] =	stream.indirect.gather [hbm4b:s4+s12], $0x10, s6, s12, $0xb8;
	[tilespmem:$0x1CF00] =	vst v63  }
0x34: {  	s8 =	rddreg [dreg:$0x8]  }
0x35: {  	[tilespmem:s16], [sflag:$0x1] =	stream.indirect.gather [hbm4b:s4+s12], $0x10, s8, s12, $0xb8;
	[tilespmem:$0x1CF00] =	vst v63  }
0x36: {  	s5 =	sadd.s32 $0x0, s1  }
0x37: {  	[tilespmem:s17], [sflag:$0x5] =	stream.linear.gather [hbm4b:s5+s3], $0x200, $0x38;
	[tilespmem:$0x1CF00] =	vst v63  }
0x38: {  	_ =	swait.ge [sflag:s10], $0x200  }
0x39: {  	s9 =	rddreg [dreg:$0x3];
	[sflag:s10] =	ssyncset.done $0x0  }
0x3a: {  	[sflag:s10] =	ssyncadd.s32 $0xFFFFFE00;
	s5 =	sadd.s32 $0x0, s9  }
0x3b: {  	[tilespmem:s18], [sflag:$0x5] =	stream.linear.gather [hbm4b:s5+s3], $0x200, $0x38;
	[tilespmem:$0x1CF00] =	vst v63  }
0x3c: {  	_ =	swait.ge [sflag:s10], $0x200  }
0x3d: {  	[sflag:s10] =	ssyncset.done $0x0  }
0x3e: {  	[sflag:s10] =	ssyncadd.s32 $0xFFFFFE00  }
0x3f: {  	[tilespmem:s19], [sflag:$0x2] =	stream.indirect.gather [hbm4b:s4+s12], $0x10, s17, s12, $0xb8;
	[tilespmem:$0x1CF00] =	vst v63  }
0x40: {  	s1 =	rddreg [dreg:$0x9]  }
0x41: {  	[tilespmem:s20], [sflag:$0x2] =	stream.indirect.gather [hbm4b:s4+s12], $0x10, s1, s12, $0xb8;
	[tilespmem:$0x1CF00] =	vst v63  }
0x42: {  	s6 =	rddreg [dreg:$0xa]  }
0x43: {  	[tilespmem:s21], [sflag:$0x2] =	stream.indirect.gather [hbm4b:s4+s12], $0x10, s6, s12, $0xb8;
	[tilespmem:$0x1CF00] =	vst v63  }
0x44: {  	s8 =	rddreg [dreg:$0xb]  }
0x45: {  	[tilespmem:s22], [sflag:$0x2] =	stream.indirect.gather [hbm4b:s4+s12], $0x10, s8, s12, $0xb8;
	[tilespmem:$0x1CF00] =	vst v63  }
0x46: {  	_ =	swait.ge [sflag:s23], $0x800  }
0x47: {  	[sflag:s23] =	ssyncset.done $0x0  }
0x48: {  	[sflag:s23] =	ssyncadd.s32 $0xFFFFF800  }
0x49: {  	_ =	swait.ge [sflag:s23], $0x800  }
0x4a: {  	[sflag:s23] =	ssyncset.done $0x0  }
0x4b: {  	[sflag:s23] =	ssyncadd.s32 $0xFFFFF800  }
0x4c: {  	_ =	swait.ge [sflag:s23], $0x800  }
0x4d: {  	[sflag:s23] =	ssyncset.done $0x0  }
0x4e: {  	[sflag:s23] =	ssyncadd.s32 $0xFFFFF800  }
0x4f: {  	_ =	swait.ge [sflag:s23], $0x800  }
0x50: {  	[sflag:s23] =	ssyncset.done $0x0  }
0x51: {  	[sflag:s23] =	ssyncadd.s32 $0xFFFFF800  }
0x52: {  	[spmem:s2] =	stream.indirect.scatter.add.f32 [tilespmem:s13], [sflag:$0x3], $0x10, s11, s12, $0xb8;
	[tilespmem:$0x1CF00] =	vst v63  }
0x53: {  	s9 =	rddreg [dreg:$0xc]  }
0x54: {  	[spmem:s2] =	stream.indirect.scatter.add.f32 [tilespmem:s14], [sflag:$0x3], $0x10, s9, s12, $0xb8;
	[tilespmem:$0x1CF00] =	vst v63  }
0x55: {  	_ = 	snop  }
0x56: {  	[spmem:s2] =	stream.indirect.scatter.add.f32 [tilespmem:s15], [sflag:$0x3], $0x10, s24, s12, $0xb8;
	[tilespmem:$0x1CF00] =	vst v63  }
0x57: {  	_ = 	snop  }
0x58: {  	[spmem:s2] =	stream.indirect.scatter.add.f32 [tilespmem:s16], [sflag:$0x3], $0x10, s25, s12, $0xb8;
	[tilespmem:$0x1CF00] =	vst v63  }
0x59: {  	_ =	swait.ge [sflag:s26], $0x800  }
0x5a: {  	[sflag:s26] =	ssyncset.done $0x0  }
0x5b: {  	[sflag:s26] =	ssyncadd.s32 $0xFFFFF800  }
0x5c: {  	_ =	swait.ge [sflag:s26], $0x800  }
0x5d: {  	[sflag:s26] =	ssyncset.done $0x0  }
0x5e: {  	[sflag:s26] =	ssyncadd.s32 $0xFFFFF800  }
0x5f: {  	_ =	swait.ge [sflag:s26], $0x800  }
0x60: {  	[sflag:s26] =	ssyncset.done $0x0  }
0x61: {  	[sflag:s26] =	ssyncadd.s32 $0xFFFFF800  }
0x62: {  	_ =	swait.ge [sflag:s26], $0x800  }
0x63: {  	[sflag:s26] =	ssyncset.done $0x0  }
0x64: {  	[sflag:s26] =	ssyncadd.s32 $0xFFFFF800  }
0x65: {  	[spmem:s2] =	stream.indirect.scatter.add.f32 [tilespmem:s19], [sflag:$0x4], $0x10, s18, s12, $0xb8;
	[tilespmem:$0x1CF00] =	vst v63  }
0x66: {  	_ = 	snop  }
0x67: {  	[spmem:s2] =	stream.indirect.scatter.add.f32 [tilespmem:s20], [sflag:$0x4], $0x10, s28, s12, $0xb8;
	[tilespmem:$0x1CF00] =	vst v63  }
0x68: {  	_ = 	snop  }
0x69: {  	[spmem:s2] =	stream.indirect.scatter.add.f32 [tilespmem:s21], [sflag:$0x4], $0x10, s29, s12, $0xb8;
	[tilespmem:$0x1CF00] =	vst v63  }
0x6a: {  	_ = 	snop  }
0x6b: {  	[spmem:s2] =	stream.indirect.scatter.add.f32 [tilespmem:s22], [sflag:$0x4], $0x10, s30, s12, $0xb8;
	[tilespmem:$0x1CF00] =	vst v63  }
0x6c: {  	_ =	swait.ge [sflag:s31], $0x800  }
0x6d: {  	[sflag:s31] =	ssyncset.done $0x0  }
0x6e: {  	[sflag:s31] =	ssyncadd.s32 $0xFFFFF800  }
0x6f: {  	_ =	swait.ge [sflag:s31], $0x800  }
0x70: {  	[sflag:s31] =	ssyncset.done $0x0  }
0x71: {  	[sflag:s31] =	ssyncadd.s32 $0xFFFFF800  }
0x72: {  	_ =	swait.ge [sflag:s31], $0x800  }
0x73: {  	[sflag:s31] =	ssyncset.done $0x0  }
0x74: {  	[sflag:s31] =	ssyncadd.s32 $0xFFFFF800  }
0x75: {  	_ =	swait.ge [sflag:s31], $0x800  }
0x76: {  	[sflag:s31] =	ssyncset.done $0x0  }
0x77: {  	[sflag:s31] =	ssyncadd.s32 $0xFFFFF800  }
0x78: {  	_ =	swait.ge [sflag:s0], $0x800  }
0x79: {  	[sflag:s0] =	ssyncset.done $0x0  }
0x7a: {  	[sflag:s0] =	ssyncadd.s32 $0xFFFFF800  }
0x7b: {  	_ =	swait.ge [sflag:s0], $0x800  }
0x7c: {  	[sflag:s0] =	ssyncset.done $0x0  }
0x7d: {  	[sflag:s0] =	ssyncadd.s32 $0xFFFFF800  }
0x7e: {  	_ =	swait.ge [sflag:s0], $0x800  }
0x7f: {  	[sflag:s0] =	ssyncset.done $0x0  }
0x80: {  	[sflag:s0] =	ssyncadd.s32 $0xFFFFF800  }
0x81: {  	s7 =	simm.s32 $0x100;
	_ =	swait.ge [sflag:s0], $0x800  }
0x82: {  	s5 =	simm.s32 $0x80;
	s8 =	rddreg [dreg:$0x6];
	[sflag:s0] =	ssyncset.done $0x0  }
.LBB2_2:
0x83: {  	[sflag:s0] =	ssyncadd.s32 $0xFFFFF800;
	s8 =	sadd.s32 s5, s8  }
0x84: {  	[tilespmem:s3], [sflag:$0x5] =	stream.linear.gather [hbm4b:s8+s3], $0x200, $0x38;
	[tilespmem:$0x1CF00] =	vst v63  }
0x85: {  	_ =	swait.ge [sflag:s10], $0x200  }
0x86: {  	s1 =	rddreg [dreg:$0x5];
	[sflag:s10] =	ssyncset.done $0x0  }
0x87: {  	[sflag:s10] =	ssyncadd.s32 $0xFFFFFE00;
	s8 =	sadd.s32 s5, s1  }
0x88: {  	[tilespmem:s11], [sflag:$0x5] =	stream.linear.gather [hbm4b:s8+s3], $0x200, $0x38;
	[tilespmem:$0x1CF00] =	vst v63  }
0x89: {  	_ =	swait.ge [sflag:s10], $0x200  }
0x8a: {  	[sflag:s10] =	ssyncset.done $0x0  }
0x8b: {  	[sflag:s10] =	ssyncadd.s32 $0xFFFFFE00  }
0x8c: {  	[tilespmem:s13], [sflag:$0x1] =	stream.indirect.gather [hbm4b:s4+s12], $0x10, s3, s12, $0xb8;
	[tilespmem:$0x1CF00] =	vst v63  }
0x8d: {  	s8 =	rddreg [dreg:$0x4]  }
0x8e: {  	[tilespmem:s14], [sflag:$0x1] =	stream.indirect.gather [hbm4b:s4+s12], $0x10, s12, s12, $0xb8;
	[tilespmem:$0x1CF00] =	vst v63  }
0x8f: {  	s9 =	rddreg [dreg:$0x7]  }
0x90: {  	[tilespmem:s15], [sflag:$0x1] =	stream.indirect.gather [hbm4b:s4+s12], $0x10, s9, s12, $0xb8;
	[tilespmem:$0x1CF00] =	vst v63  }
0x91: {  	s1 =	rddreg [dreg:$0x8]  }
0x92: {  	[tilespmem:s16], [sflag:$0x1] =	stream.indirect.gather [hbm4b:s4+s12], $0x10, s1, s12, $0xb8;
	[tilespmem:$0x1CF00] =	vst v63  }
0x93: {  	s8 =	sadd.s32 s5, s8  }
0x94: {  	[tilespmem:s17], [sflag:$0x5] =	stream.linear.gather [hbm4b:s8+s3], $0x200, $0x38;
	[tilespmem:$0x1CF00] =	vst v63  }
0x95: {  	_ =	swait.ge [sflag:s10], $0x200  }
0x96: {  	s9 =	rddreg [dreg:$0x3];
	[sflag:s10] =	ssyncset.done $0x0  }
0x97: {  	[sflag:s10] =	ssyncadd.s32 $0xFFFFFE00;
	s1 =	sadd.s32 s5, s9  }
0x98: {  	[tilespmem:s18], [sflag:$0x5] =	stream.linear.gather [hbm4b:s1+s3], $0x200, $0x38;
	[tilespmem:$0x1CF00] =	vst v63  }
0x99: {  	_ =	swait.ge [sflag:s10], $0x200  }
0x9a: {  	[sflag:s10] =	ssyncset.done $0x0  }
0x9b: {  	[sflag:s10] =	ssyncadd.s32 $0xFFFFFE00  }
0x9c: {  	[tilespmem:s19], [sflag:$0x2] =	stream.indirect.gather [hbm4b:s4+s12], $0x10, s17, s12, $0xb8;
	[tilespmem:$0x1CF00] =	vst v63  }
0x9d: {  	s8 =	rddreg [dreg:$0x9]  }
0x9e: {  	[tilespmem:s20], [sflag:$0x2] =	stream.indirect.gather [hbm4b:s4+s12], $0x10, s8, s12, $0xb8;
	[tilespmem:$0x1CF00] =	vst v63  }
0x9f: {  	s9 =	rddreg [dreg:$0xa]  }
0xa0: {  	[tilespmem:s21], [sflag:$0x2] =	stream.indirect.gather [hbm4b:s4+s12], $0x10, s9, s12, $0xb8;
	[tilespmem:$0x1CF00] =	vst v63  }
0xa1: {  	s8 =	rddreg [dreg:$0xb]  }
0xa2: {  	[tilespmem:s22], [sflag:$0x2] =	stream.indirect.gather [hbm4b:s4+s12], $0x10, s8, s12, $0xb8;
	[tilespmem:$0x1CF00] =	vst v63  }
0xa3: {  	_ =	swait.ge [sflag:s23], $0x800  }
0xa4: {  	[sflag:s23] =	ssyncset.done $0x0  }
0xa5: {  	[sflag:s23] =	ssyncadd.s32 $0xFFFFF800  }
0xa6: {  	_ =	swait.ge [sflag:s23], $0x800  }
0xa7: {  	[sflag:s23] =	ssyncset.done $0x0  }
0xa8: {  	[sflag:s23] =	ssyncadd.s32 $0xFFFFF800  }
0xa9: {  	_ =	swait.ge [sflag:s23], $0x800  }
0xaa: {  	[sflag:s23] =	ssyncset.done $0x0  }
0xab: {  	[sflag:s23] =	ssyncadd.s32 $0xFFFFF800  }
0xac: {  	_ =	swait.ge [sflag:s23], $0x800  }
0xad: {  	[sflag:s23] =	ssyncset.done $0x0  }
0xae: {  	[sflag:s23] =	ssyncadd.s32 $0xFFFFF800  }
0xaf: {  	[spmem:s2] =	stream.indirect.scatter.add.f32 [tilespmem:s13], [sflag:$0x3], $0x10, s11, s12, $0xb8;
	[tilespmem:$0x1CF00] =	vst v63  }
0xb0: {  	s9 =	rddreg [dreg:$0xc]  }
0xb1: {  	[spmem:s2] =	stream.indirect.scatter.add.f32 [tilespmem:s14], [sflag:$0x3], $0x10, s9, s12, $0xb8;
	[tilespmem:$0x1CF00] =	vst v63  }
0xb2: {  	_ = 	snop  }
0xb3: {  	[spmem:s2] =	stream.indirect.scatter.add.f32 [tilespmem:s15], [sflag:$0x3], $0x10, s24, s12, $0xb8;
	[tilespmem:$0x1CF00] =	vst v63  }
0xb4: {  	_ = 	snop  }
0xb5: {  	[spmem:s2] =	stream.indirect.scatter.add.f32 [tilespmem:s16], [sflag:$0x3], $0x10, s25, s12, $0xb8;
	[tilespmem:$0x1CF00] =	vst v63  }
0xb6: {  	_ =	swait.ge [sflag:s26], $0x800  }
0xb7: {  	[sflag:s26] =	ssyncset.done $0x0  }
0xb8: {  	[sflag:s26] =	ssyncadd.s32 $0xFFFFF800  }
0xb9: {  	_ =	swait.ge [sflag:s26], $0x800  }
0xba: {  	[sflag:s26] =	ssyncset.done $0x0  }
0xbb: {  	[sflag:s26] =	ssyncadd.s32 $0xFFFFF800  }
0xbc: {  	_ =	swait.ge [sflag:s26], $0x800  }
0xbd: {  	[sflag:s26] =	ssyncset.done $0x0  }
0xbe: {  	[sflag:s26] =	ssyncadd.s32 $0xFFFFF800  }
0xbf: {  	_ =	swait.ge [sflag:s26], $0x800  }
0xc0: {  	[sflag:s26] =	ssyncset.done $0x0  }
0xc1: {  	[sflag:s26] =	ssyncadd.s32 $0xFFFFF800  }
0xc2: {  	[spmem:s2] =	stream.indirect.scatter.add.f32 [tilespmem:s19], [sflag:$0x4], $0x10, s18, s12, $0xb8;
	[tilespmem:$0x1CF00] =	vst v63  }
0xc3: {  	_ = 	snop  }
0xc4: {  	[spmem:s2] =	stream.indirect.scatter.add.f32 [tilespmem:s20], [sflag:$0x4], $0x10, s28, s12, $0xb8;
	[tilespmem:$0x1CF00] =	vst v63  }
0xc5: {  	_ = 	snop  }
0xc6: {  	[spmem:s2] =	stream.indirect.scatter.add.f32 [tilespmem:s21], [sflag:$0x4], $0x10, s29, s12, $0xb8;
	[tilespmem:$0x1CF00] =	vst v63  }
0xc7: {  	_ = 	snop  }
0xc8: {  	[spmem:s2] =	stream.indirect.scatter.add.f32 [tilespmem:s22], [sflag:$0x4], $0x10, s30, s12, $0xb8;
	[tilespmem:$0x1CF00] =	vst v63  }
0xc9: {  	_ =	swait.ge [sflag:s31], $0x800  }
0xca: {  	[sflag:s31] =	ssyncset.done $0x0  }
0xcb: {  	[sflag:s31] =	ssyncadd.s32 $0xFFFFF800  }
0xcc: {  	_ =	swait.ge [sflag:s31], $0x800  }
0xcd: {  	[sflag:s31] =	ssyncset.done $0x0  }
0xce: {  	[sflag:s31] =	ssyncadd.s32 $0xFFFFF800  }
0xcf: {  	_ =	swait.ge [sflag:s31], $0x800  }
0xd0: {  	[sflag:s31] =	ssyncset.done $0x0  }
0xd1: {  	[sflag:s31] =	ssyncadd.s32 $0xFFFFF800  }
0xd2: {  	_ =	swait.ge [sflag:s31], $0x800  }
0xd3: {  	[sflag:s31] =	ssyncset.done $0x0  }
0xd4: {  	[sflag:s31] =	ssyncadd.s32 $0xFFFFF800  }
0xd5: {  	_ =	swait.ge [sflag:s0], $0x800  }
0xd6: {  	[sflag:s0] =	ssyncset.done $0x0  }
0xd7: {  	[sflag:s0] =	ssyncadd.s32 $0xFFFFF800  }
0xd8: {  	_ =	swait.ge [sflag:s0], $0x800  }
0xd9: {  	[sflag:s0] =	ssyncset.done $0x0  }
0xda: {  	p0 =	sne.s32 s7, $0x3080;
	[sflag:s0] =	ssyncadd.s32 $0xFFFFF800  }
.Ltmp0:
0xdb: {  	_ =	swait.ge [sflag:s0], $0x800;
	(pc) =	sbr.rel @p0 .LBB2_2-.Ltmp0, $4  }
0xdc: {  	[sflag:s0] =	ssyncset.done $0x0  }
0xdd: {  	[sflag:s0] =	ssyncadd.s32 $0xFFFFF800  }
0xde: {  	s6 =	smov.u32 s7;
	s7 =	sadd.s32 $0x80, s7;
	_ =	swait.ge [sflag:s0], $0x800  }
0xdf: {  	s5 =	smov.u32 s6;
	s8 =	rddreg [dreg:$0x6];
	[sflag:s0] =	ssyncset.done $0x0  }
0xe0: {  	[sflag:s0] =	ssyncadd.s32 $0xFFFFF800;
	s1 =	sadd.s32 s5, s8  }
0xe1: {  	[tilespmem:s3], [sflag:$0x5] =	stream.linear.gather [hbm4b:s1+s3], $0x200, $0x38;
	[tilespmem:$0x1CF00] =	vst v63  }
0xe2: {  	_ =	swait.ge [sflag:s10], $0x200  }
0xe3: {  	s7 =	rddreg [dreg:$0x5];
	[sflag:s10] =	ssyncset.done $0x0  }
0xe4: {  	[sflag:s10] =	ssyncadd.s32 $0xFFFFFE00;
	s1 =	sadd.s32 s5, s7  }
0xe5: {  	[tilespmem:s11], [sflag:$0x5] =	stream.linear.gather [hbm4b:s1+s3], $0x200, $0x38;
	[tilespmem:$0x1CF00] =	vst v63  }
0xe6: {  	_ =	swait.ge [sflag:s10], $0x200  }
0xe7: {  	[sflag:s10] =	ssyncset.done $0x0  }
0xe8: {  	[sflag:s10] =	ssyncadd.s32 $0xFFFFFE00  }
0xe9: {  	[tilespmem:s13], [sflag:$0x1] =	stream.indirect.gather [hbm4b:s4+s12], $0x10, s3, s12, $0xb8;
	[tilespmem:$0x1CF00] =	vst v63  }
0xea: {  	s8 =	rddreg [dreg:$0x7]  }
0xeb: {  	[tilespmem:s14], [sflag:$0x1] =	stream.indirect.gather [hbm4b:s4+s12], $0x10, s12, s12, $0xb8;
	[tilespmem:$0x1CF00] =	vst v63  }
0xec: {  	s6 =	rddreg [dreg:$0x8]  }
0xed: {  	[tilespmem:s15], [sflag:$0x1] =	stream.indirect.gather [hbm4b:s4+s12], $0x10, s8, s12, $0xb8;
	[tilespmem:$0x1CF00] =	vst v63  }
0xee: {  	s9 =	rddreg [dreg:$0x4]  }
0xef: {  	[tilespmem:s16], [sflag:$0x1] =	stream.indirect.gather [hbm4b:s4+s12], $0x10, s6, s12, $0xb8;
	[tilespmem:$0x1CF00] =	vst v63  }
0xf0: {  	s1 =	sadd.s32 s5, s9  }
0xf1: {  	[tilespmem:s17], [sflag:$0x5] =	stream.linear.gather [hbm4b:s1+s3], $0x200, $0x38;
	[tilespmem:$0x1CF00] =	vst v63  }
0xf2: {  	_ =	swait.ge [sflag:s10], $0x200  }
0xf3: {  	s7 =	rddreg [dreg:$0x3];
	[sflag:s10] =	ssyncset.done $0x0  }
0xf4: {  	[sflag:s10] =	ssyncadd.s32 $0xFFFFFE00;
	s1 =	sadd.s32 s5, s7  }
0xf5: {  	[tilespmem:s18], [sflag:$0x5] =	stream.linear.gather [hbm4b:s1+s3], $0x200, $0x38;
	[tilespmem:$0x1CF00] =	vst v63  }
0xf6: {  	_ =	swait.ge [sflag:s10], $0x200  }
0xf7: {  	[sflag:s10] =	ssyncset.done $0x0  }
0xf8: {  	[sflag:s10] =	ssyncadd.s32 $0xFFFFFE00  }
0xf9: {  	[tilespmem:s19], [sflag:$0x2] =	stream.indirect.gather [hbm4b:s4+s12], $0x10, s17, s12, $0xb8;
	[tilespmem:$0x1CF00] =	vst v63  }
0xfa: {  	s8 =	rddreg [dreg:$0x9]  }
0xfb: {  	[tilespmem:s20], [sflag:$0x2] =	stream.indirect.gather [hbm4b:s4+s12], $0x10, s8, s12, $0xb8;
	[tilespmem:$0x1CF00] =	vst v63  }
0xfc: {  	s9 =	rddreg [dreg:$0xa]  }
0xfd: {  	[tilespmem:s21], [sflag:$0x2] =	stream.indirect.gather [hbm4b:s4+s12], $0x10, s9, s12, $0xb8;
	[tilespmem:$0x1CF00] =	vst v63  }
0xfe: {  	s6 =	rddreg [dreg:$0xb]  }
0xff: {  	[tilespmem:s22], [sflag:$0x2] =	stream.indirect.gather [hbm4b:s4+s12], $0x10, s6, s12, $0xb8;
	[tilespmem:$0x1CF00] =	vst v63  }
0x100: {  	_ =	swait.ge [sflag:s23], $0x800  }
0x101: {  	[sflag:s23] =	ssyncset.done $0x0  }
0x102: {  	[sflag:s23] =	ssyncadd.s32 $0xFFFFF800  }
0x103: {  	_ =	swait.ge [sflag:s23], $0x800  }
0x104: {  	[sflag:s23] =	ssyncset.done $0x0  }
0x105: {  	[sflag:s23] =	ssyncadd.s32 $0xFFFFF800  }
0x106: {  	_ =	swait.ge [sflag:s23], $0x800  }
0x107: {  	[sflag:s23] =	ssyncset.done $0x0  }
0x108: {  	[sflag:s23] =	ssyncadd.s32 $0xFFFFF800  }
0x109: {  	_ =	swait.ge [sflag:s23], $0x800  }
0x10a: {  	[sflag:s23] =	ssyncset.done $0x0  }
0x10b: {  	[sflag:s23] =	ssyncadd.s32 $0xFFFFF800  }
0x10c: {  	[spmem:s2] =	stream.indirect.scatter.add.f32 [tilespmem:s13], [sflag:$0x3], $0x10, s11, s12, $0xb8;
	[tilespmem:$0x1CF00] =	vst v63  }
0x10d: {  	s7 =	rddreg [dreg:$0xc]  }
0x10e: {  	[spmem:s2] =	stream.indirect.scatter.add.f32 [tilespmem:s14], [sflag:$0x3], $0x10, s7, s12, $0xb8;
	[tilespmem:$0x1CF00] =	vst v63  }
0x10f: {  	_ = 	snop  }
0x110: {  	[spmem:s2] =	stream.indirect.scatter.add.f32 [tilespmem:s15], [sflag:$0x3], $0x10, s24, s12, $0xb8;
	[tilespmem:$0x1CF00] =	vst v63  }
0x111: {  	_ = 	snop  }
0x112: {  	[spmem:s2] =	stream.indirect.scatter.add.f32 [tilespmem:s16], [sflag:$0x3], $0x10, s25, s12, $0xb8;
	[tilespmem:$0x1CF00] =	vst v63  }
0x113: {  	_ =	swait.ge [sflag:s26], $0x800  }
0x114: {  	[sflag:s26] =	ssyncset.done $0x0  }
0x115: {  	[sflag:s26] =	ssyncadd.s32 $0xFFFFF800  }
0x116: {  	_ =	swait.ge [sflag:s26], $0x800  }
0x117: {  	[sflag:s26] =	ssyncset.done $0x0  }
0x118: {  	[sflag:s26] =	ssyncadd.s32 $0xFFFFF800  }
0x119: {  	_ =	swait.ge [sflag:s26], $0x800  }
0x11a: {  	[sflag:s26] =	ssyncset.done $0x0  }
0x11b: {  	[sflag:s26] =	ssyncadd.s32 $0xFFFFF800  }
0x11c: {  	_ =	swait.ge [sflag:s26], $0x800  }
0x11d: {  	[sflag:s26] =	ssyncset.done $0x0  }
0x11e: {  	[sflag:s26] =	ssyncadd.s32 $0xFFFFF800  }
0x11f: {  	[spmem:s2] =	stream.indirect.scatter.add.f32 [tilespmem:s19], [sflag:$0x4], $0x10, s18, s12, $0xb8;
	[tilespmem:$0x1CF00] =	vst v63  }
0x120: {  	_ = 	snop  }
0x121: {  	[spmem:s2] =	stream.indirect.scatter.add.f32 [tilespmem:s20], [sflag:$0x4], $0x10, s28, s12, $0xb8;
	[tilespmem:$0x1CF00] =	vst v63  }
0x122: {  	_ = 	snop  }
0x123: {  	[spmem:s2] =	stream.indirect.scatter.add.f32 [tilespmem:s21], [sflag:$0x4], $0x10, s29, s12, $0xb8;
	[tilespmem:$0x1CF00] =	vst v63  }
0x124: {  	_ = 	snop  }
0x125: {  	[spmem:s2] =	stream.indirect.scatter.add.f32 [tilespmem:s22], [sflag:$0x4], $0x10, s30, s12, $0xb8;
	[tilespmem:$0x1CF00] =	vst v63  }
0x126: {  	_ =	swait.ge [sflag:s31], $0x800  }
0x127: {  	[sflag:s31] =	ssyncset.done $0x0  }
0x128: {  	[sflag:s31] =	ssyncadd.s32 $0xFFFFF800  }
0x129: {  	_ =	swait.ge [sflag:s31], $0x800  }
0x12a: {  	[sflag:s31] =	ssyncset.done $0x0  }
0x12b: {  	[sflag:s31] =	ssyncadd.s32 $0xFFFFF800  }
0x12c: {  	_ =	swait.ge [sflag:s31], $0x800  }
0x12d: {  	[sflag:s31] =	ssyncset.done $0x0  }
0x12e: {  	[sflag:s31] =	ssyncadd.s32 $0xFFFFF800  }
0x12f: {  	_ =	swait.ge [sflag:s31], $0x800  }
0x130: {  	[sflag:s31] =	ssyncset.done $0x0  }
0x131: {  	[sflag:s31] =	ssyncadd.s32 $0xFFFFF800  }
0x132: {  	_ =	swait.ge [sflag:s0], $0x800  }
0x133: {  	[sflag:s0] =	ssyncset.done $0x0  }
0x134: {  	[sflag:s0] =	ssyncadd.s32 $0xFFFFF800  }
0x135: {  	_ =	swait.ge [sflag:s0], $0x800  }
0x136: {  	[sflag:s0] =	ssyncset.done $0x0  }
0x137: {  	[sflag:s0] =	ssyncadd.s32 $0xFFFFF800  }
0x138: {  	_ =	swait.ge [sflag:s0], $0x800  }
0x139: {  	[sflag:s0] =	ssyncset.done $0x0  }
0x13a: {  	[sflag:s0] =	ssyncadd.s32 $0xFFFFF800  }
0x13b: {  	_ =	swait.ge [sflag:s0], $0x800  }
0x13c: {  	[sflag:s0] =	ssyncset.done $0x0  }
0x13d: {  	[sflag:s0] =	ssyncadd.s32 $0xFFFFF800  }
0x13e: {  	[bflag:$0x0] =	sbarrier.arrive $0xFFFF  }
0x13f: {  	s6 =	rddreg [dreg:$0xe]  }
0x140: {  	s8 =	rddreg [dreg:$0xf]  }
0x141: {  	s5 =	rddreg [dreg:$0x11]  }
0x142: {  	[hbm:s8], [sflag:s6] =	dma.local [spmem:s5], $0x30E0  }
0x143: {  	_ =	swait.ge [sflag:s10], $0x30E0  }
0x144: {  	s7 =	rddreg [dreg:$0x12]  }
0x145: {  	s9 =	rddreg [dreg:$0x10];
	s7 =	sadd.s32 $0x1, s7  }
0x146: {  	p0 =	sne.s32 s7, s9  }
.Ltmp1:
0x147: {  	_ = 	snop;
	(pc) =	sbr.rel @p0 .LBB2_1-.Ltmp1, $3  }
0x148: {  	_ =	sdelay $0x1  }
0x149: {  	[sflag:s10] =	ssyncset.done $0x0  }
0x14a: {  	[sflag:s10] =	ssyncadd.s32 $0xFFFFCF20  }
0x14b: {  	_ =	sfence.sel $0x180000  }
0x14c: {  	[bflag:$0x0] =	sbarrier.arrive $0xFFFF  }
0x14d: {  	_ =	strace $0x9000004D  }
0x14e: {  	s0 =	stileid.u32;
	[bflag:$0x2] =	sbarrier.arrive $0xFFFF  }
0x14f: {  	p0 =	sne.s32 s0, $0x0;
	s0 =	rddreg [dreg:$0x2]  }
0x150: {  	s0 =	sadd.s32 @!p0 $0x100000, s0  }
0x151: {  	[sflag:s0] =	ssyncadd.tile.s32 @!p0 $0x1;
	_ =	shalt  }
.Lfunc_end2:
_tile_overlayer_lowered:
.L_overlay_start_2:
0x152: {  	(tag) =	ssettag $0x2  }
0x153: {  	s0 =	rddreg [dreg:$0x0];
	s2 =	stileid.u32  }
0x154: {  	s1 =	rddreg [dreg:$0x1];
	p0 =	sne.s32 s2, $0x0  }
0x155: {  	s3 =	rddreg [dreg:$0x2];
	[bflag:$0x3] =	sbarrier.arrive $0xFFFF;
	s2 =	simm.s32 @!p0 $0x1C05  }
0x156: {  	[timem:s3], [sflag:s2] =	dma.local @!p0 [hbm:s0], s1  }
0x157: {  	s0 =	simm.s32 @!p0 $0x5  }
0x158: {  	_ =	swait.ge @!p0 [sflag:s0], s1  }
0x159: {  	s1 =	ssub.s32 @!p0 $0x0, s1;
	[sflag:s0] =	ssyncset.done @!p0 $0x0  }
0x15a: {  	[sflag:s0] =	ssyncadd.s32 @!p0 s1  }
0x15b: {  	[bflag:$0x3] =	sbarrier.arrive $0xFFFF  }
0x15c: {  	_ =	shalt  }

// kernel: kernel.19.cloned.1.call-start
scs
__scs_entry_jumppad:
0x0: {  	(pc) =	sbr.rel $0x88, $3  }
0x1: {  	(tag) =	ssettag $0x0;
	lr =	simm.s32 $0x1  }
0x2: {  	[smem:$0x3F99] =	sst lr;
	_ =	strace $0xD0000000  }
0x3: {  	_ = 	snop  }
0x4: {  	_ = 	snop  }
0x5: {  	_ = 	snop  }
0x6: {  	_ = 	snop  }
0x7: {  	_ = 	snop  }
__scs_overlays_trampoline_lowered:
0x8: {  	[smem:$0x3FA8] =	sst s0  }
0x9: {  	[smem:$0x3FA9] =	sst s1  }
0xa: {  	[smem:$0x3FAA] =	sst s2  }
0xb: {  	[smem:$0x3FAB] =	sst s3  }
0xc: {  	[smem:$0x3FAC] =	sst s4  }
0xd: {  	[smem:$0x3FAD] =	sst s5  }
0xe: {  	[smem:$0x3FAE] =	sst s6  }
0xf: {  	[smem:$0x3FAF] =	sst s7  }
0x10: {  	[smem:$0x3FB0] =	sst s8  }
0x11: {  	[smem:$0x3FB1] =	sst s9;
	s0 =	simm.s32 @!p0 $0x0  }
0x12: {  	s1 =	sld [smem:$0x3F97];
	s0 =	simm.s32 @p0 $0x1  }
0x13: {  	[smem:$0x3FB2] =	sst s0;
	s0 =	simm.s32 @!p1 $0x0  }
0x14: {  	s2 =	sld [smem:$0x3F96];
	s0 =	simm.s32 @p1 $0x1  }
0x15: {  	[smem:$0x3FB3] =	sst s0;
	s0 =	simm.s32 @!p2 $0x0  }
0x16: {  	s3 =	sld [smem:$0x3FDB];
	s0 =	simm.s32 @p2 $0x1  }
0x17: {  	s4 =	simm.s32 $0x1BF5;
	[smem:$0x3FB5] =	sst s0  }
0x18: {  	s0 =	sld [smem:$0x3F98];
	_ =	swait.ge [sflag:s4], $0x0  }
0x19: {  	s7 =	sld [smem:$0x3F99]  }
0x1a: {  	s8 =	sadd.s32 $0xFFFFE003, lr  }
0x1b: {  	s9 =	sadd.s32 $0xFFFFFEF7, lr;
	s5 =	simm.s32 $0xFFFFFFFF;
	p2 =	slt.u32 s8, $0xFFFFF086  }
0x1c: {  	p1 =	slt.u32 s9, $0xF7A;
	s5 =	simm.s32 @!p2 $0x0  }
0x1d: {  	s5 =	simm.s32 @p1 $0x1;
	p0 =	seq.s32 s7, s2  }
0x1e: {  	s7 =	smul.u32 @!p0 $0xF7A, s2;
	p2 =	seq.s32 @!p0 s5, $0x0  }
0x1f: {  	s9 =	smul.u32 $0xF7A, s1;
	s8 =	simm.s32 @!p0 $0x1BF5;
	p2 =	por !p2, p0  }
0x20: {  	[sflag:s8] =	ssyncset.s32 @!p0 $0xFFFFF086;
	s6 =	sadd.s32 @!p0 s3, s7;
	s7 =	simm.s32 @!p0 $0x108  }
0x21: {  	s3 =	sadd.s32 s3, s9;
	s6 =	sadd.s32 @!p0 $0x88, s6;
	s7 =	simm.s32 @p2 $0x1082  }
0x22: {  	[simem:s7], [sflag:s8] =	dma.local @!p0 [hbm:s6], $0xF7A  }
0x23: {  	s9 =	sor.u32 $0xD0000000, s2;
	s6 =	simm.s32 $0x108;
	_ =	swait.ge @!p0 [sflag:s8], $0x0  }
0x24: {  	s3 =	sadd.s32 $0x88, s3;
	s6 =	simm.s32 @!p1 $0x1082;
	[sflag:s4] =	ssyncset.s32 $0xFFFFF086  }
0x25: {  	[simem:s6], [sflag:s4] =	dma.local [hbm:s3], $0xF7A  }
0x26: {  	[smem:$0x3F99] =	sst s1;
	(tag) =	ssettag s2;
	_ =	strace s9  }
0x27: {  	s1 =	sld [smem:$0x3FA9]  }
0x28: {  	s2 =	sld [smem:$0x3FAA]  }
0x29: {  	s4 =	sld [smem:$0x3FAC]  }
0x2a: {  	p0 =	seq.s32 s5, $0x0;
	s5 =	sld [smem:$0x3FAD]  }
0x2b: {  	s6 =	sld [smem:$0x3FAE]  }
0x2c: {  	s7 =	sld [smem:$0x3FAF]  }
0x2d: {  	s3 =	simm.s32 $0x108;
	s8 =	sld [smem:$0x3FB0]  }
0x2e: {  	s3 =	simm.s32 @!p0 $0x1082;
	s9 =	sld [smem:$0x3FB1]  }
0x2f: {  	lr =	sadd.s32 s0, s3;
	s0 =	sld [smem:$0x3FA8]  }
0x30: {  	s3 =	sld [smem:$0x3FAB]  }
0x31: {  	[smem:$0x3FB4] =	sst s10  }
0x32: {  	s10 =	sld [smem:$0x3FB2];
	_ =	sdelay $0x3  }
0x33: {  	p0 =	seq.s32 s10, $0x1;
	s10 =	sld [smem:$0x3FB4];
	_ =	sdelay $0x3  }
0x34: {  	[smem:$0x3FB4] =	sst s10  }
0x35: {  	s10 =	sld [smem:$0x3FB3];
	_ =	sdelay $0x3  }
0x36: {  	p1 =	seq.s32 s10, $0x1;
	s10 =	sld [smem:$0x3FB4];
	_ =	sdelay $0x3  }
0x37: {  	[smem:$0x3FB4] =	sst s10  }
0x38: {  	s10 =	sld [smem:$0x3FB5]  }
0x39: {  	_ = 	snop;
	(pc) =	sbr.ind lr, $3  }
0x3a: {  	_ = 	snop  }
0x3b: {  	_ = 	snop  }
0x3c: {  	p2 =	seq.s32 s10, $0x1;
	s10 =	sld [smem:$0x3FB4]  }
0x3d: {  	_ =	shalt  }
0x3e: {  	_ =	shalt  }
0x3f: {  	_ =	shalt  }
0x40: {  	_ =	shalt  }
0x41: {  	_ =	shalt  }
0x42: {  	_ =	shalt  }
0x43: {  	_ =	shalt  }
0x44: {  	_ =	shalt  }
0x45: {  	_ =	shalt  }
0x46: {  	_ =	shalt  }
0x47: {  	_ =	shalt  }
0x48: {  	_ =	shalt  }
0x49: {  	_ =	shalt  }
0x4a: {  	_ =	shalt  }
0x4b: {  	_ =	shalt  }
0x4c: {  	_ =	shalt  }
0x4d: {  	_ =	shalt  }
0x4e: {  	_ =	shalt  }
0x4f: {  	_ =	shalt  }
0x50: {  	_ =	shalt  }
0x51: {  	_ =	shalt  }
0x52: {  	_ =	shalt  }
0x53: {  	_ =	shalt  }
0x54: {  	_ =	shalt  }
0x55: {  	_ =	shalt  }
0x56: {  	_ =	shalt  }
0x57: {  	_ =	shalt  }
0x58: {  	_ =	shalt  }
0x59: {  	_ =	shalt  }
0x5a: {  	_ =	shalt  }
0x5b: {  	_ =	shalt  }
0x5c: {  	_ =	shalt  }
0x5d: {  	_ =	shalt  }
0x5e: {  	_ =	shalt  }
0x5f: {  	_ =	shalt  }
0x60: {  	_ =	shalt  }
0x61: {  	_ =	shalt  }
0x62: {  	_ =	shalt  }
0x63: {  	_ =	shalt  }
0x64: {  	_ =	shalt  }
0x65: {  	_ =	shalt  }
0x66: {  	_ =	shalt  }
0x67: {  	_ =	shalt  }
0x68: {  	_ =	shalt  }
0x69: {  	_ =	shalt  }
0x6a: {  	_ =	shalt  }
0x6b: {  	_ =	shalt  }
0x6c: {  	_ =	shalt  }
0x6d: {  	_ =	shalt  }
0x6e: {  	_ =	shalt  }
0x6f: {  	_ =	shalt  }
0x70: {  	_ =	shalt  }
0x71: {  	_ =	shalt  }
0x72: {  	_ =	shalt  }
0x73: {  	_ =	shalt  }
0x74: {  	_ =	shalt  }
0x75: {  	_ =	shalt  }
0x76: {  	_ =	shalt  }
0x77: {  	_ =	shalt  }
0x78: {  	_ =	shalt  }
0x79: {  	_ =	shalt  }
0x7a: {  	_ =	shalt  }
0x7b: {  	_ =	shalt  }
0x7c: {  	_ =	shalt  }
0x7d: {  	_ =	shalt  }
0x7e: {  	_ =	shalt  }
0x7f: {  	_ =	shalt  }
0x80: {  	_ =	shalt  }
0x81: {  	_ =	shalt  }
0x82: {  	_ =	shalt  }
0x83: {  	_ =	shalt  }
0x84: {  	_ =	shalt  }
0x85: {  	_ =	shalt  }
0x86: {  	_ =	shalt  }
0x87: {  	_ =	shalt  }
.Lfunc_end0:
.L_simem_size_0:
called_computation.3_lowered:
.L_overlay_start_0:
0x88: {  	s2 =	sld [smem:$0x3FD9]  }
0x89: {  	s3 =	sld [smem:$0x3FFE];
	_ =	sdelay $0x1  }
0x8a: {  	s1 =	srdreg.scid  }
0x8b: {  	s0 =	sand.u32 $0x1, s1  }
0x8c: {  	s16 =	sshll.u32 s0, $0xA;
	s2 =	sadd.s32 s3, s2  }
0x8d: {  	s2 =	sadd.s32 s2, s16  }
0x8e: {  	[smem:$0x3FC0] =	sst s2  }
0x8f: {  	_ = 	snop  }
0x90: {  	(tm) =	ssettm $0x1  }
0x91: {  	s17 =	sld [smem:$0x3FFB];
	_ =	sdelay $0x3  }
0x92: {  	_ =	strace s17  }
0x93: {  	s2 =	sld [smem:$0x3FFC];
	_ =	sdelay $0x3  }
0x94: {  	_ =	strace s2  }
0x95: {  	s2 =	sld [smem:$0x3FFD];
	_ =	sdelay $0x3  }
0x96: {  	_ =	strace s2  }
0x97: {  	_ =	strace $0x8FFFFFFF  }
0x98: {  	s18 =	sld [smem:$0x3FDB];
	_ =	sdelay $0x1  }
0x99: {  	s19 =	simm.s32 $_scs_section_size  }
0x9a: {  	s4 =	simm.s32 $_size__tile_overlayer_lowered;
	s5 =	simm.s32 $_tile_overlayer_lowered  }
0x9b: {  	s22 =	simm.s32 $0x1BFF;
	s21 =	sshll.u32 s5, $0x1;
	s2 =	sadd.s32 s19, s18  }
0x9c: {  	s6 =	simm.s32 $0x0;
	s20 =	sshll.u32 s4, $0x1;
	s4 =	sadd.s32 s21, s2  }
0x9d: {  	[timem:s6], [sflag:s22] =	dma.local [hbm:s4], s20  }
0x9e: {  	_ =	swait.ge [sflag:s22], s20  }
0x9f: {  	s3 =	ssub.s32 $0x0, s20;
	[sflag:s22] =	ssyncset.done $0x0  }
0xa0: {  	[sflag:s22] =	ssyncadd.s32 s3;
	_ =	sdelay $0x1  }
0xa1: {  	s23 =	simm.s32 $0x1B8B  }
0xa2: {  	_ =	swait.ge [sflag:s23], $0x1  }
0xa3: {  	[sflag:s23] =	ssyncset.done $0x0  }
0xa4: {  	s25 =	simm.s32 $0x1B8E;
	s24 =	sld [smem:$0x3FFE];
	[sflag:s23] =	ssyncadd.s32 $0xFFFFFFFF  }
0xa5: {  	s26 =	simm.s32 $execute0_lowered;
	[smem:$0x3FD2] =	sst s25  }
0xa6: {  	s4 =	sshll.u32 s26, $0x1;
	_ =	strace $0x8000004F;
	[dreg:$0x1] =	wrdreg $0xFFFFFFFF  }
0xa7: {  	s28 =	simm.s32 $_size_execute0_lowered;
	s2 =	sadd.s32 s2, s4;
	[dreg:$0x0] =	wrdreg $0x0  }
0xa8: {  	s4 =	sshll.u32 s28, $0x1;
	[dreg:$0x2] =	wrdreg s2  }
0xa9: {  	[dreg:$0x3] =	wrdreg s4  }
0xaa: {  	[dreg:$0x4] =	wrdreg $0xC0  }
0xab: {  	_ =	task [dreg:s6], $0x5FFFF  }
0xac: {  	[dreg:$0x1] =	wrdreg $0xFFFFFFFF  }
0xad: {  	[dreg:$0x0] =	wrdreg $0x60  }
0xae: {  	[dreg:$0x2] =	wrdreg s24  }
0xaf: {  	[dreg:$0x3] =	wrdreg $0x28000  }
0xb0: {  	[dreg:$0x4] =	wrdreg $0x9  }
0xb1: {  	_ =	task.clear_ibuf [dreg:s6], $0x5FFFF;
	_ =	strace $0x9000004F  }
0xb2: {  	s29 =	simm.s32 $0x9;
	_ =	strace $0x80000051  }
0xb3: {  	_ =	swait.ge [sflag:s29], $0x1  }
0xb4: {  	[sflag:s29] =	ssyncadd.s32 $0xFFFFFFFF  }
0xb5: {  	_ =	strace $0x90000051  }
0xb6: {  	_ =	sfence  }
0xb7: {  	s30 =	sld [smem:$0x0];
	_ =	sdelay $0x2  }
0xb8: {  	s31 =	sshll.u32 s1, $0xD;
	s1 =	sshrl.u32 s1, $0x2  }
0xb9: {  	s3 =	sand.u32 $0x4000, s31;
	s1 =	sadd.s32 s1, s30  }
0xba: {  	s0 =	sor.u32 s3, s0;
	s1 =	sshll.u32 s1, $0x11  }
0xbb: {  	s0 =	sor.u32 s1, s0  }
0xbc: {  	s0 =	sadd.s32 $0x8F2B, s0  }
0xbd: {  	[sflag:s0] =	ssyncadd.remote.s32 $0x1  }
0xbe: {  	_ =	sfence.sel $0xFFFF  }
0xbf: {  	[dreg:$0x0] =	wrdreg $0xFFFFFFFF;
	(pc) =	sbr.abs _section_cstart, $3  }
0xc0: {  	[dreg:$0x1] =	wrdreg $0xFFFFFFFF  }
0xc1: {  	_ =	task.clear_ibuf [dreg:s6], $0x2FFFF;
	_ =	strace $0x9FFFFFFF  }
0xc2: {  	(tm) =	ssettm $0x7FFFFFFF  }
0xc3: {  	_ =	shalt  }
tec
execute0_lowered:
.L_overlay_start_1:
0x0: {  	(tag) =	ssettag $0x1  }
0x1: {  	s0 =	rddreg [dreg:$0x0]  }
0x2: {  	s2 =	rddreg [dreg:$0x1]  }
0x3: {  	s13 =	stileid.u32;
	s1 =	srdreg.scid  }
0x4: {  	s3 =	simm.s32 $0x0;
	s21 =	simm.s32 $0x100;
	s14 =	simm.s32 $0xC00  }
0x5: {  	s22 =	simm.s32 $0x180;
	s23 =	simm.s32 $0x280;
	s24 =	simm.s32 $0x300  }
0x6: {  	s25 =	simm.s32 $0x380;
	s26 =	simm.s32 $0x480;
	s28 =	simm.s32 $0x680  }
0x7: {  	s29 =	simm.s32 $0x700;
	s30 =	simm.s32 $0x780;
	s31 =	simm.s32 $0x3  }
0x8: {  	s5 =	smul.u32 $0xC380, s13;
	s1 =	sand.u32 $0x1, s1;
	[smem:$0x7FF] =	sst s3  }
0x9: {  	s4 =	sadd.s32 $0x64C00, s0;
	s9 =	smul.u32 $0x18800, s13;
	s10 =	sadd.s32 $0xAE200, s0  }
0xa: {  	s11 =	sadd.s32 $0x2C00, s0;
	_ =	strace $0x80000050;
	[dreg:$0x7] =	wrdreg s21  }
0xb: {  	s18 =	sshll.u32 s13, $0x6;
	s6 =	smul.u32 $0xC3800, s1;
	[dreg:$0x8] =	wrdreg s22  }
0xc: {  	s13 =	simm.s32 $0x800;
	s7 =	smul.u32 $0x188000, s1;
	[dreg:$0x9] =	wrdreg s23  }
0xd: {  	s1 =	ssub.s32 $0x2, s1;
	[dreg:$0xa] =	wrdreg s24;
	s21 =	simm.s32 $0x2000  }
0xe: {  	[dreg:$0xb] =	wrdreg s25;
	s22 =	simm.s32 $0x2400;
	s23 =	simm.s32 $0x1  }
0xf: {  	[dreg:$0xc] =	wrdreg s26;
	s24 =	simm.s32 $0x500;
	s25 =	simm.s32 $0x580  }
0x10: {  	s26 =	simm.s32 $0x2;
	s8 =	sshrl.u32 s5, $0x3;
	s15 =	sshrl.u32 s1, $0x1  }
0x11: {  	s8 =	sadd.s32 s8, s0;
	s6 =	sadd.s32 s5, s6;
	s7 =	sadd.s32 s9, s7  }
0x12: {  	s1 =	ssub.s32 s1, s15;
	s5 =	sadd.s32 s5, s2;
	s15 =	simm.s32 $0x1000  }
0x13: {  	s6 =	sshrl.u32 s6, $0x3;
	s12 =	sor.u32 $0x200, s7;
	s8 =	sadd.s32 $0x189C00, s8  }
0x14: {  	s7 =	sshrl.u32 s7, $0x3;
	s20 =	smax.u32 s1, $0x1;
	s5 =	sshrl.u32 s5, $0x3  }
0x15: {  	s0 =	sadd.s32 s6, s0;
	s16 =	sshrl.u32 s12, $0x3;
	[dreg:$0xd] =	wrdreg s8  }
0x16: {  	s19 =	sadd.s32 s7, s11;
	s7 =	sadd.s32 s7, s10;
	[dreg:$0x10] =	wrdreg s20  }
0x17: {  	s12 =	simm.s32 $0x80;
	s20 =	simm.s32 $0x1C00;
	[dreg:$0x11] =	wrdreg s5  }
0x18: {  	s17 =	sadd.s32 s16, s11;
	s6 =	sadd.s32 s16, s10;
	[dreg:$0x5] =	wrdreg s19  }
0x19: {  	s0 =	sadd.s32 $0x110200, s0;
	[dreg:$0x6] =	wrdreg s7;
	s10 =	simm.s32 $0x5  }
0x1a: {  	s11 =	simm.s32 $0x400;
	s16 =	simm.s32 $0x1400;
	[dreg:$0x3] =	wrdreg s17  }
0x1b: {  	s19 =	simm.s32 $0x1800;
	s7 =	simm.s32 $0x0;
	[dreg:$0x4] =	wrdreg s6  }
0x1c: {  	s6 =	sor.u32 $0x1C05, s18;
	[dreg:$0xf] =	wrdreg s0;
	s17 =	simm.s32 $0x200  }
0x1d: {  	s18 =	simm.s32 $0x600;
	s0 =	simm.s32 $0x4;
	[dreg:$0xe] =	wrdreg s6  }
.LBB2_1:
0x1e: {  	[dreg:$0x12] =	wrdreg s7  }
0x1f: {  	s1 =	rddreg [dreg:$0xd]  }
0x20: {  	[spmem:s5], [sflag:s6] =	dma.local [hbm:s1], $0x1870  }
0x21: {  	_ =	swait.ge [sflag:s10], $0x1870  }
0x22: {  	[sflag:s10] =	ssyncset.done $0x0  }
0x23: {  	[sflag:s10] =	ssyncadd.s32 $0xFFFFE790  }
0x24: {  	[bflag:$0x0] =	sbarrier.arrive $0xFFFF  }
0x25: {  	s8 =	rddreg [dreg:$0x6]  }
0x26: {  	s5 =	sadd.s32 $0x0, s8  }
0x27: {  	[tilespmem:s3], [sflag:$0x5] =	stream.linear.gather [hbm4b:s5+s3], $0x200, $0x38;
	[tilespmem:$0x4070] =	vst v63  }
0x28: {  	_ =	swait.ge [sflag:s10], $0x200  }
0x29: {  	s9 =	rddreg [dreg:$0x5];
	[sflag:s10] =	ssyncset.done $0x0  }
0x2a: {  	[sflag:s10] =	ssyncadd.s32 $0xFFFFFE00;
	s5 =	sadd.s32 $0x0, s9  }
0x2b: {  	[tilespmem:s11], [sflag:$0x5] =	stream.linear.gather [hbm4b:s5+s3], $0x200, $0x38;
	[tilespmem:$0x4070] =	vst v63  }
0x2c: {  	_ =	swait.ge [sflag:s10], $0x200  }
0x2d: {  	[sflag:s10] =	ssyncset.done $0x0  }
0x2e: {  	[sflag:s10] =	ssyncadd.s32 $0xFFFFFE00  }
0x2f: {  	[tilespmem:s13], [sflag:$0x1] =	stream.indirect.gather [hbm4b:s4+s12], $0x1, s3, s12, $0xb8;
	[tilespmem:$0x4070] =	vst v63  }
0x30: {  	s1 =	rddreg [dreg:$0x4]  }
0x31: {  	[tilespmem:s14], [sflag:$0x1] =	stream.indirect.gather [hbm4b:s4+s12], $0x1, s12, s12, $0xb8;
	[tilespmem:$0x4070] =	vst v63  }
0x32: {  	s6 =	rddreg [dreg:$0x7]  }
0x33: {  	[tilespmem:s15], [sflag:$0x1] =	stream.indirect.gather [hbm4b:s4+s12], $0x1, s6, s12, $0xb8;
	[tilespmem:$0x4070] =	vst v63  }
0x34: {  	s8 =	rddreg [dreg:$0x8]  }
0x35: {  	[tilespmem:s16], [sflag:$0x1] =	stream.indirect.gather [hbm4b:s4+s12], $0x1, s8, s12, $0xb8;
	[tilespmem:$0x4070] =	vst v63  }
0x36: {  	s5 =	sadd.s32 $0x0, s1  }
0x37: {  	[tilespmem:s17], [sflag:$0x5] =	stream.linear.gather [hbm4b:s5+s3], $0x200, $0x38;
	[tilespmem:$0x4070] =	vst v63  }
0x38: {  	_ =	swait.ge [sflag:s10], $0x200  }
0x39: {  	s9 =	rddreg [dreg:$0x3];
	[sflag:s10] =	ssyncset.done $0x0  }
0x3a: {  	[sflag:s10] =	ssyncadd.s32 $0xFFFFFE00;
	s5 =	sadd.s32 $0x0, s9  }
0x3b: {  	[tilespmem:s18], [sflag:$0x5] =	stream.linear.gather [hbm4b:s5+s3], $0x200, $0x38;
	[tilespmem:$0x4070] =	vst v63  }
0x3c: {  	_ =	swait.ge [sflag:s10], $0x200  }
0x3d: {  	[sflag:s10] =	ssyncset.done $0x0  }
0x3e: {  	[sflag:s10] =	ssyncadd.s32 $0xFFFFFE00  }
0x3f: {  	[tilespmem:s19], [sflag:$0x2] =	stream.indirect.gather [hbm4b:s4+s12], $0x1, s17, s12, $0xb8;
	[tilespmem:$0x4070] =	vst v63  }
0x40: {  	s1 =	rddreg [dreg:$0x9]  }
0x41: {  	[tilespmem:s20], [sflag:$0x2] =	stream.indirect.gather [hbm4b:s4+s12], $0x1, s1, s12, $0xb8;
	[tilespmem:$0x4070] =	vst v63  }
0x42: {  	s6 =	rddreg [dreg:$0xa]  }
0x43: {  	[tilespmem:s21], [sflag:$0x2] =	stream.indirect.gather [hbm4b:s4+s12], $0x1, s6, s12, $0xb8;
	[tilespmem:$0x4070] =	vst v63  }
0x44: {  	s8 =	rddreg [dreg:$0xb]  }
0x45: {  	[tilespmem:s22], [sflag:$0x2] =	stream.indirect.gather [hbm4b:s4+s12], $0x1, s8, s12, $0xb8;
	[tilespmem:$0x4070] =	vst v63  }
0x46: {  	_ =	swait.ge [sflag:s23], $0x80  }
0x47: {  	[sflag:s23] =	ssyncset.done $0x0  }
0x48: {  	[sflag:s23] =	ssyncadd.s32 $0xFFFFFF80  }
0x49: {  	_ =	swait.ge [sflag:s23], $0x80  }
0x4a: {  	[sflag:s23] =	ssyncset.done $0x0  }
0x4b: {  	[sflag:s23] =	ssyncadd.s32 $0xFFFFFF80  }
0x4c: {  	_ =	swait.ge [sflag:s23], $0x80  }
0x4d: {  	[sflag:s23] =	ssyncset.done $0x0  }
0x4e: {  	[sflag:s23] =	ssyncadd.s32 $0xFFFFFF80  }
0x4f: {  	_ =	swait.ge [sflag:s23], $0x80  }
0x50: {  	[sflag:s23] =	ssyncset.done $0x0  }
0x51: {  	[sflag:s23] =	ssyncadd.s32 $0xFFFFFF80  }
0x52: {  	[spmem:s2] =	stream.indirect.scatter.add.f32 [tilespmem:s13], [sflag:$0x3], $0x1, s11, s12, $0xb8;
	[tilespmem:$0x4070] =	vst v63  }
0x53: {  	s9 =	rddreg [dreg:$0xc]  }
0x54: {  	[spmem:s2] =	stream.indirect.scatter.add.f32 [tilespmem:s14], [sflag:$0x3], $0x1, s9, s12, $0xb8;
	[tilespmem:$0x4070] =	vst v63  }
0x55: {  	_ = 	snop  }
0x56: {  	[spmem:s2] =	stream.indirect.scatter.add.f32 [tilespmem:s15], [sflag:$0x3], $0x1, s24, s12, $0xb8;
	[tilespmem:$0x4070] =	vst v63  }
0x57: {  	_ = 	snop  }
0x58: {  	[spmem:s2] =	stream.indirect.scatter.add.f32 [tilespmem:s16], [sflag:$0x3], $0x1, s25, s12, $0xb8;
	[tilespmem:$0x4070] =	vst v63  }
0x59: {  	_ =	swait.ge [sflag:s26], $0x80  }
0x5a: {  	[sflag:s26] =	ssyncset.done $0x0  }
0x5b: {  	[sflag:s26] =	ssyncadd.s32 $0xFFFFFF80  }
0x5c: {  	_ =	swait.ge [sflag:s26], $0x80  }
0x5d: {  	[sflag:s26] =	ssyncset.done $0x0  }
0x5e: {  	[sflag:s26] =	ssyncadd.s32 $0xFFFFFF80  }
0x5f: {  	_ =	swait.ge [sflag:s26], $0x80  }
0x60: {  	[sflag:s26] =	ssyncset.done $0x0  }
0x61: {  	[sflag:s26] =	ssyncadd.s32 $0xFFFFFF80  }
0x62: {  	_ =	swait.ge [sflag:s26], $0x80  }
0x63: {  	[sflag:s26] =	ssyncset.done $0x0  }
0x64: {  	[sflag:s26] =	ssyncadd.s32 $0xFFFFFF80  }
0x65: {  	[spmem:s2] =	stream.indirect.scatter.add.f32 [tilespmem:s19], [sflag:$0x4], $0x1, s18, s12, $0xb8;
	[tilespmem:$0x4070] =	vst v63  }
0x66: {  	_ = 	snop  }
0x67: {  	[spmem:s2] =	stream.indirect.scatter.add.f32 [tilespmem:s20], [sflag:$0x4], $0x1, s28, s12, $0xb8;
	[tilespmem:$0x4070] =	vst v63  }
0x68: {  	_ = 	snop  }
0x69: {  	[spmem:s2] =	stream.indirect.scatter.add.f32 [tilespmem:s21], [sflag:$0x4], $0x1, s29, s12, $0xb8;
	[tilespmem:$0x4070] =	vst v63  }
0x6a: {  	_ = 	snop  }
0x6b: {  	[spmem:s2] =	stream.indirect.scatter.add.f32 [tilespmem:s22], [sflag:$0x4], $0x1, s30, s12, $0xb8;
	[tilespmem:$0x4070] =	vst v63  }
0x6c: {  	_ =	swait.ge [sflag:s31], $0x80  }
0x6d: {  	[sflag:s31] =	ssyncset.done $0x0  }
0x6e: {  	[sflag:s31] =	ssyncadd.s32 $0xFFFFFF80  }
0x6f: {  	_ =	swait.ge [sflag:s31], $0x80  }
0x70: {  	[sflag:s31] =	ssyncset.done $0x0  }
0x71: {  	[sflag:s31] =	ssyncadd.s32 $0xFFFFFF80  }
0x72: {  	_ =	swait.ge [sflag:s31], $0x80  }
0x73: {  	[sflag:s31] =	ssyncset.done $0x0  }
0x74: {  	[sflag:s31] =	ssyncadd.s32 $0xFFFFFF80  }
0x75: {  	_ =	swait.ge [sflag:s31], $0x80  }
0x76: {  	[sflag:s31] =	ssyncset.done $0x0  }
0x77: {  	[sflag:s31] =	ssyncadd.s32 $0xFFFFFF80  }
0x78: {  	_ =	swait.ge [sflag:s0], $0x80  }
0x79: {  	[sflag:s0] =	ssyncset.done $0x0  }
0x7a: {  	[sflag:s0] =	ssyncadd.s32 $0xFFFFFF80  }
0x7b: {  	_ =	swait.ge [sflag:s0], $0x80  }
0x7c: {  	[sflag:s0] =	ssyncset.done $0x0  }
0x7d: {  	[sflag:s0] =	ssyncadd.s32 $0xFFFFFF80  }
0x7e: {  	_ =	swait.ge [sflag:s0], $0x80  }
0x7f: {  	[sflag:s0] =	ssyncset.done $0x0  }
0x80: {  	[sflag:s0] =	ssyncadd.s32 $0xFFFFFF80  }
0x81: {  	s7 =	simm.s32 $0x100;
	_ =	swait.ge [sflag:s0], $0x80  }
0x82: {  	s5 =	simm.s32 $0x80;
	s8 =	rddreg [dreg:$0x6];
	[sflag:s0] =	ssyncset.done $0x0  }
.LBB2_2:
0x83: {  	[sflag:s0] =	ssyncadd.s32 $0xFFFFFF80;
	s8 =	sadd.s32 s5, s8  }
0x84: {  	[tilespmem:s3], [sflag:$0x5] =	stream.linear.gather [hbm4b:s8+s3], $0x200, $0x38;
	[tilespmem:$0x4070] =	vst v63  }
0x85: {  	_ =	swait.ge [sflag:s10], $0x200  }
0x86: {  	s1 =	rddreg [dreg:$0x5];
	[sflag:s10] =	ssyncset.done $0x0  }
0x87: {  	[sflag:s10] =	ssyncadd.s32 $0xFFFFFE00;
	s8 =	sadd.s32 s5, s1  }
0x88: {  	[tilespmem:s11], [sflag:$0x5] =	stream.linear.gather [hbm4b:s8+s3], $0x200, $0x38;
	[tilespmem:$0x4070] =	vst v63  }
0x89: {  	_ =	swait.ge [sflag:s10], $0x200  }
0x8a: {  	[sflag:s10] =	ssyncset.done $0x0  }
0x8b: {  	[sflag:s10] =	ssyncadd.s32 $0xFFFFFE00  }
0x8c: {  	[tilespmem:s13], [sflag:$0x1] =	stream.indirect.gather [hbm4b:s4+s12], $0x1, s3, s12, $0xb8;
	[tilespmem:$0x4070] =	vst v63  }
0x8d: {  	s8 =	rddreg [dreg:$0x4]  }
0x8e: {  	[tilespmem:s14], [sflag:$0x1] =	stream.indirect.gather [hbm4b:s4+s12], $0x1, s12, s12, $0xb8;
	[tilespmem:$0x4070] =	vst v63  }
0x8f: {  	s9 =	rddreg [dreg:$0x7]  }
0x90: {  	[tilespmem:s15], [sflag:$0x1] =	stream.indirect.gather [hbm4b:s4+s12], $0x1, s9, s12, $0xb8;
	[tilespmem:$0x4070] =	vst v63  }
0x91: {  	s1 =	rddreg [dreg:$0x8]  }
0x92: {  	[tilespmem:s16], [sflag:$0x1] =	stream.indirect.gather [hbm4b:s4+s12], $0x1, s1, s12, $0xb8;
	[tilespmem:$0x4070] =	vst v63  }
0x93: {  	s8 =	sadd.s32 s5, s8  }
0x94: {  	[tilespmem:s17], [sflag:$0x5] =	stream.linear.gather [hbm4b:s8+s3], $0x200, $0x38;
	[tilespmem:$0x4070] =	vst v63  }
0x95: {  	_ =	swait.ge [sflag:s10], $0x200  }
0x96: {  	s9 =	rddreg [dreg:$0x3];
	[sflag:s10] =	ssyncset.done $0x0  }
0x97: {  	[sflag:s10] =	ssyncadd.s32 $0xFFFFFE00;
	s1 =	sadd.s32 s5, s9  }
0x98: {  	[tilespmem:s18], [sflag:$0x5] =	stream.linear.gather [hbm4b:s1+s3], $0x200, $0x38;
	[tilespmem:$0x4070] =	vst v63  }
0x99: {  	_ =	swait.ge [sflag:s10], $0x200  }
0x9a: {  	[sflag:s10] =	ssyncset.done $0x0  }
0x9b: {  	[sflag:s10] =	ssyncadd.s32 $0xFFFFFE00  }
0x9c: {  	[tilespmem:s19], [sflag:$0x2] =	stream.indirect.gather [hbm4b:s4+s12], $0x1, s17, s12, $0xb8;
	[tilespmem:$0x4070] =	vst v63  }
0x9d: {  	s8 =	rddreg [dreg:$0x9]  }
0x9e: {  	[tilespmem:s20], [sflag:$0x2] =	stream.indirect.gather [hbm4b:s4+s12], $0x1, s8, s12, $0xb8;
	[tilespmem:$0x4070] =	vst v63  }
0x9f: {  	s9 =	rddreg [dreg:$0xa]  }
0xa0: {  	[tilespmem:s21], [sflag:$0x2] =	stream.indirect.gather [hbm4b:s4+s12], $0x1, s9, s12, $0xb8;
	[tilespmem:$0x4070] =	vst v63  }
0xa1: {  	s8 =	rddreg [dreg:$0xb]  }
0xa2: {  	[tilespmem:s22], [sflag:$0x2] =	stream.indirect.gather [hbm4b:s4+s12], $0x1, s8, s12, $0xb8;
	[tilespmem:$0x4070] =	vst v63  }
0xa3: {  	_ =	swait.ge [sflag:s23], $0x80  }
0xa4: {  	[sflag:s23] =	ssyncset.done $0x0  }
0xa5: {  	[sflag:s23] =	ssyncadd.s32 $0xFFFFFF80  }
0xa6: {  	_ =	swait.ge [sflag:s23], $0x80  }
0xa7: {  	[sflag:s23] =	ssyncset.done $0x0  }
0xa8: {  	[sflag:s23] =	ssyncadd.s32 $0xFFFFFF80  }
0xa9: {  	_ =	swait.ge [sflag:s23], $0x80  }
0xaa: {  	[sflag:s23] =	ssyncset.done $0x0  }
0xab: {  	[sflag:s23] =	ssyncadd.s32 $0xFFFFFF80  }
0xac: {  	_ =	swait.ge [sflag:s23], $0x80  }
0xad: {  	[sflag:s23] =	ssyncset.done $0x0  }
0xae: {  	[sflag:s23] =	ssyncadd.s32 $0xFFFFFF80  }
0xaf: {  	[spmem:s2] =	stream.indirect.scatter.add.f32 [tilespmem:s13], [sflag:$0x3], $0x1, s11, s12, $0xb8;
	[tilespmem:$0x4070] =	vst v63  }
0xb0: {  	s9 =	rddreg [dreg:$0xc]  }
0xb1: {  	[spmem:s2] =	stream.indirect.scatter.add.f32 [tilespmem:s14], [sflag:$0x3], $0x1, s9, s12, $0xb8;
	[tilespmem:$0x4070] =	vst v63  }
0xb2: {  	_ = 	snop  }
0xb3: {  	[spmem:s2] =	stream.indirect.scatter.add.f32 [tilespmem:s15], [sflag:$0x3], $0x1, s24, s12, $0xb8;
	[tilespmem:$0x4070] =	vst v63  }
0xb4: {  	_ = 	snop  }
0xb5: {  	[spmem:s2] =	stream.indirect.scatter.add.f32 [tilespmem:s16], [sflag:$0x3], $0x1, s25, s12, $0xb8;
	[tilespmem:$0x4070] =	vst v63  }
0xb6: {  	_ =	swait.ge [sflag:s26], $0x80  }
0xb7: {  	[sflag:s26] =	ssyncset.done $0x0  }
0xb8: {  	[sflag:s26] =	ssyncadd.s32 $0xFFFFFF80  }
0xb9: {  	_ =	swait.ge [sflag:s26], $0x80  }
0xba: {  	[sflag:s26] =	ssyncset.done $0x0  }
0xbb: {  	[sflag:s26] =	ssyncadd.s32 $0xFFFFFF80  }
0xbc: {  	_ =	swait.ge [sflag:s26], $0x80  }
0xbd: {  	[sflag:s26] =	ssyncset.done $0x0  }
0xbe: {  	[sflag:s26] =	ssyncadd.s32 $0xFFFFFF80  }
0xbf: {  	_ =	swait.ge [sflag:s26], $0x80  }
0xc0: {  	[sflag:s26] =	ssyncset.done $0x0  }
0xc1: {  	[sflag:s26] =	ssyncadd.s32 $0xFFFFFF80  }
0xc2: {  	[spmem:s2] =	stream.indirect.scatter.add.f32 [tilespmem:s19], [sflag:$0x4], $0x1, s18, s12, $0xb8;
	[tilespmem:$0x4070] =	vst v63  }
0xc3: {  	_ = 	snop  }
0xc4: {  	[spmem:s2] =	stream.indirect.scatter.add.f32 [tilespmem:s20], [sflag:$0x4], $0x1, s28, s12, $0xb8;
	[tilespmem:$0x4070] =	vst v63  }
0xc5: {  	_ = 	snop  }
0xc6: {  	[spmem:s2] =	stream.indirect.scatter.add.f32 [tilespmem:s21], [sflag:$0x4], $0x1, s29, s12, $0xb8;
	[tilespmem:$0x4070] =	vst v63  }
0xc7: {  	_ = 	snop  }
0xc8: {  	[spmem:s2] =	stream.indirect.scatter.add.f32 [tilespmem:s22], [sflag:$0x4], $0x1, s30, s12, $0xb8;
	[tilespmem:$0x4070] =	vst v63  }
0xc9: {  	_ =	swait.ge [sflag:s31], $0x80  }
0xca: {  	[sflag:s31] =	ssyncset.done $0x0  }
0xcb: {  	[sflag:s31] =	ssyncadd.s32 $0xFFFFFF80  }
0xcc: {  	_ =	swait.ge [sflag:s31], $0x80  }
0xcd: {  	[sflag:s31] =	ssyncset.done $0x0  }
0xce: {  	[sflag:s31] =	ssyncadd.s32 $0xFFFFFF80  }
0xcf: {  	_ =	swait.ge [sflag:s31], $0x80  }
0xd0: {  	[sflag:s31] =	ssyncset.done $0x0  }
0xd1: {  	[sflag:s31] =	ssyncadd.s32 $0xFFFFFF80  }
0xd2: {  	_ =	swait.ge [sflag:s31], $0x80  }
0xd3: {  	[sflag:s31] =	ssyncset.done $0x0  }
0xd4: {  	[sflag:s31] =	ssyncadd.s32 $0xFFFFFF80  }
0xd5: {  	_ =	swait.ge [sflag:s0], $0x80  }
0xd6: {  	[sflag:s0] =	ssyncset.done $0x0  }
0xd7: {  	[sflag:s0] =	ssyncadd.s32 $0xFFFFFF80  }
0xd8: {  	_ =	swait.ge [sflag:s0], $0x80  }
0xd9: {  	[sflag:s0] =	ssyncset.done $0x0  }
0xda: {  	p0 =	sne.s32 s7, $0x3080;
	[sflag:s0] =	ssyncadd.s32 $0xFFFFFF80  }
.Ltmp0:
0xdb: {  	_ =	swait.ge [sflag:s0], $0x80;
	(pc) =	sbr.rel @p0 .LBB2_2-.Ltmp0, $4  }
0xdc: {  	[sflag:s0] =	ssyncset.done $0x0  }
0xdd: {  	[sflag:s0] =	ssyncadd.s32 $0xFFFFFF80  }
0xde: {  	s6 =	smov.u32 s7;
	s7 =	sadd.s32 $0x80, s7;
	_ =	swait.ge [sflag:s0], $0x80  }
0xdf: {  	s5 =	smov.u32 s6;
	s8 =	rddreg [dreg:$0x6];
	[sflag:s0] =	ssyncset.done $0x0  }
0xe0: {  	[sflag:s0] =	ssyncadd.s32 $0xFFFFFF80;
	s1 =	sadd.s32 s5, s8  }
0xe1: {  	[tilespmem:s3], [sflag:$0x5] =	stream.linear.gather [hbm4b:s1+s3], $0x200, $0x38;
	[tilespmem:$0x4070] =	vst v63  }
0xe2: {  	_ =	swait.ge [sflag:s10], $0x200  }
0xe3: {  	s7 =	rddreg [dreg:$0x5];
	[sflag:s10] =	ssyncset.done $0x0  }
0xe4: {  	[sflag:s10] =	ssyncadd.s32 $0xFFFFFE00;
	s1 =	sadd.s32 s5, s7  }
0xe5: {  	[tilespmem:s11], [sflag:$0x5] =	stream.linear.gather [hbm4b:s1+s3], $0x200, $0x38;
	[tilespmem:$0x4070] =	vst v63  }
0xe6: {  	_ =	swait.ge [sflag:s10], $0x200  }
0xe7: {  	[sflag:s10] =	ssyncset.done $0x0  }
0xe8: {  	[sflag:s10] =	ssyncadd.s32 $0xFFFFFE00  }
0xe9: {  	[tilespmem:s13], [sflag:$0x1] =	stream.indirect.gather [hbm4b:s4+s12], $0x1, s3, s12, $0xb8;
	[tilespmem:$0x4070] =	vst v63  }
0xea: {  	s8 =	rddreg [dreg:$0x7]  }
0xeb: {  	[tilespmem:s14], [sflag:$0x1] =	stream.indirect.gather [hbm4b:s4+s12], $0x1, s12, s12, $0xb8;
	[tilespmem:$0x4070] =	vst v63  }
0xec: {  	s6 =	rddreg [dreg:$0x8]  }
0xed: {  	[tilespmem:s15], [sflag:$0x1] =	stream.indirect.gather [hbm4b:s4+s12], $0x1, s8, s12, $0xb8;
	[tilespmem:$0x4070] =	vst v63  }
0xee: {  	s9 =	rddreg [dreg:$0x4]  }
0xef: {  	[tilespmem:s16], [sflag:$0x1] =	stream.indirect.gather [hbm4b:s4+s12], $0x1, s6, s12, $0xb8;
	[tilespmem:$0x4070] =	vst v63  }
0xf0: {  	s1 =	sadd.s32 s5, s9  }
0xf1: {  	[tilespmem:s17], [sflag:$0x5] =	stream.linear.gather [hbm4b:s1+s3], $0x200, $0x38;
	[tilespmem:$0x4070] =	vst v63  }
0xf2: {  	_ =	swait.ge [sflag:s10], $0x200  }
0xf3: {  	s7 =	rddreg [dreg:$0x3];
	[sflag:s10] =	ssyncset.done $0x0  }
0xf4: {  	[sflag:s10] =	ssyncadd.s32 $0xFFFFFE00;
	s1 =	sadd.s32 s5, s7  }
0xf5: {  	[tilespmem:s18], [sflag:$0x5] =	stream.linear.gather [hbm4b:s1+s3], $0x200, $0x38;
	[tilespmem:$0x4070] =	vst v63  }
0xf6: {  	_ =	swait.ge [sflag:s10], $0x200  }
0xf7: {  	[sflag:s10] =	ssyncset.done $0x0  }
0xf8: {  	[sflag:s10] =	ssyncadd.s32 $0xFFFFFE00  }
0xf9: {  	[tilespmem:s19], [sflag:$0x2] =	stream.indirect.gather [hbm4b:s4+s12], $0x1, s17, s12, $0xb8;
	[tilespmem:$0x4070] =	vst v63  }
0xfa: {  	s8 =	rddreg [dreg:$0x9]  }
0xfb: {  	[tilespmem:s20], [sflag:$0x2] =	stream.indirect.gather [hbm4b:s4+s12], $0x1, s8, s12, $0xb8;
	[tilespmem:$0x4070] =	vst v63  }
0xfc: {  	s9 =	rddreg [dreg:$0xa]  }
0xfd: {  	[tilespmem:s21], [sflag:$0x2] =	stream.indirect.gather [hbm4b:s4+s12], $0x1, s9, s12, $0xb8;
	[tilespmem:$0x4070] =	vst v63  }
0xfe: {  	s6 =	rddreg [dreg:$0xb]  }
0xff: {  	[tilespmem:s22], [sflag:$0x2] =	stream.indirect.gather [hbm4b:s4+s12], $0x1, s6, s12, $0xb8;
	[tilespmem:$0x4070] =	vst v63  }
0x100: {  	_ =	swait.ge [sflag:s23], $0x80  }
0x101: {  	[sflag:s23] =	ssyncset.done $0x0  }
0x102: {  	[sflag:s23] =	ssyncadd.s32 $0xFFFFFF80  }
0x103: {  	_ =	swait.ge [sflag:s23], $0x80  }
0x104: {  	[sflag:s23] =	ssyncset.done $0x0  }
0x105: {  	[sflag:s23] =	ssyncadd.s32 $0xFFFFFF80  }
0x106: {  	_ =	swait.ge [sflag:s23], $0x80  }
0x107: {  	[sflag:s23] =	ssyncset.done $0x0  }
0x108: {  	[sflag:s23] =	ssyncadd.s32 $0xFFFFFF80  }
0x109: {  	_ =	swait.ge [sflag:s23], $0x80  }
0x10a: {  	[sflag:s23] =	ssyncset.done $0x0  }
0x10b: {  	[sflag:s23] =	ssyncadd.s32 $0xFFFFFF80  }
0x10c: {  	[spmem:s2] =	stream.indirect.scatter.add.f32 [tilespmem:s13], [sflag:$0x3], $0x1, s11, s12, $0xb8;
	[tilespmem:$0x4070] =	vst v63  }
0x10d: {  	s7 =	rddreg [dreg:$0xc]  }
0x10e: {  	[spmem:s2] =	stream.indirect.scatter.add.f32 [tilespmem:s14], [sflag:$0x3], $0x1, s7, s12, $0xb8;
	[tilespmem:$0x4070] =	vst v63  }
0x10f: {  	_ = 	snop  }
0x110: {  	[spmem:s2] =	stream.indirect.scatter.add.f32 [tilespmem:s15], [sflag:$0x3], $0x1, s24, s12, $0xb8;
	[tilespmem:$0x4070] =	vst v63  }
0x111: {  	_ = 	snop  }
0x112: {  	[spmem:s2] =	stream.indirect.scatter.add.f32 [tilespmem:s16], [sflag:$0x3], $0x1, s25, s12, $0xb8;
	[tilespmem:$0x4070] =	vst v63  }
0x113: {  	_ =	swait.ge [sflag:s26], $0x80  }
0x114: {  	[sflag:s26] =	ssyncset.done $0x0  }
0x115: {  	[sflag:s26] =	ssyncadd.s32 $0xFFFFFF80  }
0x116: {  	_ =	swait.ge [sflag:s26], $0x80  }
0x117: {  	[sflag:s26] =	ssyncset.done $0x0  }
0x118: {  	[sflag:s26] =	ssyncadd.s32 $0xFFFFFF80  }
0x119: {  	_ =	swait.ge [sflag:s26], $0x80  }
0x11a: {  	[sflag:s26] =	ssyncset.done $0x0  }
0x11b: {  	[sflag:s26] =	ssyncadd.s32 $0xFFFFFF80  }
0x11c: {  	_ =	swait.ge [sflag:s26], $0x80  }
0x11d: {  	[sflag:s26] =	ssyncset.done $0x0  }
0x11e: {  	[sflag:s26] =	ssyncadd.s32 $0xFFFFFF80  }
0x11f: {  	[spmem:s2] =	stream.indirect.scatter.add.f32 [tilespmem:s19], [sflag:$0x4], $0x1, s18, s12, $0xb8;
	[tilespmem:$0x4070] =	vst v63  }
0x120: {  	_ = 	snop  }
0x121: {  	[spmem:s2] =	stream.indirect.scatter.add.f32 [tilespmem:s20], [sflag:$0x4], $0x1, s28, s12, $0xb8;
	[tilespmem:$0x4070] =	vst v63  }
0x122: {  	_ = 	snop  }
0x123: {  	[spmem:s2] =	stream.indirect.scatter.add.f32 [tilespmem:s21], [sflag:$0x4], $0x1, s29, s12, $0xb8;
	[tilespmem:$0x4070] =	vst v63  }
0x124: {  	_ = 	snop  }
0x125: {  	[spmem:s2] =	stream.indirect.scatter.add.f32 [tilespmem:s22], [sflag:$0x4], $0x1, s30, s12, $0xb8;
	[tilespmem:$0x4070] =	vst v63  }
0x126: {  	_ =	swait.ge [sflag:s31], $0x80  }
0x127: {  	[sflag:s31] =	ssyncset.done $0x0  }
0x128: {  	[sflag:s31] =	ssyncadd.s32 $0xFFFFFF80  }
0x129: {  	_ =	swait.ge [sflag:s31], $0x80  }
0x12a: {  	[sflag:s31] =	ssyncset.done $0x0  }
0x12b: {  	[sflag:s31] =	ssyncadd.s32 $0xFFFFFF80  }
0x12c: {  	_ =	swait.ge [sflag:s31], $0x80  }
0x12d: {  	[sflag:s31] =	ssyncset.done $0x0  }
0x12e: {  	[sflag:s31] =	ssyncadd.s32 $0xFFFFFF80  }
0x12f: {  	_ =	swait.ge [sflag:s31], $0x80  }
0x130: {  	[sflag:s31] =	ssyncset.done $0x0  }
0x131: {  	[sflag:s31] =	ssyncadd.s32 $0xFFFFFF80  }
0x132: {  	_ =	swait.ge [sflag:s0], $0x80  }
0x133: {  	[sflag:s0] =	ssyncset.done $0x0  }
0x134: {  	[sflag:s0] =	ssyncadd.s32 $0xFFFFFF80  }
0x135: {  	_ =	swait.ge [sflag:s0], $0x80  }
0x136: {  	[sflag:s0] =	ssyncset.done $0x0  }
0x137: {  	[sflag:s0] =	ssyncadd.s32 $0xFFFFFF80  }
0x138: {  	_ =	swait.ge [sflag:s0], $0x80  }
0x139: {  	[sflag:s0] =	ssyncset.done $0x0  }
0x13a: {  	[sflag:s0] =	ssyncadd.s32 $0xFFFFFF80  }
0x13b: {  	_ =	swait.ge [sflag:s0], $0x80  }
0x13c: {  	[sflag:s0] =	ssyncset.done $0x0  }
0x13d: {  	[sflag:s0] =	ssyncadd.s32 $0xFFFFFF80  }
0x13e: {  	[bflag:$0x0] =	sbarrier.arrive $0xFFFF  }
0x13f: {  	s6 =	rddreg [dreg:$0xe]  }
0x140: {  	s8 =	rddreg [dreg:$0xf]  }
0x141: {  	s5 =	rddreg [dreg:$0x11]  }
0x142: {  	[hbm:s8], [sflag:s6] =	dma.local [spmem:s5], $0x1870  }
0x143: {  	_ =	swait.ge [sflag:s10], $0x1870  }
0x144: {  	s7 =	rddreg [dreg:$0x12]  }
0x145: {  	s9 =	rddreg [dreg:$0x10];
	s7 =	sadd.s32 $0x1, s7  }
0x146: {  	p0 =	sne.s32 s7, s9  }
.Ltmp1:
0x147: {  	_ = 	snop;
	(pc) =	sbr.rel @p0 .LBB2_1-.Ltmp1, $3  }
0x148: {  	_ =	sdelay $0x1  }
0x149: {  	[sflag:s10] =	ssyncset.done $0x0  }
0x14a: {  	[sflag:s10] =	ssyncadd.s32 $0xFFFFE790  }
0x14b: {  	_ =	sfence.sel $0x180000  }
0x14c: {  	[bflag:$0x0] =	sbarrier.arrive $0xFFFF  }
0x14d: {  	_ =	strace $0x90000050  }
0x14e: {  	s0 =	stileid.u32;
	[bflag:$0x2] =	sbarrier.arrive $0xFFFF  }
0x14f: {  	p0 =	sne.s32 s0, $0x0;
	s0 =	rddreg [dreg:$0x2]  }
0x150: {  	s0 =	sadd.s32 @!p0 $0x100000, s0  }
0x151: {  	[sflag:s0] =	ssyncadd.tile.s32 @!p0 $0x1;
	_ =	shalt  }
.Lfunc_end2:
_tile_overlayer_lowered:
.L_overlay_start_2:
0x152: {  	(tag) =	ssettag $0x2  }
0x153: {  	s0 =	rddreg [dreg:$0x0];
	s2 =	stileid.u32  }
0x154: {  	s1 =	rddreg [dreg:$0x1];
	p0 =	sne.s32 s2, $0x0  }
0x155: {  	s3 =	rddreg [dreg:$0x2];
	[bflag:$0x3] =	sbarrier.arrive $0xFFFF;
	s2 =	simm.s32 @!p0 $0x1C05  }
0x156: {  	[timem:s3], [sflag:s2] =	dma.local @!p0 [hbm:s0], s1  }
0x157: {  	s0 =	simm.s32 @!p0 $0x5  }
0x158: {  	_ =	swait.ge @!p0 [sflag:s0], s1  }
0x159: {  	s1 =	ssub.s32 @!p0 $0x0, s1;
	[sflag:s0] =	ssyncset.done @!p0 $0x0  }
0x15a: {  	[sflag:s0] =	ssyncadd.s32 @!p0 s1  }
0x15b: {  	[bflag:$0x3] =	sbarrier.arrive $0xFFFF  }
0x15c: {  	_ =	shalt  }

</sc_bundles>
